<compile_context>
chip_gen: v7x
topology: tpu7x:2x2x1
jax: 0.10.2.dev20260603
libtpu: 0.0.44.dev20260713+nightly
codegen_flags: <defaults>
</compile_context>

<pallas_src>
import functools

import jax
import jax.numpy as jnp
from jax import lax
from jax.experimental import pallas as pl
from jax.experimental.pallas import tpu as pltpu
from jax.experimental.pallas import tpu_sc as plsc

SIZE = 8192
BATCH = 1024
R0, R1 = 128, 128

NC = 2
NS = 16
NW = NC * NS
BPW = BATCH // NW
CH = 1
RING = 7
DEPTH = 2

_mesh = plsc.VectorSubcoreMesh(core_axis_name="c", subcore_axis_name="s")


@functools.partial(
    pl.kernel,
    mesh=_mesh,
    out_type=[
        jax.ShapeDtypeStruct((BATCH, R0, R1), jnp.float32),
        jax.ShapeDtypeStruct((BATCH, R0, R1), jnp.float32),
    ],
    scratch_types=[
        pltpu.VMEM((2, 16), jnp.int32),
        pltpu.VMEM((2, 16), jnp.int32),
    ]
    + [pltpu.VMEM((CH, R0, R1), jnp.float32) for _ in range(RING)]
    + [pltpu.SemaphoreType.DMA for _ in range(2 * RING)],
)
def _sc_gather(state_hbm, keys_hbm, oprev_hbm, ocur_hbm,
               keys_v, km1_v, *bufs_and_sems):
    bufs = bufs_and_sems[:RING]
    gsem = bufs_and_sems[RING:2 * RING]
    ssem = bufs_and_sems[2 * RING:]
    wid = lax.axis_index("s") * NC + lax.axis_index("c")
    pltpu.sync_copy(keys_hbm.at[pl.ds(wid * 2, 2)], keys_v)
    for j in range(2):
        km1_v[j] = keys_v[j] - 1

    items = []
    for c in range(BPW // CH):
        j, off = divmod(c * CH, 16)
        items.append((keys_v.at[j, pl.ds(off, CH)], ocur_hbm, c * CH))
        items.append((km1_v.at[j, pl.ds(off, CH)], oprev_hbm, c * CH))
    n = len(items)

    hg = [None] * n
    hs = [None] * n

    def g_start(i):
        idx, _, _ = items[i]
        b = i % RING
        hg[i] = pltpu.async_copy(state_hbm.at[idx], bufs[b], gsem[b])

    def s_start(i):
        _, out, c = items[i]
        b = i % RING
        hs[i] = pltpu.async_copy(bufs[b], out.at[pl.ds(wid * BPW + c, CH)],
                                 ssem[b])

    for i in range(DEPTH):
        g_start(i)
    for k in range(n):
        gi = k + DEPTH
        if gi < n:
            si = gi - RING
            if si >= 0:
                hs[si].wait()
            g_start(gi)
        hg[k].wait()
        s_start(k)
    for i in range(n - RING, n):
        hs[i].wait()


def _tc_small_body(keys_ref, a_ref, r_ref, oa_ref, or_ref):
    i = pl.program_id(0)

    @pl.when(i == 0)
    def _():
        oa_ref[...] = jnp.zeros_like(oa_ref)
        or_ref[...] = jnp.zeros_like(or_ref)

    k = keys_ref[...]
    ids = lax.broadcasted_iota(jnp.int32, (BATCH, 1024), 1) + i * 1024
    oh = (k == ids).astype(jnp.float32)
    oa_ref[...] += jnp.dot(oh, a_ref[...], preferred_element_type=jnp.float32,
                           precision=lax.Precision.HIGHEST)
    or_ref[...] += jnp.dot(oh, r_ref[...], preferred_element_type=jnp.float32,
                           precision=lax.Precision.HIGHEST)


_tc_small = pl.pallas_call(
    _tc_small_body,
    grid=(SIZE // 1024,),
    in_specs=[
        pl.BlockSpec((BATCH, 1), lambda i: (0, 0)),
        pl.BlockSpec((1024, 4), lambda i: (i, 0)),
        pl.BlockSpec((1024, 1), lambda i: (i, 0)),
    ],
    out_specs=[
        pl.BlockSpec((BATCH, 4), lambda i: (0, 0)),
        pl.BlockSpec((BATCH, 1), lambda i: (0, 0)),
    ],
    out_shape=[
        jax.ShapeDtypeStruct((BATCH, 4), jnp.float32),
        jax.ShapeDtypeStruct((BATCH, 1), jnp.float32),
    ],
)


@jax.jit
def kernel(state, action, reward, keys):
    state3d = state.reshape(SIZE, R0, R1)
    keys_i32 = keys.astype(jnp.int32)
    s_prev, s_cur = _sc_gather(state3d, keys_i32.reshape(64, 16))
    a, r = _tc_small(keys_i32.reshape(BATCH, 1), action, reward)
    out_shape = (BATCH,) + state.shape[1:]
    return (s_prev.reshape(out_shape), a, s_cur.reshape(out_shape), r)

# --- scband reference (transcript-rebuilt; emitter-appended) ---
"""Pipeline reference for scband-tensor-buffer-53300544143574 (READ-ONLY COPY).

The authoritative reference and input builder live on the scoring server;
editing this copy changes nothing except your own understanding.
"""

import jax, jax.numpy as jnp
import numpy as np

SIZE = 8192
BATCH = 1024


def setup_inputs(seed: int = 0) -> dict:
    key = jax.random.key(seed)
    k1, k2, k3, k4 = jax.random.split(key, 4)
    state = jax.random.normal(k1, (SIZE, 1, 128, 128), dtype=jnp.float32)
    action = jax.random.normal(k2, (SIZE, 4), dtype=jnp.float32)
    reward = jax.random.normal(k3, (SIZE, 1), dtype=jnp.float32)
    # batch() draws keys from range(1, len(buffer)) because batch_template has min offset -1
    keys = jax.random.randint(k4, (BATCH,), 1, SIZE, dtype=jnp.int64 if jax.config.read('jax_enable_x64') else jnp.int32)
    return {"state": state, "action": action, "reward": reward, "keys": keys}


def reference(state, action, reward, keys):
    # Faithful translation of TensorBuffer.batch with
    # batch_template = (('state', -1), ('action', 0), ('state', 0), ('reward', 0)):
    # returns [state[keys-1], action[keys], state[keys], reward[keys]]
    s_prev = jnp.take(state, keys - 1, axis=0)
    a = jnp.take(action, keys, axis=0)
    s = jnp.take(state, keys, axis=0)
    r = jnp.take(reward, keys, axis=0)
    return (s_prev, a, s, r)

if __name__ == "__main__":
    import jax
    _d = setup_inputs()
    print(jax.jit(kernel)(*tuple(_d.values())))

</pallas_src>

<mosaic_0001>
#map = affine_map<(d0, d1) -> (0, 0, 0)>
#map1 = affine_map<(d0, d1) -> (0, 0)>
module attributes {stable_mosaic.version = 14 : i64} {
  func.func @_sc_gather(%arg0: i32, %arg1: i32, %arg2: memref<8192x128x128xf32, #tpu.memory_space<hbm>>, %arg3: memref<64x16xi32, #tpu.memory_space<hbm>>, %arg4: memref<1024x128x128xf32, #tpu.memory_space<hbm>>, %arg5: memref<1024x128x128xf32, #tpu.memory_space<hbm>>, %arg6: memref<2x16xi32, #tpu.memory_space<vmem>>, %arg7: memref<2x16xi32, #tpu.memory_space<vmem>>, %arg8: memref<1x128x128xf32, #tpu.memory_space<vmem>>, %arg9: memref<1x128x128xf32, #tpu.memory_space<vmem>>, %arg10: memref<1x128x128xf32, #tpu.memory_space<vmem>>, %arg11: memref<1x128x128xf32, #tpu.memory_space<vmem>>, %arg12: memref<1x128x128xf32, #tpu.memory_space<vmem>>, %arg13: memref<1x128x128xf32, #tpu.memory_space<vmem>>, %arg14: memref<1x128x128xf32, #tpu.memory_space<vmem>>, %arg15: memref<!tpu.dma_semaphore, #tpu.memory_space<semaphore_mem>>, %arg16: memref<!tpu.dma_semaphore, #tpu.memory_space<semaphore_mem>>, %arg17: memref<!tpu.dma_semaphore, #tpu.memory_space<semaphore_mem>>, %arg18: memref<!tpu.dma_semaphore, #tpu.memory_space<semaphore_mem>>, %arg19: memref<!tpu.dma_semaphore, #tpu.memory_space<semaphore_mem>>, %arg20: memref<!tpu.dma_semaphore, #tpu.memory_space<semaphore_mem>>, %arg21: memref<!tpu.dma_semaphore, #tpu.memory_space<semaphore_mem>>, %arg22: memref<!tpu.dma_semaphore, #tpu.memory_space<semaphore_mem>>, %arg23: memref<!tpu.dma_semaphore, #tpu.memory_space<semaphore_mem>>, %arg24: memref<!tpu.dma_semaphore, #tpu.memory_space<semaphore_mem>>, %arg25: memref<!tpu.dma_semaphore, #tpu.memory_space<semaphore_mem>>, %arg26: memref<!tpu.dma_semaphore, #tpu.memory_space<semaphore_mem>>, %arg27: memref<!tpu.dma_semaphore, #tpu.memory_space<semaphore_mem>>, %arg28: memref<!tpu.dma_semaphore, #tpu.memory_space<semaphore_mem>>) attributes {dimension_semantics = [#tpu.dimension_semantics<core_parallel>, #tpu.dimension_semantics<subcore_parallel>], iteration_bounds = array<i64: 2, 16>, scalar_prefetch = 0 : i64, scratch_operands = 23 : i64, tpu.core_type = #tpu.core_type<sc_vector_subcore>, window_params = [{transform_indices = #map}, {transform_indices = #map1}, {transform_indices = #map}, {transform_indices = #map}]} {
    %mul3A = arith.constant 2 : i32
    %mul3A_0 = arith.muli %arg1, %mul3A : i32
    %add3A = arith.addi %mul3A_0, %arg0 : i32
    %mul3A_1 = arith.constant 2 : i32
    %mul3A_2 = arith.muli %add3A, %mul3A_1 : i32
    "tpu.region"() ({
      %run_scoped3A = tpu.sem_alloc : memref<!tpu.dma_semaphore, #tpu.memory_space<semaphore_mem>>
      %dma_start3A_2074 = arith.constant 0 : i32
      %dma_start3A_2075 = tpu.memref_slice %arg3[%mul3A_2, %dma_start3A_2074] : memref<64x16xi32, #tpu.memory_space<hbm>> -> memref<2x16xi32, #tpu.memory_space<hbm>>
      %dma_start3A_2076 = arith.constant 0 : i32
      %dma_start3A_2077 = tpu.memref_slice %arg3[%mul3A_2, %dma_start3A_2076] : memref<64x16xi32, #tpu.memory_space<hbm>> -> memref<2x16xi32, #tpu.memory_space<hbm>>
      tpu.enqueue_dma source(%dma_start3A_2077 : memref<2x16xi32, #tpu.memory_space<hbm>>) target(%arg6 : memref<2x16xi32, #tpu.memory_space<vmem>>) target_semaphore(%run_scoped3A : memref<!tpu.dma_semaphore, #tpu.memory_space<semaphore_mem>>)
      %dma_wait3A_2078 = arith.constant 0 : i32
      %dma_wait3A_2079 = tpu.memref_slice %arg3[%mul3A_2, %dma_wait3A_2078] : memref<64x16xi32, #tpu.memory_space<hbm>> -> memref<2x16xi32, #tpu.memory_space<hbm>>
      %dma_wait3A_2080 = arith.constant 0 : i32
      %dma_wait3A_2081 = tpu.memref_slice %arg3[%mul3A_2, %dma_wait3A_2080] : memref<64x16xi32, #tpu.memory_space<hbm>> -> memref<2x16xi32, #tpu.memory_space<hbm>>
      tpu.wait_dma2 semaphore(%run_scoped3A : memref<!tpu.dma_semaphore, #tpu.memory_space<semaphore_mem>>) src(%dma_wait3A_2081 : memref<2x16xi32, #tpu.memory_space<hbm>>) dst(%arg6 : memref<2x16xi32, #tpu.memory_space<vmem>>)
      tpu.yield
    }) : () -> ()
    %get3A = arith.constant 0 : i32
    %get3A_3 = arith.index_cast %get3A : i32 to index
    %get3A_4 = arith.constant 0 : index
    %get3A_5 = tpu.vector_load %arg6[%get3A_3, %get3A_4] {strides = array<i32>} : memref<2x16xi32, #tpu.memory_space<vmem>>, vector<1x16xi32>,
    %get3A_6 = vector.shape_cast %get3A_5 : vector<1x16xi32> to vector<16xi32>
    %sub3A = arith.constant 1 : i32
    %sub3A_7 = vector.broadcast %sub3A : i32 to vector<16xi32>
    %sub3A_8 = arith.subi %get3A_6, %sub3A_7 : vector<16xi32>
    %swap3A = arith.constant 0 : i32
    %swap3A_9 = arith.index_cast %swap3A : i32 to index
    %swap3A_10 = arith.constant 0 : index
    %swap3A_11 = tpu.vector_load %arg7[%swap3A_9, %swap3A_10] {strides = array<i32>} : memref<2x16xi32, #tpu.memory_space<vmem>>, vector<1x16xi32>,
    %swap3A_12 = vector.shape_cast %swap3A_11 : vector<1x16xi32> to vector<16xi32>
    %swap3A_13 = vector.shape_cast %sub3A_8 : vector<16xi32> to vector<1x16xi32>
    tpu.vector_store %arg7[%swap3A_9, %swap3A_10], %swap3A_13 {strides = array<i32>} : memref<2x16xi32, #tpu.memory_space<vmem>>, vector<1x16xi32>,
    %get3A_14 = arith.constant 1 : i32
    %get3A_15 = arith.index_cast %get3A_14 : i32 to index
    %get3A_16 = arith.constant 0 : index
    %get3A_17 = tpu.vector_load %arg6[%get3A_15, %get3A_16] {strides = array<i32>} : memref<2x16xi32, #tpu.memory_space<vmem>>, vector<1x16xi32>,
    %get3A_18 = vector.shape_cast %get3A_17 : vector<1x16xi32> to vector<16xi32>
    %sub3A_19 = arith.constant 1 : i32
    %sub3A_20 = vector.broadcast %sub3A_19 : i32 to vector<16xi32>
    %sub3A_21 = arith.subi %get3A_18, %sub3A_20 : vector<16xi32>
    %swap3A_22 = arith.constant 1 : i32
    %swap3A_23 = arith.index_cast %swap3A_22 : i32 to index
    %swap3A_24 = arith.constant 0 : index
    %swap3A_25 = tpu.vector_load %arg7[%swap3A_23, %swap3A_24] {strides = array<i32>} : memref<2x16xi32, #tpu.memory_space<vmem>>, vector<1x16xi32>,
    %swap3A_26 = vector.shape_cast %swap3A_25 : vector<1x16xi32> to vector<16xi32>
    %swap3A_27 = vector.shape_cast %sub3A_21 : vector<16xi32> to vector<1x16xi32>
    tpu.vector_store %arg7[%swap3A_23, %swap3A_24], %swap3A_27 {strides = array<i32>} : memref<2x16xi32, #tpu.memory_space<vmem>>, vector<1x16xi32>,
    %dma_start3A = arith.constant 0 : i32
    %dma_start3A_28 = arith.constant 0 : i32
    %dma_start3A_29 = tpu.memref_slice %arg6[%dma_start3A, %dma_start3A_28] : memref<2x16xi32, #tpu.memory_space<vmem>> -> memref<1x1xi32, #tpu.memory_space<vmem>>
    %dma_start3A_30 = tpu.memref_squeeze %dma_start3A_29 : memref<1x1xi32, #tpu.memory_space<vmem>> -> memref<1xi32, #tpu.memory_space<vmem>>
    %dma_start3A_31 = arith.constant 0 : i32
    %dma_start3A_32 = arith.constant 0 : i32
    %dma_start3A_33 = arith.constant 0 : i32
    %dma_start3A_34 = tpu.memref_slice %arg2[%dma_start3A_31, %dma_start3A_32, %dma_start3A_33] : memref<8192x128x128xf32, #tpu.memory_space<hbm>> -> memref<8192x128x128xf32, #tpu.memory_space<hbm>>
    tpu.enqueue_indirect_dma source(%dma_start3A_34 : memref<8192x128x128xf32, #tpu.memory_space<hbm>>) target(%arg8 : memref<1x128x128xf32, #tpu.memory_space<vmem>>) offsets(%dma_start3A_30 : memref<1xi32, #tpu.memory_space<vmem>>) semaphore(%arg15 : memref<!tpu.dma_semaphore, #tpu.memory_space<semaphore_mem>>)
    %dma_start3A_35 = arith.constant 0 : i32
    %dma_start3A_36 = arith.constant 0 : i32
    %dma_start3A_37 = tpu.memref_slice %arg7[%dma_start3A_35, %dma_start3A_36] : memref<2x16xi32, #tpu.memory_space<vmem>> -> memref<1x1xi32, #tpu.memory_space<vmem>>
    %dma_start3A_38 = tpu.memref_squeeze %dma_start3A_37 : memref<1x1xi32, #tpu.memory_space<vmem>> -> memref<1xi32, #tpu.memory_space<vmem>>
    %dma_start3A_39 = arith.constant 0 : i32
    %dma_start3A_40 = arith.constant 0 : i32
    %dma_start3A_41 = arith.constant 0 : i32
    %dma_start3A_42 = tpu.memref_slice %arg2[%dma_start3A_39, %dma_start3A_40, %dma_start3A_41] : memref<8192x128x128xf32, #tpu.memory_space<hbm>> -> memref<8192x128x128xf32, #tpu.memory_space<hbm>>
    tpu.enqueue_indirect_dma source(%dma_start3A_42 : memref<8192x128x128xf32, #tpu.memory_space<hbm>>) target(%arg9 : memref<1x128x128xf32, #tpu.memory_space<vmem>>) offsets(%dma_start3A_38 : memref<1xi32, #tpu.memory_space<vmem>>) semaphore(%arg16 : memref<!tpu.dma_semaphore, #tpu.memory_space<semaphore_mem>>)
    %dma_start3A_43 = arith.constant 0 : i32
    %dma_start3A_44 = arith.constant 1 : i32
    %dma_start3A_45 = tpu.memref_slice %arg6[%dma_start3A_43, %dma_start3A_44] : memref<2x16xi32, #tpu.memory_space<vmem>> -> memref<1x1xi32, #tpu.memory_space<vmem>>
    %dma_start3A_46 = tpu.memref_squeeze %dma_start3A_45 : memref<1x1xi32, #tpu.memory_space<vmem>> -> memref<1xi32, #tpu.memory_space<vmem>>
    %dma_start3A_47 = arith.constant 0 : i32
    %dma_start3A_48 = arith.constant 0 : i32
    %dma_start3A_49 = arith.constant 0 : i32
    %dma_start3A_50 = tpu.memref_slice %arg2[%dma_start3A_47, %dma_start3A_48, %dma_start3A_49] : memref<8192x128x128xf32, #tpu.memory_space<hbm>> -> memref<8192x128x128xf32, #tpu.memory_space<hbm>>
    tpu.enqueue_indirect_dma source(%dma_start3A_50 : memref<8192x128x128xf32, #tpu.memory_space<hbm>>) target(%arg10 : memref<1x128x128xf32, #tpu.memory_space<vmem>>) offsets(%dma_start3A_46 : memref<1xi32, #tpu.memory_space<vmem>>) semaphore(%arg17 : memref<!tpu.dma_semaphore, #tpu.memory_space<semaphore_mem>>)
    %dma_wait3A = arith.constant 0 : i32
    %dma_wait3A_51 = arith.constant 0 : i32
    %dma_wait3A_52 = tpu.memref_slice %arg6[%dma_wait3A, %dma_wait3A_51] : memref<2x16xi32, #tpu.memory_space<vmem>> -> memref<1x1xi32, #tpu.memory_space<vmem>>
    %dma_wait3A_53 = tpu.memref_squeeze %dma_wait3A_52 : memref<1x1xi32, #tpu.memory_space<vmem>> -> memref<1xi32, #tpu.memory_space<vmem>>
    %dma_wait3A_54 = arith.constant 0 : i32
    %dma_wait3A_55 = arith.constant 0 : i32
    %dma_wait3A_56 = arith.constant 0 : i32
    %dma_wait3A_57 = tpu.memref_slice %arg2[%dma_wait3A_54, %dma_wait3A_55, %dma_wait3A_56] : memref<8192x128x128xf32, #tpu.memory_space<hbm>> -> memref<8192x128x128xf32, #tpu.memory_space<hbm>>
    tpu.wait_indirect_dma semaphore(%arg15 : memref<!tpu.dma_semaphore, #tpu.memory_space<semaphore_mem>>) src(%dma_wait3A_57 : memref<8192x128x128xf32, #tpu.memory_space<hbm>>) dst(%arg8 : memref<1x128x128xf32, #tpu.memory_space<vmem>>)
    %mul3A_58 = arith.constant 32 : i32
    %mul3A_59 = arith.muli %add3A, %mul3A_58 : i32
    %add3A_60 = arith.constant 0 : i32
    %add3A_61 = arith.addi %mul3A_59, %add3A_60 : i32
    %dma_start3A_62 = arith.constant 0 : i32
    %dma_start3A_63 = arith.constant 0 : i32
    %dma_start3A_64 = tpu.memref_slice %arg5[%add3A_61, %dma_start3A_62, %dma_start3A_63] : memref<1024x128x128xf32, #tpu.memory_space<hbm>> -> memref<1x128x128xf32, #tpu.memory_space<hbm>>
    %dma_start3A_65 = arith.constant 0 : i32
    %dma_start3A_66 = arith.constant 0 : i32
    %dma_start3A_67 = tpu.memref_slice %arg5[%add3A_61, %dma_start3A_65, %dma_start3A_66] : memref<1024x128x128xf32, #tpu.memory_space<hbm>> -> memref<1x128x128xf32, #tpu.memory_space<hbm>>
    tpu.enqueue_dma source(%arg8 : memref<1x128x128xf32, #tpu.memory_space<vmem>>) target(%dma_start3A_67 : memref<1x128x128xf32, #tpu.memory_space<hbm>>) target_semaphore(%arg22 : memref<!tpu.dma_semaphore, #tpu.memory_space<semaphore_mem>>)
    %dma_start3A_68 = arith.constant 0 : i32
    %dma_start3A_69 = arith.constant 1 : i32
    %dma_start3A_70 = tpu.memref_slice %arg7[%dma_start3A_68, %dma_start3A_69] : memref<2x16xi32, #tpu.memory_space<vmem>> -> memref<1x1xi32, #tpu.memory_space<vmem>>
    %dma_start3A_71 = tpu.memref_squeeze %dma_start3A_70 : memref<1x1xi32, #tpu.memory_space<vmem>> -> memref<1xi32, #tpu.memory_space<vmem>>
    %dma_start3A_72 = arith.constant 0 : i32
    %dma_start3A_73 = arith.constant 0 : i32
    %dma_start3A_74 = arith.constant 0 : i32
    %dma_start3A_75 = tpu.memref_slice %arg2[%dma_start3A_72, %dma_start3A_73, %dma_start3A_74] : memref<8192x128x128xf32, #tpu.memory_space<hbm>> -> memref<8192x128x128xf32, #tpu.memory_space<hbm>>
    tpu.enqueue_indirect_dma source(%dma_start3A_75 : memref<8192x128x128xf32, #tpu.memory_space<hbm>>) target(%arg11 : memref<1x128x128xf32, #tpu.memory_space<vmem>>) offsets(%dma_start3A_71 : memref<1xi32, #tpu.memory_space<vmem>>) semaphore(%arg18 : memref<!tpu.dma_semaphore, #tpu.memory_space<semaphore_mem>>)
    %dma_wait3A_76 = arith.constant 0 : i32
    %dma_wait3A_77 = arith.constant 0 : i32
    %dma_wait3A_78 = tpu.memref_slice %arg7[%dma_wait3A_76, %dma_wait3A_77] : memref<2x16xi32, #tpu.memory_space<vmem>> -> memref<1x1xi32, #tpu.memory_space<vmem>>
    %dma_wait3A_79 = tpu.memref_squeeze %dma_wait3A_78 : memref<1x1xi32, #tpu.memory_space<vmem>> -> memref<1xi32, #tpu.memory_space<vmem>>
    %dma_wait3A_80 = arith.constant 0 : i32
    %dma_wait3A_81 = arith.constant 0 : i32
    %dma_wait3A_82 = arith.constant 0 : i32
    %dma_wait3A_83 = tpu.memref_slice %arg2[%dma_wait3A_80, %dma_wait3A_81, %dma_wait3A_82] : memref<8192x128x128xf32, #tpu.memory_space<hbm>> -> memref<8192x128x128xf32, #tpu.memory_space<hbm>>
    tpu.wait_indirect_dma semaphore(%arg16 : memref<!tpu.dma_semaphore, #tpu.memory_space<semaphore_mem>>) src(%dma_wait3A_83 : memref<8192x128x128xf32, #tpu.memory_space<hbm>>) dst(%arg9 : memref<1x128x128xf32, #tpu.memory_space<vmem>>)
    %mul3A_84 = arith.constant 32 : i32
    %mul3A_85 = arith.muli %add3A, %mul3A_84 : i32
    %add3A_86 = arith.constant 0 : i32
    %add3A_87 = arith.addi %mul3A_85, %add3A_86 : i32
    %dma_start3A_88 = arith.constant 0 : i32
    %dma_start3A_89 = arith.constant 0 : i32
    %dma_start3A_90 = tpu.memref_slice %arg4[%add3A_87, %dma_start3A_88, %dma_start3A_89] : memref<1024x128x128xf32, #tpu.memory_space<hbm>> -> memref<1x128x128xf32, #tpu.memory_space<hbm>>
    %dma_start3A_91 = arith.constant 0 : i32
    %dma_start3A_92 = arith.constant 0 : i32
    %dma_start3A_93 = tpu.memref_slice %arg4[%add3A_87, %dma_start3A_91, %dma_start3A_92] : memref<1024x128x128xf32, #tpu.memory_space<hbm>> -> memref<1x128x128xf32, #tpu.memory_space<hbm>>
    tpu.enqueue_dma source(%arg9 : memref<1x128x128xf32, #tpu.memory_space<vmem>>) target(%dma_start3A_93 : memref<1x128x128xf32, #tpu.memory_space<hbm>>) target_semaphore(%arg23 : memref<!tpu.dma_semaphore, #tpu.memory_space<semaphore_mem>>)
    %dma_start3A_94 = arith.constant 0 : i32
    %dma_start3A_95 = arith.constant 2 : i32
    %dma_start3A_96 = tpu.memref_slice %arg6[%dma_start3A_94, %dma_start3A_95] : memref<2x16xi32, #tpu.memory_space<vmem>> -> memref<1x1xi32, #tpu.memory_space<vmem>>
    %dma_start3A_97 = tpu.memref_squeeze %dma_start3A_96 : memref<1x1xi32, #tpu.memory_space<vmem>> -> memref<1xi32, #tpu.memory_space<vmem>>
    %dma_start3A_98 = arith.constant 0 : i32
    %dma_start3A_99 = arith.constant 0 : i32
    %dma_start3A_100 = arith.constant 0 : i32
    %dma_start3A_101 = tpu.memref_slice %arg2[%dma_start3A_98, %dma_start3A_99, %dma_start3A_100] : memref<8192x128x128xf32, #tpu.memory_space<hbm>> -> memref<8192x128x128xf32, #tpu.memory_space<hbm>>
    tpu.enqueue_indirect_dma source(%dma_start3A_101 : memref<8192x128x128xf32, #tpu.memory_space<hbm>>) target(%arg12 : memref<1x128x128xf32, #tpu.memory_space<vmem>>) offsets(%dma_start3A_97 : memref<1xi32, #tpu.memory_space<vmem>>) semaphore(%arg19 : memref<!tpu.dma_semaphore, #tpu.memory_space<semaphore_mem>>)
    %dma_wait3A_102 = arith.constant 0 : i32
    %dma_wait3A_103 = arith.constant 1 : i32
    %dma_wait3A_104 = tpu.memref_slice %arg6[%dma_wait3A_102, %dma_wait3A_103] : memref<2x16xi32, #tpu.memory_space<vmem>> -> memref<1x1xi32, #tpu.memory_space<vmem>>
    %dma_wait3A_105 = tpu.memref_squeeze %dma_wait3A_104 : memref<1x1xi32, #tpu.memory_space<vmem>> -> memref<1xi32, #tpu.memory_space<vmem>>
    %dma_wait3A_106 = arith.constant 0 : i32
    %dma_wait3A_107 = arith.constant 0 : i32
    %dma_wait3A_108 = arith.constant 0 : i32
    %dma_wait3A_109 = tpu.memref_slice %arg2[%dma_wait3A_106, %dma_wait3A_107, %dma_wait3A_108] : memref<8192x128x128xf32, #tpu.memory_space<hbm>> -> memref<8192x128x128xf32, #tpu.memory_space<hbm>>
    tpu.wait_indirect_dma semaphore(%arg17 : memref<!tpu.dma_semaphore, #tpu.memory_space<semaphore_mem>>) src(%dma_wait3A_109 : memref<8192x128x128xf32, #tpu.memory_space<hbm>>) dst(%arg10 : memref<1x128x128xf32, #tpu.memory_space<vmem>>)
    %mul3A_110 = arith.constant 32 : i32
    %mul3A_111 = arith.muli %add3A, %mul3A_110 : i32
    %add3A_112 = arith.constant 1 : i32
    %add3A_113 = arith.addi %mul3A_111, %add3A_112 : i32
    %dma_start3A_114 = arith.constant 0 : i32
    %dma_start3A_115 = arith.constant 0 : i32
    %dma_start3A_116 = tpu.memref_slice %arg5[%add3A_113, %dma_start3A_114, %dma_start3A_115] : memref<1024x128x128xf32, #tpu.memory_space<hbm>> -> memref<1x128x128xf32, #tpu.memory_space<hbm>>
    %dma_start3A_117 = arith.constant 0 : i32
    %dma_start3A_118 = arith.constant 0 : i32
    %dma_start3A_119 = tpu.memref_slice %arg5[%add3A_113, %dma_start3A_117, %dma_start3A_118] : memref<1024x128x128xf32, #tpu.memory_space<hbm>> -> memref<1x128x128xf32, #tpu.memory_space<hbm>>
    tpu.enqueue_dma source(%arg10 : memref<1x128x128xf32, #tpu.memory_space<vmem>>) target(%dma_start3A_119 : memref<1x128x128xf32, #tpu.memory_space<hbm>>) target_semaphore(%arg24 : memref<!tpu.dma_semaphore, #tpu.memory_space<semaphore_mem>>)
    %dma_start3A_120 = arith.constant 0 : i32
    %dma_start3A_121 = arith.constant 2 : i32
    %dma_start3A_122 = tpu.memref_slice %arg7[%dma_start3A_120, %dma_start3A_121] : memref<2x16xi32, #tpu.memory_space<vmem>> -> memref<1x1xi32, #tpu.memory_space<vmem>>
    %dma_start3A_123 = tpu.memref_squeeze %dma_start3A_122 : memref<1x1xi32, #tpu.memory_space<vmem>> -> memref<1xi32, #tpu.memory_space<vmem>>
    %dma_start3A_124 = arith.constant 0 : i32
    %dma_start3A_125 = arith.constant 0 : i32
    %dma_start3A_126 = arith.constant 0 : i32
    %dma_start3A_127 = tpu.memref_slice %arg2[%dma_start3A_124, %dma_start3A_125, %dma_start3A_126] : memref<8192x128x128xf32, #tpu.memory_space<hbm>> -> memref<8192x128x128xf32, #tpu.memory_space<hbm>>
    tpu.enqueue_indirect_dma source(%dma_start3A_127 : memref<8192x128x128xf32, #tpu.memory_space<hbm>>) target(%arg13 : memref<1x128x128xf32, #tpu.memory_space<vmem>>) offsets(%dma_start3A_123 : memref<1xi32, #tpu.memory_space<vmem>>) semaphore(%arg20 : memref<!tpu.dma_semaphore, #tpu.memory_space<semaphore_mem>>)
    %dma_wait3A_128 = arith.constant 0 : i32
    %dma_wait3A_129 = arith.constant 1 : i32
    %dma_wait3A_130 = tpu.memref_slice %arg7[%dma_wait3A_128, %dma_wait3A_129] : memref<2x16xi32, #tpu.memory_space<vmem>> -> memref<1x1xi32, #tpu.memory_space<vmem>>
    %dma_wait3A_131 = tpu.memref_squeeze %dma_wait3A_130 : memref<1x1xi32, #tpu.memory_space<vmem>> -> memref<1xi32, #tpu.memory_space<vmem>>
    %dma_wait3A_132 = arith.constant 0 : i32
    %dma_wait3A_133 = arith.constant 0 : i32
    %dma_wait3A_134 = arith.constant 0 : i32
    %dma_wait3A_135 = tpu.memref_slice %arg2[%dma_wait3A_132, %dma_wait3A_133, %dma_wait3A_134] : memref<8192x128x128xf32, #tpu.memory_space<hbm>> -> memref<8192x128x128xf32, #tpu.memory_space<hbm>>
    tpu.wait_indirect_dma semaphore(%arg18 : memref<!tpu.dma_semaphore, #tpu.memory_space<semaphore_mem>>) src(%dma_wait3A_135 : memref<8192x128x128xf32, #tpu.memory_space<hbm>>) dst(%arg11 : memref<1x128x128xf32, #tpu.memory_space<vmem>>)
    %mul3A_136 = arith.constant 32 : i32
    %mul3A_137 = arith.muli %add3A, %mul3A_136 : i32
    %add3A_138 = arith.constant 1 : i32
    %add3A_139 = arith.addi %mul3A_137, %add3A_138 : i32
    %dma_start3A_140 = arith.constant 0 : i32
    %dma_start3A_141 = arith.constant 0 : i32
    %dma_start3A_142 = tpu.memref_slice %arg4[%add3A_139, %dma_start3A_140, %dma_start3A_141] : memref<1024x128x128xf32, #tpu.memory_space<hbm>> -> memref<1x128x128xf32, #tpu.memory_space<hbm>>
    %dma_start3A_143 = arith.constant 0 : i32
    %dma_start3A_144 = arith.constant 0 : i32
    %dma_start3A_145 = tpu.memref_slice %arg4[%add3A_139, %dma_start3A_143, %dma_start3A_144] : memref<1024x128x128xf32, #tpu.memory_space<hbm>> -> memref<1x128x128xf32, #tpu.memory_space<hbm>>
    tpu.enqueue_dma source(%arg11 : memref<1x128x128xf32, #tpu.memory_space<vmem>>) target(%dma_start3A_145 : memref<1x128x128xf32, #tpu.memory_space<hbm>>) target_semaphore(%arg25 : memref<!tpu.dma_semaphore, #tpu.memory_space<semaphore_mem>>)
    %dma_start3A_146 = arith.constant 0 : i32
    %dma_start3A_147 = arith.constant 3 : i32
    %dma_start3A_148 = tpu.memref_slice %arg6[%dma_start3A_146, %dma_start3A_147] : memref<2x16xi32, #tpu.memory_space<vmem>> -> memref<1x1xi32, #tpu.memory_space<vmem>>
    %dma_start3A_149 = tpu.memref_squeeze %dma_start3A_148 : memref<1x1xi32, #tpu.memory_space<vmem>> -> memref<1xi32, #tpu.memory_space<vmem>>
    %dma_start3A_150 = arith.constant 0 : i32
    %dma_start3A_151 = arith.constant 0 : i32
    %dma_start3A_152 = arith.constant 0 : i32
    %dma_start3A_153 = tpu.memref_slice %arg2[%dma_start3A_150, %dma_start3A_151, %dma_start3A_152] : memref<8192x128x128xf32, #tpu.memory_space<hbm>> -> memref<8192x128x128xf32, #tpu.memory_space<hbm>>
    tpu.enqueue_indirect_dma source(%dma_start3A_153 : memref<8192x128x128xf32, #tpu.memory_space<hbm>>) target(%arg14 : memref<1x128x128xf32, #tpu.memory_space<vmem>>) offsets(%dma_start3A_149 : memref<1xi32, #tpu.memory_space<vmem>>) semaphore(%arg21 : memref<!tpu.dma_semaphore, #tpu.memory_space<semaphore_mem>>)
    %dma_wait3A_154 = arith.constant 0 : i32
    %dma_wait3A_155 = arith.constant 2 : i32
    %dma_wait3A_156 = tpu.memref_slice %arg6[%dma_wait3A_154, %dma_wait3A_155] : memref<2x16xi32, #tpu.memory_space<vmem>> -> memref<1x1xi32, #tpu.memory_space<vmem>>
    %dma_wait3A_157 = tpu.memref_squeeze %dma_wait3A_156 : memref<1x1xi32, #tpu.memory_space<vmem>> -> memref<1xi32, #tpu.memory_space<vmem>>
    %dma_wait3A_158 = arith.constant 0 : i32
    %dma_wait3A_159 = arith.constant 0 : i32
    %dma_wait3A_160 = arith.constant 0 : i32
    %dma_wait3A_161 = tpu.memref_slice %arg2[%dma_wait3A_158, %dma_wait3A_159, %dma_wait3A_160] : memref<8192x128x128xf32, #tpu.memory_space<hbm>> -> memref<8192x128x128xf32, #tpu.memory_space<hbm>>
    tpu.wait_indirect_dma semaphore(%arg19 : memref<!tpu.dma_semaphore, #tpu.memory_space<semaphore_mem>>) src(%dma_wait3A_161 : memref<8192x128x128xf32, #tpu.memory_space<hbm>>) dst(%arg12 : memref<1x128x128xf32, #tpu.memory_space<vmem>>)
    %mul3A_162 = arith.constant 32 : i32
    %mul3A_163 = arith.muli %add3A, %mul3A_162 : i32
    %add3A_164 = arith.constant 2 : i32
    %add3A_165 = arith.addi %mul3A_163, %add3A_164 : i32
    %dma_start3A_166 = arith.constant 0 : i32
    %dma_start3A_167 = arith.constant 0 : i32
    %dma_start3A_168 = tpu.memref_slice %arg5[%add3A_165, %dma_start3A_166, %dma_start3A_167] : memref<1024x128x128xf32, #tpu.memory_space<hbm>> -> memref<1x128x128xf32, #tpu.memory_space<hbm>>
    %dma_start3A_169 = arith.constant 0 : i32
    %dma_start3A_170 = arith.constant 0 : i32
    %dma_start3A_171 = tpu.memref_slice %arg5[%add3A_165, %dma_start3A_169, %dma_start3A_170] : memref<1024x128x128xf32, #tpu.memory_space<hbm>> -> memref<1x128x128xf32, #tpu.memory_space<hbm>>
    tpu.enqueue_dma source(%arg12 : memref<1x128x128xf32, #tpu.memory_space<vmem>>) target(%dma_start3A_171 : memref<1x128x128xf32, #tpu.memory_space<hbm>>) target_semaphore(%arg26 : memref<!tpu.dma_semaphore, #tpu.memory_space<semaphore_mem>>)
    %dma_wait3A_172 = arith.constant 0 : i32
    %dma_wait3A_173 = arith.constant 0 : i32
    %dma_wait3A_174 = tpu.memref_slice %arg5[%add3A_61, %dma_wait3A_172, %dma_wait3A_173] : memref<1024x128x128xf32, #tpu.memory_space<hbm>> -> memref<1x128x128xf32, #tpu.memory_space<hbm>>
    %dma_wait3A_175 = arith.constant 0 : i32
    %dma_wait3A_176 = arith.constant 0 : i32
    %dma_wait3A_177 = tpu.memref_slice %arg5[%add3A_61, %dma_wait3A_175, %dma_wait3A_176] : memref<1024x128x128xf32, #tpu.memory_space<hbm>> -> memref<1x128x128xf32, #tpu.memory_space<hbm>>
    tpu.wait_dma2 semaphore(%arg22 : memref<!tpu.dma_semaphore, #tpu.memory_space<semaphore_mem>>) src(%arg8 : memref<1x128x128xf32, #tpu.memory_space<vmem>>) dst(%dma_wait3A_177 : memref<1x128x128xf32, #tpu.memory_space<hbm>>)
    %dma_start3A_178 = arith.constant 0 : i32
    %dma_start3A_179 = arith.constant 3 : i32
    %dma_start3A_180 = tpu.memref_slice %arg7[%dma_start3A_178, %dma_start3A_179] : memref<2x16xi32, #tpu.memory_space<vmem>> -> memref<1x1xi32, #tpu.memory_space<vmem>>
    %dma_start3A_181 = tpu.memref_squeeze %dma_start3A_180 : memref<1x1xi32, #tpu.memory_space<vmem>> -> memref<1xi32, #tpu.memory_space<vmem>>
    %dma_start3A_182 = arith.constant 0 : i32
    %dma_start3A_183 = arith.constant 0 : i32
    %dma_start3A_184 = arith.constant 0 : i32
    %dma_start3A_185 = tpu.memref_slice %arg2[%dma_start3A_182, %dma_start3A_183, %dma_start3A_184] : memref<8192x128x128xf32, #tpu.memory_space<hbm>> -> memref<8192x128x128xf32, #tpu.memory_space<hbm>>
    tpu.enqueue_indirect_dma source(%dma_start3A_185 : memref<8192x128x128xf32, #tpu.memory_space<hbm>>) target(%arg8 : memref<1x128x128xf32, #tpu.memory_space<vmem>>) offsets(%dma_start3A_181 : memref<1xi32, #tpu.memory_space<vmem>>) semaphore(%arg15 : memref<!tpu.dma_semaphore, #tpu.memory_space<semaphore_mem>>)
    %dma_wait3A_186 = arith.constant 0 : i32
    %dma_wait3A_187 = arith.constant 2 : i32
    %dma_wait3A_188 = tpu.memref_slice %arg7[%dma_wait3A_186, %dma_wait3A_187] : memref<2x16xi32, #tpu.memory_space<vmem>> -> memref<1x1xi32, #tpu.memory_space<vmem>>
    %dma_wait3A_189 = tpu.memref_squeeze %dma_wait3A_188 : memref<1x1xi32, #tpu.memory_space<vmem>> -> memref<1xi32, #tpu.memory_space<vmem>>
    %dma_wait3A_190 = arith.constant 0 : i32
    %dma_wait3A_191 = arith.constant 0 : i32
    %dma_wait3A_192 = arith.constant 0 : i32
    %dma_wait3A_193 = tpu.memref_slice %arg2[%dma_wait3A_190, %dma_wait3A_191, %dma_wait3A_192] : memref<8192x128x128xf32, #tpu.memory_space<hbm>> -> memref<8192x128x128xf32, #tpu.memory_space<hbm>>
    tpu.wait_indirect_dma semaphore(%arg20 : memref<!tpu.dma_semaphore, #tpu.memory_space<semaphore_mem>>) src(%dma_wait3A_193 : memref<8192x128x128xf32, #tpu.memory_space<hbm>>) dst(%arg13 : memref<1x128x128xf32, #tpu.memory_space<vmem>>)
    %mul3A_194 = arith.constant 32 : i32
    %mul3A_195 = arith.muli %add3A, %mul3A_194 : i32
    %add3A_196 = arith.constant 2 : i32
    %add3A_197 = arith.addi %mul3A_195, %add3A_196 : i32
    %dma_start3A_198 = arith.constant 0 : i32
    %dma_start3A_199 = arith.constant 0 : i32
    %dma_start3A_200 = tpu.memref_slice %arg4[%add3A_197, %dma_start3A_198, %dma_start3A_199] : memref<1024x128x128xf32, #tpu.memory_space<hbm>> -> memref<1x128x128xf32, #tpu.memory_space<hbm>>
    %dma_start3A_201 = arith.constant 0 : i32
    %dma_start3A_202 = arith.constant 0 : i32
    %dma_start3A_203 = tpu.memref_slice %arg4[%add3A_197, %dma_start3A_201, %dma_start3A_202] : memref<1024x128x128xf32, #tpu.memory_space<hbm>> -> memref<1x128x128xf32, #tpu.memory_space<hbm>>
    tpu.enqueue_dma source(%arg13 : memref<1x128x128xf32, #tpu.memory_space<vmem>>) target(%dma_start3A_203 : memref<1x128x128xf32, #tpu.memory_space<hbm>>) target_semaphore(%arg27 : memref<!tpu.dma_semaphore, #tpu.memory_space<semaphore_mem>>)
    %dma_wait3A_204 = arith.constant 0 : i32
    %dma_wait3A_205 = arith.constant 0 : i32
    %dma_wait3A_206 = tpu.memref_slice %arg4[%add3A_87, %dma_wait3A_204, %dma_wait3A_205] : memref<1024x128x128xf32, #tpu.memory_space<hbm>> -> memref<1x128x128xf32, #tpu.memory_space<hbm>>
    %dma_wait3A_207 = arith.constant 0 : i32
    %dma_wait3A_208 = arith.constant 0 : i32
    %dma_wait3A_209 = tpu.memref_slice %arg4[%add3A_87, %dma_wait3A_207, %dma_wait3A_208] : memref<1024x128x128xf32, #tpu.memory_space<hbm>> -> memref<1x128x128xf32, #tpu.memory_space<hbm>>
    tpu.wait_dma2 semaphore(%arg23 : memref<!tpu.dma_semaphore, #tpu.memory_space<semaphore_mem>>) src(%arg9 : memref<1x128x128xf32, #tpu.memory_space<vmem>>) dst(%dma_wait3A_209 : memref<1x128x128xf32, #tpu.memory_space<hbm>>)
    %dma_start3A_210 = arith.constant 0 : i32
    %dma_start3A_211 = arith.constant 4 : i32
    %dma_start3A_212 = tpu.memref_slice %arg6[%dma_start3A_210, %dma_start3A_211] : memref<2x16xi32, #tpu.memory_space<vmem>> -> memref<1x1xi32, #tpu.memory_space<vmem>>
    %dma_start3A_213 = tpu.memref_squeeze %dma_start3A_212 : memref<1x1xi32, #tpu.memory_space<vmem>> -> memref<1xi32, #tpu.memory_space<vmem>>
    %dma_start3A_214 = arith.constant 0 : i32
    %dma_start3A_215 = arith.constant 0 : i32
    %dma_start3A_216 = arith.constant 0 : i32
    %dma_start3A_217 = tpu.memref_slice %arg2[%dma_start3A_214, %dma_start3A_215, %dma_start3A_216] : memref<8192x128x128xf32, #tpu.memory_space<hbm>> -> memref<8192x128x128xf32, #tpu.memory_space<hbm>>
    tpu.enqueue_indirect_dma source(%dma_start3A_217 : memref<8192x128x128xf32, #tpu.memory_space<hbm>>) target(%arg9 : memref<1x128x128xf32, #tpu.memory_space<vmem>>) offsets(%dma_start3A_213 : memref<1xi32, #tpu.memory_space<vmem>>) semaphore(%arg16 : memref<!tpu.dma_semaphore, #tpu.memory_space<semaphore_mem>>)
    %dma_wait3A_218 = arith.constant 0 : i32
    %dma_wait3A_219 = arith.constant 3 : i32
    %dma_wait3A_220 = tpu.memref_slice %arg6[%dma_wait3A_218, %dma_wait3A_219] : memref<2x16xi32, #tpu.memory_space<vmem>> -> memref<1x1xi32, #tpu.memory_space<vmem>>
    %dma_wait3A_221 = tpu.memref_squeeze %dma_wait3A_220 : memref<1x1xi32, #tpu.memory_space<vmem>> -> memref<1xi32, #tpu.memory_space<vmem>>
    %dma_wait3A_222 = arith.constant 0 : i32
    %dma_wait3A_223 = arith.constant 0 : i32
    %dma_wait3A_224 = arith.constant 0 : i32
    %dma_wait3A_225 = tpu.memref_slice %arg2[%dma_wait3A_222, %dma_wait3A_223, %dma_wait3A_224] : memref<8192x128x128xf32, #tpu.memory_space<hbm>> -> memref<8192x128x128xf32, #tpu.memory_space<hbm>>
    tpu.wait_indirect_dma semaphore(%arg21 : memref<!tpu.dma_semaphore, #tpu.memory_space<semaphore_mem>>) src(%dma_wait3A_225 : memref<8192x128x128xf32, #tpu.memory_space<hbm>>) dst(%arg14 : memref<1x128x128xf32, #tpu.memory_space<vmem>>)
    %mul3A_226 = arith.constant 32 : i32
    %mul3A_227 = arith.muli %add3A, %mul3A_226 : i32
    %add3A_228 = arith.constant 3 : i32
    %add3A_229 = arith.addi %mul3A_227, %add3A_228 : i32
    %dma_start3A_230 = arith.constant 0 : i32
    %dma_start3A_231 = arith.constant 0 : i32
    %dma_start3A_232 = tpu.memref_slice %arg5[%add3A_229, %dma_start3A_230, %dma_start3A_231] : memref<1024x128x128xf32, #tpu.memory_space<hbm>> -> memref<1x128x128xf32, #tpu.memory_space<hbm>>
    %dma_start3A_233 = arith.constant 0 : i32
    %dma_start3A_234 = arith.constant 0 : i32
    %dma_start3A_235 = tpu.memref_slice %arg5[%add3A_229, %dma_start3A_233, %dma_start3A_234] : memref<1024x128x128xf32, #tpu.memory_space<hbm>> -> memref<1x128x128xf32, #tpu.memory_space<hbm>>
    tpu.enqueue_dma source(%arg14 : memref<1x128x128xf32, #tpu.memory_space<vmem>>) target(%dma_start3A_235 : memref<1x128x128xf32, #tpu.memory_space<hbm>>) target_semaphore(%arg28 : memref<!tpu.dma_semaphore, #tpu.memory_space<semaphore_mem>>)
    %dma_wait3A_236 = arith.constant 0 : i32
    %dma_wait3A_237 = arith.constant 0 : i32
    %dma_wait3A_238 = tpu.memref_slice %arg5[%add3A_113, %dma_wait3A_236, %dma_wait3A_237] : memref<1024x128x128xf32, #tpu.memory_space<hbm>> -> memref<1x128x128xf32, #tpu.memory_space<hbm>>
    %dma_wait3A_239 = arith.constant 0 : i32
    %dma_wait3A_240 = arith.constant 0 : i32
    %dma_wait3A_241 = tpu.memref_slice %arg5[%add3A_113, %dma_wait3A_239, %dma_wait3A_240] : memref<1024x128x128xf32, #tpu.memory_space<hbm>> -> memref<1x128x128xf32, #tpu.memory_space<hbm>>
    tpu.wait_dma2 semaphore(%arg24 : memref<!tpu.dma_semaphore, #tpu.memory_space<semaphore_mem>>) src(%arg10 : memref<1x128x128xf32, #tpu.memory_space<vmem>>) dst(%dma_wait3A_241 : memref<1x128x128xf32, #tpu.memory_space<hbm>>)
    %dma_start3A_242 = arith.constant 0 : i32
    %dma_start3A_243 = arith.constant 4 : i32
    %dma_start3A_244 = tpu.memref_slice %arg7[%dma_start3A_242, %dma_start3A_243] : memref<2x16xi32, #tpu.memory_space<vmem>> -> memref<1x1xi32, #tpu.memory_space<vmem>>
    %dma_start3A_245 = tpu.memref_squeeze %dma_start3A_244 : memref<1x1xi32, #tpu.memory_space<vmem>> -> memref<1xi32, #tpu.memory_space<vmem>>
    %dma_start3A_246 = arith.constant 0 : i32
    %dma_start3A_247 = arith.constant 0 : i32
    %dma_start3A_248 = arith.constant 0 : i32
    %dma_start3A_249 = tpu.memref_slice %arg2[%dma_start3A_246, %dma_start3A_247, %dma_start3A_248] : memref<8192x128x128xf32, #tpu.memory_space<hbm>> -> memref<8192x128x128xf32, #tpu.memory_space<hbm>>
    tpu.enqueue_indirect_dma source(%dma_start3A_249 : memref<8192x128x128xf32, #tpu.memory_space<hbm>>) target(%arg10 : memref<1x128x128xf32, #tpu.memory_space<vmem>>) offsets(%dma_start3A_245 : memref<1xi32, #tpu.memory_space<vmem>>) semaphore(%arg17 : memref<!tpu.dma_semaphore, #tpu.memory_space<semaphore_mem>>)
    %dma_wait3A_250 = arith.constant 0 : i32
    %dma_wait3A_251 = arith.constant 3 : i32
    %dma_wait3A_252 = tpu.memref_slice %arg7[%dma_wait3A_250, %dma_wait3A_251] : memref<2x16xi32, #tpu.memory_space<vmem>> -> memref<1x1xi32, #tpu.memory_space<vmem>>
    %dma_wait3A_253 = tpu.memref_squeeze %dma_wait3A_252 : memref<1x1xi32, #tpu.memory_space<vmem>> -> memref<1xi32, #tpu.memory_space<vmem>>
    %dma_wait3A_254 = arith.constant 0 : i32
    %dma_wait3A_255 = arith.constant 0 : i32
    %dma_wait3A_256 = arith.constant 0 : i32
    %dma_wait3A_257 = tpu.memref_slice %arg2[%dma_wait3A_254, %dma_wait3A_255, %dma_wait3A_256] : memref<8192x128x128xf32, #tpu.memory_space<hbm>> -> memref<8192x128x128xf32, #tpu.memory_space<hbm>>
    tpu.wait_indirect_dma semaphore(%arg15 : memref<!tpu.dma_semaphore, #tpu.memory_space<semaphore_mem>>) src(%dma_wait3A_257 : memref<8192x128x128xf32, #tpu.memory_space<hbm>>) dst(%arg8 : memref<1x128x128xf32, #tpu.memory_space<vmem>>)
    %mul3A_258 = arith.constant 32 : i32
    %mul3A_259 = arith.muli %add3A, %mul3A_258 : i32
    %add3A_260 = arith.constant 3 : i32
    %add3A_261 = arith.addi %mul3A_259, %add3A_260 : i32
    %dma_start3A_262 = arith.constant 0 : i32
    %dma_start3A_263 = arith.constant 0 : i32
    %dma_start3A_264 = tpu.memref_slice %arg4[%add3A_261, %dma_start3A_262, %dma_start3A_263] : memref<1024x128x128xf32, #tpu.memory_space<hbm>> -> memref<1x128x128xf32, #tpu.memory_space<hbm>>
    %dma_start3A_265 = arith.constant 0 : i32
    %dma_start3A_266 = arith.constant 0 : i32
    %dma_start3A_267 = tpu.memref_slice %arg4[%add3A_261, %dma_start3A_265, %dma_start3A_266] : memref<1024x128x128xf32, #tpu.memory_space<hbm>> -> memref<1x128x128xf32, #tpu.memory_space<hbm>>
    tpu.enqueue_dma source(%arg8 : memref<1x128x128xf32, #tpu.memory_space<vmem>>) target(%dma_start3A_267 : memref<1x128x128xf32, #tpu.memory_space<hbm>>) target_semaphore(%arg22 : memref<!tpu.dma_semaphore, #tpu.memory_space<semaphore_mem>>)
    %dma_wait3A_268 = arith.constant 0 : i32
    %dma_wait3A_269 = arith.constant 0 : i32
    %dma_wait3A_270 = tpu.memref_slice %arg4[%add3A_139, %dma_wait3A_268, %dma_wait3A_269] : memref<1024x128x128xf32, #tpu.memory_space<hbm>> -> memref<1x128x128xf32, #tpu.memory_space<hbm>>
    %dma_wait3A_271 = arith.constant 0 : i32
    %dma_wait3A_272 = arith.constant 0 : i32
    %dma_wait3A_273 = tpu.memref_slice %arg4[%add3A_139, %dma_wait3A_271, %dma_wait3A_272] : memref<1024x128x128xf32, #tpu.memory_space<hbm>> -> memref<1x128x128xf32, #tpu.memory_space<hbm>>
    tpu.wait_dma2 semaphore(%arg25 : memref<!tpu.dma_semaphore, #tpu.memory_space<semaphore_mem>>) src(%arg11 : memref<1x128x128xf32, #tpu.memory_space<vmem>>) dst(%dma_wait3A_273 : memref<1x128x128xf32, #tpu.memory_space<hbm>>)
    %dma_start3A_274 = arith.constant 0 : i32
    %dma_start3A_275 = arith.constant 5 : i32
    %dma_start3A_276 = tpu.memref_slice %arg6[%dma_start3A_274, %dma_start3A_275] : memref<2x16xi32, #tpu.memory_space<vmem>> -> memref<1x1xi32, #tpu.memory_space<vmem>>
    %dma_start3A_277 = tpu.memref_squeeze %dma_start3A_276 : memref<1x1xi32, #tpu.memory_space<vmem>> -> memref<1xi32, #tpu.memory_space<vmem>>
    %dma_start3A_278 = arith.constant 0 : i32
    %dma_start3A_279 = arith.constant 0 : i32
    %dma_start3A_280 = arith.constant 0 : i32
    %dma_start3A_281 = tpu.memref_slice %arg2[%dma_start3A_278, %dma_start3A_279, %dma_start3A_280] : memref<8192x128x128xf32, #tpu.memory_space<hbm>> -> memref<8192x128x128xf32, #tpu.memory_space<hbm>>
    tpu.enqueue_indirect_dma source(%dma_start3A_281 : memref<8192x128x128xf32, #tpu.memory_space<hbm>>) target(%arg11 : memref<1x128x128xf32, #tpu.memory_space<vmem>>) offsets(%dma_start3A_277 : memref<1xi32, #tpu.memory_space<vmem>>) semaphore(%arg18 : memref<!tpu.dma_semaphore, #tpu.memory_space<semaphore_mem>>)
    %dma_wait3A_282 = arith.constant 0 : i32
    %dma_wait3A_283 = arith.constant 4 : i32
    %dma_wait3A_284 = tpu.memref_slice %arg6[%dma_wait3A_282, %dma_wait3A_283] : memref<2x16xi32, #tpu.memory_space<vmem>> -> memref<1x1xi32, #tpu.memory_space<vmem>>
    %dma_wait3A_285 = tpu.memref_squeeze %dma_wait3A_284 : memref<1x1xi32, #tpu.memory_space<vmem>> -> memref<1xi32, #tpu.memory_space<vmem>>
    %dma_wait3A_286 = arith.constant 0 : i32
    %dma_wait3A_287 = arith.constant 0 : i32
    %dma_wait3A_288 = arith.constant 0 : i32
    %dma_wait3A_289 = tpu.memref_slice %arg2[%dma_wait3A_286, %dma_wait3A_287, %dma_wait3A_288] : memref<8192x128x128xf32, #tpu.memory_space<hbm>> -> memref<8192x128x128xf32, #tpu.memory_space<hbm>>
    tpu.wait_indirect_dma semaphore(%arg16 : memref<!tpu.dma_semaphore, #tpu.memory_space<semaphore_mem>>) src(%dma_wait3A_289 : memref<8192x128x128xf32, #tpu.memory_space<hbm>>) dst(%arg9 : memref<1x128x128xf32, #tpu.memory_space<vmem>>)
    %mul3A_290 = arith.constant 32 : i32
    %mul3A_291 = arith.muli %add3A, %mul3A_290 : i32
    %add3A_292 = arith.constant 4 : i32
    %add3A_293 = arith.addi %mul3A_291, %add3A_292 : i32
    %dma_start3A_294 = arith.constant 0 : i32
    %dma_start3A_295 = arith.constant 0 : i32
    %dma_start3A_296 = tpu.memref_slice %arg5[%add3A_293, %dma_start3A_294, %dma_start3A_295] : memref<1024x128x128xf32, #tpu.memory_space<hbm>> -> memref<1x128x128xf32, #tpu.memory_space<hbm>>
    %dma_start3A_297 = arith.constant 0 : i32
    %dma_start3A_298 = arith.constant 0 : i32
    %dma_start3A_299 = tpu.memref_slice %arg5[%add3A_293, %dma_start3A_297, %dma_start3A_298] : memref<1024x128x128xf32, #tpu.memory_space<hbm>> -> memref<1x128x128xf32, #tpu.memory_space<hbm>>
    tpu.enqueue_dma source(%arg9 : memref<1x128x128xf32, #tpu.memory_space<vmem>>) target(%dma_start3A_299 : memref<1x128x128xf32, #tpu.memory_space<hbm>>) target_semaphore(%arg23 : memref<!tpu.dma_semaphore, #tpu.memory_space<semaphore_mem>>)
    %dma_wait3A_300 = arith.constant 0 : i32
    %dma_wait3A_301 = arith.constant 0 : i32
    %dma_wait3A_302 = tpu.memref_slice %arg5[%add3A_165, %dma_wait3A_300, %dma_wait3A_301] : memref<1024x128x128xf32, #tpu.memory_space<hbm>> -> memref<1x128x128xf32, #tpu.memory_space<hbm>>
    %dma_wait3A_303 = arith.constant 0 : i32
    %dma_wait3A_304 = arith.constant 0 : i32
    %dma_wait3A_305 = tpu.memref_slice %arg5[%add3A_165, %dma_wait3A_303, %dma_wait3A_304] : memref<1024x128x128xf32, #tpu.memory_space<hbm>> -> memref<1x128x128xf32, #tpu.memory_space<hbm>>
    tpu.wait_dma2 semaphore(%arg26 : memref<!tpu.dma_semaphore, #tpu.memory_space<semaphore_mem>>) src(%arg12 : memref<1x128x128xf32, #tpu.memory_space<vmem>>) dst(%dma_wait3A_305 : memref<1x128x128xf32, #tpu.memory_space<hbm>>)
    %dma_start3A_306 = arith.constant 0 : i32
    %dma_start3A_307 = arith.constant 5 : i32
    %dma_start3A_308 = tpu.memref_slice %arg7[%dma_start3A_306, %dma_start3A_307] : memref<2x16xi32, #tpu.memory_space<vmem>> -> memref<1x1xi32, #tpu.memory_space<vmem>>
    %dma_start3A_309 = tpu.memref_squeeze %dma_start3A_308 : memref<1x1xi32, #tpu.memory_space<vmem>> -> memref<1xi32, #tpu.memory_space<vmem>>
    %dma_start3A_310 = arith.constant 0 : i32
    %dma_start3A_311 = arith.constant 0 : i32
    %dma_start3A_312 = arith.constant 0 : i32
    %dma_start3A_313 = tpu.memref_slice %arg2[%dma_start3A_310, %dma_start3A_311, %dma_start3A_312] : memref<8192x128x128xf32, #tpu.memory_space<hbm>> -> memref<8192x128x128xf32, #tpu.memory_space<hbm>>
    tpu.enqueue_indirect_dma source(%dma_start3A_313 : memref<8192x128x128xf32, #tpu.memory_space<hbm>>) target(%arg12 : memref<1x128x128xf32, #tpu.memory_space<vmem>>) offsets(%dma_start3A_309 : memref<1xi32, #tpu.memory_space<vmem>>) semaphore(%arg19 : memref<!tpu.dma_semaphore, #tpu.memory_space<semaphore_mem>>)
    %dma_wait3A_314 = arith.constant 0 : i32
    %dma_wait3A_315 = arith.constant 4 : i32
    %dma_wait3A_316 = tpu.memref_slice %arg7[%dma_wait3A_314, %dma_wait3A_315] : memref<2x16xi32, #tpu.memory_space<vmem>> -> memref<1x1xi32, #tpu.memory_space<vmem>>
    %dma_wait3A_317 = tpu.memref_squeeze %dma_wait3A_316 : memref<1x1xi32, #tpu.memory_space<vmem>> -> memref<1xi32, #tpu.memory_space<vmem>>
    %dma_wait3A_318 = arith.constant 0 : i32
    %dma_wait3A_319 = arith.constant 0 : i32
    %dma_wait3A_320 = arith.constant 0 : i32
    %dma_wait3A_321 = tpu.memref_slice %arg2[%dma_wait3A_318, %dma_wait3A_319, %dma_wait3A_320] : memref<8192x128x128xf32, #tpu.memory_space<hbm>> -> memref<8192x128x128xf32, #tpu.memory_space<hbm>>
    tpu.wait_indirect_dma semaphore(%arg17 : memref<!tpu.dma_semaphore, #tpu.memory_space<semaphore_mem>>) src(%dma_wait3A_321 : memref<8192x128x128xf32, #tpu.memory_space<hbm>>) dst(%arg10 : memref<1x128x128xf32, #tpu.memory_space<vmem>>)
    %mul3A_322 = arith.constant 32 : i32
    %mul3A_323 = arith.muli %add3A, %mul3A_322 : i32
    %add3A_324 = arith.constant 4 : i32
    %add3A_325 = arith.addi %mul3A_323, %add3A_324 : i32
    %dma_start3A_326 = arith.constant 0 : i32
    %dma_start3A_327 = arith.constant 0 : i32
    %dma_start3A_328 = tpu.memref_slice %arg4[%add3A_325, %dma_start3A_326, %dma_start3A_327] : memref<1024x128x128xf32, #tpu.memory_space<hbm>> -> memref<1x128x128xf32, #tpu.memory_space<hbm>>
    %dma_start3A_329 = arith.constant 0 : i32
    %dma_start3A_330 = arith.constant 0 : i32
    %dma_start3A_331 = tpu.memref_slice %arg4[%add3A_325, %dma_start3A_329, %dma_start3A_330] : memref<1024x128x128xf32, #tpu.memory_space<hbm>> -> memref<1x128x128xf32, #tpu.memory_space<hbm>>
    tpu.enqueue_dma source(%arg10 : memref<1x128x128xf32, #tpu.memory_space<vmem>>) target(%dma_start3A_331 : memref<1x128x128xf32, #tpu.memory_space<hbm>>) target_semaphore(%arg24 : memref<!tpu.dma_semaphore, #tpu.memory_space<semaphore_mem>>)
    %dma_wait3A_332 = arith.constant 0 : i32
    %dma_wait3A_333 = arith.constant 0 : i32
    %dma_wait3A_334 = tpu.memref_slice %arg4[%add3A_197, %dma_wait3A_332, %dma_wait3A_333] : memref<1024x128x128xf32, #tpu.memory_space<hbm>> -> memref<1x128x128xf32, #tpu.memory_space<hbm>>
    %dma_wait3A_335 = arith.constant 0 : i32
    %dma_wait3A_336 = arith.constant 0 : i32
    %dma_wait3A_337 = tpu.memref_slice %arg4[%add3A_197, %dma_wait3A_335, %dma_wait3A_336] : memref<1024x128x128xf32, #tpu.memory_space<hbm>> -> memref<1x128x128xf32, #tpu.memory_space<hbm>>
    tpu.wait_dma2 semaphore(%arg27 : memref<!tpu.dma_semaphore, #tpu.memory_space<semaphore_mem>>) src(%arg13 : memref<1x128x128xf32, #tpu.memory_space<vmem>>) dst(%dma_wait3A_337 : memref<1x128x128xf32, #tpu.memory_space<hbm>>)
    %dma_start3A_338 = arith.constant 0 : i32
    %dma_start3A_339 = arith.constant 6 : i32
    %dma_start3A_340 = tpu.memref_slice %arg6[%dma_start3A_338, %dma_start3A_339] : memref<2x16xi32, #tpu.memory_space<vmem>> -> memref<1x1xi32, #tpu.memory_space<vmem>>
    %dma_start3A_341 = tpu.memref_squeeze %dma_start3A_340 : memref<1x1xi32, #tpu.memory_space<vmem>> -> memref<1xi32, #tpu.memory_space<vmem>>
    %dma_start3A_342 = arith.constant 0 : i32
    %dma_start3A_343 = arith.constant 0 : i32
    %dma_start3A_344 = arith.constant 0 : i32
    %dma_start3A_345 = tpu.memref_slice %arg2[%dma_start3A_342, %dma_start3A_343, %dma_start3A_344] : memref<8192x128x128xf32, #tpu.memory_space<hbm>> -> memref<8192x128x128xf32, #tpu.memory_space<hbm>>
    tpu.enqueue_indirect_dma source(%dma_start3A_345 : memref<8192x128x128xf32, #tpu.memory_space<hbm>>) target(%arg13 : memref<1x128x128xf32, #tpu.memory_space<vmem>>) offsets(%dma_start3A_341 : memref<1xi32, #tpu.memory_space<vmem>>) semaphore(%arg20 : memref<!tpu.dma_semaphore, #tpu.memory_space<semaphore_mem>>)
    %dma_wait3A_346 = arith.constant 0 : i32
    %dma_wait3A_347 = arith.constant 5 : i32
    %dma_wait3A_348 = tpu.memref_slice %arg6[%dma_wait3A_346, %dma_wait3A_347] : memref<2x16xi32, #tpu.memory_space<vmem>> -> memref<1x1xi32, #tpu.memory_space<vmem>>
    %dma_wait3A_349 = tpu.memref_squeeze %dma_wait3A_348 : memref<1x1xi32, #tpu.memory_space<vmem>> -> memref<1xi32, #tpu.memory_space<vmem>>
    %dma_wait3A_350 = arith.constant 0 : i32
    %dma_wait3A_351 = arith.constant 0 : i32
    %dma_wait3A_352 = arith.constant 0 : i32
    %dma_wait3A_353 = tpu.memref_slice %arg2[%dma_wait3A_350, %dma_wait3A_351, %dma_wait3A_352] : memref<8192x128x128xf32, #tpu.memory_space<hbm>> -> memref<8192x128x128xf32, #tpu.memory_space<hbm>>
    tpu.wait_indirect_dma semaphore(%arg18 : memref<!tpu.dma_semaphore, #tpu.memory_space<semaphore_mem>>) src(%dma_wait3A_353 : memref<8192x128x128xf32, #tpu.memory_space<hbm>>) dst(%arg11 : memref<1x128x128xf32, #tpu.memory_space<vmem>>)
    %mul3A_354 = arith.constant 32 : i32
    %mul3A_355 = arith.muli %add3A, %mul3A_354 : i32
    %add3A_356 = arith.constant 5 : i32
    %add3A_357 = arith.addi %mul3A_355, %add3A_356 : i32
    %dma_start3A_358 = arith.constant 0 : i32
    %dma_start3A_359 = arith.constant 0 : i32
    %dma_start3A_360 = tpu.memref_slice %arg5[%add3A_357, %dma_start3A_358, %dma_start3A_359] : memref<1024x128x128xf32, #tpu.memory_space<hbm>> -> memref<1x128x128xf32, #tpu.memory_space<hbm>>
    %dma_start3A_361 = arith.constant 0 : i32
    %dma_start3A_362 = arith.constant 0 : i32
    %dma_start3A_363 = tpu.memref_slice %arg5[%add3A_357, %dma_start3A_361, %dma_start3A_362] : memref<1024x128x128xf32, #tpu.memory_space<hbm>> -> memref<1x128x128xf32, #tpu.memory_space<hbm>>
    tpu.enqueue_dma source(%arg11 : memref<1x128x128xf32, #tpu.memory_space<vmem>>) target(%dma_start3A_363 : memref<1x128x128xf32, #tpu.memory_space<hbm>>) target_semaphore(%arg25 : memref<!tpu.dma_semaphore, #tpu.memory_space<semaphore_mem>>)
    %dma_wait3A_364 = arith.constant 0 : i32
    %dma_wait3A_365 = arith.constant 0 : i32
    %dma_wait3A_366 = tpu.memref_slice %arg5[%add3A_229, %dma_wait3A_364, %dma_wait3A_365] : memref<1024x128x128xf32, #tpu.memory_space<hbm>> -> memref<1x128x128xf32, #tpu.memory_space<hbm>>
    %dma_wait3A_367 = arith.constant 0 : i32
    %dma_wait3A_368 = arith.constant 0 : i32
    %dma_wait3A_369 = tpu.memref_slice %arg5[%add3A_229, %dma_wait3A_367, %dma_wait3A_368] : memref<1024x128x128xf32, #tpu.memory_space<hbm>> -> memref<1x128x128xf32, #tpu.memory_space<hbm>>
    tpu.wait_dma2 semaphore(%arg28 : memref<!tpu.dma_semaphore, #tpu.memory_space<semaphore_mem>>) src(%arg14 : memref<1x128x128xf32, #tpu.memory_space<vmem>>) dst(%dma_wait3A_369 : memref<1x128x128xf32, #tpu.memory_space<hbm>>)
    %dma_start3A_370 = arith.constant 0 : i32
    %dma_start3A_371 = arith.constant 6 : i32
    %dma_start3A_372 = tpu.memref_slice %arg7[%dma_start3A_370, %dma_start3A_371] : memref<2x16xi32, #tpu.memory_space<vmem>> -> memref<1x1xi32, #tpu.memory_space<vmem>>
    %dma_start3A_373 = tpu.memref_squeeze %dma_start3A_372 : memref<1x1xi32, #tpu.memory_space<vmem>> -> memref<1xi32, #tpu.memory_space<vmem>>
    %dma_start3A_374 = arith.constant 0 : i32
    %dma_start3A_375 = arith.constant 0 : i32
    %dma_start3A_376 = arith.constant 0 : i32
    %dma_start3A_377 = tpu.memref_slice %arg2[%dma_start3A_374, %dma_start3A_375, %dma_start3A_376] : memref<8192x128x128xf32, #tpu.memory_space<hbm>> -> memref<8192x128x128xf32, #tpu.memory_space<hbm>>
    tpu.enqueue_indirect_dma source(%dma_start3A_377 : memref<8192x128x128xf32, #tpu.memory_space<hbm>>) target(%arg14 : memref<1x128x128xf32, #tpu.memory_space<vmem>>) offsets(%dma_start3A_373 : memref<1xi32, #tpu.memory_space<vmem>>) semaphore(%arg21 : memref<!tpu.dma_semaphore, #tpu.memory_space<semaphore_mem>>)
    %dma_wait3A_378 = arith.constant 0 : i32
    %dma_wait3A_379 = arith.constant 5 : i32
    %dma_wait3A_380 = tpu.memref_slice %arg7[%dma_wait3A_378, %dma_wait3A_379] : memref<2x16xi32, #tpu.memory_space<vmem>> -> memref<1x1xi32, #tpu.memory_space<vmem>>
    %dma_wait3A_381 = tpu.memref_squeeze %dma_wait3A_380 : memref<1x1xi32, #tpu.memory_space<vmem>> -> memref<1xi32, #tpu.memory_space<vmem>>
    %dma_wait3A_382 = arith.constant 0 : i32
    %dma_wait3A_383 = arith.constant 0 : i32
    %dma_wait3A_384 = arith.constant 0 : i32
    %dma_wait3A_385 = tpu.memref_slice %arg2[%dma_wait3A_382, %dma_wait3A_383, %dma_wait3A_384] : memref<8192x128x128xf32, #tpu.memory_space<hbm>> -> memref<8192x128x128xf32, #tpu.memory_space<hbm>>
    tpu.wait_indirect_dma semaphore(%arg19 : memref<!tpu.dma_semaphore, #tpu.memory_space<semaphore_mem>>) src(%dma_wait3A_385 : memref<8192x128x128xf32, #tpu.memory_space<hbm>>) dst(%arg12 : memref<1x128x128xf32, #tpu.memory_space<vmem>>)
    %mul3A_386 = arith.constant 32 : i32
    %mul3A_387 = arith.muli %add3A, %mul3A_386 : i32
    %add3A_388 = arith.constant 5 : i32
    %add3A_389 = arith.addi %mul3A_387, %add3A_388 : i32
    %dma_start3A_390 = arith.constant 0 : i32
    %dma_start3A_391 = arith.constant 0 : i32
    %dma_start3A_392 = tpu.memref_slice %arg4[%add3A_389, %dma_start3A_390, %dma_start3A_391] : memref<1024x128x128xf32, #tpu.memory_space<hbm>> -> memref<1x128x128xf32, #tpu.memory_space<hbm>>
    %dma_start3A_393 = arith.constant 0 : i32
    %dma_start3A_394 = arith.constant 0 : i32
    %dma_start3A_395 = tpu.memref_slice %arg4[%add3A_389, %dma_start3A_393, %dma_start3A_394] : memref<1024x128x128xf32, #tpu.memory_space<hbm>> -> memref<1x128x128xf32, #tpu.memory_space<hbm>>
    tpu.enqueue_dma source(%arg12 : memref<1x128x128xf32, #tpu.memory_space<vmem>>) target(%dma_start3A_395 : memref<1x128x128xf32, #tpu.memory_space<hbm>>) target_semaphore(%arg26 : memref<!tpu.dma_semaphore, #tpu.memory_space<semaphore_mem>>)
    %dma_wait3A_396 = arith.constant 0 : i32
    %dma_wait3A_397 = arith.constant 0 : i32
    %dma_wait3A_398 = tpu.memref_slice %arg4[%add3A_261, %dma_wait3A_396, %dma_wait3A_397] : memref<1024x128x128xf32, #tpu.memory_space<hbm>> -> memref<1x128x128xf32, #tpu.memory_space<hbm>>
    %dma_wait3A_399 = arith.constant 0 : i32
    %dma_wait3A_400 = arith.constant 0 : i32
    %dma_wait3A_401 = tpu.memref_slice %arg4[%add3A_261, %dma_wait3A_399, %dma_wait3A_400] : memref<1024x128x128xf32, #tpu.memory_space<hbm>> -> memref<1x128x128xf32, #tpu.memory_space<hbm>>
    tpu.wait_dma2 semaphore(%arg22 : memref<!tpu.dma_semaphore, #tpu.memory_space<semaphore_mem>>) src(%arg8 : memref<1x128x128xf32, #tpu.memory_space<vmem>>) dst(%dma_wait3A_401 : memref<1x128x128xf32, #tpu.memory_space<hbm>>)
    %dma_start3A_402 = arith.constant 0 : i32
    %dma_start3A_403 = arith.constant 7 : i32
    %dma_start3A_404 = tpu.memref_slice %arg6[%dma_start3A_402, %dma_start3A_403] : memref<2x16xi32, #tpu.memory_space<vmem>> -> memref<1x1xi32, #tpu.memory_space<vmem>>
    %dma_start3A_405 = tpu.memref_squeeze %dma_start3A_404 : memref<1x1xi32, #tpu.memory_space<vmem>> -> memref<1xi32, #tpu.memory_space<vmem>>
    %dma_start3A_406 = arith.constant 0 : i32
    %dma_start3A_407 = arith.constant 0 : i32
    %dma_start3A_408 = arith.constant 0 : i32
    %dma_start3A_409 = tpu.memref_slice %arg2[%dma_start3A_406, %dma_start3A_407, %dma_start3A_408] : memref<8192x128x128xf32, #tpu.memory_space<hbm>> -> memref<8192x128x128xf32, #tpu.memory_space<hbm>>
    tpu.enqueue_indirect_dma source(%dma_start3A_409 : memref<8192x128x128xf32, #tpu.memory_space<hbm>>) target(%arg8 : memref<1x128x128xf32, #tpu.memory_space<vmem>>) offsets(%dma_start3A_405 : memref<1xi32, #tpu.memory_space<vmem>>) semaphore(%arg15 : memref<!tpu.dma_semaphore, #tpu.memory_space<semaphore_mem>>)
    %dma_wait3A_410 = arith.constant 0 : i32
    %dma_wait3A_411 = arith.constant 6 : i32
    %dma_wait3A_412 = tpu.memref_slice %arg6[%dma_wait3A_410, %dma_wait3A_411] : memref<2x16xi32, #tpu.memory_space<vmem>> -> memref<1x1xi32, #tpu.memory_space<vmem>>
    %dma_wait3A_413 = tpu.memref_squeeze %dma_wait3A_412 : memref<1x1xi32, #tpu.memory_space<vmem>> -> memref<1xi32, #tpu.memory_space<vmem>>
    %dma_wait3A_414 = arith.constant 0 : i32
    %dma_wait3A_415 = arith.constant 0 : i32
    %dma_wait3A_416 = arith.constant 0 : i32
    %dma_wait3A_417 = tpu.memref_slice %arg2[%dma_wait3A_414, %dma_wait3A_415, %dma_wait3A_416] : memref<8192x128x128xf32, #tpu.memory_space<hbm>> -> memref<8192x128x128xf32, #tpu.memory_space<hbm>>
    tpu.wait_indirect_dma semaphore(%arg20 : memref<!tpu.dma_semaphore, #tpu.memory_space<semaphore_mem>>) src(%dma_wait3A_417 : memref<8192x128x128xf32, #tpu.memory_space<hbm>>) dst(%arg13 : memref<1x128x128xf32, #tpu.memory_space<vmem>>)
    %mul3A_418 = arith.constant 32 : i32
    %mul3A_419 = arith.muli %add3A, %mul3A_418 : i32
    %add3A_420 = arith.constant 6 : i32
    %add3A_421 = arith.addi %mul3A_419, %add3A_420 : i32
    %dma_start3A_422 = arith.constant 0 : i32
    %dma_start3A_423 = arith.constant 0 : i32
    %dma_start3A_424 = tpu.memref_slice %arg5[%add3A_421, %dma_start3A_422, %dma_start3A_423] : memref<1024x128x128xf32, #tpu.memory_space<hbm>> -> memref<1x128x128xf32, #tpu.memory_space<hbm>>
    %dma_start3A_425 = arith.constant 0 : i32
    %dma_start3A_426 = arith.constant 0 : i32
    %dma_start3A_427 = tpu.memref_slice %arg5[%add3A_421, %dma_start3A_425, %dma_start3A_426] : memref<1024x128x128xf32, #tpu.memory_space<hbm>> -> memref<1x128x128xf32, #tpu.memory_space<hbm>>
    tpu.enqueue_dma source(%arg13 : memref<1x128x128xf32, #tpu.memory_space<vmem>>) target(%dma_start3A_427 : memref<1x128x128xf32, #tpu.memory_space<hbm>>) target_semaphore(%arg27 : memref<!tpu.dma_semaphore, #tpu.memory_space<semaphore_mem>>)
    %dma_wait3A_428 = arith.constant 0 : i32
    %dma_wait3A_429 = arith.constant 0 : i32
    %dma_wait3A_430 = tpu.memref_slice %arg5[%add3A_293, %dma_wait3A_428, %dma_wait3A_429] : memref<1024x128x128xf32, #tpu.memory_space<hbm>> -> memref<1x128x128xf32, #tpu.memory_space<hbm>>
    %dma_wait3A_431 = arith.constant 0 : i32
    %dma_wait3A_432 = arith.constant 0 : i32
    %dma_wait3A_433 = tpu.memref_slice %arg5[%add3A_293, %dma_wait3A_431, %dma_wait3A_432] : memref<1024x128x128xf32, #tpu.memory_space<hbm>> -> memref<1x128x128xf32, #tpu.memory_space<hbm>>
    tpu.wait_dma2 semaphore(%arg23 : memref<!tpu.dma_semaphore, #tpu.memory_space<semaphore_mem>>) src(%arg9 : memref<1x128x128xf32, #tpu.memory_space<vmem>>) dst(%dma_wait3A_433 : memref<1x128x128xf32, #tpu.memory_space<hbm>>)
    %dma_start3A_434 = arith.constant 0 : i32
    %dma_start3A_435 = arith.constant 7 : i32
    %dma_start3A_436 = tpu.memref_slice %arg7[%dma_start3A_434, %dma_start3A_435] : memref<2x16xi32, #tpu.memory_space<vmem>> -> memref<1x1xi32, #tpu.memory_space<vmem>>
    %dma_start3A_437 = tpu.memref_squeeze %dma_start3A_436 : memref<1x1xi32, #tpu.memory_space<vmem>> -> memref<1xi32, #tpu.memory_space<vmem>>
    %dma_start3A_438 = arith.constant 0 : i32
    %dma_start3A_439 = arith.constant 0 : i32
    %dma_start3A_440 = arith.constant 0 : i32
    %dma_start3A_441 = tpu.memref_slice %arg2[%dma_start3A_438, %dma_start3A_439, %dma_start3A_440] : memref<8192x128x128xf32, #tpu.memory_space<hbm>> -> memref<8192x128x128xf32, #tpu.memory_space<hbm>>
    tpu.enqueue_indirect_dma source(%dma_start3A_441 : memref<8192x128x128xf32, #tpu.memory_space<hbm>>) target(%arg9 : memref<1x128x128xf32, #tpu.memory_space<vmem>>) offsets(%dma_start3A_437 : memref<1xi32, #tpu.memory_space<vmem>>) semaphore(%arg16 : memref<!tpu.dma_semaphore, #tpu.memory_space<semaphore_mem>>)
    %dma_wait3A_442 = arith.constant 0 : i32
    %dma_wait3A_443 = arith.constant 6 : i32
    %dma_wait3A_444 = tpu.memref_slice %arg7[%dma_wait3A_442, %dma_wait3A_443] : memref<2x16xi32, #tpu.memory_space<vmem>> -> memref<1x1xi32, #tpu.memory_space<vmem>>
    %dma_wait3A_445 = tpu.memref_squeeze %dma_wait3A_444 : memref<1x1xi32, #tpu.memory_space<vmem>> -> memref<1xi32, #tpu.memory_space<vmem>>
    %dma_wait3A_446 = arith.constant 0 : i32
    %dma_wait3A_447 = arith.constant 0 : i32
    %dma_wait3A_448 = arith.constant 0 : i32
    %dma_wait3A_449 = tpu.memref_slice %arg2[%dma_wait3A_446, %dma_wait3A_447, %dma_wait3A_448] : memref<8192x128x128xf32, #tpu.memory_space<hbm>> -> memref<8192x128x128xf32, #tpu.memory_space<hbm>>
    tpu.wait_indirect_dma semaphore(%arg21 : memref<!tpu.dma_semaphore, #tpu.memory_space<semaphore_mem>>) src(%dma_wait3A_449 : memref<8192x128x128xf32, #tpu.memory_space<hbm>>) dst(%arg14 : memref<1x128x128xf32, #tpu.memory_space<vmem>>)
    %mul3A_450 = arith.constant 32 : i32
    %mul3A_451 = arith.muli %add3A, %mul3A_450 : i32
    %add3A_452 = arith.constant 6 : i32
    %add3A_453 = arith.addi %mul3A_451, %add3A_452 : i32
    %dma_start3A_454 = arith.constant 0 : i32
    %dma_start3A_455 = arith.constant 0 : i32
    %dma_start3A_456 = tpu.memref_slice %arg4[%add3A_453, %dma_start3A_454, %dma_start3A_455] : memref<1024x128x128xf32, #tpu.memory_space<hbm>> -> memref<1x128x128xf32, #tpu.memory_space<hbm>>
    %dma_start3A_457 = arith.constant 0 : i32
    %dma_start3A_458 = arith.constant 0 : i32
    %dma_start3A_459 = tpu.memref_slice %arg4[%add3A_453, %dma_start3A_457, %dma_start3A_458] : memref<1024x128x128xf32, #tpu.memory_space<hbm>> -> memref<1x128x128xf32, #tpu.memory_space<hbm>>
    tpu.enqueue_dma source(%arg14 : memref<1x128x128xf32, #tpu.memory_space<vmem>>) target(%dma_start3A_459 : memref<1x128x128xf32, #tpu.memory_space<hbm>>) target_semaphore(%arg28 : memref<!tpu.dma_semaphore, #tpu.memory_space<semaphore_mem>>)
    %dma_wait3A_460 = arith.constant 0 : i32
    %dma_wait3A_461 = arith.constant 0 : i32
    %dma_wait3A_462 = tpu.memref_slice %arg4[%add3A_325, %dma_wait3A_460, %dma_wait3A_461] : memref<1024x128x128xf32, #tpu.memory_space<hbm>> -> memref<1x128x128xf32, #tpu.memory_space<hbm>>
    %dma_wait3A_463 = arith.constant 0 : i32
    %dma_wait3A_464 = arith.constant 0 : i32
    %dma_wait3A_465 = tpu.memref_slice %arg4[%add3A_325, %dma_wait3A_463, %dma_wait3A_464] : memref<1024x128x128xf32, #tpu.memory_space<hbm>> -> memref<1x128x128xf32, #tpu.memory_space<hbm>>
    tpu.wait_dma2 semaphore(%arg24 : memref<!tpu.dma_semaphore, #tpu.memory_space<semaphore_mem>>) src(%arg10 : memref<1x128x128xf32, #tpu.memory_space<vmem>>) dst(%dma_wait3A_465 : memref<1x128x128xf32, #tpu.memory_space<hbm>>)
    %dma_start3A_466 = arith.constant 0 : i32
    %dma_start3A_467 = arith.constant 8 : i32
    %dma_start3A_468 = tpu.memref_slice %arg6[%dma_start3A_466, %dma_start3A_467] : memref<2x16xi32, #tpu.memory_space<vmem>> -> memref<1x1xi32, #tpu.memory_space<vmem>>
    %dma_start3A_469 = tpu.memref_squeeze %dma_start3A_468 : memref<1x1xi32, #tpu.memory_space<vmem>> -> memref<1xi32, #tpu.memory_space<vmem>>
    %dma_start3A_470 = arith.constant 0 : i32
    %dma_start3A_471 = arith.constant 0 : i32
    %dma_start3A_472 = arith.constant 0 : i32
    %dma_start3A_473 = tpu.memref_slice %arg2[%dma_start3A_470, %dma_start3A_471, %dma_start3A_472] : memref<8192x128x128xf32, #tpu.memory_space<hbm>> -> memref<8192x128x128xf32, #tpu.memory_space<hbm>>
    tpu.enqueue_indirect_dma source(%dma_start3A_473 : memref<8192x128x128xf32, #tpu.memory_space<hbm>>) target(%arg10 : memref<1x128x128xf32, #tpu.memory_space<vmem>>) offsets(%dma_start3A_469 : memref<1xi32, #tpu.memory_space<vmem>>) semaphore(%arg17 : memref<!tpu.dma_semaphore, #tpu.memory_space<semaphore_mem>>)
    %dma_wait3A_474 = arith.constant 0 : i32
    %dma_wait3A_475 = arith.constant 7 : i32
    %dma_wait3A_476 = tpu.memref_slice %arg6[%dma_wait3A_474, %dma_wait3A_475] : memref<2x16xi32, #tpu.memory_space<vmem>> -> memref<1x1xi32, #tpu.memory_space<vmem>>
    %dma_wait3A_477 = tpu.memref_squeeze %dma_wait3A_476 : memref<1x1xi32, #tpu.memory_space<vmem>> -> memref<1xi32, #tpu.memory_space<vmem>>
    %dma_wait3A_478 = arith.constant 0 : i32
    %dma_wait3A_479 = arith.constant 0 : i32
    %dma_wait3A_480 = arith.constant 0 : i32
    %dma_wait3A_481 = tpu.memref_slice %arg2[%dma_wait3A_478, %dma_wait3A_479, %dma_wait3A_480] : memref<8192x128x128xf32, #tpu.memory_space<hbm>> -> memref<8192x128x128xf32, #tpu.memory_space<hbm>>
    tpu.wait_indirect_dma semaphore(%arg15 : memref<!tpu.dma_semaphore, #tpu.memory_space<semaphore_mem>>) src(%dma_wait3A_481 : memref<8192x128x128xf32, #tpu.memory_space<hbm>>) dst(%arg8 : memref<1x128x128xf32, #tpu.memory_space<vmem>>)
    %mul3A_482 = arith.constant 32 : i32
    %mul3A_483 = arith.muli %add3A, %mul3A_482 : i32
    %add3A_484 = arith.constant 7 : i32
    %add3A_485 = arith.addi %mul3A_483, %add3A_484 : i32
    %dma_start3A_486 = arith.constant 0 : i32
    %dma_start3A_487 = arith.constant 0 : i32
    %dma_start3A_488 = tpu.memref_slice %arg5[%add3A_485, %dma_start3A_486, %dma_start3A_487] : memref<1024x128x128xf32, #tpu.memory_space<hbm>> -> memref<1x128x128xf32, #tpu.memory_space<hbm>>
    %dma_start3A_489 = arith.constant 0 : i32
    %dma_start3A_490 = arith.constant 0 : i32
    %dma_start3A_491 = tpu.memref_slice %arg5[%add3A_485, %dma_start3A_489, %dma_start3A_490] : memref<1024x128x128xf32, #tpu.memory_space<hbm>> -> memref<1x128x128xf32, #tpu.memory_space<hbm>>
    tpu.enqueue_dma source(%arg8 : memref<1x128x128xf32, #tpu.memory_space<vmem>>) target(%dma_start3A_491 : memref<1x128x128xf32, #tpu.memory_space<hbm>>) target_semaphore(%arg22 : memref<!tpu.dma_semaphore, #tpu.memory_space<semaphore_mem>>)
    %dma_wait3A_492 = arith.constant 0 : i32
    %dma_wait3A_493 = arith.constant 0 : i32
    %dma_wait3A_494 = tpu.memref_slice %arg5[%add3A_357, %dma_wait3A_492, %dma_wait3A_493] : memref<1024x128x128xf32, #tpu.memory_space<hbm>> -> memref<1x128x128xf32, #tpu.memory_space<hbm>>
    %dma_wait3A_495 = arith.constant 0 : i32
    %dma_wait3A_496 = arith.constant 0 : i32
    %dma_wait3A_497 = tpu.memref_slice %arg5[%add3A_357, %dma_wait3A_495, %dma_wait3A_496] : memref<1024x128x128xf32, #tpu.memory_space<hbm>> -> memref<1x128x128xf32, #tpu.memory_space<hbm>>
    tpu.wait_dma2 semaphore(%arg25 : memref<!tpu.dma_semaphore, #tpu.memory_space<semaphore_mem>>) src(%arg11 : memref<1x128x128xf32, #tpu.memory_space<vmem>>) dst(%dma_wait3A_497 : memref<1x128x128xf32, #tpu.memory_space<hbm>>)
    %dma_start3A_498 = arith.constant 0 : i32
    %dma_start3A_499 = arith.constant 8 : i32
    %dma_start3A_500 = tpu.memref_slice %arg7[%dma_start3A_498, %dma_start3A_499] : memref<2x16xi32, #tpu.memory_space<vmem>> -> memref<1x1xi32, #tpu.memory_space<vmem>>
    %dma_start3A_501 = tpu.memref_squeeze %dma_start3A_500 : memref<1x1xi32, #tpu.memory_space<vmem>> -> memref<1xi32, #tpu.memory_space<vmem>>
    %dma_start3A_502 = arith.constant 0 : i32
    %dma_start3A_503 = arith.constant 0 : i32
    %dma_start3A_504 = arith.constant 0 : i32
    %dma_start3A_505 = tpu.memref_slice %arg2[%dma_start3A_502, %dma_start3A_503, %dma_start3A_504] : memref<8192x128x128xf32, #tpu.memory_space<hbm>> -> memref<8192x128x128xf32, #tpu.memory_space<hbm>>
    tpu.enqueue_indirect_dma source(%dma_start3A_505 : memref<8192x128x128xf32, #tpu.memory_space<hbm>>) target(%arg11 : memref<1x128x128xf32, #tpu.memory_space<vmem>>) offsets(%dma_start3A_501 : memref<1xi32, #tpu.memory_space<vmem>>) semaphore(%arg18 : memref<!tpu.dma_semaphore, #tpu.memory_space<semaphore_mem>>)
    %dma_wait3A_506 = arith.constant 0 : i32
    %dma_wait3A_507 = arith.constant 7 : i32
    %dma_wait3A_508 = tpu.memref_slice %arg7[%dma_wait3A_506, %dma_wait3A_507] : memref<2x16xi32, #tpu.memory_space<vmem>> -> memref<1x1xi32, #tpu.memory_space<vmem>>
    %dma_wait3A_509 = tpu.memref_squeeze %dma_wait3A_508 : memref<1x1xi32, #tpu.memory_space<vmem>> -> memref<1xi32, #tpu.memory_space<vmem>>
    %dma_wait3A_510 = arith.constant 0 : i32
    %dma_wait3A_511 = arith.constant 0 : i32
    %dma_wait3A_512 = arith.constant 0 : i32
    %dma_wait3A_513 = tpu.memref_slice %arg2[%dma_wait3A_510, %dma_wait3A_511, %dma_wait3A_512] : memref<8192x128x128xf32, #tpu.memory_space<hbm>> -> memref<8192x128x128xf32, #tpu.memory_space<hbm>>
    tpu.wait_indirect_dma semaphore(%arg16 : memref<!tpu.dma_semaphore, #tpu.memory_space<semaphore_mem>>) src(%dma_wait3A_513 : memref<8192x128x128xf32, #tpu.memory_space<hbm>>) dst(%arg9 : memref<1x128x128xf32, #tpu.memory_space<vmem>>)
    %mul3A_514 = arith.constant 32 : i32
    %mul3A_515 = arith.muli %add3A, %mul3A_514 : i32
    %add3A_516 = arith.constant 7 : i32
    %add3A_517 = arith.addi %mul3A_515, %add3A_516 : i32
    %dma_start3A_518 = arith.constant 0 : i32
    %dma_start3A_519 = arith.constant 0 : i32
    %dma_start3A_520 = tpu.memref_slice %arg4[%add3A_517, %dma_start3A_518, %dma_start3A_519] : memref<1024x128x128xf32, #tpu.memory_space<hbm>> -> memref<1x128x128xf32, #tpu.memory_space<hbm>>
    %dma_start3A_521 = arith.constant 0 : i32
    %dma_start3A_522 = arith.constant 0 : i32
    %dma_start3A_523 = tpu.memref_slice %arg4[%add3A_517, %dma_start3A_521, %dma_start3A_522] : memref<1024x128x128xf32, #tpu.memory_space<hbm>> -> memref<1x128x128xf32, #tpu.memory_space<hbm>>
    tpu.enqueue_dma source(%arg9 : memref<1x128x128xf32, #tpu.memory_space<vmem>>) target(%dma_start3A_523 : memref<1x128x128xf32, #tpu.memory_space<hbm>>) target_semaphore(%arg23 : memref<!tpu.dma_semaphore, #tpu.memory_space<semaphore_mem>>)
    %dma_wait3A_524 = arith.constant 0 : i32
    %dma_wait3A_525 = arith.constant 0 : i32
    %dma_wait3A_526 = tpu.memref_slice %arg4[%add3A_389, %dma_wait3A_524, %dma_wait3A_525] : memref<1024x128x128xf32, #tpu.memory_space<hbm>> -> memref<1x128x128xf32, #tpu.memory_space<hbm>>
    %dma_wait3A_527 = arith.constant 0 : i32
    %dma_wait3A_528 = arith.constant 0 : i32
    %dma_wait3A_529 = tpu.memref_slice %arg4[%add3A_389, %dma_wait3A_527, %dma_wait3A_528] : memref<1024x128x128xf32, #tpu.memory_space<hbm>> -> memref<1x128x128xf32, #tpu.memory_space<hbm>>
    tpu.wait_dma2 semaphore(%arg26 : memref<!tpu.dma_semaphore, #tpu.memory_space<semaphore_mem>>) src(%arg12 : memref<1x128x128xf32, #tpu.memory_space<vmem>>) dst(%dma_wait3A_529 : memref<1x128x128xf32, #tpu.memory_space<hbm>>)
    %dma_start3A_530 = arith.constant 0 : i32
    %dma_start3A_531 = arith.constant 9 : i32
    %dma_start3A_532 = tpu.memref_slice %arg6[%dma_start3A_530, %dma_start3A_531] : memref<2x16xi32, #tpu.memory_space<vmem>> -> memref<1x1xi32, #tpu.memory_space<vmem>>
    %dma_start3A_533 = tpu.memref_squeeze %dma_start3A_532 : memref<1x1xi32, #tpu.memory_space<vmem>> -> memref<1xi32, #tpu.memory_space<vmem>>
    %dma_start3A_534 = arith.constant 0 : i32
    %dma_start3A_535 = arith.constant 0 : i32
    %dma_start3A_536 = arith.constant 0 : i32
    %dma_start3A_537 = tpu.memref_slice %arg2[%dma_start3A_534, %dma_start3A_535, %dma_start3A_536] : memref<8192x128x128xf32, #tpu.memory_space<hbm>> -> memref<8192x128x128xf32, #tpu.memory_space<hbm>>
    tpu.enqueue_indirect_dma source(%dma_start3A_537 : memref<8192x128x128xf32, #tpu.memory_space<hbm>>) target(%arg12 : memref<1x128x128xf32, #tpu.memory_space<vmem>>) offsets(%dma_start3A_533 : memref<1xi32, #tpu.memory_space<vmem>>) semaphore(%arg19 : memref<!tpu.dma_semaphore, #tpu.memory_space<semaphore_mem>>)
    %dma_wait3A_538 = arith.constant 0 : i32
    %dma_wait3A_539 = arith.constant 8 : i32
    %dma_wait3A_540 = tpu.memref_slice %arg6[%dma_wait3A_538, %dma_wait3A_539] : memref<2x16xi32, #tpu.memory_space<vmem>> -> memref<1x1xi32, #tpu.memory_space<vmem>>
    %dma_wait3A_541 = tpu.memref_squeeze %dma_wait3A_540 : memref<1x1xi32, #tpu.memory_space<vmem>> -> memref<1xi32, #tpu.memory_space<vmem>>
    %dma_wait3A_542 = arith.constant 0 : i32
    %dma_wait3A_543 = arith.constant 0 : i32
    %dma_wait3A_544 = arith.constant 0 : i32
    %dma_wait3A_545 = tpu.memref_slice %arg2[%dma_wait3A_542, %dma_wait3A_543, %dma_wait3A_544] : memref<8192x128x128xf32, #tpu.memory_space<hbm>> -> memref<8192x128x128xf32, #tpu.memory_space<hbm>>
    tpu.wait_indirect_dma semaphore(%arg17 : memref<!tpu.dma_semaphore, #tpu.memory_space<semaphore_mem>>) src(%dma_wait3A_545 : memref<8192x128x128xf32, #tpu.memory_space<hbm>>) dst(%arg10 : memref<1x128x128xf32, #tpu.memory_space<vmem>>)
    %mul3A_546 = arith.constant 32 : i32
    %mul3A_547 = arith.muli %add3A, %mul3A_546 : i32
    %add3A_548 = arith.constant 8 : i32
    %add3A_549 = arith.addi %mul3A_547, %add3A_548 : i32
    %dma_start3A_550 = arith.constant 0 : i32
    %dma_start3A_551 = arith.constant 0 : i32
    %dma_start3A_552 = tpu.memref_slice %arg5[%add3A_549, %dma_start3A_550, %dma_start3A_551] : memref<1024x128x128xf32, #tpu.memory_space<hbm>> -> memref<1x128x128xf32, #tpu.memory_space<hbm>>
    %dma_start3A_553 = arith.constant 0 : i32
    %dma_start3A_554 = arith.constant 0 : i32
    %dma_start3A_555 = tpu.memref_slice %arg5[%add3A_549, %dma_start3A_553, %dma_start3A_554] : memref<1024x128x128xf32, #tpu.memory_space<hbm>> -> memref<1x128x128xf32, #tpu.memory_space<hbm>>
    tpu.enqueue_dma source(%arg10 : memref<1x128x128xf32, #tpu.memory_space<vmem>>) target(%dma_start3A_555 : memref<1x128x128xf32, #tpu.memory_space<hbm>>) target_semaphore(%arg24 : memref<!tpu.dma_semaphore, #tpu.memory_space<semaphore_mem>>)
    %dma_wait3A_556 = arith.constant 0 : i32
    %dma_wait3A_557 = arith.constant 0 : i32
    %dma_wait3A_558 = tpu.memref_slice %arg5[%add3A_421, %dma_wait3A_556, %dma_wait3A_557] : memref<1024x128x128xf32, #tpu.memory_space<hbm>> -> memref<1x128x128xf32, #tpu.memory_space<hbm>>
    %dma_wait3A_559 = arith.constant 0 : i32
    %dma_wait3A_560 = arith.constant 0 : i32
    %dma_wait3A_561 = tpu.memref_slice %arg5[%add3A_421, %dma_wait3A_559, %dma_wait3A_560] : memref<1024x128x128xf32, #tpu.memory_space<hbm>> -> memref<1x128x128xf32, #tpu.memory_space<hbm>>
    tpu.wait_dma2 semaphore(%arg27 : memref<!tpu.dma_semaphore, #tpu.memory_space<semaphore_mem>>) src(%arg13 : memref<1x128x128xf32, #tpu.memory_space<vmem>>) dst(%dma_wait3A_561 : memref<1x128x128xf32, #tpu.memory_space<hbm>>)
    %dma_start3A_562 = arith.constant 0 : i32
    %dma_start3A_563 = arith.constant 9 : i32
    %dma_start3A_564 = tpu.memref_slice %arg7[%dma_start3A_562, %dma_start3A_563] : memref<2x16xi32, #tpu.memory_space<vmem>> -> memref<1x1xi32, #tpu.memory_space<vmem>>
    %dma_start3A_565 = tpu.memref_squeeze %dma_start3A_564 : memref<1x1xi32, #tpu.memory_space<vmem>> -> memref<1xi32, #tpu.memory_space<vmem>>
    %dma_start3A_566 = arith.constant 0 : i32
    %dma_start3A_567 = arith.constant 0 : i32
    %dma_start3A_568 = arith.constant 0 : i32
    %dma_start3A_569 = tpu.memref_slice %arg2[%dma_start3A_566, %dma_start3A_567, %dma_start3A_568] : memref<8192x128x128xf32, #tpu.memory_space<hbm>> -> memref<8192x128x128xf32, #tpu.memory_space<hbm>>
    tpu.enqueue_indirect_dma source(%dma_start3A_569 : memref<8192x128x128xf32, #tpu.memory_space<hbm>>) target(%arg13 : memref<1x128x128xf32, #tpu.memory_space<vmem>>) offsets(%dma_start3A_565 : memref<1xi32, #tpu.memory_space<vmem>>) semaphore(%arg20 : memref<!tpu.dma_semaphore, #tpu.memory_space<semaphore_mem>>)
    %dma_wait3A_570 = arith.constant 0 : i32
    %dma_wait3A_571 = arith.constant 8 : i32
    %dma_wait3A_572 = tpu.memref_slice %arg7[%dma_wait3A_570, %dma_wait3A_571] : memref<2x16xi32, #tpu.memory_space<vmem>> -> memref<1x1xi32, #tpu.memory_space<vmem>>
    %dma_wait3A_573 = tpu.memref_squeeze %dma_wait3A_572 : memref<1x1xi32, #tpu.memory_space<vmem>> -> memref<1xi32, #tpu.memory_space<vmem>>
    %dma_wait3A_574 = arith.constant 0 : i32
    %dma_wait3A_575 = arith.constant 0 : i32
    %dma_wait3A_576 = arith.constant 0 : i32
    %dma_wait3A_577 = tpu.memref_slice %arg2[%dma_wait3A_574, %dma_wait3A_575, %dma_wait3A_576] : memref<8192x128x128xf32, #tpu.memory_space<hbm>> -> memref<8192x128x128xf32, #tpu.memory_space<hbm>>
    tpu.wait_indirect_dma semaphore(%arg18 : memref<!tpu.dma_semaphore, #tpu.memory_space<semaphore_mem>>) src(%dma_wait3A_577 : memref<8192x128x128xf32, #tpu.memory_space<hbm>>) dst(%arg11 : memref<1x128x128xf32, #tpu.memory_space<vmem>>)
    %mul3A_578 = arith.constant 32 : i32
    %mul3A_579 = arith.muli %add3A, %mul3A_578 : i32
    %add3A_580 = arith.constant 8 : i32
    %add3A_581 = arith.addi %mul3A_579, %add3A_580 : i32
    %dma_start3A_582 = arith.constant 0 : i32
    %dma_start3A_583 = arith.constant 0 : i32
    %dma_start3A_584 = tpu.memref_slice %arg4[%add3A_581, %dma_start3A_582, %dma_start3A_583] : memref<1024x128x128xf32, #tpu.memory_space<hbm>> -> memref<1x128x128xf32, #tpu.memory_space<hbm>>
    %dma_start3A_585 = arith.constant 0 : i32
    %dma_start3A_586 = arith.constant 0 : i32
    %dma_start3A_587 = tpu.memref_slice %arg4[%add3A_581, %dma_start3A_585, %dma_start3A_586] : memref<1024x128x128xf32, #tpu.memory_space<hbm>> -> memref<1x128x128xf32, #tpu.memory_space<hbm>>
    tpu.enqueue_dma source(%arg11 : memref<1x128x128xf32, #tpu.memory_space<vmem>>) target(%dma_start3A_587 : memref<1x128x128xf32, #tpu.memory_space<hbm>>) target_semaphore(%arg25 : memref<!tpu.dma_semaphore, #tpu.memory_space<semaphore_mem>>)
    %dma_wait3A_588 = arith.constant 0 : i32
    %dma_wait3A_589 = arith.constant 0 : i32
    %dma_wait3A_590 = tpu.memref_slice %arg4[%add3A_453, %dma_wait3A_588, %dma_wait3A_589] : memref<1024x128x128xf32, #tpu.memory_space<hbm>> -> memref<1x128x128xf32, #tpu.memory_space<hbm>>
    %dma_wait3A_591 = arith.constant 0 : i32
    %dma_wait3A_592 = arith.constant 0 : i32
    %dma_wait3A_593 = tpu.memref_slice %arg4[%add3A_453, %dma_wait3A_591, %dma_wait3A_592] : memref<1024x128x128xf32, #tpu.memory_space<hbm>> -> memref<1x128x128xf32, #tpu.memory_space<hbm>>
    tpu.wait_dma2 semaphore(%arg28 : memref<!tpu.dma_semaphore, #tpu.memory_space<semaphore_mem>>) src(%arg14 : memref<1x128x128xf32, #tpu.memory_space<vmem>>) dst(%dma_wait3A_593 : memref<1x128x128xf32, #tpu.memory_space<hbm>>)
    %dma_start3A_594 = arith.constant 0 : i32
    %dma_start3A_595 = arith.constant 10 : i32
    %dma_start3A_596 = tpu.memref_slice %arg6[%dma_start3A_594, %dma_start3A_595] : memref<2x16xi32, #tpu.memory_space<vmem>> -> memref<1x1xi32, #tpu.memory_space<vmem>>
    %dma_start3A_597 = tpu.memref_squeeze %dma_start3A_596 : memref<1x1xi32, #tpu.memory_space<vmem>> -> memref<1xi32, #tpu.memory_space<vmem>>
    %dma_start3A_598 = arith.constant 0 : i32
    %dma_start3A_599 = arith.constant 0 : i32
    %dma_start3A_600 = arith.constant 0 : i32
    %dma_start3A_601 = tpu.memref_slice %arg2[%dma_start3A_598, %dma_start3A_599, %dma_start3A_600] : memref<8192x128x128xf32, #tpu.memory_space<hbm>> -> memref<8192x128x128xf32, #tpu.memory_space<hbm>>
    tpu.enqueue_indirect_dma source(%dma_start3A_601 : memref<8192x128x128xf32, #tpu.memory_space<hbm>>) target(%arg14 : memref<1x128x128xf32, #tpu.memory_space<vmem>>) offsets(%dma_start3A_597 : memref<1xi32, #tpu.memory_space<vmem>>) semaphore(%arg21 : memref<!tpu.dma_semaphore, #tpu.memory_space<semaphore_mem>>)
    %dma_wait3A_602 = arith.constant 0 : i32
    %dma_wait3A_603 = arith.constant 9 : i32
    %dma_wait3A_604 = tpu.memref_slice %arg6[%dma_wait3A_602, %dma_wait3A_603] : memref<2x16xi32, #tpu.memory_space<vmem>> -> memref<1x1xi32, #tpu.memory_space<vmem>>
    %dma_wait3A_605 = tpu.memref_squeeze %dma_wait3A_604 : memref<1x1xi32, #tpu.memory_space<vmem>> -> memref<1xi32, #tpu.memory_space<vmem>>
    %dma_wait3A_606 = arith.constant 0 : i32
    %dma_wait3A_607 = arith.constant 0 : i32
    %dma_wait3A_608 = arith.constant 0 : i32
    %dma_wait3A_609 = tpu.memref_slice %arg2[%dma_wait3A_606, %dma_wait3A_607, %dma_wait3A_608] : memref<8192x128x128xf32, #tpu.memory_space<hbm>> -> memref<8192x128x128xf32, #tpu.memory_space<hbm>>
    tpu.wait_indirect_dma semaphore(%arg19 : memref<!tpu.dma_semaphore, #tpu.memory_space<semaphore_mem>>) src(%dma_wait3A_609 : memref<8192x128x128xf32, #tpu.memory_space<hbm>>) dst(%arg12 : memref<1x128x128xf32, #tpu.memory_space<vmem>>)
    %mul3A_610 = arith.constant 32 : i32
    %mul3A_611 = arith.muli %add3A, %mul3A_610 : i32
    %add3A_612 = arith.constant 9 : i32
    %add3A_613 = arith.addi %mul3A_611, %add3A_612 : i32
    %dma_start3A_614 = arith.constant 0 : i32
    %dma_start3A_615 = arith.constant 0 : i32
    %dma_start3A_616 = tpu.memref_slice %arg5[%add3A_613, %dma_start3A_614, %dma_start3A_615] : memref<1024x128x128xf32, #tpu.memory_space<hbm>> -> memref<1x128x128xf32, #tpu.memory_space<hbm>>
    %dma_start3A_617 = arith.constant 0 : i32
    %dma_start3A_618 = arith.constant 0 : i32
    %dma_start3A_619 = tpu.memref_slice %arg5[%add3A_613, %dma_start3A_617, %dma_start3A_618] : memref<1024x128x128xf32, #tpu.memory_space<hbm>> -> memref<1x128x128xf32, #tpu.memory_space<hbm>>
    tpu.enqueue_dma source(%arg12 : memref<1x128x128xf32, #tpu.memory_space<vmem>>) target(%dma_start3A_619 : memref<1x128x128xf32, #tpu.memory_space<hbm>>) target_semaphore(%arg26 : memref<!tpu.dma_semaphore, #tpu.memory_space<semaphore_mem>>)
    %dma_wait3A_620 = arith.constant 0 : i32
    %dma_wait3A_621 = arith.constant 0 : i32
    %dma_wait3A_622 = tpu.memref_slice %arg5[%add3A_485, %dma_wait3A_620, %dma_wait3A_621] : memref<1024x128x128xf32, #tpu.memory_space<hbm>> -> memref<1x128x128xf32, #tpu.memory_space<hbm>>
    %dma_wait3A_623 = arith.constant 0 : i32
    %dma_wait3A_624 = arith.constant 0 : i32
    %dma_wait3A_625 = tpu.memref_slice %arg5[%add3A_485, %dma_wait3A_623, %dma_wait3A_624] : memref<1024x128x128xf32, #tpu.memory_space<hbm>> -> memref<1x128x128xf32, #tpu.memory_space<hbm>>
    tpu.wait_dma2 semaphore(%arg22 : memref<!tpu.dma_semaphore, #tpu.memory_space<semaphore_mem>>) src(%arg8 : memref<1x128x128xf32, #tpu.memory_space<vmem>>) dst(%dma_wait3A_625 : memref<1x128x128xf32, #tpu.memory_space<hbm>>)
    %dma_start3A_626 = arith.constant 0 : i32
    %dma_start3A_627 = arith.constant 10 : i32
    %dma_start3A_628 = tpu.memref_slice %arg7[%dma_start3A_626, %dma_start3A_627] : memref<2x16xi32, #tpu.memory_space<vmem>> -> memref<1x1xi32, #tpu.memory_space<vmem>>
    %dma_start3A_629 = tpu.memref_squeeze %dma_start3A_628 : memref<1x1xi32, #tpu.memory_space<vmem>> -> memref<1xi32, #tpu.memory_space<vmem>>
    %dma_start3A_630 = arith.constant 0 : i32
    %dma_start3A_631 = arith.constant 0 : i32
    %dma_start3A_632 = arith.constant 0 : i32
    %dma_start3A_633 = tpu.memref_slice %arg2[%dma_start3A_630, %dma_start3A_631, %dma_start3A_632] : memref<8192x128x128xf32, #tpu.memory_space<hbm>> -> memref<8192x128x128xf32, #tpu.memory_space<hbm>>
    tpu.enqueue_indirect_dma source(%dma_start3A_633 : memref<8192x128x128xf32, #tpu.memory_space<hbm>>) target(%arg8 : memref<1x128x128xf32, #tpu.memory_space<vmem>>) offsets(%dma_start3A_629 : memref<1xi32, #tpu.memory_space<vmem>>) semaphore(%arg15 : memref<!tpu.dma_semaphore, #tpu.memory_space<semaphore_mem>>)
    %dma_wait3A_634 = arith.constant 0 : i32
    %dma_wait3A_635 = arith.constant 9 : i32
    %dma_wait3A_636 = tpu.memref_slice %arg7[%dma_wait3A_634, %dma_wait3A_635] : memref<2x16xi32, #tpu.memory_space<vmem>> -> memref<1x1xi32, #tpu.memory_space<vmem>>
    %dma_wait3A_637 = tpu.memref_squeeze %dma_wait3A_636 : memref<1x1xi32, #tpu.memory_space<vmem>> -> memref<1xi32, #tpu.memory_space<vmem>>
    %dma_wait3A_638 = arith.constant 0 : i32
    %dma_wait3A_639 = arith.constant 0 : i32
    %dma_wait3A_640 = arith.constant 0 : i32
    %dma_wait3A_641 = tpu.memref_slice %arg2[%dma_wait3A_638, %dma_wait3A_639, %dma_wait3A_640] : memref<8192x128x128xf32, #tpu.memory_space<hbm>> -> memref<8192x128x128xf32, #tpu.memory_space<hbm>>
    tpu.wait_indirect_dma semaphore(%arg20 : memref<!tpu.dma_semaphore, #tpu.memory_space<semaphore_mem>>) src(%dma_wait3A_641 : memref<8192x128x128xf32, #tpu.memory_space<hbm>>) dst(%arg13 : memref<1x128x128xf32, #tpu.memory_space<vmem>>)
    %mul3A_642 = arith.constant 32 : i32
    %mul3A_643 = arith.muli %add3A, %mul3A_642 : i32
    %add3A_644 = arith.constant 9 : i32
    %add3A_645 = arith.addi %mul3A_643, %add3A_644 : i32
    %dma_start3A_646 = arith.constant 0 : i32
    %dma_start3A_647 = arith.constant 0 : i32
    %dma_start3A_648 = tpu.memref_slice %arg4[%add3A_645, %dma_start3A_646, %dma_start3A_647] : memref<1024x128x128xf32, #tpu.memory_space<hbm>> -> memref<1x128x128xf32, #tpu.memory_space<hbm>>
    %dma_start3A_649 = arith.constant 0 : i32
    %dma_start3A_650 = arith.constant 0 : i32
    %dma_start3A_651 = tpu.memref_slice %arg4[%add3A_645, %dma_start3A_649, %dma_start3A_650] : memref<1024x128x128xf32, #tpu.memory_space<hbm>> -> memref<1x128x128xf32, #tpu.memory_space<hbm>>
    tpu.enqueue_dma source(%arg13 : memref<1x128x128xf32, #tpu.memory_space<vmem>>) target(%dma_start3A_651 : memref<1x128x128xf32, #tpu.memory_space<hbm>>) target_semaphore(%arg27 : memref<!tpu.dma_semaphore, #tpu.memory_space<semaphore_mem>>)
    %dma_wait3A_652 = arith.constant 0 : i32
    %dma_wait3A_653 = arith.constant 0 : i32
    %dma_wait3A_654 = tpu.memref_slice %arg4[%add3A_517, %dma_wait3A_652, %dma_wait3A_653] : memref<1024x128x128xf32, #tpu.memory_space<hbm>> -> memref<1x128x128xf32, #tpu.memory_space<hbm>>
    %dma_wait3A_655 = arith.constant 0 : i32
    %dma_wait3A_656 = arith.constant 0 : i32
    %dma_wait3A_657 = tpu.memref_slice %arg4[%add3A_517, %dma_wait3A_655, %dma_wait3A_656] : memref<1024x128x128xf32, #tpu.memory_space<hbm>> -> memref<1x128x128xf32, #tpu.memory_space<hbm>>
    tpu.wait_dma2 semaphore(%arg23 : memref<!tpu.dma_semaphore, #tpu.memory_space<semaphore_mem>>) src(%arg9 : memref<1x128x128xf32, #tpu.memory_space<vmem>>) dst(%dma_wait3A_657 : memref<1x128x128xf32, #tpu.memory_space<hbm>>)
    %dma_start3A_658 = arith.constant 0 : i32
    %dma_start3A_659 = arith.constant 11 : i32
    %dma_start3A_660 = tpu.memref_slice %arg6[%dma_start3A_658, %dma_start3A_659] : memref<2x16xi32, #tpu.memory_space<vmem>> -> memref<1x1xi32, #tpu.memory_space<vmem>>
    %dma_start3A_661 = tpu.memref_squeeze %dma_start3A_660 : memref<1x1xi32, #tpu.memory_space<vmem>> -> memref<1xi32, #tpu.memory_space<vmem>>
    %dma_start3A_662 = arith.constant 0 : i32
    %dma_start3A_663 = arith.constant 0 : i32
    %dma_start3A_664 = arith.constant 0 : i32
    %dma_start3A_665 = tpu.memref_slice %arg2[%dma_start3A_662, %dma_start3A_663, %dma_start3A_664] : memref<8192x128x128xf32, #tpu.memory_space<hbm>> -> memref<8192x128x128xf32, #tpu.memory_space<hbm>>
    tpu.enqueue_indirect_dma source(%dma_start3A_665 : memref<8192x128x128xf32, #tpu.memory_space<hbm>>) target(%arg9 : memref<1x128x128xf32, #tpu.memory_space<vmem>>) offsets(%dma_start3A_661 : memref<1xi32, #tpu.memory_space<vmem>>) semaphore(%arg16 : memref<!tpu.dma_semaphore, #tpu.memory_space<semaphore_mem>>)
    %dma_wait3A_666 = arith.constant 0 : i32
    %dma_wait3A_667 = arith.constant 10 : i32
    %dma_wait3A_668 = tpu.memref_slice %arg6[%dma_wait3A_666, %dma_wait3A_667] : memref<2x16xi32, #tpu.memory_space<vmem>> -> memref<1x1xi32, #tpu.memory_space<vmem>>
    %dma_wait3A_669 = tpu.memref_squeeze %dma_wait3A_668 : memref<1x1xi32, #tpu.memory_space<vmem>> -> memref<1xi32, #tpu.memory_space<vmem>>
    %dma_wait3A_670 = arith.constant 0 : i32
    %dma_wait3A_671 = arith.constant 0 : i32
    %dma_wait3A_672 = arith.constant 0 : i32
    %dma_wait3A_673 = tpu.memref_slice %arg2[%dma_wait3A_670, %dma_wait3A_671, %dma_wait3A_672] : memref<8192x128x128xf32, #tpu.memory_space<hbm>> -> memref<8192x128x128xf32, #tpu.memory_space<hbm>>
    tpu.wait_indirect_dma semaphore(%arg21 : memref<!tpu.dma_semaphore, #tpu.memory_space<semaphore_mem>>) src(%dma_wait3A_673 : memref<8192x128x128xf32, #tpu.memory_space<hbm>>) dst(%arg14 : memref<1x128x128xf32, #tpu.memory_space<vmem>>)
    %mul3A_674 = arith.constant 32 : i32
    %mul3A_675 = arith.muli %add3A, %mul3A_674 : i32
    %add3A_676 = arith.constant 10 : i32
    %add3A_677 = arith.addi %mul3A_675, %add3A_676 : i32
    %dma_start3A_678 = arith.constant 0 : i32
    %dma_start3A_679 = arith.constant 0 : i32
    %dma_start3A_680 = tpu.memref_slice %arg5[%add3A_677, %dma_start3A_678, %dma_start3A_679] : memref<1024x128x128xf32, #tpu.memory_space<hbm>> -> memref<1x128x128xf32, #tpu.memory_space<hbm>>
    %dma_start3A_681 = arith.constant 0 : i32
    %dma_start3A_682 = arith.constant 0 : i32
    %dma_start3A_683 = tpu.memref_slice %arg5[%add3A_677, %dma_start3A_681, %dma_start3A_682] : memref<1024x128x128xf32, #tpu.memory_space<hbm>> -> memref<1x128x128xf32, #tpu.memory_space<hbm>>
    tpu.enqueue_dma source(%arg14 : memref<1x128x128xf32, #tpu.memory_space<vmem>>) target(%dma_start3A_683 : memref<1x128x128xf32, #tpu.memory_space<hbm>>) target_semaphore(%arg28 : memref<!tpu.dma_semaphore, #tpu.memory_space<semaphore_mem>>)
    %dma_wait3A_684 = arith.constant 0 : i32
    %dma_wait3A_685 = arith.constant 0 : i32
    %dma_wait3A_686 = tpu.memref_slice %arg5[%add3A_549, %dma_wait3A_684, %dma_wait3A_685] : memref<1024x128x128xf32, #tpu.memory_space<hbm>> -> memref<1x128x128xf32, #tpu.memory_space<hbm>>
    %dma_wait3A_687 = arith.constant 0 : i32
    %dma_wait3A_688 = arith.constant 0 : i32
    %dma_wait3A_689 = tpu.memref_slice %arg5[%add3A_549, %dma_wait3A_687, %dma_wait3A_688] : memref<1024x128x128xf32, #tpu.memory_space<hbm>> -> memref<1x128x128xf32, #tpu.memory_space<hbm>>
    tpu.wait_dma2 semaphore(%arg24 : memref<!tpu.dma_semaphore, #tpu.memory_space<semaphore_mem>>) src(%arg10 : memref<1x128x128xf32, #tpu.memory_space<vmem>>) dst(%dma_wait3A_689 : memref<1x128x128xf32, #tpu.memory_space<hbm>>)
    %dma_start3A_690 = arith.constant 0 : i32
    %dma_start3A_691 = arith.constant 11 : i32
    %dma_start3A_692 = tpu.memref_slice %arg7[%dma_start3A_690, %dma_start3A_691] : memref<2x16xi32, #tpu.memory_space<vmem>> -> memref<1x1xi32, #tpu.memory_space<vmem>>
    %dma_start3A_693 = tpu.memref_squeeze %dma_start3A_692 : memref<1x1xi32, #tpu.memory_space<vmem>> -> memref<1xi32, #tpu.memory_space<vmem>>
    %dma_start3A_694 = arith.constant 0 : i32
    %dma_start3A_695 = arith.constant 0 : i32
    %dma_start3A_696 = arith.constant 0 : i32
    %dma_start3A_697 = tpu.memref_slice %arg2[%dma_start3A_694, %dma_start3A_695, %dma_start3A_696] : memref<8192x128x128xf32, #tpu.memory_space<hbm>> -> memref<8192x128x128xf32, #tpu.memory_space<hbm>>
    tpu.enqueue_indirect_dma source(%dma_start3A_697 : memref<8192x128x128xf32, #tpu.memory_space<hbm>>) target(%arg10 : memref<1x128x128xf32, #tpu.memory_space<vmem>>) offsets(%dma_start3A_693 : memref<1xi32, #tpu.memory_space<vmem>>) semaphore(%arg17 : memref<!tpu.dma_semaphore, #tpu.memory_space<semaphore_mem>>)
    %dma_wait3A_698 = arith.constant 0 : i32
    %dma_wait3A_699 = arith.constant 10 : i32
    %dma_wait3A_700 = tpu.memref_slice %arg7[%dma_wait3A_698, %dma_wait3A_699] : memref<2x16xi32, #tpu.memory_space<vmem>> -> memref<1x1xi32, #tpu.memory_space<vmem>>
    %dma_wait3A_701 = tpu.memref_squeeze %dma_wait3A_700 : memref<1x1xi32, #tpu.memory_space<vmem>> -> memref<1xi32, #tpu.memory_space<vmem>>
    %dma_wait3A_702 = arith.constant 0 : i32
    %dma_wait3A_703 = arith.constant 0 : i32
    %dma_wait3A_704 = arith.constant 0 : i32
    %dma_wait3A_705 = tpu.memref_slice %arg2[%dma_wait3A_702, %dma_wait3A_703, %dma_wait3A_704] : memref<8192x128x128xf32, #tpu.memory_space<hbm>> -> memref<8192x128x128xf32, #tpu.memory_space<hbm>>
    tpu.wait_indirect_dma semaphore(%arg15 : memref<!tpu.dma_semaphore, #tpu.memory_space<semaphore_mem>>) src(%dma_wait3A_705 : memref<8192x128x128xf32, #tpu.memory_space<hbm>>) dst(%arg8 : memref<1x128x128xf32, #tpu.memory_space<vmem>>)
    %mul3A_706 = arith.constant 32 : i32
    %mul3A_707 = arith.muli %add3A, %mul3A_706 : i32
    %add3A_708 = arith.constant 10 : i32
    %add3A_709 = arith.addi %mul3A_707, %add3A_708 : i32
    %dma_start3A_710 = arith.constant 0 : i32
    %dma_start3A_711 = arith.constant 0 : i32
    %dma_start3A_712 = tpu.memref_slice %arg4[%add3A_709, %dma_start3A_710, %dma_start3A_711] : memref<1024x128x128xf32, #tpu.memory_space<hbm>> -> memref<1x128x128xf32, #tpu.memory_space<hbm>>
    %dma_start3A_713 = arith.constant 0 : i32
    %dma_start3A_714 = arith.constant 0 : i32
    %dma_start3A_715 = tpu.memref_slice %arg4[%add3A_709, %dma_start3A_713, %dma_start3A_714] : memref<1024x128x128xf32, #tpu.memory_space<hbm>> -> memref<1x128x128xf32, #tpu.memory_space<hbm>>
    tpu.enqueue_dma source(%arg8 : memref<1x128x128xf32, #tpu.memory_space<vmem>>) target(%dma_start3A_715 : memref<1x128x128xf32, #tpu.memory_space<hbm>>) target_semaphore(%arg22 : memref<!tpu.dma_semaphore, #tpu.memory_space<semaphore_mem>>)
    %dma_wait3A_716 = arith.constant 0 : i32
    %dma_wait3A_717 = arith.constant 0 : i32
    %dma_wait3A_718 = tpu.memref_slice %arg4[%add3A_581, %dma_wait3A_716, %dma_wait3A_717] : memref<1024x128x128xf32, #tpu.memory_space<hbm>> -> memref<1x128x128xf32, #tpu.memory_space<hbm>>
    %dma_wait3A_719 = arith.constant 0 : i32
    %dma_wait3A_720 = arith.constant 0 : i32
    %dma_wait3A_721 = tpu.memref_slice %arg4[%add3A_581, %dma_wait3A_719, %dma_wait3A_720] : memref<1024x128x128xf32, #tpu.memory_space<hbm>> -> memref<1x128x128xf32, #tpu.memory_space<hbm>>
    tpu.wait_dma2 semaphore(%arg25 : memref<!tpu.dma_semaphore, #tpu.memory_space<semaphore_mem>>) src(%arg11 : memref<1x128x128xf32, #tpu.memory_space<vmem>>) dst(%dma_wait3A_721 : memref<1x128x128xf32, #tpu.memory_space<hbm>>)
    %dma_start3A_722 = arith.constant 0 : i32
    %dma_start3A_723 = arith.constant 12 : i32
    %dma_start3A_724 = tpu.memref_slice %arg6[%dma_start3A_722, %dma_start3A_723] : memref<2x16xi32, #tpu.memory_space<vmem>> -> memref<1x1xi32, #tpu.memory_space<vmem>>
    %dma_start3A_725 = tpu.memref_squeeze %dma_start3A_724 : memref<1x1xi32, #tpu.memory_space<vmem>> -> memref<1xi32, #tpu.memory_space<vmem>>
    %dma_start3A_726 = arith.constant 0 : i32
    %dma_start3A_727 = arith.constant 0 : i32
    %dma_start3A_728 = arith.constant 0 : i32
    %dma_start3A_729 = tpu.memref_slice %arg2[%dma_start3A_726, %dma_start3A_727, %dma_start3A_728] : memref<8192x128x128xf32, #tpu.memory_space<hbm>> -> memref<8192x128x128xf32, #tpu.memory_space<hbm>>
    tpu.enqueue_indirect_dma source(%dma_start3A_729 : memref<8192x128x128xf32, #tpu.memory_space<hbm>>) target(%arg11 : memref<1x128x128xf32, #tpu.memory_space<vmem>>) offsets(%dma_start3A_725 : memref<1xi32, #tpu.memory_space<vmem>>) semaphore(%arg18 : memref<!tpu.dma_semaphore, #tpu.memory_space<semaphore_mem>>)
    %dma_wait3A_730 = arith.constant 0 : i32
    %dma_wait3A_731 = arith.constant 11 : i32
    %dma_wait3A_732 = tpu.memref_slice %arg6[%dma_wait3A_730, %dma_wait3A_731] : memref<2x16xi32, #tpu.memory_space<vmem>> -> memref<1x1xi32, #tpu.memory_space<vmem>>
    %dma_wait3A_733 = tpu.memref_squeeze %dma_wait3A_732 : memref<1x1xi32, #tpu.memory_space<vmem>> -> memref<1xi32, #tpu.memory_space<vmem>>
    %dma_wait3A_734 = arith.constant 0 : i32
    %dma_wait3A_735 = arith.constant 0 : i32
    %dma_wait3A_736 = arith.constant 0 : i32
    %dma_wait3A_737 = tpu.memref_slice %arg2[%dma_wait3A_734, %dma_wait3A_735, %dma_wait3A_736] : memref<8192x128x128xf32, #tpu.memory_space<hbm>> -> memref<8192x128x128xf32, #tpu.memory_space<hbm>>
    tpu.wait_indirect_dma semaphore(%arg16 : memref<!tpu.dma_semaphore, #tpu.memory_space<semaphore_mem>>) src(%dma_wait3A_737 : memref<8192x128x128xf32, #tpu.memory_space<hbm>>) dst(%arg9 : memref<1x128x128xf32, #tpu.memory_space<vmem>>)
    %mul3A_738 = arith.constant 32 : i32
    %mul3A_739 = arith.muli %add3A, %mul3A_738 : i32
    %add3A_740 = arith.constant 11 : i32
    %add3A_741 = arith.addi %mul3A_739, %add3A_740 : i32
    %dma_start3A_742 = arith.constant 0 : i32
    %dma_start3A_743 = arith.constant 0 : i32
    %dma_start3A_744 = tpu.memref_slice %arg5[%add3A_741, %dma_start3A_742, %dma_start3A_743] : memref<1024x128x128xf32, #tpu.memory_space<hbm>> -> memref<1x128x128xf32, #tpu.memory_space<hbm>>
    %dma_start3A_745 = arith.constant 0 : i32
    %dma_start3A_746 = arith.constant 0 : i32
    %dma_start3A_747 = tpu.memref_slice %arg5[%add3A_741, %dma_start3A_745, %dma_start3A_746] : memref<1024x128x128xf32, #tpu.memory_space<hbm>> -> memref<1x128x128xf32, #tpu.memory_space<hbm>>
    tpu.enqueue_dma source(%arg9 : memref<1x128x128xf32, #tpu.memory_space<vmem>>) target(%dma_start3A_747 : memref<1x128x128xf32, #tpu.memory_space<hbm>>) target_semaphore(%arg23 : memref<!tpu.dma_semaphore, #tpu.memory_space<semaphore_mem>>)
    %dma_wait3A_748 = arith.constant 0 : i32
    %dma_wait3A_749 = arith.constant 0 : i32
    %dma_wait3A_750 = tpu.memref_slice %arg5[%add3A_613, %dma_wait3A_748, %dma_wait3A_749] : memref<1024x128x128xf32, #tpu.memory_space<hbm>> -> memref<1x128x128xf32, #tpu.memory_space<hbm>>
    %dma_wait3A_751 = arith.constant 0 : i32
    %dma_wait3A_752 = arith.constant 0 : i32
    %dma_wait3A_753 = tpu.memref_slice %arg5[%add3A_613, %dma_wait3A_751, %dma_wait3A_752] : memref<1024x128x128xf32, #tpu.memory_space<hbm>> -> memref<1x128x128xf32, #tpu.memory_space<hbm>>
    tpu.wait_dma2 semaphore(%arg26 : memref<!tpu.dma_semaphore, #tpu.memory_space<semaphore_mem>>) src(%arg12 : memref<1x128x128xf32, #tpu.memory_space<vmem>>) dst(%dma_wait3A_753 : memref<1x128x128xf32, #tpu.memory_space<hbm>>)
    %dma_start3A_754 = arith.constant 0 : i32
    %dma_start3A_755 = arith.constant 12 : i32
    %dma_start3A_756 = tpu.memref_slice %arg7[%dma_start3A_754, %dma_start3A_755] : memref<2x16xi32, #tpu.memory_space<vmem>> -> memref<1x1xi32, #tpu.memory_space<vmem>>
    %dma_start3A_757 = tpu.memref_squeeze %dma_start3A_756 : memref<1x1xi32, #tpu.memory_space<vmem>> -> memref<1xi32, #tpu.memory_space<vmem>>
    %dma_start3A_758 = arith.constant 0 : i32
    %dma_start3A_759 = arith.constant 0 : i32
    %dma_start3A_760 = arith.constant 0 : i32
    %dma_start3A_761 = tpu.memref_slice %arg2[%dma_start3A_758, %dma_start3A_759, %dma_start3A_760] : memref<8192x128x128xf32, #tpu.memory_space<hbm>> -> memref<8192x128x128xf32, #tpu.memory_space<hbm>>
    tpu.enqueue_indirect_dma source(%dma_start3A_761 : memref<8192x128x128xf32, #tpu.memory_space<hbm>>) target(%arg12 : memref<1x128x128xf32, #tpu.memory_space<vmem>>) offsets(%dma_start3A_757 : memref<1xi32, #tpu.memory_space<vmem>>) semaphore(%arg19 : memref<!tpu.dma_semaphore, #tpu.memory_space<semaphore_mem>>)
    %dma_wait3A_762 = arith.constant 0 : i32
    %dma_wait3A_763 = arith.constant 11 : i32
    %dma_wait3A_764 = tpu.memref_slice %arg7[%dma_wait3A_762, %dma_wait3A_763] : memref<2x16xi32, #tpu.memory_space<vmem>> -> memref<1x1xi32, #tpu.memory_space<vmem>>
    %dma_wait3A_765 = tpu.memref_squeeze %dma_wait3A_764 : memref<1x1xi32, #tpu.memory_space<vmem>> -> memref<1xi32, #tpu.memory_space<vmem>>
    %dma_wait3A_766 = arith.constant 0 : i32
    %dma_wait3A_767 = arith.constant 0 : i32
    %dma_wait3A_768 = arith.constant 0 : i32
    %dma_wait3A_769 = tpu.memref_slice %arg2[%dma_wait3A_766, %dma_wait3A_767, %dma_wait3A_768] : memref<8192x128x128xf32, #tpu.memory_space<hbm>> -> memref<8192x128x128xf32, #tpu.memory_space<hbm>>
    tpu.wait_indirect_dma semaphore(%arg17 : memref<!tpu.dma_semaphore, #tpu.memory_space<semaphore_mem>>) src(%dma_wait3A_769 : memref<8192x128x128xf32, #tpu.memory_space<hbm>>) dst(%arg10 : memref<1x128x128xf32, #tpu.memory_space<vmem>>)
    %mul3A_770 = arith.constant 32 : i32
    %mul3A_771 = arith.muli %add3A, %mul3A_770 : i32
    %add3A_772 = arith.constant 11 : i32
    %add3A_773 = arith.addi %mul3A_771, %add3A_772 : i32
    %dma_start3A_774 = arith.constant 0 : i32
    %dma_start3A_775 = arith.constant 0 : i32
    %dma_start3A_776 = tpu.memref_slice %arg4[%add3A_773, %dma_start3A_774, %dma_start3A_775] : memref<1024x128x128xf32, #tpu.memory_space<hbm>> -> memref<1x128x128xf32, #tpu.memory_space<hbm>>
    %dma_start3A_777 = arith.constant 0 : i32
    %dma_start3A_778 = arith.constant 0 : i32
    %dma_start3A_779 = tpu.memref_slice %arg4[%add3A_773, %dma_start3A_777, %dma_start3A_778] : memref<1024x128x128xf32, #tpu.memory_space<hbm>> -> memref<1x128x128xf32, #tpu.memory_space<hbm>>
    tpu.enqueue_dma source(%arg10 : memref<1x128x128xf32, #tpu.memory_space<vmem>>) target(%dma_start3A_779 : memref<1x128x128xf32, #tpu.memory_space<hbm>>) target_semaphore(%arg24 : memref<!tpu.dma_semaphore, #tpu.memory_space<semaphore_mem>>)
    %dma_wait3A_780 = arith.constant 0 : i32
    %dma_wait3A_781 = arith.constant 0 : i32
    %dma_wait3A_782 = tpu.memref_slice %arg4[%add3A_645, %dma_wait3A_780, %dma_wait3A_781] : memref<1024x128x128xf32, #tpu.memory_space<hbm>> -> memref<1x128x128xf32, #tpu.memory_space<hbm>>
    %dma_wait3A_783 = arith.constant 0 : i32
    %dma_wait3A_784 = arith.constant 0 : i32
    %dma_wait3A_785 = tpu.memref_slice %arg4[%add3A_645, %dma_wait3A_783, %dma_wait3A_784] : memref<1024x128x128xf32, #tpu.memory_space<hbm>> -> memref<1x128x128xf32, #tpu.memory_space<hbm>>
    tpu.wait_dma2 semaphore(%arg27 : memref<!tpu.dma_semaphore, #tpu.memory_space<semaphore_mem>>) src(%arg13 : memref<1x128x128xf32, #tpu.memory_space<vmem>>) dst(%dma_wait3A_785 : memref<1x128x128xf32, #tpu.memory_space<hbm>>)
    %dma_start3A_786 = arith.constant 0 : i32
    %dma_start3A_787 = arith.constant 13 : i32
    %dma_start3A_788 = tpu.memref_slice %arg6[%dma_start3A_786, %dma_start3A_787] : memref<2x16xi32, #tpu.memory_space<vmem>> -> memref<1x1xi32, #tpu.memory_space<vmem>>
    %dma_start3A_789 = tpu.memref_squeeze %dma_start3A_788 : memref<1x1xi32, #tpu.memory_space<vmem>> -> memref<1xi32, #tpu.memory_space<vmem>>
    %dma_start3A_790 = arith.constant 0 : i32
    %dma_start3A_791 = arith.constant 0 : i32
    %dma_start3A_792 = arith.constant 0 : i32
    %dma_start3A_793 = tpu.memref_slice %arg2[%dma_start3A_790, %dma_start3A_791, %dma_start3A_792] : memref<8192x128x128xf32, #tpu.memory_space<hbm>> -> memref<8192x128x128xf32, #tpu.memory_space<hbm>>
    tpu.enqueue_indirect_dma source(%dma_start3A_793 : memref<8192x128x128xf32, #tpu.memory_space<hbm>>) target(%arg13 : memref<1x128x128xf32, #tpu.memory_space<vmem>>) offsets(%dma_start3A_789 : memref<1xi32, #tpu.memory_space<vmem>>) semaphore(%arg20 : memref<!tpu.dma_semaphore, #tpu.memory_space<semaphore_mem>>)
    %dma_wait3A_794 = arith.constant 0 : i32
    %dma_wait3A_795 = arith.constant 12 : i32
    %dma_wait3A_796 = tpu.memref_slice %arg6[%dma_wait3A_794, %dma_wait3A_795] : memref<2x16xi32, #tpu.memory_space<vmem>> -> memref<1x1xi32, #tpu.memory_space<vmem>>
    %dma_wait3A_797 = tpu.memref_squeeze %dma_wait3A_796 : memref<1x1xi32, #tpu.memory_space<vmem>> -> memref<1xi32, #tpu.memory_space<vmem>>
    %dma_wait3A_798 = arith.constant 0 : i32
    %dma_wait3A_799 = arith.constant 0 : i32
    %dma_wait3A_800 = arith.constant 0 : i32
    %dma_wait3A_801 = tpu.memref_slice %arg2[%dma_wait3A_798, %dma_wait3A_799, %dma_wait3A_800] : memref<8192x128x128xf32, #tpu.memory_space<hbm>> -> memref<8192x128x128xf32, #tpu.memory_space<hbm>>
    tpu.wait_indirect_dma semaphore(%arg18 : memref<!tpu.dma_semaphore, #tpu.memory_space<semaphore_mem>>) src(%dma_wait3A_801 : memref<8192x128x128xf32, #tpu.memory_space<hbm>>) dst(%arg11 : memref<1x128x128xf32, #tpu.memory_space<vmem>>)
    %mul3A_802 = arith.constant 32 : i32
    %mul3A_803 = arith.muli %add3A, %mul3A_802 : i32
    %add3A_804 = arith.constant 12 : i32
    %add3A_805 = arith.addi %mul3A_803, %add3A_804 : i32
    %dma_start3A_806 = arith.constant 0 : i32
    %dma_start3A_807 = arith.constant 0 : i32
    %dma_start3A_808 = tpu.memref_slice %arg5[%add3A_805, %dma_start3A_806, %dma_start3A_807] : memref<1024x128x128xf32, #tpu.memory_space<hbm>> -> memref<1x128x128xf32, #tpu.memory_space<hbm>>
    %dma_start3A_809 = arith.constant 0 : i32
    %dma_start3A_810 = arith.constant 0 : i32
    %dma_start3A_811 = tpu.memref_slice %arg5[%add3A_805, %dma_start3A_809, %dma_start3A_810] : memref<1024x128x128xf32, #tpu.memory_space<hbm>> -> memref<1x128x128xf32, #tpu.memory_space<hbm>>
    tpu.enqueue_dma source(%arg11 : memref<1x128x128xf32, #tpu.memory_space<vmem>>) target(%dma_start3A_811 : memref<1x128x128xf32, #tpu.memory_space<hbm>>) target_semaphore(%arg25 : memref<!tpu.dma_semaphore, #tpu.memory_space<semaphore_mem>>)
    %dma_wait3A_812 = arith.constant 0 : i32
    %dma_wait3A_813 = arith.constant 0 : i32
    %dma_wait3A_814 = tpu.memref_slice %arg5[%add3A_677, %dma_wait3A_812, %dma_wait3A_813] : memref<1024x128x128xf32, #tpu.memory_space<hbm>> -> memref<1x128x128xf32, #tpu.memory_space<hbm>>
    %dma_wait3A_815 = arith.constant 0 : i32
    %dma_wait3A_816 = arith.constant 0 : i32
    %dma_wait3A_817 = tpu.memref_slice %arg5[%add3A_677, %dma_wait3A_815, %dma_wait3A_816] : memref<1024x128x128xf32, #tpu.memory_space<hbm>> -> memref<1x128x128xf32, #tpu.memory_space<hbm>>
    tpu.wait_dma2 semaphore(%arg28 : memref<!tpu.dma_semaphore, #tpu.memory_space<semaphore_mem>>) src(%arg14 : memref<1x128x128xf32, #tpu.memory_space<vmem>>) dst(%dma_wait3A_817 : memref<1x128x128xf32, #tpu.memory_space<hbm>>)
    %dma_start3A_818 = arith.constant 0 : i32
    %dma_start3A_819 = arith.constant 13 : i32
    %dma_start3A_820 = tpu.memref_slice %arg7[%dma_start3A_818, %dma_start3A_819] : memref<2x16xi32, #tpu.memory_space<vmem>> -> memref<1x1xi32, #tpu.memory_space<vmem>>
    %dma_start3A_821 = tpu.memref_squeeze %dma_start3A_820 : memref<1x1xi32, #tpu.memory_space<vmem>> -> memref<1xi32, #tpu.memory_space<vmem>>
    %dma_start3A_822 = arith.constant 0 : i32
    %dma_start3A_823 = arith.constant 0 : i32
    %dma_start3A_824 = arith.constant 0 : i32
    %dma_start3A_825 = tpu.memref_slice %arg2[%dma_start3A_822, %dma_start3A_823, %dma_start3A_824] : memref<8192x128x128xf32, #tpu.memory_space<hbm>> -> memref<8192x128x128xf32, #tpu.memory_space<hbm>>
    tpu.enqueue_indirect_dma source(%dma_start3A_825 : memref<8192x128x128xf32, #tpu.memory_space<hbm>>) target(%arg14 : memref<1x128x128xf32, #tpu.memory_space<vmem>>) offsets(%dma_start3A_821 : memref<1xi32, #tpu.memory_space<vmem>>) semaphore(%arg21 : memref<!tpu.dma_semaphore, #tpu.memory_space<semaphore_mem>>)
    %dma_wait3A_826 = arith.constant 0 : i32
    %dma_wait3A_827 = arith.constant 12 : i32
    %dma_wait3A_828 = tpu.memref_slice %arg7[%dma_wait3A_826, %dma_wait3A_827] : memref<2x16xi32, #tpu.memory_space<vmem>> -> memref<1x1xi32, #tpu.memory_space<vmem>>
    %dma_wait3A_829 = tpu.memref_squeeze %dma_wait3A_828 : memref<1x1xi32, #tpu.memory_space<vmem>> -> memref<1xi32, #tpu.memory_space<vmem>>
    %dma_wait3A_830 = arith.constant 0 : i32
    %dma_wait3A_831 = arith.constant 0 : i32
    %dma_wait3A_832 = arith.constant 0 : i32
    %dma_wait3A_833 = tpu.memref_slice %arg2[%dma_wait3A_830, %dma_wait3A_831, %dma_wait3A_832] : memref<8192x128x128xf32, #tpu.memory_space<hbm>> -> memref<8192x128x128xf32, #tpu.memory_space<hbm>>
    tpu.wait_indirect_dma semaphore(%arg19 : memref<!tpu.dma_semaphore, #tpu.memory_space<semaphore_mem>>) src(%dma_wait3A_833 : memref<8192x128x128xf32, #tpu.memory_space<hbm>>) dst(%arg12 : memref<1x128x128xf32, #tpu.memory_space<vmem>>)
    %mul3A_834 = arith.constant 32 : i32
    %mul3A_835 = arith.muli %add3A, %mul3A_834 : i32
    %add3A_836 = arith.constant 12 : i32
    %add3A_837 = arith.addi %mul3A_835, %add3A_836 : i32
    %dma_start3A_838 = arith.constant 0 : i32
    %dma_start3A_839 = arith.constant 0 : i32
    %dma_start3A_840 = tpu.memref_slice %arg4[%add3A_837, %dma_start3A_838, %dma_start3A_839] : memref<1024x128x128xf32, #tpu.memory_space<hbm>> -> memref<1x128x128xf32, #tpu.memory_space<hbm>>
    %dma_start3A_841 = arith.constant 0 : i32
    %dma_start3A_842 = arith.constant 0 : i32
    %dma_start3A_843 = tpu.memref_slice %arg4[%add3A_837, %dma_start3A_841, %dma_start3A_842] : memref<1024x128x128xf32, #tpu.memory_space<hbm>> -> memref<1x128x128xf32, #tpu.memory_space<hbm>>
    tpu.enqueue_dma source(%arg12 : memref<1x128x128xf32, #tpu.memory_space<vmem>>) target(%dma_start3A_843 : memref<1x128x128xf32, #tpu.memory_space<hbm>>) target_semaphore(%arg26 : memref<!tpu.dma_semaphore, #tpu.memory_space<semaphore_mem>>)
    %dma_wait3A_844 = arith.constant 0 : i32
    %dma_wait3A_845 = arith.constant 0 : i32
    %dma_wait3A_846 = tpu.memref_slice %arg4[%add3A_709, %dma_wait3A_844, %dma_wait3A_845] : memref<1024x128x128xf32, #tpu.memory_space<hbm>> -> memref<1x128x128xf32, #tpu.memory_space<hbm>>
    %dma_wait3A_847 = arith.constant 0 : i32
    %dma_wait3A_848 = arith.constant 0 : i32
    %dma_wait3A_849 = tpu.memref_slice %arg4[%add3A_709, %dma_wait3A_847, %dma_wait3A_848] : memref<1024x128x128xf32, #tpu.memory_space<hbm>> -> memref<1x128x128xf32, #tpu.memory_space<hbm>>
    tpu.wait_dma2 semaphore(%arg22 : memref<!tpu.dma_semaphore, #tpu.memory_space<semaphore_mem>>) src(%arg8 : memref<1x128x128xf32, #tpu.memory_space<vmem>>) dst(%dma_wait3A_849 : memref<1x128x128xf32, #tpu.memory_space<hbm>>)
    %dma_start3A_850 = arith.constant 0 : i32
    %dma_start3A_851 = arith.constant 14 : i32
    %dma_start3A_852 = tpu.memref_slice %arg6[%dma_start3A_850, %dma_start3A_851] : memref<2x16xi32, #tpu.memory_space<vmem>> -> memref<1x1xi32, #tpu.memory_space<vmem>>
    %dma_start3A_853 = tpu.memref_squeeze %dma_start3A_852 : memref<1x1xi32, #tpu.memory_space<vmem>> -> memref<1xi32, #tpu.memory_space<vmem>>
    %dma_start3A_854 = arith.constant 0 : i32
    %dma_start3A_855 = arith.constant 0 : i32
    %dma_start3A_856 = arith.constant 0 : i32
    %dma_start3A_857 = tpu.memref_slice %arg2[%dma_start3A_854, %dma_start3A_855, %dma_start3A_856] : memref<8192x128x128xf32, #tpu.memory_space<hbm>> -> memref<8192x128x128xf32, #tpu.memory_space<hbm>>
    tpu.enqueue_indirect_dma source(%dma_start3A_857 : memref<8192x128x128xf32, #tpu.memory_space<hbm>>) target(%arg8 : memref<1x128x128xf32, #tpu.memory_space<vmem>>) offsets(%dma_start3A_853 : memref<1xi32, #tpu.memory_space<vmem>>) semaphore(%arg15 : memref<!tpu.dma_semaphore, #tpu.memory_space<semaphore_mem>>)
    %dma_wait3A_858 = arith.constant 0 : i32
    %dma_wait3A_859 = arith.constant 13 : i32
    %dma_wait3A_860 = tpu.memref_slice %arg6[%dma_wait3A_858, %dma_wait3A_859] : memref<2x16xi32, #tpu.memory_space<vmem>> -> memref<1x1xi32, #tpu.memory_space<vmem>>
    %dma_wait3A_861 = tpu.memref_squeeze %dma_wait3A_860 : memref<1x1xi32, #tpu.memory_space<vmem>> -> memref<1xi32, #tpu.memory_space<vmem>>
    %dma_wait3A_862 = arith.constant 0 : i32
    %dma_wait3A_863 = arith.constant 0 : i32
    %dma_wait3A_864 = arith.constant 0 : i32
    %dma_wait3A_865 = tpu.memref_slice %arg2[%dma_wait3A_862, %dma_wait3A_863, %dma_wait3A_864] : memref<8192x128x128xf32, #tpu.memory_space<hbm>> -> memref<8192x128x128xf32, #tpu.memory_space<hbm>>
    tpu.wait_indirect_dma semaphore(%arg20 : memref<!tpu.dma_semaphore, #tpu.memory_space<semaphore_mem>>) src(%dma_wait3A_865 : memref<8192x128x128xf32, #tpu.memory_space<hbm>>) dst(%arg13 : memref<1x128x128xf32, #tpu.memory_space<vmem>>)
    %mul3A_866 = arith.constant 32 : i32
    %mul3A_867 = arith.muli %add3A, %mul3A_866 : i32
    %add3A_868 = arith.constant 13 : i32
    %add3A_869 = arith.addi %mul3A_867, %add3A_868 : i32
    %dma_start3A_870 = arith.constant 0 : i32
    %dma_start3A_871 = arith.constant 0 : i32
    %dma_start3A_872 = tpu.memref_slice %arg5[%add3A_869, %dma_start3A_870, %dma_start3A_871] : memref<1024x128x128xf32, #tpu.memory_space<hbm>> -> memref<1x128x128xf32, #tpu.memory_space<hbm>>
    %dma_start3A_873 = arith.constant 0 : i32
    %dma_start3A_874 = arith.constant 0 : i32
    %dma_start3A_875 = tpu.memref_slice %arg5[%add3A_869, %dma_start3A_873, %dma_start3A_874] : memref<1024x128x128xf32, #tpu.memory_space<hbm>> -> memref<1x128x128xf32, #tpu.memory_space<hbm>>
    tpu.enqueue_dma source(%arg13 : memref<1x128x128xf32, #tpu.memory_space<vmem>>) target(%dma_start3A_875 : memref<1x128x128xf32, #tpu.memory_space<hbm>>) target_semaphore(%arg27 : memref<!tpu.dma_semaphore, #tpu.memory_space<semaphore_mem>>)
    %dma_wait3A_876 = arith.constant 0 : i32
    %dma_wait3A_877 = arith.constant 0 : i32
    %dma_wait3A_878 = tpu.memref_slice %arg5[%add3A_741, %dma_wait3A_876, %dma_wait3A_877] : memref<1024x128x128xf32, #tpu.memory_space<hbm>> -> memref<1x128x128xf32, #tpu.memory_space<hbm>>
    %dma_wait3A_879 = arith.constant 0 : i32
    %dma_wait3A_880 = arith.constant 0 : i32
    %dma_wait3A_881 = tpu.memref_slice %arg5[%add3A_741, %dma_wait3A_879, %dma_wait3A_880] : memref<1024x128x128xf32, #tpu.memory_space<hbm>> -> memref<1x128x128xf32, #tpu.memory_space<hbm>>
    tpu.wait_dma2 semaphore(%arg23 : memref<!tpu.dma_semaphore, #tpu.memory_space<semaphore_mem>>) src(%arg9 : memref<1x128x128xf32, #tpu.memory_space<vmem>>) dst(%dma_wait3A_881 : memref<1x128x128xf32, #tpu.memory_space<hbm>>)
    %dma_start3A_882 = arith.constant 0 : i32
    %dma_start3A_883 = arith.constant 14 : i32
    %dma_start3A_884 = tpu.memref_slice %arg7[%dma_start3A_882, %dma_start3A_883] : memref<2x16xi32, #tpu.memory_space<vmem>> -> memref<1x1xi32, #tpu.memory_space<vmem>>
    %dma_start3A_885 = tpu.memref_squeeze %dma_start3A_884 : memref<1x1xi32, #tpu.memory_space<vmem>> -> memref<1xi32, #tpu.memory_space<vmem>>
    %dma_start3A_886 = arith.constant 0 : i32
    %dma_start3A_887 = arith.constant 0 : i32
    %dma_start3A_888 = arith.constant 0 : i32
    %dma_start3A_889 = tpu.memref_slice %arg2[%dma_start3A_886, %dma_start3A_887, %dma_start3A_888] : memref<8192x128x128xf32, #tpu.memory_space<hbm>> -> memref<8192x128x128xf32, #tpu.memory_space<hbm>>
    tpu.enqueue_indirect_dma source(%dma_start3A_889 : memref<8192x128x128xf32, #tpu.memory_space<hbm>>) target(%arg9 : memref<1x128x128xf32, #tpu.memory_space<vmem>>) offsets(%dma_start3A_885 : memref<1xi32, #tpu.memory_space<vmem>>) semaphore(%arg16 : memref<!tpu.dma_semaphore, #tpu.memory_space<semaphore_mem>>)
    %dma_wait3A_890 = arith.constant 0 : i32
    %dma_wait3A_891 = arith.constant 13 : i32
    %dma_wait3A_892 = tpu.memref_slice %arg7[%dma_wait3A_890, %dma_wait3A_891] : memref<2x16xi32, #tpu.memory_space<vmem>> -> memref<1x1xi32, #tpu.memory_space<vmem>>
    %dma_wait3A_893 = tpu.memref_squeeze %dma_wait3A_892 : memref<1x1xi32, #tpu.memory_space<vmem>> -> memref<1xi32, #tpu.memory_space<vmem>>
    %dma_wait3A_894 = arith.constant 0 : i32
    %dma_wait3A_895 = arith.constant 0 : i32
    %dma_wait3A_896 = arith.constant 0 : i32
    %dma_wait3A_897 = tpu.memref_slice %arg2[%dma_wait3A_894, %dma_wait3A_895, %dma_wait3A_896] : memref<8192x128x128xf32, #tpu.memory_space<hbm>> -> memref<8192x128x128xf32, #tpu.memory_space<hbm>>
    tpu.wait_indirect_dma semaphore(%arg21 : memref<!tpu.dma_semaphore, #tpu.memory_space<semaphore_mem>>) src(%dma_wait3A_897 : memref<8192x128x128xf32, #tpu.memory_space<hbm>>) dst(%arg14 : memref<1x128x128xf32, #tpu.memory_space<vmem>>)
    %mul3A_898 = arith.constant 32 : i32
    %mul3A_899 = arith.muli %add3A, %mul3A_898 : i32
    %add3A_900 = arith.constant 13 : i32
    %add3A_901 = arith.addi %mul3A_899, %add3A_900 : i32
    %dma_start3A_902 = arith.constant 0 : i32
    %dma_start3A_903 = arith.constant 0 : i32
    %dma_start3A_904 = tpu.memref_slice %arg4[%add3A_901, %dma_start3A_902, %dma_start3A_903] : memref<1024x128x128xf32, #tpu.memory_space<hbm>> -> memref<1x128x128xf32, #tpu.memory_space<hbm>>
    %dma_start3A_905 = arith.constant 0 : i32
    %dma_start3A_906 = arith.constant 0 : i32
    %dma_start3A_907 = tpu.memref_slice %arg4[%add3A_901, %dma_start3A_905, %dma_start3A_906] : memref<1024x128x128xf32, #tpu.memory_space<hbm>> -> memref<1x128x128xf32, #tpu.memory_space<hbm>>
    tpu.enqueue_dma source(%arg14 : memref<1x128x128xf32, #tpu.memory_space<vmem>>) target(%dma_start3A_907 : memref<1x128x128xf32, #tpu.memory_space<hbm>>) target_semaphore(%arg28 : memref<!tpu.dma_semaphore, #tpu.memory_space<semaphore_mem>>)
    %dma_wait3A_908 = arith.constant 0 : i32
    %dma_wait3A_909 = arith.constant 0 : i32
    %dma_wait3A_910 = tpu.memref_slice %arg4[%add3A_773, %dma_wait3A_908, %dma_wait3A_909] : memref<1024x128x128xf32, #tpu.memory_space<hbm>> -> memref<1x128x128xf32, #tpu.memory_space<hbm>>
    %dma_wait3A_911 = arith.constant 0 : i32
    %dma_wait3A_912 = arith.constant 0 : i32
    %dma_wait3A_913 = tpu.memref_slice %arg4[%add3A_773, %dma_wait3A_911, %dma_wait3A_912] : memref<1024x128x128xf32, #tpu.memory_space<hbm>> -> memref<1x128x128xf32, #tpu.memory_space<hbm>>
    tpu.wait_dma2 semaphore(%arg24 : memref<!tpu.dma_semaphore, #tpu.memory_space<semaphore_mem>>) src(%arg10 : memref<1x128x128xf32, #tpu.memory_space<vmem>>) dst(%dma_wait3A_913 : memref<1x128x128xf32, #tpu.memory_space<hbm>>)
    %dma_start3A_914 = arith.constant 0 : i32
    %dma_start3A_915 = arith.constant 15 : i32
    %dma_start3A_916 = tpu.memref_slice %arg6[%dma_start3A_914, %dma_start3A_915] : memref<2x16xi32, #tpu.memory_space<vmem>> -> memref<1x1xi32, #tpu.memory_space<vmem>>
    %dma_start3A_917 = tpu.memref_squeeze %dma_start3A_916 : memref<1x1xi32, #tpu.memory_space<vmem>> -> memref<1xi32, #tpu.memory_space<vmem>>
    %dma_start3A_918 = arith.constant 0 : i32
    %dma_start3A_919 = arith.constant 0 : i32
    %dma_start3A_920 = arith.constant 0 : i32
    %dma_start3A_921 = tpu.memref_slice %arg2[%dma_start3A_918, %dma_start3A_919, %dma_start3A_920] : memref<8192x128x128xf32, #tpu.memory_space<hbm>> -> memref<8192x128x128xf32, #tpu.memory_space<hbm>>
    tpu.enqueue_indirect_dma source(%dma_start3A_921 : memref<8192x128x128xf32, #tpu.memory_space<hbm>>) target(%arg10 : memref<1x128x128xf32, #tpu.memory_space<vmem>>) offsets(%dma_start3A_917 : memref<1xi32, #tpu.memory_space<vmem>>) semaphore(%arg17 : memref<!tpu.dma_semaphore, #tpu.memory_space<semaphore_mem>>)
    %dma_wait3A_922 = arith.constant 0 : i32
    %dma_wait3A_923 = arith.constant 14 : i32
    %dma_wait3A_924 = tpu.memref_slice %arg6[%dma_wait3A_922, %dma_wait3A_923] : memref<2x16xi32, #tpu.memory_space<vmem>> -> memref<1x1xi32, #tpu.memory_space<vmem>>
    %dma_wait3A_925 = tpu.memref_squeeze %dma_wait3A_924 : memref<1x1xi32, #tpu.memory_space<vmem>> -> memref<1xi32, #tpu.memory_space<vmem>>
    %dma_wait3A_926 = arith.constant 0 : i32
    %dma_wait3A_927 = arith.constant 0 : i32
    %dma_wait3A_928 = arith.constant 0 : i32
    %dma_wait3A_929 = tpu.memref_slice %arg2[%dma_wait3A_926, %dma_wait3A_927, %dma_wait3A_928] : memref<8192x128x128xf32, #tpu.memory_space<hbm>> -> memref<8192x128x128xf32, #tpu.memory_space<hbm>>
    tpu.wait_indirect_dma semaphore(%arg15 : memref<!tpu.dma_semaphore, #tpu.memory_space<semaphore_mem>>) src(%dma_wait3A_929 : memref<8192x128x128xf32, #tpu.memory_space<hbm>>) dst(%arg8 : memref<1x128x128xf32, #tpu.memory_space<vmem>>)
    %mul3A_930 = arith.constant 32 : i32
    %mul3A_931 = arith.muli %add3A, %mul3A_930 : i32
    %add3A_932 = arith.constant 14 : i32
    %add3A_933 = arith.addi %mul3A_931, %add3A_932 : i32
    %dma_start3A_934 = arith.constant 0 : i32
    %dma_start3A_935 = arith.constant 0 : i32
    %dma_start3A_936 = tpu.memref_slice %arg5[%add3A_933, %dma_start3A_934, %dma_start3A_935] : memref<1024x128x128xf32, #tpu.memory_space<hbm>> -> memref<1x128x128xf32, #tpu.memory_space<hbm>>
    %dma_start3A_937 = arith.constant 0 : i32
    %dma_start3A_938 = arith.constant 0 : i32
    %dma_start3A_939 = tpu.memref_slice %arg5[%add3A_933, %dma_start3A_937, %dma_start3A_938] : memref<1024x128x128xf32, #tpu.memory_space<hbm>> -> memref<1x128x128xf32, #tpu.memory_space<hbm>>
    tpu.enqueue_dma source(%arg8 : memref<1x128x128xf32, #tpu.memory_space<vmem>>) target(%dma_start3A_939 : memref<1x128x128xf32, #tpu.memory_space<hbm>>) target_semaphore(%arg22 : memref<!tpu.dma_semaphore, #tpu.memory_space<semaphore_mem>>)
    %dma_wait3A_940 = arith.constant 0 : i32
    %dma_wait3A_941 = arith.constant 0 : i32
    %dma_wait3A_942 = tpu.memref_slice %arg5[%add3A_805, %dma_wait3A_940, %dma_wait3A_941] : memref<1024x128x128xf32, #tpu.memory_space<hbm>> -> memref<1x128x128xf32, #tpu.memory_space<hbm>>
    %dma_wait3A_943 = arith.constant 0 : i32
    %dma_wait3A_944 = arith.constant 0 : i32
    %dma_wait3A_945 = tpu.memref_slice %arg5[%add3A_805, %dma_wait3A_943, %dma_wait3A_944] : memref<1024x128x128xf32, #tpu.memory_space<hbm>> -> memref<1x128x128xf32, #tpu.memory_space<hbm>>
    tpu.wait_dma2 semaphore(%arg25 : memref<!tpu.dma_semaphore, #tpu.memory_space<semaphore_mem>>) src(%arg11 : memref<1x128x128xf32, #tpu.memory_space<vmem>>) dst(%dma_wait3A_945 : memref<1x128x128xf32, #tpu.memory_space<hbm>>)
    %dma_start3A_946 = arith.constant 0 : i32
    %dma_start3A_947 = arith.constant 15 : i32
    %dma_start3A_948 = tpu.memref_slice %arg7[%dma_start3A_946, %dma_start3A_947] : memref<2x16xi32, #tpu.memory_space<vmem>> -> memref<1x1xi32, #tpu.memory_space<vmem>>
    %dma_start3A_949 = tpu.memref_squeeze %dma_start3A_948 : memref<1x1xi32, #tpu.memory_space<vmem>> -> memref<1xi32, #tpu.memory_space<vmem>>
    %dma_start3A_950 = arith.constant 0 : i32
    %dma_start3A_951 = arith.constant 0 : i32
    %dma_start3A_952 = arith.constant 0 : i32
    %dma_start3A_953 = tpu.memref_slice %arg2[%dma_start3A_950, %dma_start3A_951, %dma_start3A_952] : memref<8192x128x128xf32, #tpu.memory_space<hbm>> -> memref<8192x128x128xf32, #tpu.memory_space<hbm>>
    tpu.enqueue_indirect_dma source(%dma_start3A_953 : memref<8192x128x128xf32, #tpu.memory_space<hbm>>) target(%arg11 : memref<1x128x128xf32, #tpu.memory_space<vmem>>) offsets(%dma_start3A_949 : memref<1xi32, #tpu.memory_space<vmem>>) semaphore(%arg18 : memref<!tpu.dma_semaphore, #tpu.memory_space<semaphore_mem>>)
    %dma_wait3A_954 = arith.constant 0 : i32
    %dma_wait3A_955 = arith.constant 14 : i32
    %dma_wait3A_956 = tpu.memref_slice %arg7[%dma_wait3A_954, %dma_wait3A_955] : memref<2x16xi32, #tpu.memory_space<vmem>> -> memref<1x1xi32, #tpu.memory_space<vmem>>
    %dma_wait3A_957 = tpu.memref_squeeze %dma_wait3A_956 : memref<1x1xi32, #tpu.memory_space<vmem>> -> memref<1xi32, #tpu.memory_space<vmem>>
    %dma_wait3A_958 = arith.constant 0 : i32
    %dma_wait3A_959 = arith.constant 0 : i32
    %dma_wait3A_960 = arith.constant 0 : i32
    %dma_wait3A_961 = tpu.memref_slice %arg2[%dma_wait3A_958, %dma_wait3A_959, %dma_wait3A_960] : memref<8192x128x128xf32, #tpu.memory_space<hbm>> -> memref<8192x128x128xf32, #tpu.memory_space<hbm>>
    tpu.wait_indirect_dma semaphore(%arg16 : memref<!tpu.dma_semaphore, #tpu.memory_space<semaphore_mem>>) src(%dma_wait3A_961 : memref<8192x128x128xf32, #tpu.memory_space<hbm>>) dst(%arg9 : memref<1x128x128xf32, #tpu.memory_space<vmem>>)
    %mul3A_962 = arith.constant 32 : i32
    %mul3A_963 = arith.muli %add3A, %mul3A_962 : i32
    %add3A_964 = arith.constant 14 : i32
    %add3A_965 = arith.addi %mul3A_963, %add3A_964 : i32
    %dma_start3A_966 = arith.constant 0 : i32
    %dma_start3A_967 = arith.constant 0 : i32
    %dma_start3A_968 = tpu.memref_slice %arg4[%add3A_965, %dma_start3A_966, %dma_start3A_967] : memref<1024x128x128xf32, #tpu.memory_space<hbm>> -> memref<1x128x128xf32, #tpu.memory_space<hbm>>
    %dma_start3A_969 = arith.constant 0 : i32
    %dma_start3A_970 = arith.constant 0 : i32
    %dma_start3A_971 = tpu.memref_slice %arg4[%add3A_965, %dma_start3A_969, %dma_start3A_970] : memref<1024x128x128xf32, #tpu.memory_space<hbm>> -> memref<1x128x128xf32, #tpu.memory_space<hbm>>
    tpu.enqueue_dma source(%arg9 : memref<1x128x128xf32, #tpu.memory_space<vmem>>) target(%dma_start3A_971 : memref<1x128x128xf32, #tpu.memory_space<hbm>>) target_semaphore(%arg23 : memref<!tpu.dma_semaphore, #tpu.memory_space<semaphore_mem>>)
    %dma_wait3A_972 = arith.constant 0 : i32
    %dma_wait3A_973 = arith.constant 0 : i32
    %dma_wait3A_974 = tpu.memref_slice %arg4[%add3A_837, %dma_wait3A_972, %dma_wait3A_973] : memref<1024x128x128xf32, #tpu.memory_space<hbm>> -> memref<1x128x128xf32, #tpu.memory_space<hbm>>
    %dma_wait3A_975 = arith.constant 0 : i32
    %dma_wait3A_976 = arith.constant 0 : i32
    %dma_wait3A_977 = tpu.memref_slice %arg4[%add3A_837, %dma_wait3A_975, %dma_wait3A_976] : memref<1024x128x128xf32, #tpu.memory_space<hbm>> -> memref<1x128x128xf32, #tpu.memory_space<hbm>>
    tpu.wait_dma2 semaphore(%arg26 : memref<!tpu.dma_semaphore, #tpu.memory_space<semaphore_mem>>) src(%arg12 : memref<1x128x128xf32, #tpu.memory_space<vmem>>) dst(%dma_wait3A_977 : memref<1x128x128xf32, #tpu.memory_space<hbm>>)
    %dma_start3A_978 = arith.constant 1 : i32
    %dma_start3A_979 = arith.constant 0 : i32
    %dma_start3A_980 = tpu.memref_slice %arg6[%dma_start3A_978, %dma_start3A_979] : memref<2x16xi32, #tpu.memory_space<vmem>> -> memref<1x1xi32, #tpu.memory_space<vmem>>
    %dma_start3A_981 = tpu.memref_squeeze %dma_start3A_980 : memref<1x1xi32, #tpu.memory_space<vmem>> -> memref<1xi32, #tpu.memory_space<vmem>>
    %dma_start3A_982 = arith.constant 0 : i32
    %dma_start3A_983 = arith.constant 0 : i32
    %dma_start3A_984 = arith.constant 0 : i32
    %dma_start3A_985 = tpu.memref_slice %arg2[%dma_start3A_982, %dma_start3A_983, %dma_start3A_984] : memref<8192x128x128xf32, #tpu.memory_space<hbm>> -> memref<8192x128x128xf32, #tpu.memory_space<hbm>>
    tpu.enqueue_indirect_dma source(%dma_start3A_985 : memref<8192x128x128xf32, #tpu.memory_space<hbm>>) target(%arg12 : memref<1x128x128xf32, #tpu.memory_space<vmem>>) offsets(%dma_start3A_981 : memref<1xi32, #tpu.memory_space<vmem>>) semaphore(%arg19 : memref<!tpu.dma_semaphore, #tpu.memory_space<semaphore_mem>>)
    %dma_wait3A_986 = arith.constant 0 : i32
    %dma_wait3A_987 = arith.constant 15 : i32
    %dma_wait3A_988 = tpu.memref_slice %arg6[%dma_wait3A_986, %dma_wait3A_987] : memref<2x16xi32, #tpu.memory_space<vmem>> -> memref<1x1xi32, #tpu.memory_space<vmem>>
    %dma_wait3A_989 = tpu.memref_squeeze %dma_wait3A_988 : memref<1x1xi32, #tpu.memory_space<vmem>> -> memref<1xi32, #tpu.memory_space<vmem>>
    %dma_wait3A_990 = arith.constant 0 : i32
    %dma_wait3A_991 = arith.constant 0 : i32
    %dma_wait3A_992 = arith.constant 0 : i32
    %dma_wait3A_993 = tpu.memref_slice %arg2[%dma_wait3A_990, %dma_wait3A_991, %dma_wait3A_992] : memref<8192x128x128xf32, #tpu.memory_space<hbm>> -> memref<8192x128x128xf32, #tpu.memory_space<hbm>>
    tpu.wait_indirect_dma semaphore(%arg17 : memref<!tpu.dma_semaphore, #tpu.memory_space<semaphore_mem>>) src(%dma_wait3A_993 : memref<8192x128x128xf32, #tpu.memory_space<hbm>>) dst(%arg10 : memref<1x128x128xf32, #tpu.memory_space<vmem>>)
    %mul3A_994 = arith.constant 32 : i32
    %mul3A_995 = arith.muli %add3A, %mul3A_994 : i32
    %add3A_996 = arith.constant 15 : i32
    %add3A_997 = arith.addi %mul3A_995, %add3A_996 : i32
    %dma_start3A_998 = arith.constant 0 : i32
    %dma_start3A_999 = arith.constant 0 : i32
    %dma_start3A_1000 = tpu.memref_slice %arg5[%add3A_997, %dma_start3A_998, %dma_start3A_999] : memref<1024x128x128xf32, #tpu.memory_space<hbm>> -> memref<1x128x128xf32, #tpu.memory_space<hbm>>
    %dma_start3A_1001 = arith.constant 0 : i32
    %dma_start3A_1002 = arith.constant 0 : i32
    %dma_start3A_1003 = tpu.memref_slice %arg5[%add3A_997, %dma_start3A_1001, %dma_start3A_1002] : memref<1024x128x128xf32, #tpu.memory_space<hbm>> -> memref<1x128x128xf32, #tpu.memory_space<hbm>>
    tpu.enqueue_dma source(%arg10 : memref<1x128x128xf32, #tpu.memory_space<vmem>>) target(%dma_start3A_1003 : memref<1x128x128xf32, #tpu.memory_space<hbm>>) target_semaphore(%arg24 : memref<!tpu.dma_semaphore, #tpu.memory_space<semaphore_mem>>)
    %dma_wait3A_1004 = arith.constant 0 : i32
    %dma_wait3A_1005 = arith.constant 0 : i32
    %dma_wait3A_1006 = tpu.memref_slice %arg5[%add3A_869, %dma_wait3A_1004, %dma_wait3A_1005] : memref<1024x128x128xf32, #tpu.memory_space<hbm>> -> memref<1x128x128xf32, #tpu.memory_space<hbm>>
    %dma_wait3A_1007 = arith.constant 0 : i32
    %dma_wait3A_1008 = arith.constant 0 : i32
    %dma_wait3A_1009 = tpu.memref_slice %arg5[%add3A_869, %dma_wait3A_1007, %dma_wait3A_1008] : memref<1024x128x128xf32, #tpu.memory_space<hbm>> -> memref<1x128x128xf32, #tpu.memory_space<hbm>>
    tpu.wait_dma2 semaphore(%arg27 : memref<!tpu.dma_semaphore, #tpu.memory_space<semaphore_mem>>) src(%arg13 : memref<1x128x128xf32, #tpu.memory_space<vmem>>) dst(%dma_wait3A_1009 : memref<1x128x128xf32, #tpu.memory_space<hbm>>)
    %dma_start3A_1010 = arith.constant 1 : i32
    %dma_start3A_1011 = arith.constant 0 : i32
    %dma_start3A_1012 = tpu.memref_slice %arg7[%dma_start3A_1010, %dma_start3A_1011] : memref<2x16xi32, #tpu.memory_space<vmem>> -> memref<1x1xi32, #tpu.memory_space<vmem>>
    %dma_start3A_1013 = tpu.memref_squeeze %dma_start3A_1012 : memref<1x1xi32, #tpu.memory_space<vmem>> -> memref<1xi32, #tpu.memory_space<vmem>>
    %dma_start3A_1014 = arith.constant 0 : i32
    %dma_start3A_1015 = arith.constant 0 : i32
    %dma_start3A_1016 = arith.constant 0 : i32
    %dma_start3A_1017 = tpu.memref_slice %arg2[%dma_start3A_1014, %dma_start3A_1015, %dma_start3A_1016] : memref<8192x128x128xf32, #tpu.memory_space<hbm>> -> memref<8192x128x128xf32, #tpu.memory_space<hbm>>
    tpu.enqueue_indirect_dma source(%dma_start3A_1017 : memref<8192x128x128xf32, #tpu.memory_space<hbm>>) target(%arg13 : memref<1x128x128xf32, #tpu.memory_space<vmem>>) offsets(%dma_start3A_1013 : memref<1xi32, #tpu.memory_space<vmem>>) semaphore(%arg20 : memref<!tpu.dma_semaphore, #tpu.memory_space<semaphore_mem>>)
    %dma_wait3A_1018 = arith.constant 0 : i32
    %dma_wait3A_1019 = arith.constant 15 : i32
    %dma_wait3A_1020 = tpu.memref_slice %arg7[%dma_wait3A_1018, %dma_wait3A_1019] : memref<2x16xi32, #tpu.memory_space<vmem>> -> memref<1x1xi32, #tpu.memory_space<vmem>>
    %dma_wait3A_1021 = tpu.memref_squeeze %dma_wait3A_1020 : memref<1x1xi32, #tpu.memory_space<vmem>> -> memref<1xi32, #tpu.memory_space<vmem>>
    %dma_wait3A_1022 = arith.constant 0 : i32
    %dma_wait3A_1023 = arith.constant 0 : i32
    %dma_wait3A_1024 = arith.constant 0 : i32
    %dma_wait3A_1025 = tpu.memref_slice %arg2[%dma_wait3A_1022, %dma_wait3A_1023, %dma_wait3A_1024] : memref<8192x128x128xf32, #tpu.memory_space<hbm>> -> memref<8192x128x128xf32, #tpu.memory_space<hbm>>
    tpu.wait_indirect_dma semaphore(%arg18 : memref<!tpu.dma_semaphore, #tpu.memory_space<semaphore_mem>>) src(%dma_wait3A_1025 : memref<8192x128x128xf32, #tpu.memory_space<hbm>>) dst(%arg11 : memref<1x128x128xf32, #tpu.memory_space<vmem>>)
    %mul3A_1026 = arith.constant 32 : i32
    %mul3A_1027 = arith.muli %add3A, %mul3A_1026 : i32
    %add3A_1028 = arith.constant 15 : i32
    %add3A_1029 = arith.addi %mul3A_1027, %add3A_1028 : i32
    %dma_start3A_1030 = arith.constant 0 : i32
    %dma_start3A_1031 = arith.constant 0 : i32
    %dma_start3A_1032 = tpu.memref_slice %arg4[%add3A_1029, %dma_start3A_1030, %dma_start3A_1031] : memref<1024x128x128xf32, #tpu.memory_space<hbm>> -> memref<1x128x128xf32, #tpu.memory_space<hbm>>
    %dma_start3A_1033 = arith.constant 0 : i32
    %dma_start3A_1034 = arith.constant 0 : i32
    %dma_start3A_1035 = tpu.memref_slice %arg4[%add3A_1029, %dma_start3A_1033, %dma_start3A_1034] : memref<1024x128x128xf32, #tpu.memory_space<hbm>> -> memref<1x128x128xf32, #tpu.memory_space<hbm>>
    tpu.enqueue_dma source(%arg11 : memref<1x128x128xf32, #tpu.memory_space<vmem>>) target(%dma_start3A_1035 : memref<1x128x128xf32, #tpu.memory_space<hbm>>) target_semaphore(%arg25 : memref<!tpu.dma_semaphore, #tpu.memory_space<semaphore_mem>>)
    %dma_wait3A_1036 = arith.constant 0 : i32
    %dma_wait3A_1037 = arith.constant 0 : i32
    %dma_wait3A_1038 = tpu.memref_slice %arg4[%add3A_901, %dma_wait3A_1036, %dma_wait3A_1037] : memref<1024x128x128xf32, #tpu.memory_space<hbm>> -> memref<1x128x128xf32, #tpu.memory_space<hbm>>
    %dma_wait3A_1039 = arith.constant 0 : i32
    %dma_wait3A_1040 = arith.constant 0 : i32
    %dma_wait3A_1041 = tpu.memref_slice %arg4[%add3A_901, %dma_wait3A_1039, %dma_wait3A_1040] : memref<1024x128x128xf32, #tpu.memory_space<hbm>> -> memref<1x128x128xf32, #tpu.memory_space<hbm>>
    tpu.wait_dma2 semaphore(%arg28 : memref<!tpu.dma_semaphore, #tpu.memory_space<semaphore_mem>>) src(%arg14 : memref<1x128x128xf32, #tpu.memory_space<vmem>>) dst(%dma_wait3A_1041 : memref<1x128x128xf32, #tpu.memory_space<hbm>>)
    %dma_start3A_1042 = arith.constant 1 : i32
    %dma_start3A_1043 = arith.constant 1 : i32
    %dma_start3A_1044 = tpu.memref_slice %arg6[%dma_start3A_1042, %dma_start3A_1043] : memref<2x16xi32, #tpu.memory_space<vmem>> -> memref<1x1xi32, #tpu.memory_space<vmem>>
    %dma_start3A_1045 = tpu.memref_squeeze %dma_start3A_1044 : memref<1x1xi32, #tpu.memory_space<vmem>> -> memref<1xi32, #tpu.memory_space<vmem>>
    %dma_start3A_1046 = arith.constant 0 : i32
    %dma_start3A_1047 = arith.constant 0 : i32
    %dma_start3A_1048 = arith.constant 0 : i32
    %dma_start3A_1049 = tpu.memref_slice %arg2[%dma_start3A_1046, %dma_start3A_1047, %dma_start3A_1048] : memref<8192x128x128xf32, #tpu.memory_space<hbm>> -> memref<8192x128x128xf32, #tpu.memory_space<hbm>>
    tpu.enqueue_indirect_dma source(%dma_start3A_1049 : memref<8192x128x128xf32, #tpu.memory_space<hbm>>) target(%arg14 : memref<1x128x128xf32, #tpu.memory_space<vmem>>) offsets(%dma_start3A_1045 : memref<1xi32, #tpu.memory_space<vmem>>) semaphore(%arg21 : memref<!tpu.dma_semaphore, #tpu.memory_space<semaphore_mem>>)
    %dma_wait3A_1050 = arith.constant 1 : i32
    %dma_wait3A_1051 = arith.constant 0 : i32
    %dma_wait3A_1052 = tpu.memref_slice %arg6[%dma_wait3A_1050, %dma_wait3A_1051] : memref<2x16xi32, #tpu.memory_space<vmem>> -> memref<1x1xi32, #tpu.memory_space<vmem>>
    %dma_wait3A_1053 = tpu.memref_squeeze %dma_wait3A_1052 : memref<1x1xi32, #tpu.memory_space<vmem>> -> memref<1xi32, #tpu.memory_space<vmem>>
    %dma_wait3A_1054 = arith.constant 0 : i32
    %dma_wait3A_1055 = arith.constant 0 : i32
    %dma_wait3A_1056 = arith.constant 0 : i32
    %dma_wait3A_1057 = tpu.memref_slice %arg2[%dma_wait3A_1054, %dma_wait3A_1055, %dma_wait3A_1056] : memref<8192x128x128xf32, #tpu.memory_space<hbm>> -> memref<8192x128x128xf32, #tpu.memory_space<hbm>>
    tpu.wait_indirect_dma semaphore(%arg19 : memref<!tpu.dma_semaphore, #tpu.memory_space<semaphore_mem>>) src(%dma_wait3A_1057 : memref<8192x128x128xf32, #tpu.memory_space<hbm>>) dst(%arg12 : memref<1x128x128xf32, #tpu.memory_space<vmem>>)
    %mul3A_1058 = arith.constant 32 : i32
    %mul3A_1059 = arith.muli %add3A, %mul3A_1058 : i32
    %add3A_1060 = arith.constant 16 : i32
    %add3A_1061 = arith.addi %mul3A_1059, %add3A_1060 : i32
    %dma_start3A_1062 = arith.constant 0 : i32
    %dma_start3A_1063 = arith.constant 0 : i32
    %dma_start3A_1064 = tpu.memref_slice %arg5[%add3A_1061, %dma_start3A_1062, %dma_start3A_1063] : memref<1024x128x128xf32, #tpu.memory_space<hbm>> -> memref<1x128x128xf32, #tpu.memory_space<hbm>>
    %dma_start3A_1065 = arith.constant 0 : i32
    %dma_start3A_1066 = arith.constant 0 : i32
    %dma_start3A_1067 = tpu.memref_slice %arg5[%add3A_1061, %dma_start3A_1065, %dma_start3A_1066] : memref<1024x128x128xf32, #tpu.memory_space<hbm>> -> memref<1x128x128xf32, #tpu.memory_space<hbm>>
    tpu.enqueue_dma source(%arg12 : memref<1x128x128xf32, #tpu.memory_space<vmem>>) target(%dma_start3A_1067 : memref<1x128x128xf32, #tpu.memory_space<hbm>>) target_semaphore(%arg26 : memref<!tpu.dma_semaphore, #tpu.memory_space<semaphore_mem>>)
    %dma_wait3A_1068 = arith.constant 0 : i32
    %dma_wait3A_1069 = arith.constant 0 : i32
    %dma_wait3A_1070 = tpu.memref_slice %arg5[%add3A_933, %dma_wait3A_1068, %dma_wait3A_1069] : memref<1024x128x128xf32, #tpu.memory_space<hbm>> -> memref<1x128x128xf32, #tpu.memory_space<hbm>>
    %dma_wait3A_1071 = arith.constant 0 : i32
    %dma_wait3A_1072 = arith.constant 0 : i32
    %dma_wait3A_1073 = tpu.memref_slice %arg5[%add3A_933, %dma_wait3A_1071, %dma_wait3A_1072] : memref<1024x128x128xf32, #tpu.memory_space<hbm>> -> memref<1x128x128xf32, #tpu.memory_space<hbm>>
    tpu.wait_dma2 semaphore(%arg22 : memref<!tpu.dma_semaphore, #tpu.memory_space<semaphore_mem>>) src(%arg8 : memref<1x128x128xf32, #tpu.memory_space<vmem>>) dst(%dma_wait3A_1073 : memref<1x128x128xf32, #tpu.memory_space<hbm>>)
    %dma_start3A_1074 = arith.constant 1 : i32
    %dma_start3A_1075 = arith.constant 1 : i32
    %dma_start3A_1076 = tpu.memref_slice %arg7[%dma_start3A_1074, %dma_start3A_1075] : memref<2x16xi32, #tpu.memory_space<vmem>> -> memref<1x1xi32, #tpu.memory_space<vmem>>
    %dma_start3A_1077 = tpu.memref_squeeze %dma_start3A_1076 : memref<1x1xi32, #tpu.memory_space<vmem>> -> memref<1xi32, #tpu.memory_space<vmem>>
    %dma_start3A_1078 = arith.constant 0 : i32
    %dma_start3A_1079 = arith.constant 0 : i32
    %dma_start3A_1080 = arith.constant 0 : i32
    %dma_start3A_1081 = tpu.memref_slice %arg2[%dma_start3A_1078, %dma_start3A_1079, %dma_start3A_1080] : memref<8192x128x128xf32, #tpu.memory_space<hbm>> -> memref<8192x128x128xf32, #tpu.memory_space<hbm>>
    tpu.enqueue_indirect_dma source(%dma_start3A_1081 : memref<8192x128x128xf32, #tpu.memory_space<hbm>>) target(%arg8 : memref<1x128x128xf32, #tpu.memory_space<vmem>>) offsets(%dma_start3A_1077 : memref<1xi32, #tpu.memory_space<vmem>>) semaphore(%arg15 : memref<!tpu.dma_semaphore, #tpu.memory_space<semaphore_mem>>)
    %dma_wait3A_1082 = arith.constant 1 : i32
    %dma_wait3A_1083 = arith.constant 0 : i32
    %dma_wait3A_1084 = tpu.memref_slice %arg7[%dma_wait3A_1082, %dma_wait3A_1083] : memref<2x16xi32, #tpu.memory_space<vmem>> -> memref<1x1xi32, #tpu.memory_space<vmem>>
    %dma_wait3A_1085 = tpu.memref_squeeze %dma_wait3A_1084 : memref<1x1xi32, #tpu.memory_space<vmem>> -> memref<1xi32, #tpu.memory_space<vmem>>
    %dma_wait3A_1086 = arith.constant 0 : i32
    %dma_wait3A_1087 = arith.constant 0 : i32
    %dma_wait3A_1088 = arith.constant 0 : i32
    %dma_wait3A_1089 = tpu.memref_slice %arg2[%dma_wait3A_1086, %dma_wait3A_1087, %dma_wait3A_1088] : memref<8192x128x128xf32, #tpu.memory_space<hbm>> -> memref<8192x128x128xf32, #tpu.memory_space<hbm>>
    tpu.wait_indirect_dma semaphore(%arg20 : memref<!tpu.dma_semaphore, #tpu.memory_space<semaphore_mem>>) src(%dma_wait3A_1089 : memref<8192x128x128xf32, #tpu.memory_space<hbm>>) dst(%arg13 : memref<1x128x128xf32, #tpu.memory_space<vmem>>)
    %mul3A_1090 = arith.constant 32 : i32
    %mul3A_1091 = arith.muli %add3A, %mul3A_1090 : i32
    %add3A_1092 = arith.constant 16 : i32
    %add3A_1093 = arith.addi %mul3A_1091, %add3A_1092 : i32
    %dma_start3A_1094 = arith.constant 0 : i32
    %dma_start3A_1095 = arith.constant 0 : i32
    %dma_start3A_1096 = tpu.memref_slice %arg4[%add3A_1093, %dma_start3A_1094, %dma_start3A_1095] : memref<1024x128x128xf32, #tpu.memory_space<hbm>> -> memref<1x128x128xf32, #tpu.memory_space<hbm>>
    %dma_start3A_1097 = arith.constant 0 : i32
    %dma_start3A_1098 = arith.constant 0 : i32
    %dma_start3A_1099 = tpu.memref_slice %arg4[%add3A_1093, %dma_start3A_1097, %dma_start3A_1098] : memref<1024x128x128xf32, #tpu.memory_space<hbm>> -> memref<1x128x128xf32, #tpu.memory_space<hbm>>
    tpu.enqueue_dma source(%arg13 : memref<1x128x128xf32, #tpu.memory_space<vmem>>) target(%dma_start3A_1099 : memref<1x128x128xf32, #tpu.memory_space<hbm>>) target_semaphore(%arg27 : memref<!tpu.dma_semaphore, #tpu.memory_space<semaphore_mem>>)
    %dma_wait3A_1100 = arith.constant 0 : i32
    %dma_wait3A_1101 = arith.constant 0 : i32
    %dma_wait3A_1102 = tpu.memref_slice %arg4[%add3A_965, %dma_wait3A_1100, %dma_wait3A_1101] : memref<1024x128x128xf32, #tpu.memory_space<hbm>> -> memref<1x128x128xf32, #tpu.memory_space<hbm>>
    %dma_wait3A_1103 = arith.constant 0 : i32
    %dma_wait3A_1104 = arith.constant 0 : i32
    %dma_wait3A_1105 = tpu.memref_slice %arg4[%add3A_965, %dma_wait3A_1103, %dma_wait3A_1104] : memref<1024x128x128xf32, #tpu.memory_space<hbm>> -> memref<1x128x128xf32, #tpu.memory_space<hbm>>
    tpu.wait_dma2 semaphore(%arg23 : memref<!tpu.dma_semaphore, #tpu.memory_space<semaphore_mem>>) src(%arg9 : memref<1x128x128xf32, #tpu.memory_space<vmem>>) dst(%dma_wait3A_1105 : memref<1x128x128xf32, #tpu.memory_space<hbm>>)
    %dma_start3A_1106 = arith.constant 1 : i32
    %dma_start3A_1107 = arith.constant 2 : i32
    %dma_start3A_1108 = tpu.memref_slice %arg6[%dma_start3A_1106, %dma_start3A_1107] : memref<2x16xi32, #tpu.memory_space<vmem>> -> memref<1x1xi32, #tpu.memory_space<vmem>>
    %dma_start3A_1109 = tpu.memref_squeeze %dma_start3A_1108 : memref<1x1xi32, #tpu.memory_space<vmem>> -> memref<1xi32, #tpu.memory_space<vmem>>
    %dma_start3A_1110 = arith.constant 0 : i32
    %dma_start3A_1111 = arith.constant 0 : i32
    %dma_start3A_1112 = arith.constant 0 : i32
    %dma_start3A_1113 = tpu.memref_slice %arg2[%dma_start3A_1110, %dma_start3A_1111, %dma_start3A_1112] : memref<8192x128x128xf32, #tpu.memory_space<hbm>> -> memref<8192x128x128xf32, #tpu.memory_space<hbm>>
    tpu.enqueue_indirect_dma source(%dma_start3A_1113 : memref<8192x128x128xf32, #tpu.memory_space<hbm>>) target(%arg9 : memref<1x128x128xf32, #tpu.memory_space<vmem>>) offsets(%dma_start3A_1109 : memref<1xi32, #tpu.memory_space<vmem>>) semaphore(%arg16 : memref<!tpu.dma_semaphore, #tpu.memory_space<semaphore_mem>>)
    %dma_wait3A_1114 = arith.constant 1 : i32
    %dma_wait3A_1115 = arith.constant 1 : i32
    %dma_wait3A_1116 = tpu.memref_slice %arg6[%dma_wait3A_1114, %dma_wait3A_1115] : memref<2x16xi32, #tpu.memory_space<vmem>> -> memref<1x1xi32, #tpu.memory_space<vmem>>
    %dma_wait3A_1117 = tpu.memref_squeeze %dma_wait3A_1116 : memref<1x1xi32, #tpu.memory_space<vmem>> -> memref<1xi32, #tpu.memory_space<vmem>>
    %dma_wait3A_1118 = arith.constant 0 : i32
    %dma_wait3A_1119 = arith.constant 0 : i32
    %dma_wait3A_1120 = arith.constant 0 : i32
    %dma_wait3A_1121 = tpu.memref_slice %arg2[%dma_wait3A_1118, %dma_wait3A_1119, %dma_wait3A_1120] : memref<8192x128x128xf32, #tpu.memory_space<hbm>> -> memref<8192x128x128xf32, #tpu.memory_space<hbm>>
    tpu.wait_indirect_dma semaphore(%arg21 : memref<!tpu.dma_semaphore, #tpu.memory_space<semaphore_mem>>) src(%dma_wait3A_1121 : memref<8192x128x128xf32, #tpu.memory_space<hbm>>) dst(%arg14 : memref<1x128x128xf32, #tpu.memory_space<vmem>>)
    %mul3A_1122 = arith.constant 32 : i32
    %mul3A_1123 = arith.muli %add3A, %mul3A_1122 : i32
    %add3A_1124 = arith.constant 17 : i32
    %add3A_1125 = arith.addi %mul3A_1123, %add3A_1124 : i32
    %dma_start3A_1126 = arith.constant 0 : i32
    %dma_start3A_1127 = arith.constant 0 : i32
    %dma_start3A_1128 = tpu.memref_slice %arg5[%add3A_1125, %dma_start3A_1126, %dma_start3A_1127] : memref<1024x128x128xf32, #tpu.memory_space<hbm>> -> memref<1x128x128xf32, #tpu.memory_space<hbm>>
    %dma_start3A_1129 = arith.constant 0 : i32
    %dma_start3A_1130 = arith.constant 0 : i32
    %dma_start3A_1131 = tpu.memref_slice %arg5[%add3A_1125, %dma_start3A_1129, %dma_start3A_1130] : memref<1024x128x128xf32, #tpu.memory_space<hbm>> -> memref<1x128x128xf32, #tpu.memory_space<hbm>>
    tpu.enqueue_dma source(%arg14 : memref<1x128x128xf32, #tpu.memory_space<vmem>>) target(%dma_start3A_1131 : memref<1x128x128xf32, #tpu.memory_space<hbm>>) target_semaphore(%arg28 : memref<!tpu.dma_semaphore, #tpu.memory_space<semaphore_mem>>)
    %dma_wait3A_1132 = arith.constant 0 : i32
    %dma_wait3A_1133 = arith.constant 0 : i32
    %dma_wait3A_1134 = tpu.memref_slice %arg5[%add3A_997, %dma_wait3A_1132, %dma_wait3A_1133] : memref<1024x128x128xf32, #tpu.memory_space<hbm>> -> memref<1x128x128xf32, #tpu.memory_space<hbm>>
    %dma_wait3A_1135 = arith.constant 0 : i32
    %dma_wait3A_1136 = arith.constant 0 : i32
    %dma_wait3A_1137 = tpu.memref_slice %arg5[%add3A_997, %dma_wait3A_1135, %dma_wait3A_1136] : memref<1024x128x128xf32, #tpu.memory_space<hbm>> -> memref<1x128x128xf32, #tpu.memory_space<hbm>>
    tpu.wait_dma2 semaphore(%arg24 : memref<!tpu.dma_semaphore, #tpu.memory_space<semaphore_mem>>) src(%arg10 : memref<1x128x128xf32, #tpu.memory_space<vmem>>) dst(%dma_wait3A_1137 : memref<1x128x128xf32, #tpu.memory_space<hbm>>)
    %dma_start3A_1138 = arith.constant 1 : i32
    %dma_start3A_1139 = arith.constant 2 : i32
    %dma_start3A_1140 = tpu.memref_slice %arg7[%dma_start3A_1138, %dma_start3A_1139] : memref<2x16xi32, #tpu.memory_space<vmem>> -> memref<1x1xi32, #tpu.memory_space<vmem>>
    %dma_start3A_1141 = tpu.memref_squeeze %dma_start3A_1140 : memref<1x1xi32, #tpu.memory_space<vmem>> -> memref<1xi32, #tpu.memory_space<vmem>>
    %dma_start3A_1142 = arith.constant 0 : i32
    %dma_start3A_1143 = arith.constant 0 : i32
    %dma_start3A_1144 = arith.constant 0 : i32
    %dma_start3A_1145 = tpu.memref_slice %arg2[%dma_start3A_1142, %dma_start3A_1143, %dma_start3A_1144] : memref<8192x128x128xf32, #tpu.memory_space<hbm>> -> memref<8192x128x128xf32, #tpu.memory_space<hbm>>
    tpu.enqueue_indirect_dma source(%dma_start3A_1145 : memref<8192x128x128xf32, #tpu.memory_space<hbm>>) target(%arg10 : memref<1x128x128xf32, #tpu.memory_space<vmem>>) offsets(%dma_start3A_1141 : memref<1xi32, #tpu.memory_space<vmem>>) semaphore(%arg17 : memref<!tpu.dma_semaphore, #tpu.memory_space<semaphore_mem>>)
    %dma_wait3A_1146 = arith.constant 1 : i32
    %dma_wait3A_1147 = arith.constant 1 : i32
    %dma_wait3A_1148 = tpu.memref_slice %arg7[%dma_wait3A_1146, %dma_wait3A_1147] : memref<2x16xi32, #tpu.memory_space<vmem>> -> memref<1x1xi32, #tpu.memory_space<vmem>>
    %dma_wait3A_1149 = tpu.memref_squeeze %dma_wait3A_1148 : memref<1x1xi32, #tpu.memory_space<vmem>> -> memref<1xi32, #tpu.memory_space<vmem>>
    %dma_wait3A_1150 = arith.constant 0 : i32
    %dma_wait3A_1151 = arith.constant 0 : i32
    %dma_wait3A_1152 = arith.constant 0 : i32
    %dma_wait3A_1153 = tpu.memref_slice %arg2[%dma_wait3A_1150, %dma_wait3A_1151, %dma_wait3A_1152] : memref<8192x128x128xf32, #tpu.memory_space<hbm>> -> memref<8192x128x128xf32, #tpu.memory_space<hbm>>
    tpu.wait_indirect_dma semaphore(%arg15 : memref<!tpu.dma_semaphore, #tpu.memory_space<semaphore_mem>>) src(%dma_wait3A_1153 : memref<8192x128x128xf32, #tpu.memory_space<hbm>>) dst(%arg8 : memref<1x128x128xf32, #tpu.memory_space<vmem>>)
    %mul3A_1154 = arith.constant 32 : i32
    %mul3A_1155 = arith.muli %add3A, %mul3A_1154 : i32
    %add3A_1156 = arith.constant 17 : i32
    %add3A_1157 = arith.addi %mul3A_1155, %add3A_1156 : i32
    %dma_start3A_1158 = arith.constant 0 : i32
    %dma_start3A_1159 = arith.constant 0 : i32
    %dma_start3A_1160 = tpu.memref_slice %arg4[%add3A_1157, %dma_start3A_1158, %dma_start3A_1159] : memref<1024x128x128xf32, #tpu.memory_space<hbm>> -> memref<1x128x128xf32, #tpu.memory_space<hbm>>
    %dma_start3A_1161 = arith.constant 0 : i32
    %dma_start3A_1162 = arith.constant 0 : i32
    %dma_start3A_1163 = tpu.memref_slice %arg4[%add3A_1157, %dma_start3A_1161, %dma_start3A_1162] : memref<1024x128x128xf32, #tpu.memory_space<hbm>> -> memref<1x128x128xf32, #tpu.memory_space<hbm>>
    tpu.enqueue_dma source(%arg8 : memref<1x128x128xf32, #tpu.memory_space<vmem>>) target(%dma_start3A_1163 : memref<1x128x128xf32, #tpu.memory_space<hbm>>) target_semaphore(%arg22 : memref<!tpu.dma_semaphore, #tpu.memory_space<semaphore_mem>>)
    %dma_wait3A_1164 = arith.constant 0 : i32
    %dma_wait3A_1165 = arith.constant 0 : i32
    %dma_wait3A_1166 = tpu.memref_slice %arg4[%add3A_1029, %dma_wait3A_1164, %dma_wait3A_1165] : memref<1024x128x128xf32, #tpu.memory_space<hbm>> -> memref<1x128x128xf32, #tpu.memory_space<hbm>>
    %dma_wait3A_1167 = arith.constant 0 : i32
    %dma_wait3A_1168 = arith.constant 0 : i32
    %dma_wait3A_1169 = tpu.memref_slice %arg4[%add3A_1029, %dma_wait3A_1167, %dma_wait3A_1168] : memref<1024x128x128xf32, #tpu.memory_space<hbm>> -> memref<1x128x128xf32, #tpu.memory_space<hbm>>
    tpu.wait_dma2 semaphore(%arg25 : memref<!tpu.dma_semaphore, #tpu.memory_space<semaphore_mem>>) src(%arg11 : memref<1x128x128xf32, #tpu.memory_space<vmem>>) dst(%dma_wait3A_1169 : memref<1x128x128xf32, #tpu.memory_space<hbm>>)
    %dma_start3A_1170 = arith.constant 1 : i32
    %dma_start3A_1171 = arith.constant 3 : i32
    %dma_start3A_1172 = tpu.memref_slice %arg6[%dma_start3A_1170, %dma_start3A_1171] : memref<2x16xi32, #tpu.memory_space<vmem>> -> memref<1x1xi32, #tpu.memory_space<vmem>>
    %dma_start3A_1173 = tpu.memref_squeeze %dma_start3A_1172 : memref<1x1xi32, #tpu.memory_space<vmem>> -> memref<1xi32, #tpu.memory_space<vmem>>
    %dma_start3A_1174 = arith.constant 0 : i32
    %dma_start3A_1175 = arith.constant 0 : i32
    %dma_start3A_1176 = arith.constant 0 : i32
    %dma_start3A_1177 = tpu.memref_slice %arg2[%dma_start3A_1174, %dma_start3A_1175, %dma_start3A_1176] : memref<8192x128x128xf32, #tpu.memory_space<hbm>> -> memref<8192x128x128xf32, #tpu.memory_space<hbm>>
    tpu.enqueue_indirect_dma source(%dma_start3A_1177 : memref<8192x128x128xf32, #tpu.memory_space<hbm>>) target(%arg11 : memref<1x128x128xf32, #tpu.memory_space<vmem>>) offsets(%dma_start3A_1173 : memref<1xi32, #tpu.memory_space<vmem>>) semaphore(%arg18 : memref<!tpu.dma_semaphore, #tpu.memory_space<semaphore_mem>>)
    %dma_wait3A_1178 = arith.constant 1 : i32
    %dma_wait3A_1179 = arith.constant 2 : i32
    %dma_wait3A_1180 = tpu.memref_slice %arg6[%dma_wait3A_1178, %dma_wait3A_1179] : memref<2x16xi32, #tpu.memory_space<vmem>> -> memref<1x1xi32, #tpu.memory_space<vmem>>
    %dma_wait3A_1181 = tpu.memref_squeeze %dma_wait3A_1180 : memref<1x1xi32, #tpu.memory_space<vmem>> -> memref<1xi32, #tpu.memory_space<vmem>>
    %dma_wait3A_1182 = arith.constant 0 : i32
    %dma_wait3A_1183 = arith.constant 0 : i32
    %dma_wait3A_1184 = arith.constant 0 : i32
    %dma_wait3A_1185 = tpu.memref_slice %arg2[%dma_wait3A_1182, %dma_wait3A_1183, %dma_wait3A_1184] : memref<8192x128x128xf32, #tpu.memory_space<hbm>> -> memref<8192x128x128xf32, #tpu.memory_space<hbm>>
    tpu.wait_indirect_dma semaphore(%arg16 : memref<!tpu.dma_semaphore, #tpu.memory_space<semaphore_mem>>) src(%dma_wait3A_1185 : memref<8192x128x128xf32, #tpu.memory_space<hbm>>) dst(%arg9 : memref<1x128x128xf32, #tpu.memory_space<vmem>>)
    %mul3A_1186 = arith.constant 32 : i32
    %mul3A_1187 = arith.muli %add3A, %mul3A_1186 : i32
    %add3A_1188 = arith.constant 18 : i32
    %add3A_1189 = arith.addi %mul3A_1187, %add3A_1188 : i32
    %dma_start3A_1190 = arith.constant 0 : i32
    %dma_start3A_1191 = arith.constant 0 : i32
    %dma_start3A_1192 = tpu.memref_slice %arg5[%add3A_1189, %dma_start3A_1190, %dma_start3A_1191] : memref<1024x128x128xf32, #tpu.memory_space<hbm>> -> memref<1x128x128xf32, #tpu.memory_space<hbm>>
    %dma_start3A_1193 = arith.constant 0 : i32
    %dma_start3A_1194 = arith.constant 0 : i32
    %dma_start3A_1195 = tpu.memref_slice %arg5[%add3A_1189, %dma_start3A_1193, %dma_start3A_1194] : memref<1024x128x128xf32, #tpu.memory_space<hbm>> -> memref<1x128x128xf32, #tpu.memory_space<hbm>>
    tpu.enqueue_dma source(%arg9 : memref<1x128x128xf32, #tpu.memory_space<vmem>>) target(%dma_start3A_1195 : memref<1x128x128xf32, #tpu.memory_space<hbm>>) target_semaphore(%arg23 : memref<!tpu.dma_semaphore, #tpu.memory_space<semaphore_mem>>)
    %dma_wait3A_1196 = arith.constant 0 : i32
    %dma_wait3A_1197 = arith.constant 0 : i32
    %dma_wait3A_1198 = tpu.memref_slice %arg5[%add3A_1061, %dma_wait3A_1196, %dma_wait3A_1197] : memref<1024x128x128xf32, #tpu.memory_space<hbm>> -> memref<1x128x128xf32, #tpu.memory_space<hbm>>
    %dma_wait3A_1199 = arith.constant 0 : i32
    %dma_wait3A_1200 = arith.constant 0 : i32
    %dma_wait3A_1201 = tpu.memref_slice %arg5[%add3A_1061, %dma_wait3A_1199, %dma_wait3A_1200] : memref<1024x128x128xf32, #tpu.memory_space<hbm>> -> memref<1x128x128xf32, #tpu.memory_space<hbm>>
    tpu.wait_dma2 semaphore(%arg26 : memref<!tpu.dma_semaphore, #tpu.memory_space<semaphore_mem>>) src(%arg12 : memref<1x128x128xf32, #tpu.memory_space<vmem>>) dst(%dma_wait3A_1201 : memref<1x128x128xf32, #tpu.memory_space<hbm>>)
    %dma_start3A_1202 = arith.constant 1 : i32
    %dma_start3A_1203 = arith.constant 3 : i32
    %dma_start3A_1204 = tpu.memref_slice %arg7[%dma_start3A_1202, %dma_start3A_1203] : memref<2x16xi32, #tpu.memory_space<vmem>> -> memref<1x1xi32, #tpu.memory_space<vmem>>
    %dma_start3A_1205 = tpu.memref_squeeze %dma_start3A_1204 : memref<1x1xi32, #tpu.memory_space<vmem>> -> memref<1xi32, #tpu.memory_space<vmem>>
    %dma_start3A_1206 = arith.constant 0 : i32
    %dma_start3A_1207 = arith.constant 0 : i32
    %dma_start3A_1208 = arith.constant 0 : i32
    %dma_start3A_1209 = tpu.memref_slice %arg2[%dma_start3A_1206, %dma_start3A_1207, %dma_start3A_1208] : memref<8192x128x128xf32, #tpu.memory_space<hbm>> -> memref<8192x128x128xf32, #tpu.memory_space<hbm>>
    tpu.enqueue_indirect_dma source(%dma_start3A_1209 : memref<8192x128x128xf32, #tpu.memory_space<hbm>>) target(%arg12 : memref<1x128x128xf32, #tpu.memory_space<vmem>>) offsets(%dma_start3A_1205 : memref<1xi32, #tpu.memory_space<vmem>>) semaphore(%arg19 : memref<!tpu.dma_semaphore, #tpu.memory_space<semaphore_mem>>)
    %dma_wait3A_1210 = arith.constant 1 : i32
    %dma_wait3A_1211 = arith.constant 2 : i32
    %dma_wait3A_1212 = tpu.memref_slice %arg7[%dma_wait3A_1210, %dma_wait3A_1211] : memref<2x16xi32, #tpu.memory_space<vmem>> -> memref<1x1xi32, #tpu.memory_space<vmem>>
    %dma_wait3A_1213 = tpu.memref_squeeze %dma_wait3A_1212 : memref<1x1xi32, #tpu.memory_space<vmem>> -> memref<1xi32, #tpu.memory_space<vmem>>
    %dma_wait3A_1214 = arith.constant 0 : i32
    %dma_wait3A_1215 = arith.constant 0 : i32
    %dma_wait3A_1216 = arith.constant 0 : i32
    %dma_wait3A_1217 = tpu.memref_slice %arg2[%dma_wait3A_1214, %dma_wait3A_1215, %dma_wait3A_1216] : memref<8192x128x128xf32, #tpu.memory_space<hbm>> -> memref<8192x128x128xf32, #tpu.memory_space<hbm>>
    tpu.wait_indirect_dma semaphore(%arg17 : memref<!tpu.dma_semaphore, #tpu.memory_space<semaphore_mem>>) src(%dma_wait3A_1217 : memref<8192x128x128xf32, #tpu.memory_space<hbm>>) dst(%arg10 : memref<1x128x128xf32, #tpu.memory_space<vmem>>)
    %mul3A_1218 = arith.constant 32 : i32
    %mul3A_1219 = arith.muli %add3A, %mul3A_1218 : i32
    %add3A_1220 = arith.constant 18 : i32
    %add3A_1221 = arith.addi %mul3A_1219, %add3A_1220 : i32
    %dma_start3A_1222 = arith.constant 0 : i32
    %dma_start3A_1223 = arith.constant 0 : i32
    %dma_start3A_1224 = tpu.memref_slice %arg4[%add3A_1221, %dma_start3A_1222, %dma_start3A_1223] : memref<1024x128x128xf32, #tpu.memory_space<hbm>> -> memref<1x128x128xf32, #tpu.memory_space<hbm>>
    %dma_start3A_1225 = arith.constant 0 : i32
    %dma_start3A_1226 = arith.constant 0 : i32
    %dma_start3A_1227 = tpu.memref_slice %arg4[%add3A_1221, %dma_start3A_1225, %dma_start3A_1226] : memref<1024x128x128xf32, #tpu.memory_space<hbm>> -> memref<1x128x128xf32, #tpu.memory_space<hbm>>
    tpu.enqueue_dma source(%arg10 : memref<1x128x128xf32, #tpu.memory_space<vmem>>) target(%dma_start3A_1227 : memref<1x128x128xf32, #tpu.memory_space<hbm>>) target_semaphore(%arg24 : memref<!tpu.dma_semaphore, #tpu.memory_space<semaphore_mem>>)
    %dma_wait3A_1228 = arith.constant 0 : i32
    %dma_wait3A_1229 = arith.constant 0 : i32
    %dma_wait3A_1230 = tpu.memref_slice %arg4[%add3A_1093, %dma_wait3A_1228, %dma_wait3A_1229] : memref<1024x128x128xf32, #tpu.memory_space<hbm>> -> memref<1x128x128xf32, #tpu.memory_space<hbm>>
    %dma_wait3A_1231 = arith.constant 0 : i32
    %dma_wait3A_1232 = arith.constant 0 : i32
    %dma_wait3A_1233 = tpu.memref_slice %arg4[%add3A_1093, %dma_wait3A_1231, %dma_wait3A_1232] : memref<1024x128x128xf32, #tpu.memory_space<hbm>> -> memref<1x128x128xf32, #tpu.memory_space<hbm>>
    tpu.wait_dma2 semaphore(%arg27 : memref<!tpu.dma_semaphore, #tpu.memory_space<semaphore_mem>>) src(%arg13 : memref<1x128x128xf32, #tpu.memory_space<vmem>>) dst(%dma_wait3A_1233 : memref<1x128x128xf32, #tpu.memory_space<hbm>>)
    %dma_start3A_1234 = arith.constant 1 : i32
    %dma_start3A_1235 = arith.constant 4 : i32
    %dma_start3A_1236 = tpu.memref_slice %arg6[%dma_start3A_1234, %dma_start3A_1235] : memref<2x16xi32, #tpu.memory_space<vmem>> -> memref<1x1xi32, #tpu.memory_space<vmem>>
    %dma_start3A_1237 = tpu.memref_squeeze %dma_start3A_1236 : memref<1x1xi32, #tpu.memory_space<vmem>> -> memref<1xi32, #tpu.memory_space<vmem>>
    %dma_start3A_1238 = arith.constant 0 : i32
    %dma_start3A_1239 = arith.constant 0 : i32
    %dma_start3A_1240 = arith.constant 0 : i32
    %dma_start3A_1241 = tpu.memref_slice %arg2[%dma_start3A_1238, %dma_start3A_1239, %dma_start3A_1240] : memref<8192x128x128xf32, #tpu.memory_space<hbm>> -> memref<8192x128x128xf32, #tpu.memory_space<hbm>>
    tpu.enqueue_indirect_dma source(%dma_start3A_1241 : memref<8192x128x128xf32, #tpu.memory_space<hbm>>) target(%arg13 : memref<1x128x128xf32, #tpu.memory_space<vmem>>) offsets(%dma_start3A_1237 : memref<1xi32, #tpu.memory_space<vmem>>) semaphore(%arg20 : memref<!tpu.dma_semaphore, #tpu.memory_space<semaphore_mem>>)
    %dma_wait3A_1242 = arith.constant 1 : i32
    %dma_wait3A_1243 = arith.constant 3 : i32
    %dma_wait3A_1244 = tpu.memref_slice %arg6[%dma_wait3A_1242, %dma_wait3A_1243] : memref<2x16xi32, #tpu.memory_space<vmem>> -> memref<1x1xi32, #tpu.memory_space<vmem>>
    %dma_wait3A_1245 = tpu.memref_squeeze %dma_wait3A_1244 : memref<1x1xi32, #tpu.memory_space<vmem>> -> memref<1xi32, #tpu.memory_space<vmem>>
    %dma_wait3A_1246 = arith.constant 0 : i32
    %dma_wait3A_1247 = arith.constant 0 : i32
    %dma_wait3A_1248 = arith.constant 0 : i32
    %dma_wait3A_1249 = tpu.memref_slice %arg2[%dma_wait3A_1246, %dma_wait3A_1247, %dma_wait3A_1248] : memref<8192x128x128xf32, #tpu.memory_space<hbm>> -> memref<8192x128x128xf32, #tpu.memory_space<hbm>>
    tpu.wait_indirect_dma semaphore(%arg18 : memref<!tpu.dma_semaphore, #tpu.memory_space<semaphore_mem>>) src(%dma_wait3A_1249 : memref<8192x128x128xf32, #tpu.memory_space<hbm>>) dst(%arg11 : memref<1x128x128xf32, #tpu.memory_space<vmem>>)
    %mul3A_1250 = arith.constant 32 : i32
    %mul3A_1251 = arith.muli %add3A, %mul3A_1250 : i32
    %add3A_1252 = arith.constant 19 : i32
    %add3A_1253 = arith.addi %mul3A_1251, %add3A_1252 : i32
    %dma_start3A_1254 = arith.constant 0 : i32
    %dma_start3A_1255 = arith.constant 0 : i32
    %dma_start3A_1256 = tpu.memref_slice %arg5[%add3A_1253, %dma_start3A_1254, %dma_start3A_1255] : memref<1024x128x128xf32, #tpu.memory_space<hbm>> -> memref<1x128x128xf32, #tpu.memory_space<hbm>>
    %dma_start3A_1257 = arith.constant 0 : i32
    %dma_start3A_1258 = arith.constant 0 : i32
    %dma_start3A_1259 = tpu.memref_slice %arg5[%add3A_1253, %dma_start3A_1257, %dma_start3A_1258] : memref<1024x128x128xf32, #tpu.memory_space<hbm>> -> memref<1x128x128xf32, #tpu.memory_space<hbm>>
    tpu.enqueue_dma source(%arg11 : memref<1x128x128xf32, #tpu.memory_space<vmem>>) target(%dma_start3A_1259 : memref<1x128x128xf32, #tpu.memory_space<hbm>>) target_semaphore(%arg25 : memref<!tpu.dma_semaphore, #tpu.memory_space<semaphore_mem>>)
    %dma_wait3A_1260 = arith.constant 0 : i32
    %dma_wait3A_1261 = arith.constant 0 : i32
    %dma_wait3A_1262 = tpu.memref_slice %arg5[%add3A_1125, %dma_wait3A_1260, %dma_wait3A_1261] : memref<1024x128x128xf32, #tpu.memory_space<hbm>> -> memref<1x128x128xf32, #tpu.memory_space<hbm>>
    %dma_wait3A_1263 = arith.constant 0 : i32
    %dma_wait3A_1264 = arith.constant 0 : i32
    %dma_wait3A_1265 = tpu.memref_slice %arg5[%add3A_1125, %dma_wait3A_1263, %dma_wait3A_1264] : memref<1024x128x128xf32, #tpu.memory_space<hbm>> -> memref<1x128x128xf32, #tpu.memory_space<hbm>>
    tpu.wait_dma2 semaphore(%arg28 : memref<!tpu.dma_semaphore, #tpu.memory_space<semaphore_mem>>) src(%arg14 : memref<1x128x128xf32, #tpu.memory_space<vmem>>) dst(%dma_wait3A_1265 : memref<1x128x128xf32, #tpu.memory_space<hbm>>)
    %dma_start3A_1266 = arith.constant 1 : i32
    %dma_start3A_1267 = arith.constant 4 : i32
    %dma_start3A_1268 = tpu.memref_slice %arg7[%dma_start3A_1266, %dma_start3A_1267] : memref<2x16xi32, #tpu.memory_space<vmem>> -> memref<1x1xi32, #tpu.memory_space<vmem>>
    %dma_start3A_1269 = tpu.memref_squeeze %dma_start3A_1268 : memref<1x1xi32, #tpu.memory_space<vmem>> -> memref<1xi32, #tpu.memory_space<vmem>>
    %dma_start3A_1270 = arith.constant 0 : i32
    %dma_start3A_1271 = arith.constant 0 : i32
    %dma_start3A_1272 = arith.constant 0 : i32
    %dma_start3A_1273 = tpu.memref_slice %arg2[%dma_start3A_1270, %dma_start3A_1271, %dma_start3A_1272] : memref<8192x128x128xf32, #tpu.memory_space<hbm>> -> memref<8192x128x128xf32, #tpu.memory_space<hbm>>
    tpu.enqueue_indirect_dma source(%dma_start3A_1273 : memref<8192x128x128xf32, #tpu.memory_space<hbm>>) target(%arg14 : memref<1x128x128xf32, #tpu.memory_space<vmem>>) offsets(%dma_start3A_1269 : memref<1xi32, #tpu.memory_space<vmem>>) semaphore(%arg21 : memref<!tpu.dma_semaphore, #tpu.memory_space<semaphore_mem>>)
    %dma_wait3A_1274 = arith.constant 1 : i32
    %dma_wait3A_1275 = arith.constant 3 : i32
    %dma_wait3A_1276 = tpu.memref_slice %arg7[%dma_wait3A_1274, %dma_wait3A_1275] : memref<2x16xi32, #tpu.memory_space<vmem>> -> memref<1x1xi32, #tpu.memory_space<vmem>>
    %dma_wait3A_1277 = tpu.memref_squeeze %dma_wait3A_1276 : memref<1x1xi32, #tpu.memory_space<vmem>> -> memref<1xi32, #tpu.memory_space<vmem>>
    %dma_wait3A_1278 = arith.constant 0 : i32
    %dma_wait3A_1279 = arith.constant 0 : i32
    %dma_wait3A_1280 = arith.constant 0 : i32
    %dma_wait3A_1281 = tpu.memref_slice %arg2[%dma_wait3A_1278, %dma_wait3A_1279, %dma_wait3A_1280] : memref<8192x128x128xf32, #tpu.memory_space<hbm>> -> memref<8192x128x128xf32, #tpu.memory_space<hbm>>
    tpu.wait_indirect_dma semaphore(%arg19 : memref<!tpu.dma_semaphore, #tpu.memory_space<semaphore_mem>>) src(%dma_wait3A_1281 : memref<8192x128x128xf32, #tpu.memory_space<hbm>>) dst(%arg12 : memref<1x128x128xf32, #tpu.memory_space<vmem>>)
    %mul3A_1282 = arith.constant 32 : i32
    %mul3A_1283 = arith.muli %add3A, %mul3A_1282 : i32
    %add3A_1284 = arith.constant 19 : i32
    %add3A_1285 = arith.addi %mul3A_1283, %add3A_1284 : i32
    %dma_start3A_1286 = arith.constant 0 : i32
    %dma_start3A_1287 = arith.constant 0 : i32
    %dma_start3A_1288 = tpu.memref_slice %arg4[%add3A_1285, %dma_start3A_1286, %dma_start3A_1287] : memref<1024x128x128xf32, #tpu.memory_space<hbm>> -> memref<1x128x128xf32, #tpu.memory_space<hbm>>
    %dma_start3A_1289 = arith.constant 0 : i32
    %dma_start3A_1290 = arith.constant 0 : i32
    %dma_start3A_1291 = tpu.memref_slice %arg4[%add3A_1285, %dma_start3A_1289, %dma_start3A_1290] : memref<1024x128x128xf32, #tpu.memory_space<hbm>> -> memref<1x128x128xf32, #tpu.memory_space<hbm>>
    tpu.enqueue_dma source(%arg12 : memref<1x128x128xf32, #tpu.memory_space<vmem>>) target(%dma_start3A_1291 : memref<1x128x128xf32, #tpu.memory_space<hbm>>) target_semaphore(%arg26 : memref<!tpu.dma_semaphore, #tpu.memory_space<semaphore_mem>>)
    %dma_wait3A_1292 = arith.constant 0 : i32
    %dma_wait3A_1293 = arith.constant 0 : i32
    %dma_wait3A_1294 = tpu.memref_slice %arg4[%add3A_1157, %dma_wait3A_1292, %dma_wait3A_1293] : memref<1024x128x128xf32, #tpu.memory_space<hbm>> -> memref<1x128x128xf32, #tpu.memory_space<hbm>>
    %dma_wait3A_1295 = arith.constant 0 : i32
    %dma_wait3A_1296 = arith.constant 0 : i32
    %dma_wait3A_1297 = tpu.memref_slice %arg4[%add3A_1157, %dma_wait3A_1295, %dma_wait3A_1296] : memref<1024x128x128xf32, #tpu.memory_space<hbm>> -> memref<1x128x128xf32, #tpu.memory_space<hbm>>
    tpu.wait_dma2 semaphore(%arg22 : memref<!tpu.dma_semaphore, #tpu.memory_space<semaphore_mem>>) src(%arg8 : memref<1x128x128xf32, #tpu.memory_space<vmem>>) dst(%dma_wait3A_1297 : memref<1x128x128xf32, #tpu.memory_space<hbm>>)
    %dma_start3A_1298 = arith.constant 1 : i32
    %dma_start3A_1299 = arith.constant 5 : i32
    %dma_start3A_1300 = tpu.memref_slice %arg6[%dma_start3A_1298, %dma_start3A_1299] : memref<2x16xi32, #tpu.memory_space<vmem>> -> memref<1x1xi32, #tpu.memory_space<vmem>>
    %dma_start3A_1301 = tpu.memref_squeeze %dma_start3A_1300 : memref<1x1xi32, #tpu.memory_space<vmem>> -> memref<1xi32, #tpu.memory_space<vmem>>
    %dma_start3A_1302 = arith.constant 0 : i32
    %dma_start3A_1303 = arith.constant 0 : i32
    %dma_start3A_1304 = arith.constant 0 : i32
    %dma_start3A_1305 = tpu.memref_slice %arg2[%dma_start3A_1302, %dma_start3A_1303, %dma_start3A_1304] : memref<8192x128x128xf32, #tpu.memory_space<hbm>> -> memref<8192x128x128xf32, #tpu.memory_space<hbm>>
    tpu.enqueue_indirect_dma source(%dma_start3A_1305 : memref<8192x128x128xf32, #tpu.memory_space<hbm>>) target(%arg8 : memref<1x128x128xf32, #tpu.memory_space<vmem>>) offsets(%dma_start3A_1301 : memref<1xi32, #tpu.memory_space<vmem>>) semaphore(%arg15 : memref<!tpu.dma_semaphore, #tpu.memory_space<semaphore_mem>>)
    %dma_wait3A_1306 = arith.constant 1 : i32
    %dma_wait3A_1307 = arith.constant 4 : i32
    %dma_wait3A_1308 = tpu.memref_slice %arg6[%dma_wait3A_1306, %dma_wait3A_1307] : memref<2x16xi32, #tpu.memory_space<vmem>> -> memref<1x1xi32, #tpu.memory_space<vmem>>
    %dma_wait3A_1309 = tpu.memref_squeeze %dma_wait3A_1308 : memref<1x1xi32, #tpu.memory_space<vmem>> -> memref<1xi32, #tpu.memory_space<vmem>>
    %dma_wait3A_1310 = arith.constant 0 : i32
    %dma_wait3A_1311 = arith.constant 0 : i32
    %dma_wait3A_1312 = arith.constant 0 : i32
    %dma_wait3A_1313 = tpu.memref_slice %arg2[%dma_wait3A_1310, %dma_wait3A_1311, %dma_wait3A_1312] : memref<8192x128x128xf32, #tpu.memory_space<hbm>> -> memref<8192x128x128xf32, #tpu.memory_space<hbm>>
    tpu.wait_indirect_dma semaphore(%arg20 : memref<!tpu.dma_semaphore, #tpu.memory_space<semaphore_mem>>) src(%dma_wait3A_1313 : memref<8192x128x128xf32, #tpu.memory_space<hbm>>) dst(%arg13 : memref<1x128x128xf32, #tpu.memory_space<vmem>>)
    %mul3A_1314 = arith.constant 32 : i32
    %mul3A_1315 = arith.muli %add3A, %mul3A_1314 : i32
    %add3A_1316 = arith.constant 20 : i32
    %add3A_1317 = arith.addi %mul3A_1315, %add3A_1316 : i32
    %dma_start3A_1318 = arith.constant 0 : i32
    %dma_start3A_1319 = arith.constant 0 : i32
    %dma_start3A_1320 = tpu.memref_slice %arg5[%add3A_1317, %dma_start3A_1318, %dma_start3A_1319] : memref<1024x128x128xf32, #tpu.memory_space<hbm>> -> memref<1x128x128xf32, #tpu.memory_space<hbm>>
    %dma_start3A_1321 = arith.constant 0 : i32
    %dma_start3A_1322 = arith.constant 0 : i32
    %dma_start3A_1323 = tpu.memref_slice %arg5[%add3A_1317, %dma_start3A_1321, %dma_start3A_1322] : memref<1024x128x128xf32, #tpu.memory_space<hbm>> -> memref<1x128x128xf32, #tpu.memory_space<hbm>>
    tpu.enqueue_dma source(%arg13 : memref<1x128x128xf32, #tpu.memory_space<vmem>>) target(%dma_start3A_1323 : memref<1x128x128xf32, #tpu.memory_space<hbm>>) target_semaphore(%arg27 : memref<!tpu.dma_semaphore, #tpu.memory_space<semaphore_mem>>)
    %dma_wait3A_1324 = arith.constant 0 : i32
    %dma_wait3A_1325 = arith.constant 0 : i32
    %dma_wait3A_1326 = tpu.memref_slice %arg5[%add3A_1189, %dma_wait3A_1324, %dma_wait3A_1325] : memref<1024x128x128xf32, #tpu.memory_space<hbm>> -> memref<1x128x128xf32, #tpu.memory_space<hbm>>
    %dma_wait3A_1327 = arith.constant 0 : i32
    %dma_wait3A_1328 = arith.constant 0 : i32
    %dma_wait3A_1329 = tpu.memref_slice %arg5[%add3A_1189, %dma_wait3A_1327, %dma_wait3A_1328] : memref<1024x128x128xf32, #tpu.memory_space<hbm>> -> memref<1x128x128xf32, #tpu.memory_space<hbm>>
    tpu.wait_dma2 semaphore(%arg23 : memref<!tpu.dma_semaphore, #tpu.memory_space<semaphore_mem>>) src(%arg9 : memref<1x128x128xf32, #tpu.memory_space<vmem>>) dst(%dma_wait3A_1329 : memref<1x128x128xf32, #tpu.memory_space<hbm>>)
    %dma_start3A_1330 = arith.constant 1 : i32
    %dma_start3A_1331 = arith.constant 5 : i32
    %dma_start3A_1332 = tpu.memref_slice %arg7[%dma_start3A_1330, %dma_start3A_1331] : memref<2x16xi32, #tpu.memory_space<vmem>> -> memref<1x1xi32, #tpu.memory_space<vmem>>
    %dma_start3A_1333 = tpu.memref_squeeze %dma_start3A_1332 : memref<1x1xi32, #tpu.memory_space<vmem>> -> memref<1xi32, #tpu.memory_space<vmem>>
    %dma_start3A_1334 = arith.constant 0 : i32
    %dma_start3A_1335 = arith.constant 0 : i32
    %dma_start3A_1336 = arith.constant 0 : i32
    %dma_start3A_1337 = tpu.memref_slice %arg2[%dma_start3A_1334, %dma_start3A_1335, %dma_start3A_1336] : memref<8192x128x128xf32, #tpu.memory_space<hbm>> -> memref<8192x128x128xf32, #tpu.memory_space<hbm>>
    tpu.enqueue_indirect_dma source(%dma_start3A_1337 : memref<8192x128x128xf32, #tpu.memory_space<hbm>>) target(%arg9 : memref<1x128x128xf32, #tpu.memory_space<vmem>>) offsets(%dma_start3A_1333 : memref<1xi32, #tpu.memory_space<vmem>>) semaphore(%arg16 : memref<!tpu.dma_semaphore, #tpu.memory_space<semaphore_mem>>)
    %dma_wait3A_1338 = arith.constant 1 : i32
    %dma_wait3A_1339 = arith.constant 4 : i32
    %dma_wait3A_1340 = tpu.memref_slice %arg7[%dma_wait3A_1338, %dma_wait3A_1339] : memref<2x16xi32, #tpu.memory_space<vmem>> -> memref<1x1xi32, #tpu.memory_space<vmem>>
    %dma_wait3A_1341 = tpu.memref_squeeze %dma_wait3A_1340 : memref<1x1xi32, #tpu.memory_space<vmem>> -> memref<1xi32, #tpu.memory_space<vmem>>
    %dma_wait3A_1342 = arith.constant 0 : i32
    %dma_wait3A_1343 = arith.constant 0 : i32
    %dma_wait3A_1344 = arith.constant 0 : i32
    %dma_wait3A_1345 = tpu.memref_slice %arg2[%dma_wait3A_1342, %dma_wait3A_1343, %dma_wait3A_1344] : memref<8192x128x128xf32, #tpu.memory_space<hbm>> -> memref<8192x128x128xf32, #tpu.memory_space<hbm>>
    tpu.wait_indirect_dma semaphore(%arg21 : memref<!tpu.dma_semaphore, #tpu.memory_space<semaphore_mem>>) src(%dma_wait3A_1345 : memref<8192x128x128xf32, #tpu.memory_space<hbm>>) dst(%arg14 : memref<1x128x128xf32, #tpu.memory_space<vmem>>)
    %mul3A_1346 = arith.constant 32 : i32
    %mul3A_1347 = arith.muli %add3A, %mul3A_1346 : i32
    %add3A_1348 = arith.constant 20 : i32
    %add3A_1349 = arith.addi %mul3A_1347, %add3A_1348 : i32
    %dma_start3A_1350 = arith.constant 0 : i32
    %dma_start3A_1351 = arith.constant 0 : i32
    %dma_start3A_1352 = tpu.memref_slice %arg4[%add3A_1349, %dma_start3A_1350, %dma_start3A_1351] : memref<1024x128x128xf32, #tpu.memory_space<hbm>> -> memref<1x128x128xf32, #tpu.memory_space<hbm>>
    %dma_start3A_1353 = arith.constant 0 : i32
    %dma_start3A_1354 = arith.constant 0 : i32
    %dma_start3A_1355 = tpu.memref_slice %arg4[%add3A_1349, %dma_start3A_1353, %dma_start3A_1354] : memref<1024x128x128xf32, #tpu.memory_space<hbm>> -> memref<1x128x128xf32, #tpu.memory_space<hbm>>
    tpu.enqueue_dma source(%arg14 : memref<1x128x128xf32, #tpu.memory_space<vmem>>) target(%dma_start3A_1355 : memref<1x128x128xf32, #tpu.memory_space<hbm>>) target_semaphore(%arg28 : memref<!tpu.dma_semaphore, #tpu.memory_space<semaphore_mem>>)
    %dma_wait3A_1356 = arith.constant 0 : i32
    %dma_wait3A_1357 = arith.constant 0 : i32
    %dma_wait3A_1358 = tpu.memref_slice %arg4[%add3A_1221, %dma_wait3A_1356, %dma_wait3A_1357] : memref<1024x128x128xf32, #tpu.memory_space<hbm>> -> memref<1x128x128xf32, #tpu.memory_space<hbm>>
    %dma_wait3A_1359 = arith.constant 0 : i32
    %dma_wait3A_1360 = arith.constant 0 : i32
    %dma_wait3A_1361 = tpu.memref_slice %arg4[%add3A_1221, %dma_wait3A_1359, %dma_wait3A_1360] : memref<1024x128x128xf32, #tpu.memory_space<hbm>> -> memref<1x128x128xf32, #tpu.memory_space<hbm>>
    tpu.wait_dma2 semaphore(%arg24 : memref<!tpu.dma_semaphore, #tpu.memory_space<semaphore_mem>>) src(%arg10 : memref<1x128x128xf32, #tpu.memory_space<vmem>>) dst(%dma_wait3A_1361 : memref<1x128x128xf32, #tpu.memory_space<hbm>>)
    %dma_start3A_1362 = arith.constant 1 : i32
    %dma_start3A_1363 = arith.constant 6 : i32
    %dma_start3A_1364 = tpu.memref_slice %arg6[%dma_start3A_1362, %dma_start3A_1363] : memref<2x16xi32, #tpu.memory_space<vmem>> -> memref<1x1xi32, #tpu.memory_space<vmem>>
    %dma_start3A_1365 = tpu.memref_squeeze %dma_start3A_1364 : memref<1x1xi32, #tpu.memory_space<vmem>> -> memref<1xi32, #tpu.memory_space<vmem>>
    %dma_start3A_1366 = arith.constant 0 : i32
    %dma_start3A_1367 = arith.constant 0 : i32
    %dma_start3A_1368 = arith.constant 0 : i32
    %dma_start3A_1369 = tpu.memref_slice %arg2[%dma_start3A_1366, %dma_start3A_1367, %dma_start3A_1368] : memref<8192x128x128xf32, #tpu.memory_space<hbm>> -> memref<8192x128x128xf32, #tpu.memory_space<hbm>>
    tpu.enqueue_indirect_dma source(%dma_start3A_1369 : memref<8192x128x128xf32, #tpu.memory_space<hbm>>) target(%arg10 : memref<1x128x128xf32, #tpu.memory_space<vmem>>) offsets(%dma_start3A_1365 : memref<1xi32, #tpu.memory_space<vmem>>) semaphore(%arg17 : memref<!tpu.dma_semaphore, #tpu.memory_space<semaphore_mem>>)
    %dma_wait3A_1370 = arith.constant 1 : i32
    %dma_wait3A_1371 = arith.constant 5 : i32
    %dma_wait3A_1372 = tpu.memref_slice %arg6[%dma_wait3A_1370, %dma_wait3A_1371] : memref<2x16xi32, #tpu.memory_space<vmem>> -> memref<1x1xi32, #tpu.memory_space<vmem>>
    %dma_wait3A_1373 = tpu.memref_squeeze %dma_wait3A_1372 : memref<1x1xi32, #tpu.memory_space<vmem>> -> memref<1xi32, #tpu.memory_space<vmem>>
    %dma_wait3A_1374 = arith.constant 0 : i32
    %dma_wait3A_1375 = arith.constant 0 : i32
    %dma_wait3A_1376 = arith.constant 0 : i32
    %dma_wait3A_1377 = tpu.memref_slice %arg2[%dma_wait3A_1374, %dma_wait3A_1375, %dma_wait3A_1376] : memref<8192x128x128xf32, #tpu.memory_space<hbm>> -> memref<8192x128x128xf32, #tpu.memory_space<hbm>>
    tpu.wait_indirect_dma semaphore(%arg15 : memref<!tpu.dma_semaphore, #tpu.memory_space<semaphore_mem>>) src(%dma_wait3A_1377 : memref<8192x128x128xf32, #tpu.memory_space<hbm>>) dst(%arg8 : memref<1x128x128xf32, #tpu.memory_space<vmem>>)
    %mul3A_1378 = arith.constant 32 : i32
    %mul3A_1379 = arith.muli %add3A, %mul3A_1378 : i32
    %add3A_1380 = arith.constant 21 : i32
    %add3A_1381 = arith.addi %mul3A_1379, %add3A_1380 : i32
    %dma_start3A_1382 = arith.constant 0 : i32
    %dma_start3A_1383 = arith.constant 0 : i32
    %dma_start3A_1384 = tpu.memref_slice %arg5[%add3A_1381, %dma_start3A_1382, %dma_start3A_1383] : memref<1024x128x128xf32, #tpu.memory_space<hbm>> -> memref<1x128x128xf32, #tpu.memory_space<hbm>>
    %dma_start3A_1385 = arith.constant 0 : i32
    %dma_start3A_1386 = arith.constant 0 : i32
    %dma_start3A_1387 = tpu.memref_slice %arg5[%add3A_1381, %dma_start3A_1385, %dma_start3A_1386] : memref<1024x128x128xf32, #tpu.memory_space<hbm>> -> memref<1x128x128xf32, #tpu.memory_space<hbm>>
    tpu.enqueue_dma source(%arg8 : memref<1x128x128xf32, #tpu.memory_space<vmem>>) target(%dma_start3A_1387 : memref<1x128x128xf32, #tpu.memory_space<hbm>>) target_semaphore(%arg22 : memref<!tpu.dma_semaphore, #tpu.memory_space<semaphore_mem>>)
    %dma_wait3A_1388 = arith.constant 0 : i32
    %dma_wait3A_1389 = arith.constant 0 : i32
    %dma_wait3A_1390 = tpu.memref_slice %arg5[%add3A_1253, %dma_wait3A_1388, %dma_wait3A_1389] : memref<1024x128x128xf32, #tpu.memory_space<hbm>> -> memref<1x128x128xf32, #tpu.memory_space<hbm>>
    %dma_wait3A_1391 = arith.constant 0 : i32
    %dma_wait3A_1392 = arith.constant 0 : i32
    %dma_wait3A_1393 = tpu.memref_slice %arg5[%add3A_1253, %dma_wait3A_1391, %dma_wait3A_1392] : memref<1024x128x128xf32, #tpu.memory_space<hbm>> -> memref<1x128x128xf32, #tpu.memory_space<hbm>>
    tpu.wait_dma2 semaphore(%arg25 : memref<!tpu.dma_semaphore, #tpu.memory_space<semaphore_mem>>) src(%arg11 : memref<1x128x128xf32, #tpu.memory_space<vmem>>) dst(%dma_wait3A_1393 : memref<1x128x128xf32, #tpu.memory_space<hbm>>)
    %dma_start3A_1394 = arith.constant 1 : i32
    %dma_start3A_1395 = arith.constant 6 : i32
    %dma_start3A_1396 = tpu.memref_slice %arg7[%dma_start3A_1394, %dma_start3A_1395] : memref<2x16xi32, #tpu.memory_space<vmem>> -> memref<1x1xi32, #tpu.memory_space<vmem>>
    %dma_start3A_1397 = tpu.memref_squeeze %dma_start3A_1396 : memref<1x1xi32, #tpu.memory_space<vmem>> -> memref<1xi32, #tpu.memory_space<vmem>>
    %dma_start3A_1398 = arith.constant 0 : i32
    %dma_start3A_1399 = arith.constant 0 : i32
    %dma_start3A_1400 = arith.constant 0 : i32
    %dma_start3A_1401 = tpu.memref_slice %arg2[%dma_start3A_1398, %dma_start3A_1399, %dma_start3A_1400] : memref<8192x128x128xf32, #tpu.memory_space<hbm>> -> memref<8192x128x128xf32, #tpu.memory_space<hbm>>
    tpu.enqueue_indirect_dma source(%dma_start3A_1401 : memref<8192x128x128xf32, #tpu.memory_space<hbm>>) target(%arg11 : memref<1x128x128xf32, #tpu.memory_space<vmem>>) offsets(%dma_start3A_1397 : memref<1xi32, #tpu.memory_space<vmem>>) semaphore(%arg18 : memref<!tpu.dma_semaphore, #tpu.memory_space<semaphore_mem>>)
    %dma_wait3A_1402 = arith.constant 1 : i32
    %dma_wait3A_1403 = arith.constant 5 : i32
    %dma_wait3A_1404 = tpu.memref_slice %arg7[%dma_wait3A_1402, %dma_wait3A_1403] : memref<2x16xi32, #tpu.memory_space<vmem>> -> memref<1x1xi32, #tpu.memory_space<vmem>>
    %dma_wait3A_1405 = tpu.memref_squeeze %dma_wait3A_1404 : memref<1x1xi32, #tpu.memory_space<vmem>> -> memref<1xi32, #tpu.memory_space<vmem>>
    %dma_wait3A_1406 = arith.constant 0 : i32
    %dma_wait3A_1407 = arith.constant 0 : i32
    %dma_wait3A_1408 = arith.constant 0 : i32
    %dma_wait3A_1409 = tpu.memref_slice %arg2[%dma_wait3A_1406, %dma_wait3A_1407, %dma_wait3A_1408] : memref<8192x128x128xf32, #tpu.memory_space<hbm>> -> memref<8192x128x128xf32, #tpu.memory_space<hbm>>
    tpu.wait_indirect_dma semaphore(%arg16 : memref<!tpu.dma_semaphore, #tpu.memory_space<semaphore_mem>>) src(%dma_wait3A_1409 : memref<8192x128x128xf32, #tpu.memory_space<hbm>>) dst(%arg9 : memref<1x128x128xf32, #tpu.memory_space<vmem>>)
    %mul3A_1410 = arith.constant 32 : i32
    %mul3A_1411 = arith.muli %add3A, %mul3A_1410 : i32
    %add3A_1412 = arith.constant 21 : i32
    %add3A_1413 = arith.addi %mul3A_1411, %add3A_1412 : i32
    %dma_start3A_1414 = arith.constant 0 : i32
    %dma_start3A_1415 = arith.constant 0 : i32
    %dma_start3A_1416 = tpu.memref_slice %arg4[%add3A_1413, %dma_start3A_1414, %dma_start3A_1415] : memref<1024x128x128xf32, #tpu.memory_space<hbm>> -> memref<1x128x128xf32, #tpu.memory_space<hbm>>
    %dma_start3A_1417 = arith.constant 0 : i32
    %dma_start3A_1418 = arith.constant 0 : i32
    %dma_start3A_1419 = tpu.memref_slice %arg4[%add3A_1413, %dma_start3A_1417, %dma_start3A_1418] : memref<1024x128x128xf32, #tpu.memory_space<hbm>> -> memref<1x128x128xf32, #tpu.memory_space<hbm>>
    tpu.enqueue_dma source(%arg9 : memref<1x128x128xf32, #tpu.memory_space<vmem>>) target(%dma_start3A_1419 : memref<1x128x128xf32, #tpu.memory_space<hbm>>) target_semaphore(%arg23 : memref<!tpu.dma_semaphore, #tpu.memory_space<semaphore_mem>>)
    %dma_wait3A_1420 = arith.constant 0 : i32
    %dma_wait3A_1421 = arith.constant 0 : i32
    %dma_wait3A_1422 = tpu.memref_slice %arg4[%add3A_1285, %dma_wait3A_1420, %dma_wait3A_1421] : memref<1024x128x128xf32, #tpu.memory_space<hbm>> -> memref<1x128x128xf32, #tpu.memory_space<hbm>>
    %dma_wait3A_1423 = arith.constant 0 : i32
    %dma_wait3A_1424 = arith.constant 0 : i32
    %dma_wait3A_1425 = tpu.memref_slice %arg4[%add3A_1285, %dma_wait3A_1423, %dma_wait3A_1424] : memref<1024x128x128xf32, #tpu.memory_space<hbm>> -> memref<1x128x128xf32, #tpu.memory_space<hbm>>
    tpu.wait_dma2 semaphore(%arg26 : memref<!tpu.dma_semaphore, #tpu.memory_space<semaphore_mem>>) src(%arg12 : memref<1x128x128xf32, #tpu.memory_space<vmem>>) dst(%dma_wait3A_1425 : memref<1x128x128xf32, #tpu.memory_space<hbm>>)
    %dma_start3A_1426 = arith.constant 1 : i32
    %dma_start3A_1427 = arith.constant 7 : i32
    %dma_start3A_1428 = tpu.memref_slice %arg6[%dma_start3A_1426, %dma_start3A_1427] : memref<2x16xi32, #tpu.memory_space<vmem>> -> memref<1x1xi32, #tpu.memory_space<vmem>>
    %dma_start3A_1429 = tpu.memref_squeeze %dma_start3A_1428 : memref<1x1xi32, #tpu.memory_space<vmem>> -> memref<1xi32, #tpu.memory_space<vmem>>
    %dma_start3A_1430 = arith.constant 0 : i32
    %dma_start3A_1431 = arith.constant 0 : i32
    %dma_start3A_1432 = arith.constant 0 : i32
    %dma_start3A_1433 = tpu.memref_slice %arg2[%dma_start3A_1430, %dma_start3A_1431, %dma_start3A_1432] : memref<8192x128x128xf32, #tpu.memory_space<hbm>> -> memref<8192x128x128xf32, #tpu.memory_space<hbm>>
    tpu.enqueue_indirect_dma source(%dma_start3A_1433 : memref<8192x128x128xf32, #tpu.memory_space<hbm>>) target(%arg12 : memref<1x128x128xf32, #tpu.memory_space<vmem>>) offsets(%dma_start3A_1429 : memref<1xi32, #tpu.memory_space<vmem>>) semaphore(%arg19 : memref<!tpu.dma_semaphore, #tpu.memory_space<semaphore_mem>>)
    %dma_wait3A_1434 = arith.constant 1 : i32
    %dma_wait3A_1435 = arith.constant 6 : i32
    %dma_wait3A_1436 = tpu.memref_slice %arg6[%dma_wait3A_1434, %dma_wait3A_1435] : memref<2x16xi32, #tpu.memory_space<vmem>> -> memref<1x1xi32, #tpu.memory_space<vmem>>
    %dma_wait3A_1437 = tpu.memref_squeeze %dma_wait3A_1436 : memref<1x1xi32, #tpu.memory_space<vmem>> -> memref<1xi32, #tpu.memory_space<vmem>>
    %dma_wait3A_1438 = arith.constant 0 : i32
    %dma_wait3A_1439 = arith.constant 0 : i32
    %dma_wait3A_1440 = arith.constant 0 : i32
    %dma_wait3A_1441 = tpu.memref_slice %arg2[%dma_wait3A_1438, %dma_wait3A_1439, %dma_wait3A_1440] : memref<8192x128x128xf32, #tpu.memory_space<hbm>> -> memref<8192x128x128xf32, #tpu.memory_space<hbm>>
    tpu.wait_indirect_dma semaphore(%arg17 : memref<!tpu.dma_semaphore, #tpu.memory_space<semaphore_mem>>) src(%dma_wait3A_1441 : memref<8192x128x128xf32, #tpu.memory_space<hbm>>) dst(%arg10 : memref<1x128x128xf32, #tpu.memory_space<vmem>>)
    %mul3A_1442 = arith.constant 32 : i32
    %mul3A_1443 = arith.muli %add3A, %mul3A_1442 : i32
    %add3A_1444 = arith.constant 22 : i32
    %add3A_1445 = arith.addi %mul3A_1443, %add3A_1444 : i32
    %dma_start3A_1446 = arith.constant 0 : i32
    %dma_start3A_1447 = arith.constant 0 : i32
    %dma_start3A_1448 = tpu.memref_slice %arg5[%add3A_1445, %dma_start3A_1446, %dma_start3A_1447] : memref<1024x128x128xf32, #tpu.memory_space<hbm>> -> memref<1x128x128xf32, #tpu.memory_space<hbm>>
    %dma_start3A_1449 = arith.constant 0 : i32
    %dma_start3A_1450 = arith.constant 0 : i32
    %dma_start3A_1451 = tpu.memref_slice %arg5[%add3A_1445, %dma_start3A_1449, %dma_start3A_1450] : memref<1024x128x128xf32, #tpu.memory_space<hbm>> -> memref<1x128x128xf32, #tpu.memory_space<hbm>>
    tpu.enqueue_dma source(%arg10 : memref<1x128x128xf32, #tpu.memory_space<vmem>>) target(%dma_start3A_1451 : memref<1x128x128xf32, #tpu.memory_space<hbm>>) target_semaphore(%arg24 : memref<!tpu.dma_semaphore, #tpu.memory_space<semaphore_mem>>)
    %dma_wait3A_1452 = arith.constant 0 : i32
    %dma_wait3A_1453 = arith.constant 0 : i32
    %dma_wait3A_1454 = tpu.memref_slice %arg5[%add3A_1317, %dma_wait3A_1452, %dma_wait3A_1453] : memref<1024x128x128xf32, #tpu.memory_space<hbm>> -> memref<1x128x128xf32, #tpu.memory_space<hbm>>
    %dma_wait3A_1455 = arith.constant 0 : i32
    %dma_wait3A_1456 = arith.constant 0 : i32
    %dma_wait3A_1457 = tpu.memref_slice %arg5[%add3A_1317, %dma_wait3A_1455, %dma_wait3A_1456] : memref<1024x128x128xf32, #tpu.memory_space<hbm>> -> memref<1x128x128xf32, #tpu.memory_space<hbm>>
    tpu.wait_dma2 semaphore(%arg27 : memref<!tpu.dma_semaphore, #tpu.memory_space<semaphore_mem>>) src(%arg13 : memref<1x128x128xf32, #tpu.memory_space<vmem>>) dst(%dma_wait3A_1457 : memref<1x128x128xf32, #tpu.memory_space<hbm>>)
    %dma_start3A_1458 = arith.constant 1 : i32
    %dma_start3A_1459 = arith.constant 7 : i32
    %dma_start3A_1460 = tpu.memref_slice %arg7[%dma_start3A_1458, %dma_start3A_1459] : memref<2x16xi32, #tpu.memory_space<vmem>> -> memref<1x1xi32, #tpu.memory_space<vmem>>
    %dma_start3A_1461 = tpu.memref_squeeze %dma_start3A_1460 : memref<1x1xi32, #tpu.memory_space<vmem>> -> memref<1xi32, #tpu.memory_space<vmem>>
    %dma_start3A_1462 = arith.constant 0 : i32
    %dma_start3A_1463 = arith.constant 0 : i32
    %dma_start3A_1464 = arith.constant 0 : i32
    %dma_start3A_1465 = tpu.memref_slice %arg2[%dma_start3A_1462, %dma_start3A_1463, %dma_start3A_1464] : memref<8192x128x128xf32, #tpu.memory_space<hbm>> -> memref<8192x128x128xf32, #tpu.memory_space<hbm>>
    tpu.enqueue_indirect_dma source(%dma_start3A_1465 : memref<8192x128x128xf32, #tpu.memory_space<hbm>>) target(%arg13 : memref<1x128x128xf32, #tpu.memory_space<vmem>>) offsets(%dma_start3A_1461 : memref<1xi32, #tpu.memory_space<vmem>>) semaphore(%arg20 : memref<!tpu.dma_semaphore, #tpu.memory_space<semaphore_mem>>)
    %dma_wait3A_1466 = arith.constant 1 : i32
    %dma_wait3A_1467 = arith.constant 6 : i32
    %dma_wait3A_1468 = tpu.memref_slice %arg7[%dma_wait3A_1466, %dma_wait3A_1467] : memref<2x16xi32, #tpu.memory_space<vmem>> -> memref<1x1xi32, #tpu.memory_space<vmem>>
    %dma_wait3A_1469 = tpu.memref_squeeze %dma_wait3A_1468 : memref<1x1xi32, #tpu.memory_space<vmem>> -> memref<1xi32, #tpu.memory_space<vmem>>
    %dma_wait3A_1470 = arith.constant 0 : i32
    %dma_wait3A_1471 = arith.constant 0 : i32
    %dma_wait3A_1472 = arith.constant 0 : i32
    %dma_wait3A_1473 = tpu.memref_slice %arg2[%dma_wait3A_1470, %dma_wait3A_1471, %dma_wait3A_1472] : memref<8192x128x128xf32, #tpu.memory_space<hbm>> -> memref<8192x128x128xf32, #tpu.memory_space<hbm>>
    tpu.wait_indirect_dma semaphore(%arg18 : memref<!tpu.dma_semaphore, #tpu.memory_space<semaphore_mem>>) src(%dma_wait3A_1473 : memref<8192x128x128xf32, #tpu.memory_space<hbm>>) dst(%arg11 : memref<1x128x128xf32, #tpu.memory_space<vmem>>)
    %mul3A_1474 = arith.constant 32 : i32
    %mul3A_1475 = arith.muli %add3A, %mul3A_1474 : i32
    %add3A_1476 = arith.constant 22 : i32
    %add3A_1477 = arith.addi %mul3A_1475, %add3A_1476 : i32
    %dma_start3A_1478 = arith.constant 0 : i32
    %dma_start3A_1479 = arith.constant 0 : i32
    %dma_start3A_1480 = tpu.memref_slice %arg4[%add3A_1477, %dma_start3A_1478, %dma_start3A_1479] : memref<1024x128x128xf32, #tpu.memory_space<hbm>> -> memref<1x128x128xf32, #tpu.memory_space<hbm>>
    %dma_start3A_1481 = arith.constant 0 : i32
    %dma_start3A_1482 = arith.constant 0 : i32
    %dma_start3A_1483 = tpu.memref_slice %arg4[%add3A_1477, %dma_start3A_1481, %dma_start3A_1482] : memref<1024x128x128xf32, #tpu.memory_space<hbm>> -> memref<1x128x128xf32, #tpu.memory_space<hbm>>
    tpu.enqueue_dma source(%arg11 : memref<1x128x128xf32, #tpu.memory_space<vmem>>) target(%dma_start3A_1483 : memref<1x128x128xf32, #tpu.memory_space<hbm>>) target_semaphore(%arg25 : memref<!tpu.dma_semaphore, #tpu.memory_space<semaphore_mem>>)
    %dma_wait3A_1484 = arith.constant 0 : i32
    %dma_wait3A_1485 = arith.constant 0 : i32
    %dma_wait3A_1486 = tpu.memref_slice %arg4[%add3A_1349, %dma_wait3A_1484, %dma_wait3A_1485] : memref<1024x128x128xf32, #tpu.memory_space<hbm>> -> memref<1x128x128xf32, #tpu.memory_space<hbm>>
    %dma_wait3A_1487 = arith.constant 0 : i32
    %dma_wait3A_1488 = arith.constant 0 : i32
    %dma_wait3A_1489 = tpu.memref_slice %arg4[%add3A_1349, %dma_wait3A_1487, %dma_wait3A_1488] : memref<1024x128x128xf32, #tpu.memory_space<hbm>> -> memref<1x128x128xf32, #tpu.memory_space<hbm>>
    tpu.wait_dma2 semaphore(%arg28 : memref<!tpu.dma_semaphore, #tpu.memory_space<semaphore_mem>>) src(%arg14 : memref<1x128x128xf32, #tpu.memory_space<vmem>>) dst(%dma_wait3A_1489 : memref<1x128x128xf32, #tpu.memory_space<hbm>>)
    %dma_start3A_1490 = arith.constant 1 : i32
    %dma_start3A_1491 = arith.constant 8 : i32
    %dma_start3A_1492 = tpu.memref_slice %arg6[%dma_start3A_1490, %dma_start3A_1491] : memref<2x16xi32, #tpu.memory_space<vmem>> -> memref<1x1xi32, #tpu.memory_space<vmem>>
    %dma_start3A_1493 = tpu.memref_squeeze %dma_start3A_1492 : memref<1x1xi32, #tpu.memory_space<vmem>> -> memref<1xi32, #tpu.memory_space<vmem>>
    %dma_start3A_1494 = arith.constant 0 : i32
    %dma_start3A_1495 = arith.constant 0 : i32
    %dma_start3A_1496 = arith.constant 0 : i32
    %dma_start3A_1497 = tpu.memref_slice %arg2[%dma_start3A_1494, %dma_start3A_1495, %dma_start3A_1496] : memref<8192x128x128xf32, #tpu.memory_space<hbm>> -> memref<8192x128x128xf32, #tpu.memory_space<hbm>>
    tpu.enqueue_indirect_dma source(%dma_start3A_1497 : memref<8192x128x128xf32, #tpu.memory_space<hbm>>) target(%arg14 : memref<1x128x128xf32, #tpu.memory_space<vmem>>) offsets(%dma_start3A_1493 : memref<1xi32, #tpu.memory_space<vmem>>) semaphore(%arg21 : memref<!tpu.dma_semaphore, #tpu.memory_space<semaphore_mem>>)
    %dma_wait3A_1498 = arith.constant 1 : i32
    %dma_wait3A_1499 = arith.constant 7 : i32
    %dma_wait3A_1500 = tpu.memref_slice %arg6[%dma_wait3A_1498, %dma_wait3A_1499] : memref<2x16xi32, #tpu.memory_space<vmem>> -> memref<1x1xi32, #tpu.memory_space<vmem>>
    %dma_wait3A_1501 = tpu.memref_squeeze %dma_wait3A_1500 : memref<1x1xi32, #tpu.memory_space<vmem>> -> memref<1xi32, #tpu.memory_space<vmem>>
    %dma_wait3A_1502 = arith.constant 0 : i32
    %dma_wait3A_1503 = arith.constant 0 : i32
    %dma_wait3A_1504 = arith.constant 0 : i32
    %dma_wait3A_1505 = tpu.memref_slice %arg2[%dma_wait3A_1502, %dma_wait3A_1503, %dma_wait3A_1504] : memref<8192x128x128xf32, #tpu.memory_space<hbm>> -> memref<8192x128x128xf32, #tpu.memory_space<hbm>>
    tpu.wait_indirect_dma semaphore(%arg19 : memref<!tpu.dma_semaphore, #tpu.memory_space<semaphore_mem>>) src(%dma_wait3A_1505 : memref<8192x128x128xf32, #tpu.memory_space<hbm>>) dst(%arg12 : memref<1x128x128xf32, #tpu.memory_space<vmem>>)
    %mul3A_1506 = arith.constant 32 : i32
    %mul3A_1507 = arith.muli %add3A, %mul3A_1506 : i32
    %add3A_1508 = arith.constant 23 : i32
    %add3A_1509 = arith.addi %mul3A_1507, %add3A_1508 : i32
    %dma_start3A_1510 = arith.constant 0 : i32
    %dma_start3A_1511 = arith.constant 0 : i32
    %dma_start3A_1512 = tpu.memref_slice %arg5[%add3A_1509, %dma_start3A_1510, %dma_start3A_1511] : memref<1024x128x128xf32, #tpu.memory_space<hbm>> -> memref<1x128x128xf32, #tpu.memory_space<hbm>>
    %dma_start3A_1513 = arith.constant 0 : i32
    %dma_start3A_1514 = arith.constant 0 : i32
    %dma_start3A_1515 = tpu.memref_slice %arg5[%add3A_1509, %dma_start3A_1513, %dma_start3A_1514] : memref<1024x128x128xf32, #tpu.memory_space<hbm>> -> memref<1x128x128xf32, #tpu.memory_space<hbm>>
    tpu.enqueue_dma source(%arg12 : memref<1x128x128xf32, #tpu.memory_space<vmem>>) target(%dma_start3A_1515 : memref<1x128x128xf32, #tpu.memory_space<hbm>>) target_semaphore(%arg26 : memref<!tpu.dma_semaphore, #tpu.memory_space<semaphore_mem>>)
    %dma_wait3A_1516 = arith.constant 0 : i32
    %dma_wait3A_1517 = arith.constant 0 : i32
    %dma_wait3A_1518 = tpu.memref_slice %arg5[%add3A_1381, %dma_wait3A_1516, %dma_wait3A_1517] : memref<1024x128x128xf32, #tpu.memory_space<hbm>> -> memref<1x128x128xf32, #tpu.memory_space<hbm>>
    %dma_wait3A_1519 = arith.constant 0 : i32
    %dma_wait3A_1520 = arith.constant 0 : i32
    %dma_wait3A_1521 = tpu.memref_slice %arg5[%add3A_1381, %dma_wait3A_1519, %dma_wait3A_1520] : memref<1024x128x128xf32, #tpu.memory_space<hbm>> -> memref<1x128x128xf32, #tpu.memory_space<hbm>>
    tpu.wait_dma2 semaphore(%arg22 : memref<!tpu.dma_semaphore, #tpu.memory_space<semaphore_mem>>) src(%arg8 : memref<1x128x128xf32, #tpu.memory_space<vmem>>) dst(%dma_wait3A_1521 : memref<1x128x128xf32, #tpu.memory_space<hbm>>)
    %dma_start3A_1522 = arith.constant 1 : i32
    %dma_start3A_1523 = arith.constant 8 : i32
    %dma_start3A_1524 = tpu.memref_slice %arg7[%dma_start3A_1522, %dma_start3A_1523] : memref<2x16xi32, #tpu.memory_space<vmem>> -> memref<1x1xi32, #tpu.memory_space<vmem>>
    %dma_start3A_1525 = tpu.memref_squeeze %dma_start3A_1524 : memref<1x1xi32, #tpu.memory_space<vmem>> -> memref<1xi32, #tpu.memory_space<vmem>>
    %dma_start3A_1526 = arith.constant 0 : i32
    %dma_start3A_1527 = arith.constant 0 : i32
    %dma_start3A_1528 = arith.constant 0 : i32
    %dma_start3A_1529 = tpu.memref_slice %arg2[%dma_start3A_1526, %dma_start3A_1527, %dma_start3A_1528] : memref<8192x128x128xf32, #tpu.memory_space<hbm>> -> memref<8192x128x128xf32, #tpu.memory_space<hbm>>
    tpu.enqueue_indirect_dma source(%dma_start3A_1529 : memref<8192x128x128xf32, #tpu.memory_space<hbm>>) target(%arg8 : memref<1x128x128xf32, #tpu.memory_space<vmem>>) offsets(%dma_start3A_1525 : memref<1xi32, #tpu.memory_space<vmem>>) semaphore(%arg15 : memref<!tpu.dma_semaphore, #tpu.memory_space<semaphore_mem>>)
    %dma_wait3A_1530 = arith.constant 1 : i32
    %dma_wait3A_1531 = arith.constant 7 : i32
    %dma_wait3A_1532 = tpu.memref_slice %arg7[%dma_wait3A_1530, %dma_wait3A_1531] : memref<2x16xi32, #tpu.memory_space<vmem>> -> memref<1x1xi32, #tpu.memory_space<vmem>>
    %dma_wait3A_1533 = tpu.memref_squeeze %dma_wait3A_1532 : memref<1x1xi32, #tpu.memory_space<vmem>> -> memref<1xi32, #tpu.memory_space<vmem>>
    %dma_wait3A_1534 = arith.constant 0 : i32
    %dma_wait3A_1535 = arith.constant 0 : i32
    %dma_wait3A_1536 = arith.constant 0 : i32
    %dma_wait3A_1537 = tpu.memref_slice %arg2[%dma_wait3A_1534, %dma_wait3A_1535, %dma_wait3A_1536] : memref<8192x128x128xf32, #tpu.memory_space<hbm>> -> memref<8192x128x128xf32, #tpu.memory_space<hbm>>
    tpu.wait_indirect_dma semaphore(%arg20 : memref<!tpu.dma_semaphore, #tpu.memory_space<semaphore_mem>>) src(%dma_wait3A_1537 : memref<8192x128x128xf32, #tpu.memory_space<hbm>>) dst(%arg13 : memref<1x128x128xf32, #tpu.memory_space<vmem>>)
    %mul3A_1538 = arith.constant 32 : i32
    %mul3A_1539 = arith.muli %add3A, %mul3A_1538 : i32
    %add3A_1540 = arith.constant 23 : i32
    %add3A_1541 = arith.addi %mul3A_1539, %add3A_1540 : i32
    %dma_start3A_1542 = arith.constant 0 : i32
    %dma_start3A_1543 = arith.constant 0 : i32
    %dma_start3A_1544 = tpu.memref_slice %arg4[%add3A_1541, %dma_start3A_1542, %dma_start3A_1543] : memref<1024x128x128xf32, #tpu.memory_space<hbm>> -> memref<1x128x128xf32, #tpu.memory_space<hbm>>
    %dma_start3A_1545 = arith.constant 0 : i32
    %dma_start3A_1546 = arith.constant 0 : i32
    %dma_start3A_1547 = tpu.memref_slice %arg4[%add3A_1541, %dma_start3A_1545, %dma_start3A_1546] : memref<1024x128x128xf32, #tpu.memory_space<hbm>> -> memref<1x128x128xf32, #tpu.memory_space<hbm>>
    tpu.enqueue_dma source(%arg13 : memref<1x128x128xf32, #tpu.memory_space<vmem>>) target(%dma_start3A_1547 : memref<1x128x128xf32, #tpu.memory_space<hbm>>) target_semaphore(%arg27 : memref<!tpu.dma_semaphore, #tpu.memory_space<semaphore_mem>>)
    %dma_wait3A_1548 = arith.constant 0 : i32
    %dma_wait3A_1549 = arith.constant 0 : i32
    %dma_wait3A_1550 = tpu.memref_slice %arg4[%add3A_1413, %dma_wait3A_1548, %dma_wait3A_1549] : memref<1024x128x128xf32, #tpu.memory_space<hbm>> -> memref<1x128x128xf32, #tpu.memory_space<hbm>>
    %dma_wait3A_1551 = arith.constant 0 : i32
    %dma_wait3A_1552 = arith.constant 0 : i32
    %dma_wait3A_1553 = tpu.memref_slice %arg4[%add3A_1413, %dma_wait3A_1551, %dma_wait3A_1552] : memref<1024x128x128xf32, #tpu.memory_space<hbm>> -> memref<1x128x128xf32, #tpu.memory_space<hbm>>
    tpu.wait_dma2 semaphore(%arg23 : memref<!tpu.dma_semaphore, #tpu.memory_space<semaphore_mem>>) src(%arg9 : memref<1x128x128xf32, #tpu.memory_space<vmem>>) dst(%dma_wait3A_1553 : memref<1x128x128xf32, #tpu.memory_space<hbm>>)
    %dma_start3A_1554 = arith.constant 1 : i32
    %dma_start3A_1555 = arith.constant 9 : i32
    %dma_start3A_1556 = tpu.memref_slice %arg6[%dma_start3A_1554, %dma_start3A_1555] : memref<2x16xi32, #tpu.memory_space<vmem>> -> memref<1x1xi32, #tpu.memory_space<vmem>>
    %dma_start3A_1557 = tpu.memref_squeeze %dma_start3A_1556 : memref<1x1xi32, #tpu.memory_space<vmem>> -> memref<1xi32, #tpu.memory_space<vmem>>
    %dma_start3A_1558 = arith.constant 0 : i32
    %dma_start3A_1559 = arith.constant 0 : i32
    %dma_start3A_1560 = arith.constant 0 : i32
    %dma_start3A_1561 = tpu.memref_slice %arg2[%dma_start3A_1558, %dma_start3A_1559, %dma_start3A_1560] : memref<8192x128x128xf32, #tpu.memory_space<hbm>> -> memref<8192x128x128xf32, #tpu.memory_space<hbm>>
    tpu.enqueue_indirect_dma source(%dma_start3A_1561 : memref<8192x128x128xf32, #tpu.memory_space<hbm>>) target(%arg9 : memref<1x128x128xf32, #tpu.memory_space<vmem>>) offsets(%dma_start3A_1557 : memref<1xi32, #tpu.memory_space<vmem>>) semaphore(%arg16 : memref<!tpu.dma_semaphore, #tpu.memory_space<semaphore_mem>>)
    %dma_wait3A_1562 = arith.constant 1 : i32
    %dma_wait3A_1563 = arith.constant 8 : i32
    %dma_wait3A_1564 = tpu.memref_slice %arg6[%dma_wait3A_1562, %dma_wait3A_1563] : memref<2x16xi32, #tpu.memory_space<vmem>> -> memref<1x1xi32, #tpu.memory_space<vmem>>
    %dma_wait3A_1565 = tpu.memref_squeeze %dma_wait3A_1564 : memref<1x1xi32, #tpu.memory_space<vmem>> -> memref<1xi32, #tpu.memory_space<vmem>>
    %dma_wait3A_1566 = arith.constant 0 : i32
    %dma_wait3A_1567 = arith.constant 0 : i32
    %dma_wait3A_1568 = arith.constant 0 : i32
    %dma_wait3A_1569 = tpu.memref_slice %arg2[%dma_wait3A_1566, %dma_wait3A_1567, %dma_wait3A_1568] : memref<8192x128x128xf32, #tpu.memory_space<hbm>> -> memref<8192x128x128xf32, #tpu.memory_space<hbm>>
    tpu.wait_indirect_dma semaphore(%arg21 : memref<!tpu.dma_semaphore, #tpu.memory_space<semaphore_mem>>) src(%dma_wait3A_1569 : memref<8192x128x128xf32, #tpu.memory_space<hbm>>) dst(%arg14 : memref<1x128x128xf32, #tpu.memory_space<vmem>>)
    %mul3A_1570 = arith.constant 32 : i32
    %mul3A_1571 = arith.muli %add3A, %mul3A_1570 : i32
    %add3A_1572 = arith.constant 24 : i32
    %add3A_1573 = arith.addi %mul3A_1571, %add3A_1572 : i32
    %dma_start3A_1574 = arith.constant 0 : i32
    %dma_start3A_1575 = arith.constant 0 : i32
    %dma_start3A_1576 = tpu.memref_slice %arg5[%add3A_1573, %dma_start3A_1574, %dma_start3A_1575] : memref<1024x128x128xf32, #tpu.memory_space<hbm>> -> memref<1x128x128xf32, #tpu.memory_space<hbm>>
    %dma_start3A_1577 = arith.constant 0 : i32
    %dma_start3A_1578 = arith.constant 0 : i32
    %dma_start3A_1579 = tpu.memref_slice %arg5[%add3A_1573, %dma_start3A_1577, %dma_start3A_1578] : memref<1024x128x128xf32, #tpu.memory_space<hbm>> -> memref<1x128x128xf32, #tpu.memory_space<hbm>>
    tpu.enqueue_dma source(%arg14 : memref<1x128x128xf32, #tpu.memory_space<vmem>>) target(%dma_start3A_1579 : memref<1x128x128xf32, #tpu.memory_space<hbm>>) target_semaphore(%arg28 : memref<!tpu.dma_semaphore, #tpu.memory_space<semaphore_mem>>)
    %dma_wait3A_1580 = arith.constant 0 : i32
    %dma_wait3A_1581 = arith.constant 0 : i32
    %dma_wait3A_1582 = tpu.memref_slice %arg5[%add3A_1445, %dma_wait3A_1580, %dma_wait3A_1581] : memref<1024x128x128xf32, #tpu.memory_space<hbm>> -> memref<1x128x128xf32, #tpu.memory_space<hbm>>
    %dma_wait3A_1583 = arith.constant 0 : i32
    %dma_wait3A_1584 = arith.constant 0 : i32
    %dma_wait3A_1585 = tpu.memref_slice %arg5[%add3A_1445, %dma_wait3A_1583, %dma_wait3A_1584] : memref<1024x128x128xf32, #tpu.memory_space<hbm>> -> memref<1x128x128xf32, #tpu.memory_space<hbm>>
    tpu.wait_dma2 semaphore(%arg24 : memref<!tpu.dma_semaphore, #tpu.memory_space<semaphore_mem>>) src(%arg10 : memref<1x128x128xf32, #tpu.memory_space<vmem>>) dst(%dma_wait3A_1585 : memref<1x128x128xf32, #tpu.memory_space<hbm>>)
    %dma_start3A_1586 = arith.constant 1 : i32
    %dma_start3A_1587 = arith.constant 9 : i32
    %dma_start3A_1588 = tpu.memref_slice %arg7[%dma_start3A_1586, %dma_start3A_1587] : memref<2x16xi32, #tpu.memory_space<vmem>> -> memref<1x1xi32, #tpu.memory_space<vmem>>
    %dma_start3A_1589 = tpu.memref_squeeze %dma_start3A_1588 : memref<1x1xi32, #tpu.memory_space<vmem>> -> memref<1xi32, #tpu.memory_space<vmem>>
    %dma_start3A_1590 = arith.constant 0 : i32
    %dma_start3A_1591 = arith.constant 0 : i32
    %dma_start3A_1592 = arith.constant 0 : i32
    %dma_start3A_1593 = tpu.memref_slice %arg2[%dma_start3A_1590, %dma_start3A_1591, %dma_start3A_1592] : memref<8192x128x128xf32, #tpu.memory_space<hbm>> -> memref<8192x128x128xf32, #tpu.memory_space<hbm>>
    tpu.enqueue_indirect_dma source(%dma_start3A_1593 : memref<8192x128x128xf32, #tpu.memory_space<hbm>>) target(%arg10 : memref<1x128x128xf32, #tpu.memory_space<vmem>>) offsets(%dma_start3A_1589 : memref<1xi32, #tpu.memory_space<vmem>>) semaphore(%arg17 : memref<!tpu.dma_semaphore, #tpu.memory_space<semaphore_mem>>)
    %dma_wait3A_1594 = arith.constant 1 : i32
    %dma_wait3A_1595 = arith.constant 8 : i32
    %dma_wait3A_1596 = tpu.memref_slice %arg7[%dma_wait3A_1594, %dma_wait3A_1595] : memref<2x16xi32, #tpu.memory_space<vmem>> -> memref<1x1xi32, #tpu.memory_space<vmem>>
    %dma_wait3A_1597 = tpu.memref_squeeze %dma_wait3A_1596 : memref<1x1xi32, #tpu.memory_space<vmem>> -> memref<1xi32, #tpu.memory_space<vmem>>
    %dma_wait3A_1598 = arith.constant 0 : i32
    %dma_wait3A_1599 = arith.constant 0 : i32
    %dma_wait3A_1600 = arith.constant 0 : i32
    %dma_wait3A_1601 = tpu.memref_slice %arg2[%dma_wait3A_1598, %dma_wait3A_1599, %dma_wait3A_1600] : memref<8192x128x128xf32, #tpu.memory_space<hbm>> -> memref<8192x128x128xf32, #tpu.memory_space<hbm>>
    tpu.wait_indirect_dma semaphore(%arg15 : memref<!tpu.dma_semaphore, #tpu.memory_space<semaphore_mem>>) src(%dma_wait3A_1601 : memref<8192x128x128xf32, #tpu.memory_space<hbm>>) dst(%arg8 : memref<1x128x128xf32, #tpu.memory_space<vmem>>)
    %mul3A_1602 = arith.constant 32 : i32
    %mul3A_1603 = arith.muli %add3A, %mul3A_1602 : i32
    %add3A_1604 = arith.constant 24 : i32
    %add3A_1605 = arith.addi %mul3A_1603, %add3A_1604 : i32
    %dma_start3A_1606 = arith.constant 0 : i32
    %dma_start3A_1607 = arith.constant 0 : i32
    %dma_start3A_1608 = tpu.memref_slice %arg4[%add3A_1605, %dma_start3A_1606, %dma_start3A_1607] : memref<1024x128x128xf32, #tpu.memory_space<hbm>> -> memref<1x128x128xf32, #tpu.memory_space<hbm>>
    %dma_start3A_1609 = arith.constant 0 : i32
    %dma_start3A_1610 = arith.constant 0 : i32
    %dma_start3A_1611 = tpu.memref_slice %arg4[%add3A_1605, %dma_start3A_1609, %dma_start3A_1610] : memref<1024x128x128xf32, #tpu.memory_space<hbm>> -> memref<1x128x128xf32, #tpu.memory_space<hbm>>
    tpu.enqueue_dma source(%arg8 : memref<1x128x128xf32, #tpu.memory_space<vmem>>) target(%dma_start3A_1611 : memref<1x128x128xf32, #tpu.memory_space<hbm>>) target_semaphore(%arg22 : memref<!tpu.dma_semaphore, #tpu.memory_space<semaphore_mem>>)
    %dma_wait3A_1612 = arith.constant 0 : i32
    %dma_wait3A_1613 = arith.constant 0 : i32
    %dma_wait3A_1614 = tpu.memref_slice %arg4[%add3A_1477, %dma_wait3A_1612, %dma_wait3A_1613] : memref<1024x128x128xf32, #tpu.memory_space<hbm>> -> memref<1x128x128xf32, #tpu.memory_space<hbm>>
    %dma_wait3A_1615 = arith.constant 0 : i32
    %dma_wait3A_1616 = arith.constant 0 : i32
    %dma_wait3A_1617 = tpu.memref_slice %arg4[%add3A_1477, %dma_wait3A_1615, %dma_wait3A_1616] : memref<1024x128x128xf32, #tpu.memory_space<hbm>> -> memref<1x128x128xf32, #tpu.memory_space<hbm>>
    tpu.wait_dma2 semaphore(%arg25 : memref<!tpu.dma_semaphore, #tpu.memory_space<semaphore_mem>>) src(%arg11 : memref<1x128x128xf32, #tpu.memory_space<vmem>>) dst(%dma_wait3A_1617 : memref<1x128x128xf32, #tpu.memory_space<hbm>>)
    %dma_start3A_1618 = arith.constant 1 : i32
    %dma_start3A_1619 = arith.constant 10 : i32
    %dma_start3A_1620 = tpu.memref_slice %arg6[%dma_start3A_1618, %dma_start3A_1619] : memref<2x16xi32, #tpu.memory_space<vmem>> -> memref<1x1xi32, #tpu.memory_space<vmem>>
    %dma_start3A_1621 = tpu.memref_squeeze %dma_start3A_1620 : memref<1x1xi32, #tpu.memory_space<vmem>> -> memref<1xi32, #tpu.memory_space<vmem>>
    %dma_start3A_1622 = arith.constant 0 : i32
    %dma_start3A_1623 = arith.constant 0 : i32
    %dma_start3A_1624 = arith.constant 0 : i32
    %dma_start3A_1625 = tpu.memref_slice %arg2[%dma_start3A_1622, %dma_start3A_1623, %dma_start3A_1624] : memref<8192x128x128xf32, #tpu.memory_space<hbm>> -> memref<8192x128x128xf32, #tpu.memory_space<hbm>>
    tpu.enqueue_indirect_dma source(%dma_start3A_1625 : memref<8192x128x128xf32, #tpu.memory_space<hbm>>) target(%arg11 : memref<1x128x128xf32, #tpu.memory_space<vmem>>) offsets(%dma_start3A_1621 : memref<1xi32, #tpu.memory_space<vmem>>) semaphore(%arg18 : memref<!tpu.dma_semaphore, #tpu.memory_space<semaphore_mem>>)
    %dma_wait3A_1626 = arith.constant 1 : i32
    %dma_wait3A_1627 = arith.constant 9 : i32
    %dma_wait3A_1628 = tpu.memref_slice %arg6[%dma_wait3A_1626, %dma_wait3A_1627] : memref<2x16xi32, #tpu.memory_space<vmem>> -> memref<1x1xi32, #tpu.memory_space<vmem>>
    %dma_wait3A_1629 = tpu.memref_squeeze %dma_wait3A_1628 : memref<1x1xi32, #tpu.memory_space<vmem>> -> memref<1xi32, #tpu.memory_space<vmem>>
    %dma_wait3A_1630 = arith.constant 0 : i32
    %dma_wait3A_1631 = arith.constant 0 : i32
    %dma_wait3A_1632 = arith.constant 0 : i32
    %dma_wait3A_1633 = tpu.memref_slice %arg2[%dma_wait3A_1630, %dma_wait3A_1631, %dma_wait3A_1632] : memref<8192x128x128xf32, #tpu.memory_space<hbm>> -> memref<8192x128x128xf32, #tpu.memory_space<hbm>>
    tpu.wait_indirect_dma semaphore(%arg16 : memref<!tpu.dma_semaphore, #tpu.memory_space<semaphore_mem>>) src(%dma_wait3A_1633 : memref<8192x128x128xf32, #tpu.memory_space<hbm>>) dst(%arg9 : memref<1x128x128xf32, #tpu.memory_space<vmem>>)
    %mul3A_1634 = arith.constant 32 : i32
    %mul3A_1635 = arith.muli %add3A, %mul3A_1634 : i32
    %add3A_1636 = arith.constant 25 : i32
    %add3A_1637 = arith.addi %mul3A_1635, %add3A_1636 : i32
    %dma_start3A_1638 = arith.constant 0 : i32
    %dma_start3A_1639 = arith.constant 0 : i32
    %dma_start3A_1640 = tpu.memref_slice %arg5[%add3A_1637, %dma_start3A_1638, %dma_start3A_1639] : memref<1024x128x128xf32, #tpu.memory_space<hbm>> -> memref<1x128x128xf32, #tpu.memory_space<hbm>>
    %dma_start3A_1641 = arith.constant 0 : i32
    %dma_start3A_1642 = arith.constant 0 : i32
    %dma_start3A_1643 = tpu.memref_slice %arg5[%add3A_1637, %dma_start3A_1641, %dma_start3A_1642] : memref<1024x128x128xf32, #tpu.memory_space<hbm>> -> memref<1x128x128xf32, #tpu.memory_space<hbm>>
    tpu.enqueue_dma source(%arg9 : memref<1x128x128xf32, #tpu.memory_space<vmem>>) target(%dma_start3A_1643 : memref<1x128x128xf32, #tpu.memory_space<hbm>>) target_semaphore(%arg23 : memref<!tpu.dma_semaphore, #tpu.memory_space<semaphore_mem>>)
    %dma_wait3A_1644 = arith.constant 0 : i32
    %dma_wait3A_1645 = arith.constant 0 : i32
    %dma_wait3A_1646 = tpu.memref_slice %arg5[%add3A_1509, %dma_wait3A_1644, %dma_wait3A_1645] : memref<1024x128x128xf32, #tpu.memory_space<hbm>> -> memref<1x128x128xf32, #tpu.memory_space<hbm>>
    %dma_wait3A_1647 = arith.constant 0 : i32
    %dma_wait3A_1648 = arith.constant 0 : i32
    %dma_wait3A_1649 = tpu.memref_slice %arg5[%add3A_1509, %dma_wait3A_1647, %dma_wait3A_1648] : memref<1024x128x128xf32, #tpu.memory_space<hbm>> -> memref<1x128x128xf32, #tpu.memory_space<hbm>>
    tpu.wait_dma2 semaphore(%arg26 : memref<!tpu.dma_semaphore, #tpu.memory_space<semaphore_mem>>) src(%arg12 : memref<1x128x128xf32, #tpu.memory_space<vmem>>) dst(%dma_wait3A_1649 : memref<1x128x128xf32, #tpu.memory_space<hbm>>)
    %dma_start3A_1650 = arith.constant 1 : i32
    %dma_start3A_1651 = arith.constant 10 : i32
    %dma_start3A_1652 = tpu.memref_slice %arg7[%dma_start3A_1650, %dma_start3A_1651] : memref<2x16xi32, #tpu.memory_space<vmem>> -> memref<1x1xi32, #tpu.memory_space<vmem>>
    %dma_start3A_1653 = tpu.memref_squeeze %dma_start3A_1652 : memref<1x1xi32, #tpu.memory_space<vmem>> -> memref<1xi32, #tpu.memory_space<vmem>>
    %dma_start3A_1654 = arith.constant 0 : i32
    %dma_start3A_1655 = arith.constant 0 : i32
    %dma_start3A_1656 = arith.constant 0 : i32
    %dma_start3A_1657 = tpu.memref_slice %arg2[%dma_start3A_1654, %dma_start3A_1655, %dma_start3A_1656] : memref<8192x128x128xf32, #tpu.memory_space<hbm>> -> memref<8192x128x128xf32, #tpu.memory_space<hbm>>
    tpu.enqueue_indirect_dma source(%dma_start3A_1657 : memref<8192x128x128xf32, #tpu.memory_space<hbm>>) target(%arg12 : memref<1x128x128xf32, #tpu.memory_space<vmem>>) offsets(%dma_start3A_1653 : memref<1xi32, #tpu.memory_space<vmem>>) semaphore(%arg19 : memref<!tpu.dma_semaphore, #tpu.memory_space<semaphore_mem>>)
    %dma_wait3A_1658 = arith.constant 1 : i32
    %dma_wait3A_1659 = arith.constant 9 : i32
    %dma_wait3A_1660 = tpu.memref_slice %arg7[%dma_wait3A_1658, %dma_wait3A_1659] : memref<2x16xi32, #tpu.memory_space<vmem>> -> memref<1x1xi32, #tpu.memory_space<vmem>>
    %dma_wait3A_1661 = tpu.memref_squeeze %dma_wait3A_1660 : memref<1x1xi32, #tpu.memory_space<vmem>> -> memref<1xi32, #tpu.memory_space<vmem>>
    %dma_wait3A_1662 = arith.constant 0 : i32
    %dma_wait3A_1663 = arith.constant 0 : i32
    %dma_wait3A_1664 = arith.constant 0 : i32
    %dma_wait3A_1665 = tpu.memref_slice %arg2[%dma_wait3A_1662, %dma_wait3A_1663, %dma_wait3A_1664] : memref<8192x128x128xf32, #tpu.memory_space<hbm>> -> memref<8192x128x128xf32, #tpu.memory_space<hbm>>
    tpu.wait_indirect_dma semaphore(%arg17 : memref<!tpu.dma_semaphore, #tpu.memory_space<semaphore_mem>>) src(%dma_wait3A_1665 : memref<8192x128x128xf32, #tpu.memory_space<hbm>>) dst(%arg10 : memref<1x128x128xf32, #tpu.memory_space<vmem>>)
    %mul3A_1666 = arith.constant 32 : i32
    %mul3A_1667 = arith.muli %add3A, %mul3A_1666 : i32
    %add3A_1668 = arith.constant 25 : i32
    %add3A_1669 = arith.addi %mul3A_1667, %add3A_1668 : i32
    %dma_start3A_1670 = arith.constant 0 : i32
    %dma_start3A_1671 = arith.constant 0 : i32
    %dma_start3A_1672 = tpu.memref_slice %arg4[%add3A_1669, %dma_start3A_1670, %dma_start3A_1671] : memref<1024x128x128xf32, #tpu.memory_space<hbm>> -> memref<1x128x128xf32, #tpu.memory_space<hbm>>
    %dma_start3A_1673 = arith.constant 0 : i32
    %dma_start3A_1674 = arith.constant 0 : i32
    %dma_start3A_1675 = tpu.memref_slice %arg4[%add3A_1669, %dma_start3A_1673, %dma_start3A_1674] : memref<1024x128x128xf32, #tpu.memory_space<hbm>> -> memref<1x128x128xf32, #tpu.memory_space<hbm>>
    tpu.enqueue_dma source(%arg10 : memref<1x128x128xf32, #tpu.memory_space<vmem>>) target(%dma_start3A_1675 : memref<1x128x128xf32, #tpu.memory_space<hbm>>) target_semaphore(%arg24 : memref<!tpu.dma_semaphore, #tpu.memory_space<semaphore_mem>>)
    %dma_wait3A_1676 = arith.constant 0 : i32
    %dma_wait3A_1677 = arith.constant 0 : i32
    %dma_wait3A_1678 = tpu.memref_slice %arg4[%add3A_1541, %dma_wait3A_1676, %dma_wait3A_1677] : memref<1024x128x128xf32, #tpu.memory_space<hbm>> -> memref<1x128x128xf32, #tpu.memory_space<hbm>>
    %dma_wait3A_1679 = arith.constant 0 : i32
    %dma_wait3A_1680 = arith.constant 0 : i32
    %dma_wait3A_1681 = tpu.memref_slice %arg4[%add3A_1541, %dma_wait3A_1679, %dma_wait3A_1680] : memref<1024x128x128xf32, #tpu.memory_space<hbm>> -> memref<1x128x128xf32, #tpu.memory_space<hbm>>
    tpu.wait_dma2 semaphore(%arg27 : memref<!tpu.dma_semaphore, #tpu.memory_space<semaphore_mem>>) src(%arg13 : memref<1x128x128xf32, #tpu.memory_space<vmem>>) dst(%dma_wait3A_1681 : memref<1x128x128xf32, #tpu.memory_space<hbm>>)
    %dma_start3A_1682 = arith.constant 1 : i32
    %dma_start3A_1683 = arith.constant 11 : i32
    %dma_start3A_1684 = tpu.memref_slice %arg6[%dma_start3A_1682, %dma_start3A_1683] : memref<2x16xi32, #tpu.memory_space<vmem>> -> memref<1x1xi32, #tpu.memory_space<vmem>>
    %dma_start3A_1685 = tpu.memref_squeeze %dma_start3A_1684 : memref<1x1xi32, #tpu.memory_space<vmem>> -> memref<1xi32, #tpu.memory_space<vmem>>
    %dma_start3A_1686 = arith.constant 0 : i32
    %dma_start3A_1687 = arith.constant 0 : i32
    %dma_start3A_1688 = arith.constant 0 : i32
    %dma_start3A_1689 = tpu.memref_slice %arg2[%dma_start3A_1686, %dma_start3A_1687, %dma_start3A_1688] : memref<8192x128x128xf32, #tpu.memory_space<hbm>> -> memref<8192x128x128xf32, #tpu.memory_space<hbm>>
    tpu.enqueue_indirect_dma source(%dma_start3A_1689 : memref<8192x128x128xf32, #tpu.memory_space<hbm>>) target(%arg13 : memref<1x128x128xf32, #tpu.memory_space<vmem>>) offsets(%dma_start3A_1685 : memref<1xi32, #tpu.memory_space<vmem>>) semaphore(%arg20 : memref<!tpu.dma_semaphore, #tpu.memory_space<semaphore_mem>>)
    %dma_wait3A_1690 = arith.constant 1 : i32
    %dma_wait3A_1691 = arith.constant 10 : i32
    %dma_wait3A_1692 = tpu.memref_slice %arg6[%dma_wait3A_1690, %dma_wait3A_1691] : memref<2x16xi32, #tpu.memory_space<vmem>> -> memref<1x1xi32, #tpu.memory_space<vmem>>
    %dma_wait3A_1693 = tpu.memref_squeeze %dma_wait3A_1692 : memref<1x1xi32, #tpu.memory_space<vmem>> -> memref<1xi32, #tpu.memory_space<vmem>>
    %dma_wait3A_1694 = arith.constant 0 : i32
    %dma_wait3A_1695 = arith.constant 0 : i32
    %dma_wait3A_1696 = arith.constant 0 : i32
    %dma_wait3A_1697 = tpu.memref_slice %arg2[%dma_wait3A_1694, %dma_wait3A_1695, %dma_wait3A_1696] : memref<8192x128x128xf32, #tpu.memory_space<hbm>> -> memref<8192x128x128xf32, #tpu.memory_space<hbm>>
    tpu.wait_indirect_dma semaphore(%arg18 : memref<!tpu.dma_semaphore, #tpu.memory_space<semaphore_mem>>) src(%dma_wait3A_1697 : memref<8192x128x128xf32, #tpu.memory_space<hbm>>) dst(%arg11 : memref<1x128x128xf32, #tpu.memory_space<vmem>>)
    %mul3A_1698 = arith.constant 32 : i32
    %mul3A_1699 = arith.muli %add3A, %mul3A_1698 : i32
    %add3A_1700 = arith.constant 26 : i32
    %add3A_1701 = arith.addi %mul3A_1699, %add3A_1700 : i32
    %dma_start3A_1702 = arith.constant 0 : i32
    %dma_start3A_1703 = arith.constant 0 : i32
    %dma_start3A_1704 = tpu.memref_slice %arg5[%add3A_1701, %dma_start3A_1702, %dma_start3A_1703] : memref<1024x128x128xf32, #tpu.memory_space<hbm>> -> memref<1x128x128xf32, #tpu.memory_space<hbm>>
    %dma_start3A_1705 = arith.constant 0 : i32
    %dma_start3A_1706 = arith.constant 0 : i32
    %dma_start3A_1707 = tpu.memref_slice %arg5[%add3A_1701, %dma_start3A_1705, %dma_start3A_1706] : memref<1024x128x128xf32, #tpu.memory_space<hbm>> -> memref<1x128x128xf32, #tpu.memory_space<hbm>>
    tpu.enqueue_dma source(%arg11 : memref<1x128x128xf32, #tpu.memory_space<vmem>>) target(%dma_start3A_1707 : memref<1x128x128xf32, #tpu.memory_space<hbm>>) target_semaphore(%arg25 : memref<!tpu.dma_semaphore, #tpu.memory_space<semaphore_mem>>)
    %dma_wait3A_1708 = arith.constant 0 : i32
    %dma_wait3A_1709 = arith.constant 0 : i32
    %dma_wait3A_1710 = tpu.memref_slice %arg5[%add3A_1573, %dma_wait3A_1708, %dma_wait3A_1709] : memref<1024x128x128xf32, #tpu.memory_space<hbm>> -> memref<1x128x128xf32, #tpu.memory_space<hbm>>
    %dma_wait3A_1711 = arith.constant 0 : i32
    %dma_wait3A_1712 = arith.constant 0 : i32
    %dma_wait3A_1713 = tpu.memref_slice %arg5[%add3A_1573, %dma_wait3A_1711, %dma_wait3A_1712] : memref<1024x128x128xf32, #tpu.memory_space<hbm>> -> memref<1x128x128xf32, #tpu.memory_space<hbm>>
    tpu.wait_dma2 semaphore(%arg28 : memref<!tpu.dma_semaphore, #tpu.memory_space<semaphore_mem>>) src(%arg14 : memref<1x128x128xf32, #tpu.memory_space<vmem>>) dst(%dma_wait3A_1713 : memref<1x128x128xf32, #tpu.memory_space<hbm>>)
    %dma_start3A_1714 = arith.constant 1 : i32
    %dma_start3A_1715 = arith.constant 11 : i32
    %dma_start3A_1716 = tpu.memref_slice %arg7[%dma_start3A_1714, %dma_start3A_1715] : memref<2x16xi32, #tpu.memory_space<vmem>> -> memref<1x1xi32, #tpu.memory_space<vmem>>
    %dma_start3A_1717 = tpu.memref_squeeze %dma_start3A_1716 : memref<1x1xi32, #tpu.memory_space<vmem>> -> memref<1xi32, #tpu.memory_space<vmem>>
    %dma_start3A_1718 = arith.constant 0 : i32
    %dma_start3A_1719 = arith.constant 0 : i32
    %dma_start3A_1720 = arith.constant 0 : i32
    %dma_start3A_1721 = tpu.memref_slice %arg2[%dma_start3A_1718, %dma_start3A_1719, %dma_start3A_1720] : memref<8192x128x128xf32, #tpu.memory_space<hbm>> -> memref<8192x128x128xf32, #tpu.memory_space<hbm>>
    tpu.enqueue_indirect_dma source(%dma_start3A_1721 : memref<8192x128x128xf32, #tpu.memory_space<hbm>>) target(%arg14 : memref<1x128x128xf32, #tpu.memory_space<vmem>>) offsets(%dma_start3A_1717 : memref<1xi32, #tpu.memory_space<vmem>>) semaphore(%arg21 : memref<!tpu.dma_semaphore, #tpu.memory_space<semaphore_mem>>)
    %dma_wait3A_1722 = arith.constant 1 : i32
    %dma_wait3A_1723 = arith.constant 10 : i32
    %dma_wait3A_1724 = tpu.memref_slice %arg7[%dma_wait3A_1722, %dma_wait3A_1723] : memref<2x16xi32, #tpu.memory_space<vmem>> -> memref<1x1xi32, #tpu.memory_space<vmem>>
    %dma_wait3A_1725 = tpu.memref_squeeze %dma_wait3A_1724 : memref<1x1xi32, #tpu.memory_space<vmem>> -> memref<1xi32, #tpu.memory_space<vmem>>
    %dma_wait3A_1726 = arith.constant 0 : i32
    %dma_wait3A_1727 = arith.constant 0 : i32
    %dma_wait3A_1728 = arith.constant 0 : i32
    %dma_wait3A_1729 = tpu.memref_slice %arg2[%dma_wait3A_1726, %dma_wait3A_1727, %dma_wait3A_1728] : memref<8192x128x128xf32, #tpu.memory_space<hbm>> -> memref<8192x128x128xf32, #tpu.memory_space<hbm>>
    tpu.wait_indirect_dma semaphore(%arg19 : memref<!tpu.dma_semaphore, #tpu.memory_space<semaphore_mem>>) src(%dma_wait3A_1729 : memref<8192x128x128xf32, #tpu.memory_space<hbm>>) dst(%arg12 : memref<1x128x128xf32, #tpu.memory_space<vmem>>)
    %mul3A_1730 = arith.constant 32 : i32
    %mul3A_1731 = arith.muli %add3A, %mul3A_1730 : i32
    %add3A_1732 = arith.constant 26 : i32
    %add3A_1733 = arith.addi %mul3A_1731, %add3A_1732 : i32
    %dma_start3A_1734 = arith.constant 0 : i32
    %dma_start3A_1735 = arith.constant 0 : i32
    %dma_start3A_1736 = tpu.memref_slice %arg4[%add3A_1733, %dma_start3A_1734, %dma_start3A_1735] : memref<1024x128x128xf32, #tpu.memory_space<hbm>> -> memref<1x128x128xf32, #tpu.memory_space<hbm>>
    %dma_start3A_1737 = arith.constant 0 : i32
    %dma_start3A_1738 = arith.constant 0 : i32
    %dma_start3A_1739 = tpu.memref_slice %arg4[%add3A_1733, %dma_start3A_1737, %dma_start3A_1738] : memref<1024x128x128xf32, #tpu.memory_space<hbm>> -> memref<1x128x128xf32, #tpu.memory_space<hbm>>
    tpu.enqueue_dma source(%arg12 : memref<1x128x128xf32, #tpu.memory_space<vmem>>) target(%dma_start3A_1739 : memref<1x128x128xf32, #tpu.memory_space<hbm>>) target_semaphore(%arg26 : memref<!tpu.dma_semaphore, #tpu.memory_space<semaphore_mem>>)
    %dma_wait3A_1740 = arith.constant 0 : i32
    %dma_wait3A_1741 = arith.constant 0 : i32
    %dma_wait3A_1742 = tpu.memref_slice %arg4[%add3A_1605, %dma_wait3A_1740, %dma_wait3A_1741] : memref<1024x128x128xf32, #tpu.memory_space<hbm>> -> memref<1x128x128xf32, #tpu.memory_space<hbm>>
    %dma_wait3A_1743 = arith.constant 0 : i32
    %dma_wait3A_1744 = arith.constant 0 : i32
    %dma_wait3A_1745 = tpu.memref_slice %arg4[%add3A_1605, %dma_wait3A_1743, %dma_wait3A_1744] : memref<1024x128x128xf32, #tpu.memory_space<hbm>> -> memref<1x128x128xf32, #tpu.memory_space<hbm>>
    tpu.wait_dma2 semaphore(%arg22 : memref<!tpu.dma_semaphore, #tpu.memory_space<semaphore_mem>>) src(%arg8 : memref<1x128x128xf32, #tpu.memory_space<vmem>>) dst(%dma_wait3A_1745 : memref<1x128x128xf32, #tpu.memory_space<hbm>>)
    %dma_start3A_1746 = arith.constant 1 : i32
    %dma_start3A_1747 = arith.constant 12 : i32
    %dma_start3A_1748 = tpu.memref_slice %arg6[%dma_start3A_1746, %dma_start3A_1747] : memref<2x16xi32, #tpu.memory_space<vmem>> -> memref<1x1xi32, #tpu.memory_space<vmem>>
    %dma_start3A_1749 = tpu.memref_squeeze %dma_start3A_1748 : memref<1x1xi32, #tpu.memory_space<vmem>> -> memref<1xi32, #tpu.memory_space<vmem>>
    %dma_start3A_1750 = arith.constant 0 : i32
    %dma_start3A_1751 = arith.constant 0 : i32
    %dma_start3A_1752 = arith.constant 0 : i32
    %dma_start3A_1753 = tpu.memref_slice %arg2[%dma_start3A_1750, %dma_start3A_1751, %dma_start3A_1752] : memref<8192x128x128xf32, #tpu.memory_space<hbm>> -> memref<8192x128x128xf32, #tpu.memory_space<hbm>>
    tpu.enqueue_indirect_dma source(%dma_start3A_1753 : memref<8192x128x128xf32, #tpu.memory_space<hbm>>) target(%arg8 : memref<1x128x128xf32, #tpu.memory_space<vmem>>) offsets(%dma_start3A_1749 : memref<1xi32, #tpu.memory_space<vmem>>) semaphore(%arg15 : memref<!tpu.dma_semaphore, #tpu.memory_space<semaphore_mem>>)
    %dma_wait3A_1754 = arith.constant 1 : i32
    %dma_wait3A_1755 = arith.constant 11 : i32
    %dma_wait3A_1756 = tpu.memref_slice %arg6[%dma_wait3A_1754, %dma_wait3A_1755] : memref<2x16xi32, #tpu.memory_space<vmem>> -> memref<1x1xi32, #tpu.memory_space<vmem>>
    %dma_wait3A_1757 = tpu.memref_squeeze %dma_wait3A_1756 : memref<1x1xi32, #tpu.memory_space<vmem>> -> memref<1xi32, #tpu.memory_space<vmem>>
    %dma_wait3A_1758 = arith.constant 0 : i32
    %dma_wait3A_1759 = arith.constant 0 : i32
    %dma_wait3A_1760 = arith.constant 0 : i32
    %dma_wait3A_1761 = tpu.memref_slice %arg2[%dma_wait3A_1758, %dma_wait3A_1759, %dma_wait3A_1760] : memref<8192x128x128xf32, #tpu.memory_space<hbm>> -> memref<8192x128x128xf32, #tpu.memory_space<hbm>>
    tpu.wait_indirect_dma semaphore(%arg20 : memref<!tpu.dma_semaphore, #tpu.memory_space<semaphore_mem>>) src(%dma_wait3A_1761 : memref<8192x128x128xf32, #tpu.memory_space<hbm>>) dst(%arg13 : memref<1x128x128xf32, #tpu.memory_space<vmem>>)
    %mul3A_1762 = arith.constant 32 : i32
    %mul3A_1763 = arith.muli %add3A, %mul3A_1762 : i32
    %add3A_1764 = arith.constant 27 : i32
    %add3A_1765 = arith.addi %mul3A_1763, %add3A_1764 : i32
    %dma_start3A_1766 = arith.constant 0 : i32
    %dma_start3A_1767 = arith.constant 0 : i32
    %dma_start3A_1768 = tpu.memref_slice %arg5[%add3A_1765, %dma_start3A_1766, %dma_start3A_1767] : memref<1024x128x128xf32, #tpu.memory_space<hbm>> -> memref<1x128x128xf32, #tpu.memory_space<hbm>>
    %dma_start3A_1769 = arith.constant 0 : i32
    %dma_start3A_1770 = arith.constant 0 : i32
    %dma_start3A_1771 = tpu.memref_slice %arg5[%add3A_1765, %dma_start3A_1769, %dma_start3A_1770] : memref<1024x128x128xf32, #tpu.memory_space<hbm>> -> memref<1x128x128xf32, #tpu.memory_space<hbm>>
    tpu.enqueue_dma source(%arg13 : memref<1x128x128xf32, #tpu.memory_space<vmem>>) target(%dma_start3A_1771 : memref<1x128x128xf32, #tpu.memory_space<hbm>>) target_semaphore(%arg27 : memref<!tpu.dma_semaphore, #tpu.memory_space<semaphore_mem>>)
    %dma_wait3A_1772 = arith.constant 0 : i32
    %dma_wait3A_1773 = arith.constant 0 : i32
    %dma_wait3A_1774 = tpu.memref_slice %arg5[%add3A_1637, %dma_wait3A_1772, %dma_wait3A_1773] : memref<1024x128x128xf32, #tpu.memory_space<hbm>> -> memref<1x128x128xf32, #tpu.memory_space<hbm>>
    %dma_wait3A_1775 = arith.constant 0 : i32
    %dma_wait3A_1776 = arith.constant 0 : i32
    %dma_wait3A_1777 = tpu.memref_slice %arg5[%add3A_1637, %dma_wait3A_1775, %dma_wait3A_1776] : memref<1024x128x128xf32, #tpu.memory_space<hbm>> -> memref<1x128x128xf32, #tpu.memory_space<hbm>>
    tpu.wait_dma2 semaphore(%arg23 : memref<!tpu.dma_semaphore, #tpu.memory_space<semaphore_mem>>) src(%arg9 : memref<1x128x128xf32, #tpu.memory_space<vmem>>) dst(%dma_wait3A_1777 : memref<1x128x128xf32, #tpu.memory_space<hbm>>)
    %dma_start3A_1778 = arith.constant 1 : i32
    %dma_start3A_1779 = arith.constant 12 : i32
    %dma_start3A_1780 = tpu.memref_slice %arg7[%dma_start3A_1778, %dma_start3A_1779] : memref<2x16xi32, #tpu.memory_space<vmem>> -> memref<1x1xi32, #tpu.memory_space<vmem>>
    %dma_start3A_1781 = tpu.memref_squeeze %dma_start3A_1780 : memref<1x1xi32, #tpu.memory_space<vmem>> -> memref<1xi32, #tpu.memory_space<vmem>>
    %dma_start3A_1782 = arith.constant 0 : i32
    %dma_start3A_1783 = arith.constant 0 : i32
    %dma_start3A_1784 = arith.constant 0 : i32
    %dma_start3A_1785 = tpu.memref_slice %arg2[%dma_start3A_1782, %dma_start3A_1783, %dma_start3A_1784] : memref<8192x128x128xf32, #tpu.memory_space<hbm>> -> memref<8192x128x128xf32, #tpu.memory_space<hbm>>
    tpu.enqueue_indirect_dma source(%dma_start3A_1785 : memref<8192x128x128xf32, #tpu.memory_space<hbm>>) target(%arg9 : memref<1x128x128xf32, #tpu.memory_space<vmem>>) offsets(%dma_start3A_1781 : memref<1xi32, #tpu.memory_space<vmem>>) semaphore(%arg16 : memref<!tpu.dma_semaphore, #tpu.memory_space<semaphore_mem>>)
    %dma_wait3A_1786 = arith.constant 1 : i32
    %dma_wait3A_1787 = arith.constant 11 : i32
    %dma_wait3A_1788 = tpu.memref_slice %arg7[%dma_wait3A_1786, %dma_wait3A_1787] : memref<2x16xi32, #tpu.memory_space<vmem>> -> memref<1x1xi32, #tpu.memory_space<vmem>>
    %dma_wait3A_1789 = tpu.memref_squeeze %dma_wait3A_1788 : memref<1x1xi32, #tpu.memory_space<vmem>> -> memref<1xi32, #tpu.memory_space<vmem>>
    %dma_wait3A_1790 = arith.constant 0 : i32
    %dma_wait3A_1791 = arith.constant 0 : i32
    %dma_wait3A_1792 = arith.constant 0 : i32
    %dma_wait3A_1793 = tpu.memref_slice %arg2[%dma_wait3A_1790, %dma_wait3A_1791, %dma_wait3A_1792] : memref<8192x128x128xf32, #tpu.memory_space<hbm>> -> memref<8192x128x128xf32, #tpu.memory_space<hbm>>
    tpu.wait_indirect_dma semaphore(%arg21 : memref<!tpu.dma_semaphore, #tpu.memory_space<semaphore_mem>>) src(%dma_wait3A_1793 : memref<8192x128x128xf32, #tpu.memory_space<hbm>>) dst(%arg14 : memref<1x128x128xf32, #tpu.memory_space<vmem>>)
    %mul3A_1794 = arith.constant 32 : i32
    %mul3A_1795 = arith.muli %add3A, %mul3A_1794 : i32
    %add3A_1796 = arith.constant 27 : i32
    %add3A_1797 = arith.addi %mul3A_1795, %add3A_1796 : i32
    %dma_start3A_1798 = arith.constant 0 : i32
    %dma_start3A_1799 = arith.constant 0 : i32
    %dma_start3A_1800 = tpu.memref_slice %arg4[%add3A_1797, %dma_start3A_1798, %dma_start3A_1799] : memref<1024x128x128xf32, #tpu.memory_space<hbm>> -> memref<1x128x128xf32, #tpu.memory_space<hbm>>
    %dma_start3A_1801 = arith.constant 0 : i32
    %dma_start3A_1802 = arith.constant 0 : i32
    %dma_start3A_1803 = tpu.memref_slice %arg4[%add3A_1797, %dma_start3A_1801, %dma_start3A_1802] : memref<1024x128x128xf32, #tpu.memory_space<hbm>> -> memref<1x128x128xf32, #tpu.memory_space<hbm>>
    tpu.enqueue_dma source(%arg14 : memref<1x128x128xf32, #tpu.memory_space<vmem>>) target(%dma_start3A_1803 : memref<1x128x128xf32, #tpu.memory_space<hbm>>) target_semaphore(%arg28 : memref<!tpu.dma_semaphore, #tpu.memory_space<semaphore_mem>>)
    %dma_wait3A_1804 = arith.constant 0 : i32
    %dma_wait3A_1805 = arith.constant 0 : i32
    %dma_wait3A_1806 = tpu.memref_slice %arg4[%add3A_1669, %dma_wait3A_1804, %dma_wait3A_1805] : memref<1024x128x128xf32, #tpu.memory_space<hbm>> -> memref<1x128x128xf32, #tpu.memory_space<hbm>>
    %dma_wait3A_1807 = arith.constant 0 : i32
    %dma_wait3A_1808 = arith.constant 0 : i32
    %dma_wait3A_1809 = tpu.memref_slice %arg4[%add3A_1669, %dma_wait3A_1807, %dma_wait3A_1808] : memref<1024x128x128xf32, #tpu.memory_space<hbm>> -> memref<1x128x128xf32, #tpu.memory_space<hbm>>
    tpu.wait_dma2 semaphore(%arg24 : memref<!tpu.dma_semaphore, #tpu.memory_space<semaphore_mem>>) src(%arg10 : memref<1x128x128xf32, #tpu.memory_space<vmem>>) dst(%dma_wait3A_1809 : memref<1x128x128xf32, #tpu.memory_space<hbm>>)
    %dma_start3A_1810 = arith.constant 1 : i32
    %dma_start3A_1811 = arith.constant 13 : i32
    %dma_start3A_1812 = tpu.memref_slice %arg6[%dma_start3A_1810, %dma_start3A_1811] : memref<2x16xi32, #tpu.memory_space<vmem>> -> memref<1x1xi32, #tpu.memory_space<vmem>>
    %dma_start3A_1813 = tpu.memref_squeeze %dma_start3A_1812 : memref<1x1xi32, #tpu.memory_space<vmem>> -> memref<1xi32, #tpu.memory_space<vmem>>
    %dma_start3A_1814 = arith.constant 0 : i32
    %dma_start3A_1815 = arith.constant 0 : i32
    %dma_start3A_1816 = arith.constant 0 : i32
    %dma_start3A_1817 = tpu.memref_slice %arg2[%dma_start3A_1814, %dma_start3A_1815, %dma_start3A_1816] : memref<8192x128x128xf32, #tpu.memory_space<hbm>> -> memref<8192x128x128xf32, #tpu.memory_space<hbm>>
    tpu.enqueue_indirect_dma source(%dma_start3A_1817 : memref<8192x128x128xf32, #tpu.memory_space<hbm>>) target(%arg10 : memref<1x128x128xf32, #tpu.memory_space<vmem>>) offsets(%dma_start3A_1813 : memref<1xi32, #tpu.memory_space<vmem>>) semaphore(%arg17 : memref<!tpu.dma_semaphore, #tpu.memory_space<semaphore_mem>>)
    %dma_wait3A_1818 = arith.constant 1 : i32
    %dma_wait3A_1819 = arith.constant 12 : i32
    %dma_wait3A_1820 = tpu.memref_slice %arg6[%dma_wait3A_1818, %dma_wait3A_1819] : memref<2x16xi32, #tpu.memory_space<vmem>> -> memref<1x1xi32, #tpu.memory_space<vmem>>
    %dma_wait3A_1821 = tpu.memref_squeeze %dma_wait3A_1820 : memref<1x1xi32, #tpu.memory_space<vmem>> -> memref<1xi32, #tpu.memory_space<vmem>>
    %dma_wait3A_1822 = arith.constant 0 : i32
    %dma_wait3A_1823 = arith.constant 0 : i32
    %dma_wait3A_1824 = arith.constant 0 : i32
    %dma_wait3A_1825 = tpu.memref_slice %arg2[%dma_wait3A_1822, %dma_wait3A_1823, %dma_wait3A_1824] : memref<8192x128x128xf32, #tpu.memory_space<hbm>> -> memref<8192x128x128xf32, #tpu.memory_space<hbm>>
    tpu.wait_indirect_dma semaphore(%arg15 : memref<!tpu.dma_semaphore, #tpu.memory_space<semaphore_mem>>) src(%dma_wait3A_1825 : memref<8192x128x128xf32, #tpu.memory_space<hbm>>) dst(%arg8 : memref<1x128x128xf32, #tpu.memory_space<vmem>>)
    %mul3A_1826 = arith.constant 32 : i32
    %mul3A_1827 = arith.muli %add3A, %mul3A_1826 : i32
    %add3A_1828 = arith.constant 28 : i32
    %add3A_1829 = arith.addi %mul3A_1827, %add3A_1828 : i32
    %dma_start3A_1830 = arith.constant 0 : i32
    %dma_start3A_1831 = arith.constant 0 : i32
    %dma_start3A_1832 = tpu.memref_slice %arg5[%add3A_1829, %dma_start3A_1830, %dma_start3A_1831] : memref<1024x128x128xf32, #tpu.memory_space<hbm>> -> memref<1x128x128xf32, #tpu.memory_space<hbm>>
    %dma_start3A_1833 = arith.constant 0 : i32
    %dma_start3A_1834 = arith.constant 0 : i32
    %dma_start3A_1835 = tpu.memref_slice %arg5[%add3A_1829, %dma_start3A_1833, %dma_start3A_1834] : memref<1024x128x128xf32, #tpu.memory_space<hbm>> -> memref<1x128x128xf32, #tpu.memory_space<hbm>>
    tpu.enqueue_dma source(%arg8 : memref<1x128x128xf32, #tpu.memory_space<vmem>>) target(%dma_start3A_1835 : memref<1x128x128xf32, #tpu.memory_space<hbm>>) target_semaphore(%arg22 : memref<!tpu.dma_semaphore, #tpu.memory_space<semaphore_mem>>)
    %dma_wait3A_1836 = arith.constant 0 : i32
    %dma_wait3A_1837 = arith.constant 0 : i32
    %dma_wait3A_1838 = tpu.memref_slice %arg5[%add3A_1701, %dma_wait3A_1836, %dma_wait3A_1837] : memref<1024x128x128xf32, #tpu.memory_space<hbm>> -> memref<1x128x128xf32, #tpu.memory_space<hbm>>
    %dma_wait3A_1839 = arith.constant 0 : i32
    %dma_wait3A_1840 = arith.constant 0 : i32
    %dma_wait3A_1841 = tpu.memref_slice %arg5[%add3A_1701, %dma_wait3A_1839, %dma_wait3A_1840] : memref<1024x128x128xf32, #tpu.memory_space<hbm>> -> memref<1x128x128xf32, #tpu.memory_space<hbm>>
    tpu.wait_dma2 semaphore(%arg25 : memref<!tpu.dma_semaphore, #tpu.memory_space<semaphore_mem>>) src(%arg11 : memref<1x128x128xf32, #tpu.memory_space<vmem>>) dst(%dma_wait3A_1841 : memref<1x128x128xf32, #tpu.memory_space<hbm>>)
    %dma_start3A_1842 = arith.constant 1 : i32
    %dma_start3A_1843 = arith.constant 13 : i32
    %dma_start3A_1844 = tpu.memref_slice %arg7[%dma_start3A_1842, %dma_start3A_1843] : memref<2x16xi32, #tpu.memory_space<vmem>> -> memref<1x1xi32, #tpu.memory_space<vmem>>
    %dma_start3A_1845 = tpu.memref_squeeze %dma_start3A_1844 : memref<1x1xi32, #tpu.memory_space<vmem>> -> memref<1xi32, #tpu.memory_space<vmem>>
    %dma_start3A_1846 = arith.constant 0 : i32
    %dma_start3A_1847 = arith.constant 0 : i32
    %dma_start3A_1848 = arith.constant 0 : i32
    %dma_start3A_1849 = tpu.memref_slice %arg2[%dma_start3A_1846, %dma_start3A_1847, %dma_start3A_1848] : memref<8192x128x128xf32, #tpu.memory_space<hbm>> -> memref<8192x128x128xf32, #tpu.memory_space<hbm>>
    tpu.enqueue_indirect_dma source(%dma_start3A_1849 : memref<8192x128x128xf32, #tpu.memory_space<hbm>>) target(%arg11 : memref<1x128x128xf32, #tpu.memory_space<vmem>>) offsets(%dma_start3A_1845 : memref<1xi32, #tpu.memory_space<vmem>>) semaphore(%arg18 : memref<!tpu.dma_semaphore, #tpu.memory_space<semaphore_mem>>)
    %dma_wait3A_1850 = arith.constant 1 : i32
    %dma_wait3A_1851 = arith.constant 12 : i32
    %dma_wait3A_1852 = tpu.memref_slice %arg7[%dma_wait3A_1850, %dma_wait3A_1851] : memref<2x16xi32, #tpu.memory_space<vmem>> -> memref<1x1xi32, #tpu.memory_space<vmem>>
    %dma_wait3A_1853 = tpu.memref_squeeze %dma_wait3A_1852 : memref<1x1xi32, #tpu.memory_space<vmem>> -> memref<1xi32, #tpu.memory_space<vmem>>
    %dma_wait3A_1854 = arith.constant 0 : i32
    %dma_wait3A_1855 = arith.constant 0 : i32
    %dma_wait3A_1856 = arith.constant 0 : i32
    %dma_wait3A_1857 = tpu.memref_slice %arg2[%dma_wait3A_1854, %dma_wait3A_1855, %dma_wait3A_1856] : memref<8192x128x128xf32, #tpu.memory_space<hbm>> -> memref<8192x128x128xf32, #tpu.memory_space<hbm>>
    tpu.wait_indirect_dma semaphore(%arg16 : memref<!tpu.dma_semaphore, #tpu.memory_space<semaphore_mem>>) src(%dma_wait3A_1857 : memref<8192x128x128xf32, #tpu.memory_space<hbm>>) dst(%arg9 : memref<1x128x128xf32, #tpu.memory_space<vmem>>)
    %mul3A_1858 = arith.constant 32 : i32
    %mul3A_1859 = arith.muli %add3A, %mul3A_1858 : i32
    %add3A_1860 = arith.constant 28 : i32
    %add3A_1861 = arith.addi %mul3A_1859, %add3A_1860 : i32
    %dma_start3A_1862 = arith.constant 0 : i32
    %dma_start3A_1863 = arith.constant 0 : i32
    %dma_start3A_1864 = tpu.memref_slice %arg4[%add3A_1861, %dma_start3A_1862, %dma_start3A_1863] : memref<1024x128x128xf32, #tpu.memory_space<hbm>> -> memref<1x128x128xf32, #tpu.memory_space<hbm>>
    %dma_start3A_1865 = arith.constant 0 : i32
    %dma_start3A_1866 = arith.constant 0 : i32
    %dma_start3A_1867 = tpu.memref_slice %arg4[%add3A_1861, %dma_start3A_1865, %dma_start3A_1866] : memref<1024x128x128xf32, #tpu.memory_space<hbm>> -> memref<1x128x128xf32, #tpu.memory_space<hbm>>
    tpu.enqueue_dma source(%arg9 : memref<1x128x128xf32, #tpu.memory_space<vmem>>) target(%dma_start3A_1867 : memref<1x128x128xf32, #tpu.memory_space<hbm>>) target_semaphore(%arg23 : memref<!tpu.dma_semaphore, #tpu.memory_space<semaphore_mem>>)
    %dma_wait3A_1868 = arith.constant 0 : i32
    %dma_wait3A_1869 = arith.constant 0 : i32
    %dma_wait3A_1870 = tpu.memref_slice %arg4[%add3A_1733, %dma_wait3A_1868, %dma_wait3A_1869] : memref<1024x128x128xf32, #tpu.memory_space<hbm>> -> memref<1x128x128xf32, #tpu.memory_space<hbm>>
    %dma_wait3A_1871 = arith.constant 0 : i32
    %dma_wait3A_1872 = arith.constant 0 : i32
    %dma_wait3A_1873 = tpu.memref_slice %arg4[%add3A_1733, %dma_wait3A_1871, %dma_wait3A_1872] : memref<1024x128x128xf32, #tpu.memory_space<hbm>> -> memref<1x128x128xf32, #tpu.memory_space<hbm>>
    tpu.wait_dma2 semaphore(%arg26 : memref<!tpu.dma_semaphore, #tpu.memory_space<semaphore_mem>>) src(%arg12 : memref<1x128x128xf32, #tpu.memory_space<vmem>>) dst(%dma_wait3A_1873 : memref<1x128x128xf32, #tpu.memory_space<hbm>>)
    %dma_start3A_1874 = arith.constant 1 : i32
    %dma_start3A_1875 = arith.constant 14 : i32
    %dma_start3A_1876 = tpu.memref_slice %arg6[%dma_start3A_1874, %dma_start3A_1875] : memref<2x16xi32, #tpu.memory_space<vmem>> -> memref<1x1xi32, #tpu.memory_space<vmem>>
    %dma_start3A_1877 = tpu.memref_squeeze %dma_start3A_1876 : memref<1x1xi32, #tpu.memory_space<vmem>> -> memref<1xi32, #tpu.memory_space<vmem>>
    %dma_start3A_1878 = arith.constant 0 : i32
    %dma_start3A_1879 = arith.constant 0 : i32
    %dma_start3A_1880 = arith.constant 0 : i32
    %dma_start3A_1881 = tpu.memref_slice %arg2[%dma_start3A_1878, %dma_start3A_1879, %dma_start3A_1880] : memref<8192x128x128xf32, #tpu.memory_space<hbm>> -> memref<8192x128x128xf32, #tpu.memory_space<hbm>>
    tpu.enqueue_indirect_dma source(%dma_start3A_1881 : memref<8192x128x128xf32, #tpu.memory_space<hbm>>) target(%arg12 : memref<1x128x128xf32, #tpu.memory_space<vmem>>) offsets(%dma_start3A_1877 : memref<1xi32, #tpu.memory_space<vmem>>) semaphore(%arg19 : memref<!tpu.dma_semaphore, #tpu.memory_space<semaphore_mem>>)
    %dma_wait3A_1882 = arith.constant 1 : i32
    %dma_wait3A_1883 = arith.constant 13 : i32
    %dma_wait3A_1884 = tpu.memref_slice %arg6[%dma_wait3A_1882, %dma_wait3A_1883] : memref<2x16xi32, #tpu.memory_space<vmem>> -> memref<1x1xi32, #tpu.memory_space<vmem>>
    %dma_wait3A_1885 = tpu.memref_squeeze %dma_wait3A_1884 : memref<1x1xi32, #tpu.memory_space<vmem>> -> memref<1xi32, #tpu.memory_space<vmem>>
    %dma_wait3A_1886 = arith.constant 0 : i32
    %dma_wait3A_1887 = arith.constant 0 : i32
    %dma_wait3A_1888 = arith.constant 0 : i32
    %dma_wait3A_1889 = tpu.memref_slice %arg2[%dma_wait3A_1886, %dma_wait3A_1887, %dma_wait3A_1888] : memref<8192x128x128xf32, #tpu.memory_space<hbm>> -> memref<8192x128x128xf32, #tpu.memory_space<hbm>>
    tpu.wait_indirect_dma semaphore(%arg17 : memref<!tpu.dma_semaphore, #tpu.memory_space<semaphore_mem>>) src(%dma_wait3A_1889 : memref<8192x128x128xf32, #tpu.memory_space<hbm>>) dst(%arg10 : memref<1x128x128xf32, #tpu.memory_space<vmem>>)
    %mul3A_1890 = arith.constant 32 : i32
    %mul3A_1891 = arith.muli %add3A, %mul3A_1890 : i32
    %add3A_1892 = arith.constant 29 : i32
    %add3A_1893 = arith.addi %mul3A_1891, %add3A_1892 : i32
    %dma_start3A_1894 = arith.constant 0 : i32
    %dma_start3A_1895 = arith.constant 0 : i32
    %dma_start3A_1896 = tpu.memref_slice %arg5[%add3A_1893, %dma_start3A_1894, %dma_start3A_1895] : memref<1024x128x128xf32, #tpu.memory_space<hbm>> -> memref<1x128x128xf32, #tpu.memory_space<hbm>>
    %dma_start3A_1897 = arith.constant 0 : i32
    %dma_start3A_1898 = arith.constant 0 : i32
    %dma_start3A_1899 = tpu.memref_slice %arg5[%add3A_1893, %dma_start3A_1897, %dma_start3A_1898] : memref<1024x128x128xf32, #tpu.memory_space<hbm>> -> memref<1x128x128xf32, #tpu.memory_space<hbm>>
    tpu.enqueue_dma source(%arg10 : memref<1x128x128xf32, #tpu.memory_space<vmem>>) target(%dma_start3A_1899 : memref<1x128x128xf32, #tpu.memory_space<hbm>>) target_semaphore(%arg24 : memref<!tpu.dma_semaphore, #tpu.memory_space<semaphore_mem>>)
    %dma_wait3A_1900 = arith.constant 0 : i32
    %dma_wait3A_1901 = arith.constant 0 : i32
    %dma_wait3A_1902 = tpu.memref_slice %arg5[%add3A_1765, %dma_wait3A_1900, %dma_wait3A_1901] : memref<1024x128x128xf32, #tpu.memory_space<hbm>> -> memref<1x128x128xf32, #tpu.memory_space<hbm>>
    %dma_wait3A_1903 = arith.constant 0 : i32
    %dma_wait3A_1904 = arith.constant 0 : i32
    %dma_wait3A_1905 = tpu.memref_slice %arg5[%add3A_1765, %dma_wait3A_1903, %dma_wait3A_1904] : memref<1024x128x128xf32, #tpu.memory_space<hbm>> -> memref<1x128x128xf32, #tpu.memory_space<hbm>>
    tpu.wait_dma2 semaphore(%arg27 : memref<!tpu.dma_semaphore, #tpu.memory_space<semaphore_mem>>) src(%arg13 : memref<1x128x128xf32, #tpu.memory_space<vmem>>) dst(%dma_wait3A_1905 : memref<1x128x128xf32, #tpu.memory_space<hbm>>)
    %dma_start3A_1906 = arith.constant 1 : i32
    %dma_start3A_1907 = arith.constant 14 : i32
    %dma_start3A_1908 = tpu.memref_slice %arg7[%dma_start3A_1906, %dma_start3A_1907] : memref<2x16xi32, #tpu.memory_space<vmem>> -> memref<1x1xi32, #tpu.memory_space<vmem>>
    %dma_start3A_1909 = tpu.memref_squeeze %dma_start3A_1908 : memref<1x1xi32, #tpu.memory_space<vmem>> -> memref<1xi32, #tpu.memory_space<vmem>>
    %dma_start3A_1910 = arith.constant 0 : i32
    %dma_start3A_1911 = arith.constant 0 : i32
    %dma_start3A_1912 = arith.constant 0 : i32
    %dma_start3A_1913 = tpu.memref_slice %arg2[%dma_start3A_1910, %dma_start3A_1911, %dma_start3A_1912] : memref<8192x128x128xf32, #tpu.memory_space<hbm>> -> memref<8192x128x128xf32, #tpu.memory_space<hbm>>
    tpu.enqueue_indirect_dma source(%dma_start3A_1913 : memref<8192x128x128xf32, #tpu.memory_space<hbm>>) target(%arg13 : memref<1x128x128xf32, #tpu.memory_space<vmem>>) offsets(%dma_start3A_1909 : memref<1xi32, #tpu.memory_space<vmem>>) semaphore(%arg20 : memref<!tpu.dma_semaphore, #tpu.memory_space<semaphore_mem>>)
    %dma_wait3A_1914 = arith.constant 1 : i32
    %dma_wait3A_1915 = arith.constant 13 : i32
    %dma_wait3A_1916 = tpu.memref_slice %arg7[%dma_wait3A_1914, %dma_wait3A_1915] : memref<2x16xi32, #tpu.memory_space<vmem>> -> memref<1x1xi32, #tpu.memory_space<vmem>>
    %dma_wait3A_1917 = tpu.memref_squeeze %dma_wait3A_1916 : memref<1x1xi32, #tpu.memory_space<vmem>> -> memref<1xi32, #tpu.memory_space<vmem>>
    %dma_wait3A_1918 = arith.constant 0 : i32
    %dma_wait3A_1919 = arith.constant 0 : i32
    %dma_wait3A_1920 = arith.constant 0 : i32
    %dma_wait3A_1921 = tpu.memref_slice %arg2[%dma_wait3A_1918, %dma_wait3A_1919, %dma_wait3A_1920] : memref<8192x128x128xf32, #tpu.memory_space<hbm>> -> memref<8192x128x128xf32, #tpu.memory_space<hbm>>
    tpu.wait_indirect_dma semaphore(%arg18 : memref<!tpu.dma_semaphore, #tpu.memory_space<semaphore_mem>>) src(%dma_wait3A_1921 : memref<8192x128x128xf32, #tpu.memory_space<hbm>>) dst(%arg11 : memref<1x128x128xf32, #tpu.memory_space<vmem>>)
    %mul3A_1922 = arith.constant 32 : i32
    %mul3A_1923 = arith.muli %add3A, %mul3A_1922 : i32
    %add3A_1924 = arith.constant 29 : i32
    %add3A_1925 = arith.addi %mul3A_1923, %add3A_1924 : i32
    %dma_start3A_1926 = arith.constant 0 : i32
    %dma_start3A_1927 = arith.constant 0 : i32
    %dma_start3A_1928 = tpu.memref_slice %arg4[%add3A_1925, %dma_start3A_1926, %dma_start3A_1927] : memref<1024x128x128xf32, #tpu.memory_space<hbm>> -> memref<1x128x128xf32, #tpu.memory_space<hbm>>
    %dma_start3A_1929 = arith.constant 0 : i32
    %dma_start3A_1930 = arith.constant 0 : i32
    %dma_start3A_1931 = tpu.memref_slice %arg4[%add3A_1925, %dma_start3A_1929, %dma_start3A_1930] : memref<1024x128x128xf32, #tpu.memory_space<hbm>> -> memref<1x128x128xf32, #tpu.memory_space<hbm>>
    tpu.enqueue_dma source(%arg11 : memref<1x128x128xf32, #tpu.memory_space<vmem>>) target(%dma_start3A_1931 : memref<1x128x128xf32, #tpu.memory_space<hbm>>) target_semaphore(%arg25 : memref<!tpu.dma_semaphore, #tpu.memory_space<semaphore_mem>>)
    %dma_wait3A_1932 = arith.constant 0 : i32
    %dma_wait3A_1933 = arith.constant 0 : i32
    %dma_wait3A_1934 = tpu.memref_slice %arg4[%add3A_1797, %dma_wait3A_1932, %dma_wait3A_1933] : memref<1024x128x128xf32, #tpu.memory_space<hbm>> -> memref<1x128x128xf32, #tpu.memory_space<hbm>>
    %dma_wait3A_1935 = arith.constant 0 : i32
    %dma_wait3A_1936 = arith.constant 0 : i32
    %dma_wait3A_1937 = tpu.memref_slice %arg4[%add3A_1797, %dma_wait3A_1935, %dma_wait3A_1936] : memref<1024x128x128xf32, #tpu.memory_space<hbm>> -> memref<1x128x128xf32, #tpu.memory_space<hbm>>
    tpu.wait_dma2 semaphore(%arg28 : memref<!tpu.dma_semaphore, #tpu.memory_space<semaphore_mem>>) src(%arg14 : memref<1x128x128xf32, #tpu.memory_space<vmem>>) dst(%dma_wait3A_1937 : memref<1x128x128xf32, #tpu.memory_space<hbm>>)
    %dma_start3A_1938 = arith.constant 1 : i32
    %dma_start3A_1939 = arith.constant 15 : i32
    %dma_start3A_1940 = tpu.memref_slice %arg6[%dma_start3A_1938, %dma_start3A_1939] : memref<2x16xi32, #tpu.memory_space<vmem>> -> memref<1x1xi32, #tpu.memory_space<vmem>>
    %dma_start3A_1941 = tpu.memref_squeeze %dma_start3A_1940 : memref<1x1xi32, #tpu.memory_space<vmem>> -> memref<1xi32, #tpu.memory_space<vmem>>
    %dma_start3A_1942 = arith.constant 0 : i32
    %dma_start3A_1943 = arith.constant 0 : i32
    %dma_start3A_1944 = arith.constant 0 : i32
    %dma_start3A_1945 = tpu.memref_slice %arg2[%dma_start3A_1942, %dma_start3A_1943, %dma_start3A_1944] : memref<8192x128x128xf32, #tpu.memory_space<hbm>> -> memref<8192x128x128xf32, #tpu.memory_space<hbm>>
    tpu.enqueue_indirect_dma source(%dma_start3A_1945 : memref<8192x128x128xf32, #tpu.memory_space<hbm>>) target(%arg14 : memref<1x128x128xf32, #tpu.memory_space<vmem>>) offsets(%dma_start3A_1941 : memref<1xi32, #tpu.memory_space<vmem>>) semaphore(%arg21 : memref<!tpu.dma_semaphore, #tpu.memory_space<semaphore_mem>>)
    %dma_wait3A_1946 = arith.constant 1 : i32
    %dma_wait3A_1947 = arith.constant 14 : i32
    %dma_wait3A_1948 = tpu.memref_slice %arg6[%dma_wait3A_1946, %dma_wait3A_1947] : memref<2x16xi32, #tpu.memory_space<vmem>> -> memref<1x1xi32, #tpu.memory_space<vmem>>
    %dma_wait3A_1949 = tpu.memref_squeeze %dma_wait3A_1948 : memref<1x1xi32, #tpu.memory_space<vmem>> -> memref<1xi32, #tpu.memory_space<vmem>>
    %dma_wait3A_1950 = arith.constant 0 : i32
    %dma_wait3A_1951 = arith.constant 0 : i32
    %dma_wait3A_1952 = arith.constant 0 : i32
    %dma_wait3A_1953 = tpu.memref_slice %arg2[%dma_wait3A_1950, %dma_wait3A_1951, %dma_wait3A_1952] : memref<8192x128x128xf32, #tpu.memory_space<hbm>> -> memref<8192x128x128xf32, #tpu.memory_space<hbm>>
    tpu.wait_indirect_dma semaphore(%arg19 : memref<!tpu.dma_semaphore, #tpu.memory_space<semaphore_mem>>) src(%dma_wait3A_1953 : memref<8192x128x128xf32, #tpu.memory_space<hbm>>) dst(%arg12 : memref<1x128x128xf32, #tpu.memory_space<vmem>>)
    %mul3A_1954 = arith.constant 32 : i32
    %mul3A_1955 = arith.muli %add3A, %mul3A_1954 : i32
    %add3A_1956 = arith.constant 30 : i32
    %add3A_1957 = arith.addi %mul3A_1955, %add3A_1956 : i32
    %dma_start3A_1958 = arith.constant 0 : i32
    %dma_start3A_1959 = arith.constant 0 : i32
    %dma_start3A_1960 = tpu.memref_slice %arg5[%add3A_1957, %dma_start3A_1958, %dma_start3A_1959] : memref<1024x128x128xf32, #tpu.memory_space<hbm>> -> memref<1x128x128xf32, #tpu.memory_space<hbm>>
    %dma_start3A_1961 = arith.constant 0 : i32
    %dma_start3A_1962 = arith.constant 0 : i32
    %dma_start3A_1963 = tpu.memref_slice %arg5[%add3A_1957, %dma_start3A_1961, %dma_start3A_1962] : memref<1024x128x128xf32, #tpu.memory_space<hbm>> -> memref<1x128x128xf32, #tpu.memory_space<hbm>>
    tpu.enqueue_dma source(%arg12 : memref<1x128x128xf32, #tpu.memory_space<vmem>>) target(%dma_start3A_1963 : memref<1x128x128xf32, #tpu.memory_space<hbm>>) target_semaphore(%arg26 : memref<!tpu.dma_semaphore, #tpu.memory_space<semaphore_mem>>)
    %dma_wait3A_1964 = arith.constant 0 : i32
    %dma_wait3A_1965 = arith.constant 0 : i32
    %dma_wait3A_1966 = tpu.memref_slice %arg5[%add3A_1829, %dma_wait3A_1964, %dma_wait3A_1965] : memref<1024x128x128xf32, #tpu.memory_space<hbm>> -> memref<1x128x128xf32, #tpu.memory_space<hbm>>
    %dma_wait3A_1967 = arith.constant 0 : i32
    %dma_wait3A_1968 = arith.constant 0 : i32
    %dma_wait3A_1969 = tpu.memref_slice %arg5[%add3A_1829, %dma_wait3A_1967, %dma_wait3A_1968] : memref<1024x128x128xf32, #tpu.memory_space<hbm>> -> memref<1x128x128xf32, #tpu.memory_space<hbm>>
    tpu.wait_dma2 semaphore(%arg22 : memref<!tpu.dma_semaphore, #tpu.memory_space<semaphore_mem>>) src(%arg8 : memref<1x128x128xf32, #tpu.memory_space<vmem>>) dst(%dma_wait3A_1969 : memref<1x128x128xf32, #tpu.memory_space<hbm>>)
    %dma_start3A_1970 = arith.constant 1 : i32
    %dma_start3A_1971 = arith.constant 15 : i32
    %dma_start3A_1972 = tpu.memref_slice %arg7[%dma_start3A_1970, %dma_start3A_1971] : memref<2x16xi32, #tpu.memory_space<vmem>> -> memref<1x1xi32, #tpu.memory_space<vmem>>
    %dma_start3A_1973 = tpu.memref_squeeze %dma_start3A_1972 : memref<1x1xi32, #tpu.memory_space<vmem>> -> memref<1xi32, #tpu.memory_space<vmem>>
    %dma_start3A_1974 = arith.constant 0 : i32
    %dma_start3A_1975 = arith.constant 0 : i32
    %dma_start3A_1976 = arith.constant 0 : i32
    %dma_start3A_1977 = tpu.memref_slice %arg2[%dma_start3A_1974, %dma_start3A_1975, %dma_start3A_1976] : memref<8192x128x128xf32, #tpu.memory_space<hbm>> -> memref<8192x128x128xf32, #tpu.memory_space<hbm>>
    tpu.enqueue_indirect_dma source(%dma_start3A_1977 : memref<8192x128x128xf32, #tpu.memory_space<hbm>>) target(%arg8 : memref<1x128x128xf32, #tpu.memory_space<vmem>>) offsets(%dma_start3A_1973 : memref<1xi32, #tpu.memory_space<vmem>>) semaphore(%arg15 : memref<!tpu.dma_semaphore, #tpu.memory_space<semaphore_mem>>)
    %dma_wait3A_1978 = arith.constant 1 : i32
    %dma_wait3A_1979 = arith.constant 14 : i32
    %dma_wait3A_1980 = tpu.memref_slice %arg7[%dma_wait3A_1978, %dma_wait3A_1979] : memref<2x16xi32, #tpu.memory_space<vmem>> -> memref<1x1xi32, #tpu.memory_space<vmem>>
    %dma_wait3A_1981 = tpu.memref_squeeze %dma_wait3A_1980 : memref<1x1xi32, #tpu.memory_space<vmem>> -> memref<1xi32, #tpu.memory_space<vmem>>
    %dma_wait3A_1982 = arith.constant 0 : i32
    %dma_wait3A_1983 = arith.constant 0 : i32
    %dma_wait3A_1984 = arith.constant 0 : i32
    %dma_wait3A_1985 = tpu.memref_slice %arg2[%dma_wait3A_1982, %dma_wait3A_1983, %dma_wait3A_1984] : memref<8192x128x128xf32, #tpu.memory_space<hbm>> -> memref<8192x128x128xf32, #tpu.memory_space<hbm>>
    tpu.wait_indirect_dma semaphore(%arg20 : memref<!tpu.dma_semaphore, #tpu.memory_space<semaphore_mem>>) src(%dma_wait3A_1985 : memref<8192x128x128xf32, #tpu.memory_space<hbm>>) dst(%arg13 : memref<1x128x128xf32, #tpu.memory_space<vmem>>)
    %mul3A_1986 = arith.constant 32 : i32
    %mul3A_1987 = arith.muli %add3A, %mul3A_1986 : i32
    %add3A_1988 = arith.constant 30 : i32
    %add3A_1989 = arith.addi %mul3A_1987, %add3A_1988 : i32
    %dma_start3A_1990 = arith.constant 0 : i32
    %dma_start3A_1991 = arith.constant 0 : i32
    %dma_start3A_1992 = tpu.memref_slice %arg4[%add3A_1989, %dma_start3A_1990, %dma_start3A_1991] : memref<1024x128x128xf32, #tpu.memory_space<hbm>> -> memref<1x128x128xf32, #tpu.memory_space<hbm>>
    %dma_start3A_1993 = arith.constant 0 : i32
    %dma_start3A_1994 = arith.constant 0 : i32
    %dma_start3A_1995 = tpu.memref_slice %arg4[%add3A_1989, %dma_start3A_1993, %dma_start3A_1994] : memref<1024x128x128xf32, #tpu.memory_space<hbm>> -> memref<1x128x128xf32, #tpu.memory_space<hbm>>
    tpu.enqueue_dma source(%arg13 : memref<1x128x128xf32, #tpu.memory_space<vmem>>) target(%dma_start3A_1995 : memref<1x128x128xf32, #tpu.memory_space<hbm>>) target_semaphore(%arg27 : memref<!tpu.dma_semaphore, #tpu.memory_space<semaphore_mem>>)
    %dma_wait3A_1996 = arith.constant 1 : i32
    %dma_wait3A_1997 = arith.constant 15 : i32
    %dma_wait3A_1998 = tpu.memref_slice %arg6[%dma_wait3A_1996, %dma_wait3A_1997] : memref<2x16xi32, #tpu.memory_space<vmem>> -> memref<1x1xi32, #tpu.memory_space<vmem>>
    %dma_wait3A_1999 = tpu.memref_squeeze %dma_wait3A_1998 : memref<1x1xi32, #tpu.memory_space<vmem>> -> memref<1xi32, #tpu.memory_space<vmem>>
    %dma_wait3A_2000 = arith.constant 0 : i32
    %dma_wait3A_2001 = arith.constant 0 : i32
    %dma_wait3A_2002 = arith.constant 0 : i32
    %dma_wait3A_2003 = tpu.memref_slice %arg2[%dma_wait3A_2000, %dma_wait3A_2001, %dma_wait3A_2002] : memref<8192x128x128xf32, #tpu.memory_space<hbm>> -> memref<8192x128x128xf32, #tpu.memory_space<hbm>>
    tpu.wait_indirect_dma semaphore(%arg21 : memref<!tpu.dma_semaphore, #tpu.memory_space<semaphore_mem>>) src(%dma_wait3A_2003 : memref<8192x128x128xf32, #tpu.memory_space<hbm>>) dst(%arg14 : memref<1x128x128xf32, #tpu.memory_space<vmem>>)
    %mul3A_2004 = arith.constant 32 : i32
    %mul3A_2005 = arith.muli %add3A, %mul3A_2004 : i32
    %add3A_2006 = arith.constant 31 : i32
    %add3A_2007 = arith.addi %mul3A_2005, %add3A_2006 : i32
    %dma_start3A_2008 = arith.constant 0 : i32
    %dma_start3A_2009 = arith.constant 0 : i32
    %dma_start3A_2010 = tpu.memref_slice %arg5[%add3A_2007, %dma_start3A_2008, %dma_start3A_2009] : memref<1024x128x128xf32, #tpu.memory_space<hbm>> -> memref<1x128x128xf32, #tpu.memory_space<hbm>>
    %dma_start3A_2011 = arith.constant 0 : i32
    %dma_start3A_2012 = arith.constant 0 : i32
    %dma_start3A_2013 = tpu.memref_slice %arg5[%add3A_2007, %dma_start3A_2011, %dma_start3A_2012] : memref<1024x128x128xf32, #tpu.memory_space<hbm>> -> memref<1x128x128xf32, #tpu.memory_space<hbm>>
    tpu.enqueue_dma source(%arg14 : memref<1x128x128xf32, #tpu.memory_space<vmem>>) target(%dma_start3A_2013 : memref<1x128x128xf32, #tpu.memory_space<hbm>>) target_semaphore(%arg28 : memref<!tpu.dma_semaphore, #tpu.memory_space<semaphore_mem>>)
    %dma_wait3A_2014 = arith.constant 1 : i32
    %dma_wait3A_2015 = arith.constant 15 : i32
    %dma_wait3A_2016 = tpu.memref_slice %arg7[%dma_wait3A_2014, %dma_wait3A_2015] : memref<2x16xi32, #tpu.memory_space<vmem>> -> memref<1x1xi32, #tpu.memory_space<vmem>>
    %dma_wait3A_2017 = tpu.memref_squeeze %dma_wait3A_2016 : memref<1x1xi32, #tpu.memory_space<vmem>> -> memref<1xi32, #tpu.memory_space<vmem>>
    %dma_wait3A_2018 = arith.constant 0 : i32
    %dma_wait3A_2019 = arith.constant 0 : i32
    %dma_wait3A_2020 = arith.constant 0 : i32
    %dma_wait3A_2021 = tpu.memref_slice %arg2[%dma_wait3A_2018, %dma_wait3A_2019, %dma_wait3A_2020] : memref<8192x128x128xf32, #tpu.memory_space<hbm>> -> memref<8192x128x128xf32, #tpu.memory_space<hbm>>
    tpu.wait_indirect_dma semaphore(%arg15 : memref<!tpu.dma_semaphore, #tpu.memory_space<semaphore_mem>>) src(%dma_wait3A_2021 : memref<8192x128x128xf32, #tpu.memory_space<hbm>>) dst(%arg8 : memref<1x128x128xf32, #tpu.memory_space<vmem>>)
    %mul3A_2022 = arith.constant 32 : i32
    %mul3A_2023 = arith.muli %add3A, %mul3A_2022 : i32
    %add3A_2024 = arith.constant 31 : i32
    %add3A_2025 = arith.addi %mul3A_2023, %add3A_2024 : i32
    %dma_start3A_2026 = arith.constant 0 : i32
    %dma_start3A_2027 = arith.constant 0 : i32
    %dma_start3A_2028 = tpu.memref_slice %arg4[%add3A_2025, %dma_start3A_2026, %dma_start3A_2027] : memref<1024x128x128xf32, #tpu.memory_space<hbm>> -> memref<1x128x128xf32, #tpu.memory_space<hbm>>
    %dma_start3A_2029 = arith.constant 0 : i32
    %dma_start3A_2030 = arith.constant 0 : i32
    %dma_start3A_2031 = tpu.memref_slice %arg4[%add3A_2025, %dma_start3A_2029, %dma_start3A_2030] : memref<1024x128x128xf32, #tpu.memory_space<hbm>> -> memref<1x128x128xf32, #tpu.memory_space<hbm>>
    tpu.enqueue_dma source(%arg8 : memref<1x128x128xf32, #tpu.memory_space<vmem>>) target(%dma_start3A_2031 : memref<1x128x128xf32, #tpu.memory_space<hbm>>) target_semaphore(%arg22 : memref<!tpu.dma_semaphore, #tpu.memory_space<semaphore_mem>>)
    %dma_wait3A_2032 = arith.constant 0 : i32
    %dma_wait3A_2033 = arith.constant 0 : i32
    %dma_wait3A_2034 = tpu.memref_slice %arg4[%add3A_1861, %dma_wait3A_2032, %dma_wait3A_2033] : memref<1024x128x128xf32, #tpu.memory_space<hbm>> -> memref<1x128x128xf32, #tpu.memory_space<hbm>>
    %dma_wait3A_2035 = arith.constant 0 : i32
    %dma_wait3A_2036 = arith.constant 0 : i32
    %dma_wait3A_2037 = tpu.memref_slice %arg4[%add3A_1861, %dma_wait3A_2035, %dma_wait3A_2036] : memref<1024x128x128xf32, #tpu.memory_space<hbm>> -> memref<1x128x128xf32, #tpu.memory_space<hbm>>
    tpu.wait_dma2 semaphore(%arg23 : memref<!tpu.dma_semaphore, #tpu.memory_space<semaphore_mem>>) src(%arg9 : memref<1x128x128xf32, #tpu.memory_space<vmem>>) dst(%dma_wait3A_2037 : memref<1x128x128xf32, #tpu.memory_space<hbm>>)
    %dma_wait3A_2038 = arith.constant 0 : i32
    %dma_wait3A_2039 = arith.constant 0 : i32
    %dma_wait3A_2040 = tpu.memref_slice %arg5[%add3A_1893, %dma_wait3A_2038, %dma_wait3A_2039] : memref<1024x128x128xf32, #tpu.memory_space<hbm>> -> memref<1x128x128xf32, #tpu.memory_space<hbm>>
    %dma_wait3A_2041 = arith.constant 0 : i32
    %dma_wait3A_2042 = arith.constant 0 : i32
    %dma_wait3A_2043 = tpu.memref_slice %arg5[%add3A_1893, %dma_wait3A_2041, %dma_wait3A_2042] : memref<1024x128x128xf32, #tpu.memory_space<hbm>> -> memref<1x128x128xf32, #tpu.memory_space<hbm>>
    tpu.wait_dma2 semaphore(%arg24 : memref<!tpu.dma_semaphore, #tpu.memory_space<semaphore_mem>>) src(%arg10 : memref<1x128x128xf32, #tpu.memory_space<vmem>>) dst(%dma_wait3A_2043 : memref<1x128x128xf32, #tpu.memory_space<hbm>>)
    %dma_wait3A_2044 = arith.constant 0 : i32
    %dma_wait3A_2045 = arith.constant 0 : i32
    %dma_wait3A_2046 = tpu.memref_slice %arg4[%add3A_1925, %dma_wait3A_2044, %dma_wait3A_2045] : memref<1024x128x128xf32, #tpu.memory_space<hbm>> -> memref<1x128x128xf32, #tpu.memory_space<hbm>>
    %dma_wait3A_2047 = arith.constant 0 : i32
    %dma_wait3A_2048 = arith.constant 0 : i32
    %dma_wait3A_2049 = tpu.memref_slice %arg4[%add3A_1925, %dma_wait3A_2047, %dma_wait3A_2048] : memref<1024x128x128xf32, #tpu.memory_space<hbm>> -> memref<1x128x128xf32, #tpu.memory_space<hbm>>
    tpu.wait_dma2 semaphore(%arg25 : memref<!tpu.dma_semaphore, #tpu.memory_space<semaphore_mem>>) src(%arg11 : memref<1x128x128xf32, #tpu.memory_space<vmem>>) dst(%dma_wait3A_2049 : memref<1x128x128xf32, #tpu.memory_space<hbm>>)
    %dma_wait3A_2050 = arith.constant 0 : i32
    %dma_wait3A_2051 = arith.constant 0 : i32
    %dma_wait3A_2052 = tpu.memref_slice %arg5[%add3A_1957, %dma_wait3A_2050, %dma_wait3A_2051] : memref<1024x128x128xf32, #tpu.memory_space<hbm>> -> memref<1x128x128xf32, #tpu.memory_space<hbm>>
    %dma_wait3A_2053 = arith.constant 0 : i32
    %dma_wait3A_2054 = arith.constant 0 : i32
    %dma_wait3A_2055 = tpu.memref_slice %arg5[%add3A_1957, %dma_wait3A_2053, %dma_wait3A_2054] : memref<1024x128x128xf32, #tpu.memory_space<hbm>> -> memref<1x128x128xf32, #tpu.memory_space<hbm>>
    tpu.wait_dma2 semaphore(%arg26 : memref<!tpu.dma_semaphore, #tpu.memory_space<semaphore_mem>>) src(%arg12 : memref<1x128x128xf32, #tpu.memory_space<vmem>>) dst(%dma_wait3A_2055 : memref<1x128x128xf32, #tpu.memory_space<hbm>>)
    %dma_wait3A_2056 = arith.constant 0 : i32
    %dma_wait3A_2057 = arith.constant 0 : i32
    %dma_wait3A_2058 = tpu.memref_slice %arg4[%add3A_1989, %dma_wait3A_2056, %dma_wait3A_2057] : memref<1024x128x128xf32, #tpu.memory_space<hbm>> -> memref<1x128x128xf32, #tpu.memory_space<hbm>>
    %dma_wait3A_2059 = arith.constant 0 : i32
    %dma_wait3A_2060 = arith.constant 0 : i32
    %dma_wait3A_2061 = tpu.memref_slice %arg4[%add3A_1989, %dma_wait3A_2059, %dma_wait3A_2060] : memref<1024x128x128xf32, #tpu.memory_space<hbm>> -> memref<1x128x128xf32, #tpu.memory_space<hbm>>
    tpu.wait_dma2 semaphore(%arg27 : memref<!tpu.dma_semaphore, #tpu.memory_space<semaphore_mem>>) src(%arg13 : memref<1x128x128xf32, #tpu.memory_space<vmem>>) dst(%dma_wait3A_2061 : memref<1x128x128xf32, #tpu.memory_space<hbm>>)
    %dma_wait3A_2062 = arith.constant 0 : i32
    %dma_wait3A_2063 = arith.constant 0 : i32
    %dma_wait3A_2064 = tpu.memref_slice %arg5[%add3A_2007, %dma_wait3A_2062, %dma_wait3A_2063] : memref<1024x128x128xf32, #tpu.memory_space<hbm>> -> memref<1x128x128xf32, #tpu.memory_space<hbm>>
    %dma_wait3A_2065 = arith.constant 0 : i32
    %dma_wait3A_2066 = arith.constant 0 : i32
    %dma_wait3A_2067 = tpu.memref_slice %arg5[%add3A_2007, %dma_wait3A_2065, %dma_wait3A_2066] : memref<1024x128x128xf32, #tpu.memory_space<hbm>> -> memref<1x128x128xf32, #tpu.memory_space<hbm>>
    tpu.wait_dma2 semaphore(%arg28 : memref<!tpu.dma_semaphore, #tpu.memory_space<semaphore_mem>>) src(%arg14 : memref<1x128x128xf32, #tpu.memory_space<vmem>>) dst(%dma_wait3A_2067 : memref<1x128x128xf32, #tpu.memory_space<hbm>>)
    %dma_wait3A_2068 = arith.constant 0 : i32
    %dma_wait3A_2069 = arith.constant 0 : i32
    %dma_wait3A_2070 = tpu.memref_slice %arg4[%add3A_2025, %dma_wait3A_2068, %dma_wait3A_2069] : memref<1024x128x128xf32, #tpu.memory_space<hbm>> -> memref<1x128x128xf32, #tpu.memory_space<hbm>>
    %dma_wait3A_2071 = arith.constant 0 : i32
    %dma_wait3A_2072 = arith.constant 0 : i32
    %dma_wait3A_2073 = tpu.memref_slice %arg4[%add3A_2025, %dma_wait3A_2071, %dma_wait3A_2072] : memref<1024x128x128xf32, #tpu.memory_space<hbm>> -> memref<1x128x128xf32, #tpu.memory_space<hbm>>
    tpu.wait_dma2 semaphore(%arg22 : memref<!tpu.dma_semaphore, #tpu.memory_space<semaphore_mem>>) src(%arg8 : memref<1x128x128xf32, #tpu.memory_space<vmem>>) dst(%dma_wait3A_2073 : memref<1x128x128xf32, #tpu.memory_space<hbm>>)
    return
  }
}

module attributes {stable_mosaic.version = 14 : i64} {
  func.func @_tc_small_body(%arg0: i32, %arg1: memref<1024x1xi32, #tpu.memory_space<vmem>>, %arg2: memref<1024x4xf32, #tpu.memory_space<vmem>>, %arg3: memref<1024x1xf32, #tpu.memory_space<vmem>>, %arg4: memref<1024x4xf32, #tpu.memory_space<vmem>>, %arg5: memref<1024x1xf32, #tpu.memory_space<vmem>>) attributes {dimension_semantics = [#tpu.dimension_semantics<arbitrary>], iteration_bounds = array<i64: 8>, scalar_prefetch = 0 : i64, scratch_operands = 0 : i64, tpu.core_type = #tpu.core_type<tc>, window_params = [{pipeline_mode = #tpu.pipeline_mode<synchronous>, transform_indices = @transform_0, window_bounds = array<i64: 1024, 1>}, {transform_indices = @transform_1, window_bounds = array<i64: 1024, 4>}, {transform_indices = @transform_2, window_bounds = array<i64: 1024, 1>}, {pipeline_mode = #tpu.pipeline_mode<synchronous>, transform_indices = @transform_3, window_bounds = array<i64: 1024, 4>}, {pipeline_mode = #tpu.pipeline_mode<synchronous>, transform_indices = @transform_4, window_bounds = array<i64: 1024, 1>}]} {
    %eq3A = arith.constant 0 : i32
    %eq3A_0 = arith.cmpi eq, %arg0, %eq3A : i32
    %convert_element_type3A = arith.extui %eq3A_0 : i1 to i32
    %cond3A = arith.constant 0 : i32
    %cond3A_1 = arith.cmpi ne, %convert_element_type3A, %cond3A : i32
    scf.if %cond3A_1 {
      %broadcast_in_dim3A = arith.constant 0.000000e+00 : f32
      %broadcast_in_dim3A_32 = vector.broadcast %broadcast_in_dim3A : f32 to vector<1024x4xf32>
      %swap3A_33 = arith.constant 0 : index
      %swap3A_34 = arith.constant 0 : index
      %swap3A_35 = vector.load %arg4[%swap3A_33, %swap3A_34] : memref<1024x4xf32, #tpu.memory_space<vmem>>, vector<1024x4xf32>
      tpu.vector_store %arg4[%swap3A_33, %swap3A_34], %broadcast_in_dim3A_32 {strides = array<i32>} : memref<1024x4xf32, #tpu.memory_space<vmem>>, vector<1024x4xf32>,
      %broadcast_in_dim3A_36 = arith.constant 0.000000e+00 : f32
      %broadcast_in_dim3A_37 = vector.broadcast %broadcast_in_dim3A_36 : f32 to vector<1024x1xf32>
      %swap3A_38 = arith.constant 0 : index
      %swap3A_39 = arith.constant 0 : index
      %swap3A_40 = vector.load %arg5[%swap3A_38, %swap3A_39] : memref<1024x1xf32, #tpu.memory_space<vmem>>, vector<1024x1xf32>
      tpu.vector_store %arg5[%swap3A_38, %swap3A_39], %broadcast_in_dim3A_37 {strides = array<i32>} : memref<1024x1xf32, #tpu.memory_space<vmem>>, vector<1024x1xf32>,
    } else {
    }
    %get3A = arith.constant 0 : index
    %get3A_2 = arith.constant 0 : index
    %get3A_3 = vector.load %arg1[%get3A, %get3A_2] : memref<1024x1xi32, #tpu.memory_space<vmem>>, vector<1024x1xi32>
    %iota3A = tpu.iota {dimensions = array<i32: 1>} : vector<1024x1024xi32>
    %mul3A = arith.constant 1024 : i32
    %mul3A_4 = arith.muli %arg0, %mul3A : i32
    %add3A = vector.broadcast %mul3A_4 : i32 to vector<1024x1024xi32>
    %add3A_5 = arith.addi %iota3A, %add3A : vector<1024x1024xi32>
    %eq3A_6 = vector.broadcast %get3A_3 : vector<1024x1xi32> to vector<1024x1024xi32>
    %eq3A_7 = arith.cmpi eq, %eq3A_6, %add3A_5 : vector<1024x1024xi32>
    %convert_element_type3A_8 = arith.extui %eq3A_7 : vector<1024x1024xi1> to vector<1024x1024xi32>
    %convert_element_type3A_9 = arith.sitofp %convert_element_type3A_8 : vector<1024x1024xi32> to vector<1024x1024xf32>
    %get3A_10 = arith.constant 0 : index
    %get3A_11 = arith.constant 0 : index
    %get3A_12 = vector.load %arg4[%get3A_10, %get3A_11] : memref<1024x4xf32, #tpu.memory_space<vmem>>, vector<1024x4xf32>
    %get3A_13 = arith.constant 0 : index
    %get3A_14 = arith.constant 0 : index
    %get3A_15 = vector.load %arg2[%get3A_13, %get3A_14] : memref<1024x4xf32, #tpu.memory_space<vmem>>, vector<1024x4xf32>
    %dot_general3A = arith.constant dense<0.000000e+00> : vector<1024x4xf32>
    %dot_general3A_16 = tpu.matmul %convert_element_type3A_9, %get3A_15, %dot_general3A {dimension_numbers = #tpu.dot_dimension_numbers<[1], [0], [0], [1], [0, 0, 1, 1], [], []>, precision = #tpu.contract_precision<fp32>, transpose_lhs_hint = false} : vector<1024x1024xf32>, vector<1024x4xf32>, vector<1024x4xf32> -> vector<1024x4xf32>
    %add3A_17 = arith.addf %get3A_12, %dot_general3A_16 : vector<1024x4xf32>
    %swap3A = arith.constant 0 : index
    %swap3A_18 = arith.constant 0 : index
    %swap3A_19 = vector.load %arg4[%swap3A, %swap3A_18] : memref<1024x4xf32, #tpu.memory_space<vmem>>, vector<1024x4xf32>
    tpu.vector_store %arg4[%swap3A, %swap3A_18], %add3A_17 {strides = array<i32>} : memref<1024x4xf32, #tpu.memory_space<vmem>>, vector<1024x4xf32>,
    %get3A_20 = arith.constant 0 : index
    %get3A_21 = arith.constant 0 : index
    %get3A_22 = vector.load %arg5[%get3A_20, %get3A_21] : memref<1024x1xf32, #tpu.memory_space<vmem>>, vector<1024x1xf32>
    %get3A_23 = arith.constant 0 : index
    %get3A_24 = arith.constant 0 : index
    %get3A_25 = vector.load %arg3[%get3A_23, %get3A_24] : memref<1024x1xf32, #tpu.memory_space<vmem>>, vector<1024x1xf32>
    %dot_general3A_26 = arith.constant dense<0.000000e+00> : vector<1024x1xf32>
    %dot_general3A_27 = tpu.matmul %convert_element_type3A_9, %get3A_25, %dot_general3A_26 {dimension_numbers = #tpu.dot_dimension_numbers<[1], [0], [0], [1], [0, 0, 1, 1], [], []>, precision = #tpu.contract_precision<fp32>, transpose_lhs_hint = false} : vector<1024x1024xf32>, vector<1024x1xf32>, vector<1024x1xf32> -> vector<1024x1xf32>
    %add3A_28 = arith.addf %get3A_22, %dot_general3A_27 : vector<1024x1xf32>
    %swap3A_29 = arith.constant 0 : index
    %swap3A_30 = arith.constant 0 : index
    %swap3A_31 = vector.load %arg5[%swap3A_29, %swap3A_30] : memref<1024x1xf32, #tpu.memory_space<vmem>>, vector<1024x1xf32>
    tpu.vector_store %arg5[%swap3A_29, %swap3A_30], %add3A_28 {strides = array<i32>} : memref<1024x1xf32, #tpu.memory_space<vmem>>, vector<1024x1xf32>,
    return
  }
  func.func @transform_0(%arg0: i32) -> (i32, i32) {
    %c0_i32 = arith.constant 0 : i32
    %c0_i32_0 = arith.constant 0 : i32
    %c0_i32_1 = arith.constant 0 : i32
    return %c0_i32, %c0_i32_0 : i32, i32
  }
  func.func @transform_1(%arg0: i32) -> (i32, i32) {
    %c0_i32 = arith.constant 0 : i32
    %c0_i32_0 = arith.constant 0 : i32
    return %arg0, %c0_i32 : i32, i32
  }
  func.func @transform_2(%arg0: i32) -> (i32, i32) {
    %c0_i32 = arith.constant 0 : i32
    %c0_i32_0 = arith.constant 0 : i32
    return %arg0, %c0_i32 : i32, i32
  }
  func.func @transform_3(%arg0: i32) -> (i32, i32) {
    %c0_i32 = arith.constant 0 : i32
    %c0_i32_0 = arith.constant 0 : i32
    %c0_i32_1 = arith.constant 0 : i32
    return %c0_i32, %c0_i32_0 : i32, i32
  }
  func.func @transform_4(%arg0: i32) -> (i32, i32) {
    %c0_i32 = arith.constant 0 : i32
    %c0_i32_0 = arith.constant 0 : i32
    %c0_i32_1 = arith.constant 0 : i32
    return %c0_i32, %c0_i32_0 : i32, i32
  }
}

</mosaic_0001>

<sc_bundles>
// kernel: kernel.4.cloned.1.call-start
scs
__scs_entry_jumppad:
0x0: {  	(pc) =	sbr.rel $0x88, $3  }
0x1: {  	(tag) =	ssettag $0x0;
	lr =	simm.s32 $0x1  }
0x2: {  	[smem:$0x3F9D] =	sst lr;
	_ =	strace $0xD0000000  }
0x3: {  	_ = 	snop  }
0x4: {  	_ = 	snop  }
0x5: {  	_ = 	snop  }
0x6: {  	_ = 	snop  }
0x7: {  	_ = 	snop  }
__scs_overlays_trampoline_lowered:
0x8: {  	[smem:$0x3FAC] =	sst s0  }
0x9: {  	[smem:$0x3FAD] =	sst s1  }
0xa: {  	[smem:$0x3FAE] =	sst s2  }
0xb: {  	[smem:$0x3FAF] =	sst s3  }
0xc: {  	[smem:$0x3FB0] =	sst s4  }
0xd: {  	[smem:$0x3FB1] =	sst s5  }
0xe: {  	[smem:$0x3FB2] =	sst s6  }
0xf: {  	[smem:$0x3FB3] =	sst s7  }
0x10: {  	[smem:$0x3FB4] =	sst s8  }
0x11: {  	[smem:$0x3FB5] =	sst s9;
	s0 =	simm.s32 @!p0 $0x0  }
0x12: {  	s1 =	sld [smem:$0x3F9B];
	s0 =	simm.s32 @p0 $0x1  }
0x13: {  	[smem:$0x3FB6] =	sst s0;
	s0 =	simm.s32 @!p1 $0x0  }
0x14: {  	s2 =	sld [smem:$0x3F9A];
	s0 =	simm.s32 @p1 $0x1  }
0x15: {  	[smem:$0x3FB7] =	sst s0;
	s0 =	simm.s32 @!p2 $0x0  }
0x16: {  	s3 =	sld [smem:$0x3FDB];
	s0 =	simm.s32 @p2 $0x1  }
0x17: {  	s4 =	simm.s32 $0x1BF5;
	[smem:$0x3FB9] =	sst s0  }
0x18: {  	s0 =	sld [smem:$0x3F9C];
	_ =	swait.ge [sflag:s4], $0x0  }
0x19: {  	s7 =	sld [smem:$0x3F9D]  }
0x1a: {  	s8 =	sadd.s32 $0xFFFFE003, lr  }
0x1b: {  	s9 =	sadd.s32 $0xFFFFFEF7, lr;
	s5 =	simm.s32 $0xFFFFFFFF;
	p2 =	slt.u32 s8, $0xFFFFF086  }
0x1c: {  	p1 =	slt.u32 s9, $0xF7A;
	s5 =	simm.s32 @!p2 $0x0  }
0x1d: {  	s5 =	simm.s32 @p1 $0x1;
	p0 =	seq.s32 s7, s2  }
0x1e: {  	s7 =	smul.u32 @!p0 $0xF7A, s2;
	p2 =	seq.s32 @!p0 s5, $0x0  }
0x1f: {  	s9 =	smul.u32 $0xF7A, s1;
	s8 =	simm.s32 @!p0 $0x1BF5;
	p2 =	por !p2, p0  }
0x20: {  	[sflag:s8] =	ssyncset.s32 @!p0 $0xFFFFF086;
	s6 =	sadd.s32 @!p0 s3, s7;
	s7 =	simm.s32 @!p0 $0x108  }
0x21: {  	s3 =	sadd.s32 s3, s9;
	s6 =	sadd.s32 @!p0 $0x88, s6;
	s7 =	simm.s32 @p2 $0x1082  }
0x22: {  	[simem:s7], [sflag:s8] =	dma.local @!p0 [hbm:s6], $0xF7A  }
0x23: {  	s9 =	sor.u32 $0xD0000000, s2;
	s6 =	simm.s32 $0x108;
	_ =	swait.ge @!p0 [sflag:s8], $0x0  }
0x24: {  	s3 =	sadd.s32 $0x88, s3;
	s6 =	simm.s32 @!p1 $0x1082;
	[sflag:s4] =	ssyncset.s32 $0xFFFFF086  }
0x25: {  	[simem:s6], [sflag:s4] =	dma.local [hbm:s3], $0xF7A  }
0x26: {  	[smem:$0x3F9D] =	sst s1;
	(tag) =	ssettag s2;
	_ =	strace s9  }
0x27: {  	s1 =	sld [smem:$0x3FAD]  }
0x28: {  	s2 =	sld [smem:$0x3FAE]  }
0x29: {  	s4 =	sld [smem:$0x3FB0]  }
0x2a: {  	p0 =	seq.s32 s5, $0x0;
	s5 =	sld [smem:$0x3FB1]  }
0x2b: {  	s6 =	sld [smem:$0x3FB2]  }
0x2c: {  	s7 =	sld [smem:$0x3FB3]  }
0x2d: {  	s3 =	simm.s32 $0x108;
	s8 =	sld [smem:$0x3FB4]  }
0x2e: {  	s3 =	simm.s32 @!p0 $0x1082;
	s9 =	sld [smem:$0x3FB5]  }
0x2f: {  	lr =	sadd.s32 s0, s3;
	s0 =	sld [smem:$0x3FAC]  }
0x30: {  	s3 =	sld [smem:$0x3FAF]  }
0x31: {  	[smem:$0x3FB8] =	sst s10  }
0x32: {  	s10 =	sld [smem:$0x3FB6];
	_ =	sdelay $0x3  }
0x33: {  	p0 =	seq.s32 s10, $0x1;
	s10 =	sld [smem:$0x3FB8];
	_ =	sdelay $0x3  }
0x34: {  	[smem:$0x3FB8] =	sst s10  }
0x35: {  	s10 =	sld [smem:$0x3FB7];
	_ =	sdelay $0x3  }
0x36: {  	p1 =	seq.s32 s10, $0x1;
	s10 =	sld [smem:$0x3FB8];
	_ =	sdelay $0x3  }
0x37: {  	[smem:$0x3FB8] =	sst s10  }
0x38: {  	s10 =	sld [smem:$0x3FB9]  }
0x39: {  	_ = 	snop;
	(pc) =	sbr.ind lr, $3  }
0x3a: {  	_ = 	snop  }
0x3b: {  	_ = 	snop  }
0x3c: {  	p2 =	seq.s32 s10, $0x1;
	s10 =	sld [smem:$0x3FB8]  }
0x3d: {  	_ =	shalt  }
0x3e: {  	_ =	shalt  }
0x3f: {  	_ =	shalt  }
0x40: {  	_ =	shalt  }
0x41: {  	_ =	shalt  }
0x42: {  	_ =	shalt  }
0x43: {  	_ =	shalt  }
0x44: {  	_ =	shalt  }
0x45: {  	_ =	shalt  }
0x46: {  	_ =	shalt  }
0x47: {  	_ =	shalt  }
0x48: {  	_ =	shalt  }
0x49: {  	_ =	shalt  }
0x4a: {  	_ =	shalt  }
0x4b: {  	_ =	shalt  }
0x4c: {  	_ =	shalt  }
0x4d: {  	_ =	shalt  }
0x4e: {  	_ =	shalt  }
0x4f: {  	_ =	shalt  }
0x50: {  	_ =	shalt  }
0x51: {  	_ =	shalt  }
0x52: {  	_ =	shalt  }
0x53: {  	_ =	shalt  }
0x54: {  	_ =	shalt  }
0x55: {  	_ =	shalt  }
0x56: {  	_ =	shalt  }
0x57: {  	_ =	shalt  }
0x58: {  	_ =	shalt  }
0x59: {  	_ =	shalt  }
0x5a: {  	_ =	shalt  }
0x5b: {  	_ =	shalt  }
0x5c: {  	_ =	shalt  }
0x5d: {  	_ =	shalt  }
0x5e: {  	_ =	shalt  }
0x5f: {  	_ =	shalt  }
0x60: {  	_ =	shalt  }
0x61: {  	_ =	shalt  }
0x62: {  	_ =	shalt  }
0x63: {  	_ =	shalt  }
0x64: {  	_ =	shalt  }
0x65: {  	_ =	shalt  }
0x66: {  	_ =	shalt  }
0x67: {  	_ =	shalt  }
0x68: {  	_ =	shalt  }
0x69: {  	_ =	shalt  }
0x6a: {  	_ =	shalt  }
0x6b: {  	_ =	shalt  }
0x6c: {  	_ =	shalt  }
0x6d: {  	_ =	shalt  }
0x6e: {  	_ =	shalt  }
0x6f: {  	_ =	shalt  }
0x70: {  	_ =	shalt  }
0x71: {  	_ =	shalt  }
0x72: {  	_ =	shalt  }
0x73: {  	_ =	shalt  }
0x74: {  	_ =	shalt  }
0x75: {  	_ =	shalt  }
0x76: {  	_ =	shalt  }
0x77: {  	_ =	shalt  }
0x78: {  	_ =	shalt  }
0x79: {  	_ =	shalt  }
0x7a: {  	_ =	shalt  }
0x7b: {  	_ =	shalt  }
0x7c: {  	_ =	shalt  }
0x7d: {  	_ =	shalt  }
0x7e: {  	_ =	shalt  }
0x7f: {  	_ =	shalt  }
0x80: {  	_ =	shalt  }
0x81: {  	_ =	shalt  }
0x82: {  	_ =	shalt  }
0x83: {  	_ =	shalt  }
0x84: {  	_ =	shalt  }
0x85: {  	_ =	shalt  }
0x86: {  	_ =	shalt  }
0x87: {  	_ =	shalt  }
.Lfunc_end0:
.L_simem_size_0:
called_computation_lowered:
.L_overlay_start_0:
0x88: {  	s2 =	sld [smem:$0x3FD9]  }
0x89: {  	s3 =	sld [smem:$0x3FFE];
	_ =	sdelay $0x1  }
0x8a: {  	s1 =	srdreg.scid  }
0x8b: {  	s0 =	sand.u32 $0x1, s1  }
0x8c: {  	s14 =	sshll.u32 s0, $0xA;
	s2 =	sadd.s32 s3, s2  }
0x8d: {  	s2 =	sadd.s32 s2, s14  }
0x8e: {  	[smem:$0x3FC4] =	sst s2  }
0x8f: {  	_ = 	snop  }
0x90: {  	s2 =	sld [smem:$0x3FD0];
	_ =	sdelay $0x2  }
0x91: {  	s4 =	simm.s32 $0xA;
	s5 =	simm.s32 $0x10;
	s15 =	sld [smem:$0x3FC9]  }
0x92: {  	[smem:s5], [sflag:s4] =	dma.local [hbm:s2], $0x1  }
0x93: {  	_ =	swait.eq [sflag:s4], $0x1  }
0x94: {  	[sflag:s4] =	ssyncset.done $0x0  }
0x95: {  	s16 =	sld [smem:$0x10];
	[sflag:s4] =	ssyncadd.s32 $0xFFFFFFFF  }
0x96: {  	s17 =	sld [smem:$0x12];
	(tm) =	ssettm $0x1  }
0x97: {  	s18 =	sld [smem:$0x3FFB];
	_ =	sdelay $0x3  }
0x98: {  	_ =	strace s18  }
0x99: {  	s5 =	sld [smem:$0x3FFC];
	_ =	sdelay $0x3  }
0x9a: {  	_ =	strace s5  }
0x9b: {  	s5 =	sld [smem:$0x3FFD];
	_ =	sdelay $0x3  }
0x9c: {  	_ =	strace s5  }
0x9d: {  	_ =	strace $0x8FFFFFFF  }
0x9e: {  	s19 =	sld [smem:$0x3FDB];
	_ =	sdelay $0x1  }
0x9f: {  	s6 =	simm.s32 $_scs_section_size  }
0xa0: {  	s7 =	simm.s32 $_size__tile_overlayer_lowered;
	s8 =	simm.s32 $_tile_overlayer_lowered  }
0xa1: {  	s22 =	simm.s32 $0x1BFF;
	s21 =	sshll.u32 s8, $0x1;
	s5 =	sadd.s32 s6, s19  }
0xa2: {  	s9 =	simm.s32 $0x0;
	s20 =	sshll.u32 s7, $0x1;
	s7 =	sadd.s32 s21, s5  }
0xa3: {  	[timem:s9], [sflag:s22] =	dma.local [hbm:s7], s20  }
0xa4: {  	_ =	swait.ge [sflag:s22], s20  }
0xa5: {  	s6 =	ssub.s32 $0x0, s20;
	[sflag:s22] =	ssyncset.done $0x0  }
0xa6: {  	[sflag:s22] =	ssyncadd.s32 s6;
	_ =	sdelay $0x1  }
0xa7: {  	s23 =	simm.s32 $0x1B8B  }
0xa8: {  	_ =	swait.ge [sflag:s23], $0x1  }
0xa9: {  	[sflag:s23] =	ssyncset.done $0x0  }
0xaa: {  	s25 =	simm.s32 $0x1B8E;
	s24 =	sld [smem:$0x3FFE];
	[sflag:s23] =	ssyncadd.s32 $0xFFFFFFFF  }
0xab: {  	s26 =	simm.s32 $execute0_lowered;
	[smem:$0x3FD2] =	sst s25  }
0xac: {  	s7 =	sshll.u32 s26, $0x1;
	_ =	strace $0x80000046;
	[dreg:$0x1] =	wrdreg $0xFFFFFFFF  }
0xad: {  	s28 =	simm.s32 $_size_execute0_lowered;
	s5 =	sadd.s32 s5, s7;
	[dreg:$0x0] =	wrdreg $0x0  }
0xae: {  	s7 =	sshll.u32 s28, $0x1;
	[dreg:$0x2] =	wrdreg s5  }
0xaf: {  	[dreg:$0x3] =	wrdreg s7  }
0xb0: {  	[dreg:$0x4] =	wrdreg $0xC0  }
0xb1: {  	_ =	task [dreg:s9], $0x5FFFF  }
0xb2: {  	[dreg:$0x1] =	wrdreg $0xFFFFFFFF  }
0xb3: {  	[dreg:$0x0] =	wrdreg $0x60  }
0xb4: {  	[dreg:$0x2] =	wrdreg s15  }
0xb5: {  	[dreg:$0x3] =	wrdreg s24  }
0xb6: {  	[dreg:$0x4] =	wrdreg s16  }
0xb7: {  	[dreg:$0x5] =	wrdreg s17  }
0xb8: {  	[dreg:$0x6] =	wrdreg $0x9  }
0xb9: {  	_ =	task.clear_ibuf [dreg:s9], $0x7FFFF;
	_ =	strace $0x90000046  }
0xba: {  	s29 =	simm.s32 $0x9;
	_ =	strace $0x80000048  }
0xbb: {  	_ =	swait.ge [sflag:s29], $0x1  }
0xbc: {  	[sflag:s29] =	ssyncadd.s32 $0xFFFFFFFF  }
0xbd: {  	_ =	strace $0x90000048  }
0xbe: {  	_ =	sfence  }
0xbf: {  	s30 =	sld [smem:$0x0];
	_ =	sdelay $0x2  }
0xc0: {  	s31 =	sshll.u32 s1, $0xD;
	s1 =	sshrl.u32 s1, $0x2  }
0xc1: {  	s3 =	sand.u32 $0x4000, s31;
	s1 =	sadd.s32 s1, s30  }
0xc2: {  	s0 =	sor.u32 s3, s0;
	s1 =	sshll.u32 s1, $0x11  }
0xc3: {  	s0 =	sor.u32 s1, s0  }
0xc4: {  	s0 =	sadd.s32 $0x8F2B, s0  }
0xc5: {  	[sflag:s0] =	ssyncadd.remote.s32 $0x1  }
0xc6: {  	_ =	sfence.sel $0xFFFF  }
0xc7: {  	[dreg:$0x0] =	wrdreg $0xFFFFFFFF;
	(pc) =	sbr.abs _section_cstart, $3  }
0xc8: {  	[dreg:$0x1] =	wrdreg $0xFFFFFFFF  }
0xc9: {  	_ =	task.clear_ibuf [dreg:s9], $0x2FFFF;
	_ =	strace $0x9FFFFFFF  }
0xca: {  	(tm) =	ssettm $0x7FFFFFFF  }
0xcb: {  	_ =	shalt  }
tec
execute0_lowered:
.L_overlay_start_1:
0x0: {  	(tag) =	ssettag $0x1  }
0x1: {  	s1 =	srdreg.scid;
	s25 =	stileid.u32  }
0x2: {  	s3 =	rddreg [dreg:$0x0];
	s1 =	sand.u32 $0x1, s1;
	s2 =	sshll.u32 s25, $0x1  }
0x3: {  	s6 =	rddreg [dreg:$0x1];
	s7 =	sor.u32 s1, s2  }
0x4: {  	s4 =	rddreg [dreg:$0x2];
	s8 =	sshll.u32 s7, $0x5  }
0x5: {  	s5 =	rddreg [dreg:$0x3];
	s2 =	simm.s32 $0x0;
	s6 =	sadd.s32 s8, s6  }
0x6: {  	[smem:$0x7FF] =	sst s2;
	s8 =	sadd.s32 $0x1000, s6;
	s6 =	sshll.u32 s7, $0x10  }
0x7: {  	_ =	strace $0x80000047;
	[dreg:$0x5] =	wrdreg s8;
	s7 =	sadd.s32 s5, s6  }
0x8: {  	s12 =	sadd.s32 s4, s6;
	[dreg:$0x6] =	wrdreg s7  }
0x9: {  	s13 =	sor.u32 $0x800, s6;
	s8 =	simm.s32 $0x180;
	[dreg:$0x7] =	wrdreg s12  }
0xa: {  	s14 =	sadd.s32 s5, s13;
	[smem:$0x7E4] =	sst s8  }
0xb: {  	s16 =	sor.u32 $0x1000, s6;
	s15 =	sadd.s32 s4, s13;
	[dreg:$0x8] =	wrdreg s14  }
0xc: {  	s17 =	sadd.s32 s5, s16;
	[dreg:$0x9] =	wrdreg s15  }
0xd: {  	s19 =	sor.u32 $0x1800, s6;
	s18 =	sadd.s32 s4, s16;
	[dreg:$0xa] =	wrdreg s17  }
0xe: {  	s20 =	sadd.s32 s5, s19;
	[dreg:$0xb] =	wrdreg s18  }
0xf: {  	s22 =	sor.u32 $0x2000, s6;
	s21 =	sadd.s32 s4, s19;
	[dreg:$0xc] =	wrdreg s20  }
0x10: {  	s23 =	sadd.s32 s5, s22;
	[dreg:$0xd] =	wrdreg s21  }
0x11: {  	s26 =	sor.u32 $0x2800, s6;
	s24 =	sadd.s32 s4, s22;
	[dreg:$0xe] =	wrdreg s23  }
0x12: {  	s0 =	sadd.s32 s5, s26;
	[dreg:$0xf] =	wrdreg s24  }
0x13: {  	s10 =	sor.u32 $0x3000, s6;
	s9 =	sadd.s32 s4, s26;
	[dreg:$0x10] =	wrdreg s0  }
0x14: {  	s11 =	sadd.s32 s5, s10;
	[dreg:$0x11] =	wrdreg s9  }
0x15: {  	s12 =	sadd.s32 s4, s10;
	[dreg:$0x12] =	wrdreg s11  }
0x16: {  	s7 =	simm.s32 $0x80;
	[dreg:$0x13] =	wrdreg s12  }
0x17: {  	s13 =	sor.u32 $0x3800, s6;
	s8 =	simm.s32 $0x188;
	[smem:$0x7E3] =	sst s7  }
0x18: {  	s14 =	sadd.s32 s5, s13;
	[smem:$0x7F4] =	sst s8  }
0x19: {  	s16 =	sor.u32 $0x4000, s6;
	s15 =	sadd.s32 s4, s13;
	[dreg:$0x14] =	wrdreg s14  }
0x1a: {  	s17 =	sadd.s32 s5, s16;
	[dreg:$0x15] =	wrdreg s15  }
0x1b: {  	s19 =	sor.u32 $0x4800, s6;
	s18 =	sadd.s32 s4, s16;
	[dreg:$0x16] =	wrdreg s17  }
0x1c: {  	s20 =	sadd.s32 s5, s19;
	[dreg:$0x17] =	wrdreg s18  }
0x1d: {  	s22 =	sor.u32 $0x5000, s6;
	s21 =	sadd.s32 s4, s19;
	[dreg:$0x18] =	wrdreg s20  }
0x1e: {  	s23 =	sadd.s32 s5, s22;
	[dreg:$0x19] =	wrdreg s21  }
0x1f: {  	s26 =	sor.u32 $0x5800, s6;
	s24 =	sadd.s32 s4, s22;
	[dreg:$0x1a] =	wrdreg s23  }
0x20: {  	s0 =	sadd.s32 s5, s26;
	[dreg:$0x1b] =	wrdreg s24  }
0x21: {  	s10 =	sor.u32 $0x6000, s6;
	s9 =	sadd.s32 s4, s26;
	[dreg:$0x1c] =	wrdreg s0  }
0x22: {  	s11 =	sadd.s32 s5, s10;
	[dreg:$0x1d] =	wrdreg s9  }
0x23: {  	s12 =	sadd.s32 s4, s10;
	s13 =	sor.u32 $0x6800, s6;
	[dreg:$0x1e] =	wrdreg s11  }
0x24: {  	[dreg:$0x1f] =	wrdreg s12;
	s14 =	sadd.s32 s5, s13  }
0x25: {  	s16 =	sor.u32 $0x7000, s6;
	s15 =	sadd.s32 s4, s13;
	[smem:$0x7AD] =	sst s14  }
0x26: {  	s17 =	sadd.s32 s5, s16;
	[smem:$0x7AE] =	sst s15  }
0x27: {  	s19 =	sor.u32 $0x7800, s6;
	s18 =	sadd.s32 s4, s16;
	[smem:$0x7AF] =	sst s17  }
0x28: {  	s20 =	sadd.s32 s5, s19;
	[smem:$0x7B0] =	sst s18  }
0x29: {  	s22 =	sor.u32 $0x8000, s6;
	s21 =	sadd.s32 s4, s19;
	[smem:$0x7B1] =	sst s20  }
0x2a: {  	s23 =	sadd.s32 s5, s22;
	[smem:$0x7B2] =	sst s21  }
0x2b: {  	s26 =	sor.u32 $0x8800, s6;
	s24 =	sadd.s32 s4, s22;
	[smem:$0x7B3] =	sst s23  }
0x2c: {  	s0 =	sadd.s32 s5, s26;
	[smem:$0x7B4] =	sst s24  }
0x2d: {  	s10 =	sor.u32 $0x9000, s6;
	s9 =	sadd.s32 s4, s26;
	[smem:$0x7B5] =	sst s0  }
0x2e: {  	s11 =	sadd.s32 s5, s10;
	[smem:$0x7B6] =	sst s9  }
0x2f: {  	s12 =	sadd.s32 s4, s10;
	s13 =	sor.u32 $0x9800, s6;
	[smem:$0x7B7] =	sst s11  }
0x30: {  	[smem:$0x7B8] =	sst s12;
	s14 =	sadd.s32 s5, s13  }
0x31: {  	s16 =	sor.u32 $0xA000, s6;
	s15 =	sadd.s32 s4, s13;
	[smem:$0x7B9] =	sst s14  }
0x32: {  	s17 =	sadd.s32 s5, s16;
	[smem:$0x7BA] =	sst s15  }
0x33: {  	s19 =	sor.u32 $0xA800, s6;
	s18 =	sadd.s32 s4, s16;
	[smem:$0x7BB] =	sst s17  }
0x34: {  	s20 =	sadd.s32 s5, s19;
	[smem:$0x7BC] =	sst s18  }
0x35: {  	s22 =	sor.u32 $0xB000, s6;
	s21 =	sadd.s32 s4, s19;
	[smem:$0x7BD] =	sst s20  }
0x36: {  	s23 =	sadd.s32 s5, s22;
	[smem:$0x7BE] =	sst s21  }
0x37: {  	s26 =	sor.u32 $0xB800, s6;
	s24 =	sadd.s32 s4, s22;
	[smem:$0x7BF] =	sst s23  }
0x38: {  	s0 =	sadd.s32 s5, s26;
	[smem:$0x7C0] =	sst s24  }
0x39: {  	s10 =	sor.u32 $0xC000, s6;
	s9 =	sadd.s32 s4, s26;
	[smem:$0x7C1] =	sst s0  }
0x3a: {  	s11 =	sadd.s32 s5, s10;
	[smem:$0x7C2] =	sst s9  }
0x3b: {  	s12 =	sadd.s32 s4, s10;
	s13 =	sor.u32 $0xC800, s6;
	[smem:$0x7C3] =	sst s11  }
0x3c: {  	[smem:$0x7C4] =	sst s12;
	s14 =	sadd.s32 s5, s13  }
0x3d: {  	s16 =	sor.u32 $0xD000, s6;
	s15 =	sadd.s32 s4, s13;
	[smem:$0x7C5] =	sst s14  }
0x3e: {  	s17 =	sadd.s32 s5, s16;
	[smem:$0x7C6] =	sst s15  }
0x3f: {  	s19 =	sor.u32 $0xD800, s6;
	s18 =	sadd.s32 s4, s16;
	[smem:$0x7C7] =	sst s17  }
0x40: {  	s20 =	sadd.s32 s5, s19;
	[smem:$0x7C8] =	sst s18  }
0x41: {  	s22 =	sor.u32 $0xE000, s6;
	s21 =	sadd.s32 s4, s19;
	[smem:$0x7C9] =	sst s20  }
0x42: {  	s23 =	sadd.s32 s5, s22;
	[smem:$0x7CA] =	sst s21  }
0x43: {  	s26 =	sor.u32 $0xE800, s6;
	s24 =	sadd.s32 s4, s22;
	[smem:$0x7CB] =	sst s23  }
0x44: {  	s0 =	sadd.s32 s5, s26;
	[smem:$0x7CC] =	sst s24  }
0x45: {  	s10 =	sor.u32 $0xF000, s6;
	s9 =	sadd.s32 s4, s26;
	[smem:$0x7CD] =	sst s0  }
0x46: {  	s11 =	sadd.s32 s5, s10;
	[smem:$0x7CE] =	sst s9  }
0x47: {  	s6 =	sor.u32 $0xF800, s6;
	s12 =	sadd.s32 s4, s10;
	[smem:$0x7CF] =	sst s11  }
0x48: {  	s5 =	sadd.s32 s5, s6;
	[smem:$0x7D0] =	sst s12  }
0x49: {  	s4 =	sadd.s32 s4, s6;
	[smem:$0x7D1] =	sst s5  }
0x4a: {  	s13 =	simm.s32 $0x100;
	[smem:$0x7D2] =	sst s4  }
0x4b: {  	s16 =	simm.s32 $0x103;
	[smem:$0x7D3] =	sst s13  }
0x4c: {  	s19 =	simm.s32 $0x106;
	[smem:$0x7D6] =	sst s16  }
0x4d: {  	s22 =	simm.s32 $0x109;
	[smem:$0x7D9] =	sst s19  }
0x4e: {  	s26 =	simm.s32 $0x10C;
	[smem:$0x7DC] =	sst s22  }
0x4f: {  	s6 =	simm.s32 $0x10F;
	[smem:$0x7DF] =	sst s26  }
0x50: {  	s10 =	simm.s32 $0x181;
	[smem:$0x7E2] =	sst s6  }
0x51: {  	s14 =	simm.s32 $0x101;
	[smem:$0x7E6] =	sst s10  }
0x52: {  	s15 =	simm.s32 $0x102;
	[smem:$0x7D4] =	sst s14  }
0x53: {  	s17 =	simm.s32 $0x104;
	[smem:$0x7D5] =	sst s15  }
0x54: {  	s18 =	simm.s32 $0x105;
	[smem:$0x7D7] =	sst s17  }
0x55: {  	s31 =	simm.s32 $0xF;
	s20 =	simm.s32 $0x107;
	[smem:$0x7D8] =	sst s18  }
0x56: {  	p0 =	por $0x0, $0x0;
	s21 =	simm.s32 $0x108;
	[smem:$0x7DA] =	sst s20  }
0x57: {  	s30 =	simm.s32 $0x18D;
	s23 =	simm.s32 $0x10A;
	[smem:$0x7DB] =	sst s21  }
0x58: {  	s29 =	simm.s32 $0x8E;
	s24 =	simm.s32 $0x10B;
	[smem:$0x7DD] =	sst s23  }
0x59: {  	s28 =	simm.s32 $0x18E;
	s0 =	simm.s32 $0x10D;
	[smem:$0x7DE] =	sst s24  }
0x5a: {  	s1 =	ssub.s32 $0x2, s1;
	s5 =	simm.s32 $0x10E;
	[smem:$0x7E0] =	sst s0  }
0x5b: {  	s7 =	simm.s32 $0x14200;
	s9 =	simm.s32 $0x81;
	[smem:$0x7E1] =	sst s5  }
0x5c: {  	s8 =	simm.s32 $0x18200;
	s11 =	simm.s32 $0x82;
	[smem:$0x7E5] =	sst s9  }
0x5d: {  	s12 =	sshrl.u32 s1, $0x1;
	s13 =	simm.s32 $0x182;
	[smem:$0x7E7] =	sst s11  }
0x5e: {  	s16 =	simm.s32 $0x84;
	s4 =	simm.s32 $0x1;
	[smem:$0x7E8] =	sst s13  }
0x5f: {  	s19 =	simm.s32 $0x185;
	s22 =	simm.s32 $0x186;
	[smem:$0x7EB] =	sst s16  }
0x60: {  	s26 =	simm.s32 $0x187;
	s10 =	simm.s32 $0x89;
	[smem:$0x7EE] =	sst s19  }
0x61: {  	s6 =	simm.s32 $0x8;
	s1 =	ssub.s32 s1, s12;
	[smem:$0x7F0] =	sst s22  }
0x62: {  	s14 =	simm.s32 $0x83;
	s15 =	simm.s32 $0x183;
	[smem:$0x7F2] =	sst s26  }
0x63: {  	s17 =	simm.s32 $0x184;
	s5 =	simm.s32 $0x200;
	[smem:$0x7F5] =	sst s10  }
0x64: {  	s18 =	simm.s32 $0x85;
	s20 =	simm.s32 $0x4200;
	[smem:$0x7E9] =	sst s14  }
0x65: {  	s21 =	simm.s32 $0x86;
	s11 =	simm.s32 $0xC200;
	[smem:$0x7EA] =	sst s15  }
0x66: {  	s24 =	simm.s32 $0x2;
	s23 =	simm.s32 $0x87;
	[smem:$0x7EC] =	sst s17  }
0x67: {  	s9 =	simm.s32 $0x10200;
	s0 =	simm.s32 $0x88;
	[smem:$0x7ED] =	sst s18  }
0x68: {  	s22 =	simm.s32 $0x4;
	s12 =	simm.s32 $0x189;
	[smem:$0x7EF] =	sst s21  }
0x69: {  	s10 =	simm.s32 $0x8A;
	s13 =	simm.s32 $0x18A;
	[smem:$0x7F1] =	sst s23  }
0x6a: {  	s19 =	simm.s32 $0x7;
	s16 =	simm.s32 $0x18C;
	[smem:$0x7F3] =	sst s0  }
0x6b: {  	s26 =	simm.s32 $0x8D;
	s1 =	smax.u32 s1, $0x1;
	[smem:$0x7F6] =	sst s12  }
0x6c: {  	s17 =	simm.s32 $0x8200;
	s23 =	simm.s32 $0x3;
	[smem:$0x7F7] =	sst s10  }
0x6d: {  	s21 =	simm.s32 $0x5;
	s18 =	simm.s32 $0x6;
	[smem:$0x7F8] =	sst s13  }
0x6e: {  	s12 =	simm.s32 $0x8B;
	[smem:$0x7FC] =	sst s16;
	p1 =	sne.s32 s1, $0x1  }
.Ltmp0:
0x6f: {  	s10 =	simm.s32 $0x9;
	[smem:$0x7FD] =	sst s26;
	(pc) =	sbr.rel @!p1 .LBB2_5-.Ltmp0, $4  }
0x70: {  	s14 =	simm.s32 $0x18B;
	s15 =	simm.s32 $0x8C;
	[smem:$0x7F9] =	sst s12  }
0x71: {  	s13 =	simm.s32 $0xA;
	s16 =	simm.s32 $0xE;
	[smem:$0x7FA] =	sst s14  }
0x72: {  	s26 =	simm.s32 $0x8F;
	[smem:$0x7FB] =	sst s15;
	s14 =	simm.s32 $0xB  }
0x73: {  	s15 =	simm.s32 $0xC;
	s12 =	simm.s32 $0xD;
	s0 =	sadd.s32 $0xFFFFFFFF, s1  }
0x74: {  	s1 =	rddreg [dreg:$0x5]  }
0x75: {  	[tilespmem:s2], [sflag:$0xF] =	stream.linear.gather [hbm4b:s1+s2], $0x100, $0x38;
	[tilespmem:$0x1C200] =	vst v63  }
0x76: {  	_ =	swait.ge [sflag:s31], $0x100  }
0x77: {  	[sflag:s31] =	ssyncset.done $0x0  }
0x78: {  	[sflag:s31] =	ssyncadd.s32 $0xFFFFFF00  }
0x79: {  	v0 =	vld [tilespmem:$0x0]  }
0x7a: {  	v1 =	vld [tilespmem:$0x80];
	_ =	sdelay $0x3  }
0x7b: {  	v0 =	vadd.s32 $0xFFFFFFFF, v0  }
0x7c: {  	v63 =	vadd.s32 $0xFFFFFFFF, v1;
	[tilespmem:$0x100] =	vst v0  }
0x7d: {  	s1 =	sld [smem:$0x7D3];
	[tilespmem:$0x180] =	vst v63  }
0x7e: {  	[tilespmem:s5], [sflag:$0x1] =	stream.indirect.gather [hbm4b:s3+s4], $0x4000, s2, s4, $0xb8;
	[tilespmem:$0x1C200] =	vst v63  }
0x7f: {  	_ = 	snop  }
0x80: {  	[tilespmem:s20], [sflag:$0x2] =	stream.indirect.gather [hbm4b:s3+s4], $0x4000, s1, s4, $0xb8;
	[tilespmem:$0x1C200] =	vst v63  }
0x81: {  	_ = 	snop  }
0x82: {  	[tilespmem:s17], [sflag:$0x3] =	stream.indirect.gather [hbm4b:s3+s4], $0x4000, s4, s4, $0xb8;
	[tilespmem:$0x1C200] =	vst v63  }
0x83: {  	_ =	swait.ge [sflag:s4], $0x4000  }
0x84: {  	s25 =	smov.u32 s0;
	s0 =	rddreg [dreg:$0x6];
	[sflag:s4] =	ssyncset.done $0x0  }
0x85: {  	s1 =	sld [smem:$0x7D4];
	[sflag:s4] =	ssyncadd.s32 $0xFFFFC000  }
0x86: {  	[hbm4b:s0+s2] =	stream.linear.scatter [tilespmem:s5], [sflag:$0x8], $0x4000, $0x38;
	[tilespmem:$0x1C200] =	vst v63  }
0x87: {  	_ = 	snop  }
0x88: {  	[tilespmem:s11], [sflag:$0x4] =	stream.indirect.gather [hbm4b:s3+s4], $0x4000, s1, s4, $0xb8;
	[tilespmem:$0x1C200] =	vst v63  }
0x89: {  	_ =	swait.ge [sflag:s24], $0x4000  }
0x8a: {  	[sflag:s24] =	ssyncset.done $0x0  }
0x8b: {  	s1 =	rddreg [dreg:$0x7];
	[sflag:s24] =	ssyncadd.s32 $0xFFFFC000  }
0x8c: {  	[hbm4b:s1+s2] =	stream.linear.scatter [tilespmem:s20], [sflag:$0x9], $0x4000, $0x38;
	[tilespmem:$0x1C200] =	vst v63  }
0x8d: {  	_ = 	snop  }
0x8e: {  	[tilespmem:s9], [sflag:$0x5] =	stream.indirect.gather [hbm4b:s3+s4], $0x4000, s24, s4, $0xb8;
	[tilespmem:$0x1C200] =	vst v63  }
0x8f: {  	_ =	swait.ge [sflag:s23], $0x4000  }
0x90: {  	s0 =	rddreg [dreg:$0x8];
	[sflag:s23] =	ssyncset.done $0x0  }
0x91: {  	s1 =	sld [smem:$0x7D5];
	[sflag:s23] =	ssyncadd.s32 $0xFFFFC000  }
0x92: {  	[hbm4b:s0+s2] =	stream.linear.scatter [tilespmem:s17], [sflag:$0xA], $0x4000, $0x38;
	[tilespmem:$0x1C200] =	vst v63  }
0x93: {  	_ = 	snop  }
0x94: {  	[tilespmem:s7], [sflag:$0x6] =	stream.indirect.gather [hbm4b:s3+s4], $0x4000, s1, s4, $0xb8;
	[tilespmem:$0x1C200] =	vst v63  }
0x95: {  	_ =	swait.ge [sflag:s22], $0x4000  }
0x96: {  	[sflag:s22] =	ssyncset.done $0x0  }
0x97: {  	s1 =	rddreg [dreg:$0x9];
	[sflag:s22] =	ssyncadd.s32 $0xFFFFC000  }
0x98: {  	[hbm4b:s1+s2] =	stream.linear.scatter [tilespmem:s11], [sflag:$0xB], $0x4000, $0x38;
	[tilespmem:$0x1C200] =	vst v63  }
0x99: {  	_ = 	snop  }
0x9a: {  	[tilespmem:s8], [sflag:$0x7] =	stream.indirect.gather [hbm4b:s3+s4], $0x4000, s23, s4, $0xb8;
	[tilespmem:$0x1C200] =	vst v63  }
0x9b: {  	_ =	swait.ge [sflag:s21], $0x4000  }
0x9c: {  	[sflag:s21] =	ssyncset.done $0x0  }
0x9d: {  	s1 =	rddreg [dreg:$0xa];
	[sflag:s21] =	ssyncadd.s32 $0xFFFFC000  }
0x9e: {  	[hbm4b:s1+s2] =	stream.linear.scatter [tilespmem:s9], [sflag:$0xC], $0x4000, $0x38;
	[tilespmem:$0x1C200] =	vst v63  }
0x9f: {  	_ =	swait.ge [sflag:s6], $0x4000  }
0xa0: {  	s1 =	sld [smem:$0x7D6]  }
0xa1: {  	[sflag:s6] =	ssyncset.done $0x0  }
0xa2: {  	[sflag:s6] =	ssyncadd.s32 $0xFFFFC000  }
0xa3: {  	[tilespmem:s5], [sflag:$0x1] =	stream.indirect.gather [hbm4b:s3+s4], $0x4000, s1, s4, $0xb8;
	[tilespmem:$0x1C200] =	vst v63  }
0xa4: {  	_ =	swait.ge [sflag:s18], $0x4000  }
0xa5: {  	[sflag:s18] =	ssyncset.done $0x0  }
0xa6: {  	s1 =	rddreg [dreg:$0xb];
	[sflag:s18] =	ssyncadd.s32 $0xFFFFC000  }
0xa7: {  	[hbm4b:s1+s2] =	stream.linear.scatter [tilespmem:s7], [sflag:$0xD], $0x4000, $0x38;
	[tilespmem:$0x1C200] =	vst v63  }
0xa8: {  	_ =	swait.ge [sflag:s10], $0x4000  }
0xa9: {  	[sflag:s10] =	ssyncset.done $0x0  }
0xaa: {  	[sflag:s10] =	ssyncadd.s32 $0xFFFFC000  }
0xab: {  	[tilespmem:s20], [sflag:$0x2] =	stream.indirect.gather [hbm4b:s3+s4], $0x4000, s22, s4, $0xb8;
	[tilespmem:$0x1C200] =	vst v63  }
0xac: {  	_ =	swait.ge [sflag:s19], $0x4000  }
0xad: {  	[sflag:s19] =	ssyncset.done $0x0  }
0xae: {  	s1 =	rddreg [dreg:$0xc];
	[sflag:s19] =	ssyncadd.s32 $0xFFFFC000  }
0xaf: {  	[hbm4b:s1+s2] =	stream.linear.scatter [tilespmem:s8], [sflag:$0xE], $0x4000, $0x38;
	[tilespmem:$0x1C200] =	vst v63  }
0xb0: {  	_ =	swait.ge [sflag:s13], $0x4000  }
0xb1: {  	s1 =	sld [smem:$0x7D7]  }
0xb2: {  	[sflag:s13] =	ssyncset.done $0x0  }
0xb3: {  	[sflag:s13] =	ssyncadd.s32 $0xFFFFC000  }
0xb4: {  	[tilespmem:s17], [sflag:$0x3] =	stream.indirect.gather [hbm4b:s3+s4], $0x4000, s1, s4, $0xb8;
	[tilespmem:$0x1C200] =	vst v63  }
0xb5: {  	_ =	swait.ge [sflag:s4], $0x4000  }
0xb6: {  	[sflag:s4] =	ssyncset.done $0x0  }
0xb7: {  	s1 =	rddreg [dreg:$0xd];
	[sflag:s4] =	ssyncadd.s32 $0xFFFFC000  }
0xb8: {  	[hbm4b:s1+s2] =	stream.linear.scatter [tilespmem:s5], [sflag:$0x8], $0x4000, $0x38;
	[tilespmem:$0x1C200] =	vst v63  }
0xb9: {  	_ =	swait.ge [sflag:s14], $0x4000  }
0xba: {  	[sflag:s14] =	ssyncset.done $0x0  }
0xbb: {  	[sflag:s14] =	ssyncadd.s32 $0xFFFFC000  }
0xbc: {  	[tilespmem:s11], [sflag:$0x4] =	stream.indirect.gather [hbm4b:s3+s4], $0x4000, s21, s4, $0xb8;
	[tilespmem:$0x1C200] =	vst v63  }
0xbd: {  	_ =	swait.ge [sflag:s24], $0x4000  }
0xbe: {  	[sflag:s24] =	ssyncset.done $0x0  }
0xbf: {  	s1 =	rddreg [dreg:$0xe];
	[sflag:s24] =	ssyncadd.s32 $0xFFFFC000  }
0xc0: {  	[hbm4b:s1+s2] =	stream.linear.scatter [tilespmem:s20], [sflag:$0x9], $0x4000, $0x38;
	[tilespmem:$0x1C200] =	vst v63  }
0xc1: {  	_ =	swait.ge [sflag:s15], $0x4000  }
0xc2: {  	s1 =	sld [smem:$0x7D8]  }
0xc3: {  	[sflag:s15] =	ssyncset.done $0x0  }
0xc4: {  	[sflag:s15] =	ssyncadd.s32 $0xFFFFC000  }
0xc5: {  	[tilespmem:s9], [sflag:$0x5] =	stream.indirect.gather [hbm4b:s3+s4], $0x4000, s1, s4, $0xb8;
	[tilespmem:$0x1C200] =	vst v63  }
0xc6: {  	_ =	swait.ge [sflag:s23], $0x4000  }
0xc7: {  	[sflag:s23] =	ssyncset.done $0x0  }
0xc8: {  	s1 =	rddreg [dreg:$0xf];
	[sflag:s23] =	ssyncadd.s32 $0xFFFFC000  }
0xc9: {  	[hbm4b:s1+s2] =	stream.linear.scatter [tilespmem:s17], [sflag:$0xA], $0x4000, $0x38;
	[tilespmem:$0x1C200] =	vst v63  }
0xca: {  	_ =	swait.ge [sflag:s12], $0x4000  }
0xcb: {  	[sflag:s12] =	ssyncset.done $0x0  }
0xcc: {  	[sflag:s12] =	ssyncadd.s32 $0xFFFFC000  }
0xcd: {  	[tilespmem:s7], [sflag:$0x6] =	stream.indirect.gather [hbm4b:s3+s4], $0x4000, s18, s4, $0xb8;
	[tilespmem:$0x1C200] =	vst v63  }
0xce: {  	_ =	swait.ge [sflag:s22], $0x4000  }
0xcf: {  	[sflag:s22] =	ssyncset.done $0x0  }
0xd0: {  	s1 =	rddreg [dreg:$0x10];
	[sflag:s22] =	ssyncadd.s32 $0xFFFFC000  }
0xd1: {  	[hbm4b:s1+s2] =	stream.linear.scatter [tilespmem:s11], [sflag:$0xB], $0x4000, $0x38;
	[tilespmem:$0x1C200] =	vst v63  }
0xd2: {  	_ =	swait.ge [sflag:s16], $0x4000  }
0xd3: {  	s1 =	sld [smem:$0x7D9]  }
0xd4: {  	[sflag:s16] =	ssyncset.done $0x0  }
0xd5: {  	[sflag:s16] =	ssyncadd.s32 $0xFFFFC000  }
0xd6: {  	[tilespmem:s8], [sflag:$0x7] =	stream.indirect.gather [hbm4b:s3+s4], $0x4000, s1, s4, $0xb8;
	[tilespmem:$0x1C200] =	vst v63  }
0xd7: {  	_ =	swait.ge [sflag:s21], $0x4000  }
0xd8: {  	[sflag:s21] =	ssyncset.done $0x0  }
0xd9: {  	s1 =	rddreg [dreg:$0x11];
	[sflag:s21] =	ssyncadd.s32 $0xFFFFC000  }
0xda: {  	[hbm4b:s1+s2] =	stream.linear.scatter [tilespmem:s9], [sflag:$0xC], $0x4000, $0x38;
	[tilespmem:$0x1C200] =	vst v63  }
0xdb: {  	_ =	swait.ge [sflag:s6], $0x4000  }
0xdc: {  	[sflag:s6] =	ssyncset.done $0x0  }
0xdd: {  	[sflag:s6] =	ssyncadd.s32 $0xFFFFC000  }
0xde: {  	[tilespmem:s5], [sflag:$0x1] =	stream.indirect.gather [hbm4b:s3+s4], $0x4000, s19, s4, $0xb8;
	[tilespmem:$0x1C200] =	vst v63  }
0xdf: {  	_ =	swait.ge [sflag:s18], $0x4000  }
0xe0: {  	[sflag:s18] =	ssyncset.done $0x0  }
0xe1: {  	s1 =	rddreg [dreg:$0x12];
	[sflag:s18] =	ssyncadd.s32 $0xFFFFC000  }
0xe2: {  	[hbm4b:s1+s2] =	stream.linear.scatter [tilespmem:s7], [sflag:$0xD], $0x4000, $0x38;
	[tilespmem:$0x1C200] =	vst v63  }
0xe3: {  	_ =	swait.ge [sflag:s10], $0x4000  }
0xe4: {  	s1 =	sld [smem:$0x7DA]  }
0xe5: {  	[sflag:s10] =	ssyncset.done $0x0  }
0xe6: {  	[sflag:s10] =	ssyncadd.s32 $0xFFFFC000  }
0xe7: {  	[tilespmem:s20], [sflag:$0x2] =	stream.indirect.gather [hbm4b:s3+s4], $0x4000, s1, s4, $0xb8;
	[tilespmem:$0x1C200] =	vst v63  }
0xe8: {  	_ =	swait.ge [sflag:s19], $0x4000  }
0xe9: {  	[sflag:s19] =	ssyncset.done $0x0  }
0xea: {  	s1 =	rddreg [dreg:$0x13];
	[sflag:s19] =	ssyncadd.s32 $0xFFFFC000  }
0xeb: {  	[hbm4b:s1+s2] =	stream.linear.scatter [tilespmem:s8], [sflag:$0xE], $0x4000, $0x38;
	[tilespmem:$0x1C200] =	vst v63  }
0xec: {  	_ =	swait.ge [sflag:s13], $0x4000  }
0xed: {  	[sflag:s13] =	ssyncset.done $0x0  }
0xee: {  	[sflag:s13] =	ssyncadd.s32 $0xFFFFC000  }
0xef: {  	[tilespmem:s17], [sflag:$0x3] =	stream.indirect.gather [hbm4b:s3+s4], $0x4000, s6, s4, $0xb8;
	[tilespmem:$0x1C200] =	vst v63  }
0xf0: {  	_ =	swait.ge [sflag:s4], $0x4000  }
0xf1: {  	[sflag:s4] =	ssyncset.done $0x0  }
0xf2: {  	s1 =	rddreg [dreg:$0x14];
	[sflag:s4] =	ssyncadd.s32 $0xFFFFC000  }
0xf3: {  	[hbm4b:s1+s2] =	stream.linear.scatter [tilespmem:s5], [sflag:$0x8], $0x4000, $0x38;
	[tilespmem:$0x1C200] =	vst v63  }
0xf4: {  	_ =	swait.ge [sflag:s14], $0x4000  }
0xf5: {  	s1 =	sld [smem:$0x7DB]  }
0xf6: {  	[sflag:s14] =	ssyncset.done $0x0  }
0xf7: {  	[sflag:s14] =	ssyncadd.s32 $0xFFFFC000  }
0xf8: {  	[tilespmem:s11], [sflag:$0x4] =	stream.indirect.gather [hbm4b:s3+s4], $0x4000, s1, s4, $0xb8;
	[tilespmem:$0x1C200] =	vst v63  }
0xf9: {  	_ =	swait.ge [sflag:s24], $0x4000  }
0xfa: {  	[sflag:s24] =	ssyncset.done $0x0  }
0xfb: {  	s1 =	rddreg [dreg:$0x15];
	[sflag:s24] =	ssyncadd.s32 $0xFFFFC000  }
0xfc: {  	[hbm4b:s1+s2] =	stream.linear.scatter [tilespmem:s20], [sflag:$0x9], $0x4000, $0x38;
	[tilespmem:$0x1C200] =	vst v63  }
0xfd: {  	_ =	swait.ge [sflag:s15], $0x4000  }
0xfe: {  	[sflag:s15] =	ssyncset.done $0x0  }
0xff: {  	[sflag:s15] =	ssyncadd.s32 $0xFFFFC000  }
0x100: {  	[tilespmem:s9], [sflag:$0x5] =	stream.indirect.gather [hbm4b:s3+s4], $0x4000, s10, s4, $0xb8;
	[tilespmem:$0x1C200] =	vst v63  }
0x101: {  	_ =	swait.ge [sflag:s23], $0x4000  }
0x102: {  	[sflag:s23] =	ssyncset.done $0x0  }
0x103: {  	s1 =	rddreg [dreg:$0x16];
	[sflag:s23] =	ssyncadd.s32 $0xFFFFC000  }
0x104: {  	[hbm4b:s1+s2] =	stream.linear.scatter [tilespmem:s17], [sflag:$0xA], $0x4000, $0x38;
	[tilespmem:$0x1C200] =	vst v63  }
0x105: {  	_ =	swait.ge [sflag:s12], $0x4000  }
0x106: {  	s1 =	sld [smem:$0x7DC]  }
0x107: {  	[sflag:s12] =	ssyncset.done $0x0  }
0x108: {  	[sflag:s12] =	ssyncadd.s32 $0xFFFFC000  }
0x109: {  	[tilespmem:s7], [sflag:$0x6] =	stream.indirect.gather [hbm4b:s3+s4], $0x4000, s1, s4, $0xb8;
	[tilespmem:$0x1C200] =	vst v63  }
0x10a: {  	_ =	swait.ge [sflag:s22], $0x4000  }
0x10b: {  	[sflag:s22] =	ssyncset.done $0x0  }
0x10c: {  	s1 =	rddreg [dreg:$0x17];
	[sflag:s22] =	ssyncadd.s32 $0xFFFFC000  }
0x10d: {  	[hbm4b:s1+s2] =	stream.linear.scatter [tilespmem:s11], [sflag:$0xB], $0x4000, $0x38;
	[tilespmem:$0x1C200] =	vst v63  }
0x10e: {  	_ =	swait.ge [sflag:s16], $0x4000  }
0x10f: {  	[sflag:s16] =	ssyncset.done $0x0  }
0x110: {  	[sflag:s16] =	ssyncadd.s32 $0xFFFFC000  }
0x111: {  	[tilespmem:s8], [sflag:$0x7] =	stream.indirect.gather [hbm4b:s3+s4], $0x4000, s13, s4, $0xb8;
	[tilespmem:$0x1C200] =	vst v63  }
0x112: {  	_ =	swait.ge [sflag:s21], $0x4000  }
0x113: {  	[sflag:s21] =	ssyncset.done $0x0  }
0x114: {  	s1 =	rddreg [dreg:$0x18];
	[sflag:s21] =	ssyncadd.s32 $0xFFFFC000  }
0x115: {  	[hbm4b:s1+s2] =	stream.linear.scatter [tilespmem:s9], [sflag:$0xC], $0x4000, $0x38;
	[tilespmem:$0x1C200] =	vst v63  }
0x116: {  	_ =	swait.ge [sflag:s6], $0x4000  }
0x117: {  	s1 =	sld [smem:$0x7DD]  }
0x118: {  	[sflag:s6] =	ssyncset.done $0x0  }
0x119: {  	[sflag:s6] =	ssyncadd.s32 $0xFFFFC000  }
0x11a: {  	[tilespmem:s5], [sflag:$0x1] =	stream.indirect.gather [hbm4b:s3+s4], $0x4000, s1, s4, $0xb8;
	[tilespmem:$0x1C200] =	vst v63  }
0x11b: {  	_ =	swait.ge [sflag:s18], $0x4000  }
0x11c: {  	[sflag:s18] =	ssyncset.done $0x0  }
0x11d: {  	s1 =	rddreg [dreg:$0x19];
	[sflag:s18] =	ssyncadd.s32 $0xFFFFC000  }
0x11e: {  	[hbm4b:s1+s2] =	stream.linear.scatter [tilespmem:s7], [sflag:$0xD], $0x4000, $0x38;
	[tilespmem:$0x1C200] =	vst v63  }
0x11f: {  	_ =	swait.ge [sflag:s10], $0x4000  }
0x120: {  	[sflag:s10] =	ssyncset.done $0x0  }
0x121: {  	[sflag:s10] =	ssyncadd.s32 $0xFFFFC000  }
0x122: {  	[tilespmem:s20], [sflag:$0x2] =	stream.indirect.gather [hbm4b:s3+s4], $0x4000, s14, s4, $0xb8;
	[tilespmem:$0x1C200] =	vst v63  }
0x123: {  	_ =	swait.ge [sflag:s19], $0x4000  }
0x124: {  	[sflag:s19] =	ssyncset.done $0x0  }
0x125: {  	s1 =	rddreg [dreg:$0x1a];
	[sflag:s19] =	ssyncadd.s32 $0xFFFFC000  }
0x126: {  	[hbm4b:s1+s2] =	stream.linear.scatter [tilespmem:s8], [sflag:$0xE], $0x4000, $0x38;
	[tilespmem:$0x1C200] =	vst v63  }
0x127: {  	_ =	swait.ge [sflag:s13], $0x4000  }
0x128: {  	s1 =	sld [smem:$0x7DE]  }
0x129: {  	[sflag:s13] =	ssyncset.done $0x0  }
0x12a: {  	[sflag:s13] =	ssyncadd.s32 $0xFFFFC000  }
0x12b: {  	[tilespmem:s17], [sflag:$0x3] =	stream.indirect.gather [hbm4b:s3+s4], $0x4000, s1, s4, $0xb8;
	[tilespmem:$0x1C200] =	vst v63  }
0x12c: {  	_ =	swait.ge [sflag:s4], $0x4000  }
0x12d: {  	[sflag:s4] =	ssyncset.done $0x0  }
0x12e: {  	s1 =	rddreg [dreg:$0x1b];
	[sflag:s4] =	ssyncadd.s32 $0xFFFFC000  }
0x12f: {  	[hbm4b:s1+s2] =	stream.linear.scatter [tilespmem:s5], [sflag:$0x8], $0x4000, $0x38;
	[tilespmem:$0x1C200] =	vst v63  }
0x130: {  	_ =	swait.ge [sflag:s14], $0x4000  }
0x131: {  	[sflag:s14] =	ssyncset.done $0x0  }
0x132: {  	[sflag:s14] =	ssyncadd.s32 $0xFFFFC000  }
0x133: {  	[tilespmem:s11], [sflag:$0x4] =	stream.indirect.gather [hbm4b:s3+s4], $0x4000, s15, s4, $0xb8;
	[tilespmem:$0x1C200] =	vst v63  }
0x134: {  	_ =	swait.ge [sflag:s24], $0x4000  }
0x135: {  	[sflag:s24] =	ssyncset.done $0x0  }
0x136: {  	s1 =	rddreg [dreg:$0x1c];
	[sflag:s24] =	ssyncadd.s32 $0xFFFFC000  }
0x137: {  	[hbm4b:s1+s2] =	stream.linear.scatter [tilespmem:s20], [sflag:$0x9], $0x4000, $0x38;
	[tilespmem:$0x1C200] =	vst v63  }
0x138: {  	_ =	swait.ge [sflag:s15], $0x4000  }
0x139: {  	s1 =	sld [smem:$0x7DF]  }
0x13a: {  	[sflag:s15] =	ssyncset.done $0x0  }
0x13b: {  	[sflag:s15] =	ssyncadd.s32 $0xFFFFC000  }
0x13c: {  	[tilespmem:s9], [sflag:$0x5] =	stream.indirect.gather [hbm4b:s3+s4], $0x4000, s1, s4, $0xb8;
	[tilespmem:$0x1C200] =	vst v63  }
0x13d: {  	_ =	swait.ge [sflag:s23], $0x4000  }
0x13e: {  	[sflag:s23] =	ssyncset.done $0x0  }
0x13f: {  	s1 =	rddreg [dreg:$0x1d];
	[sflag:s23] =	ssyncadd.s32 $0xFFFFC000  }
0x140: {  	[hbm4b:s1+s2] =	stream.linear.scatter [tilespmem:s17], [sflag:$0xA], $0x4000, $0x38;
	[tilespmem:$0x1C200] =	vst v63  }
0x141: {  	_ =	swait.ge [sflag:s12], $0x4000  }
0x142: {  	[sflag:s12] =	ssyncset.done $0x0  }
0x143: {  	[sflag:s12] =	ssyncadd.s32 $0xFFFFC000  }
0x144: {  	[tilespmem:s7], [sflag:$0x6] =	stream.indirect.gather [hbm4b:s3+s4], $0x4000, s12, s4, $0xb8;
	[tilespmem:$0x1C200] =	vst v63  }
0x145: {  	_ =	swait.ge [sflag:s22], $0x4000  }
0x146: {  	[sflag:s22] =	ssyncset.done $0x0  }
0x147: {  	s1 =	rddreg [dreg:$0x1e];
	[sflag:s22] =	ssyncadd.s32 $0xFFFFC000  }
0x148: {  	[hbm4b:s1+s2] =	stream.linear.scatter [tilespmem:s11], [sflag:$0xB], $0x4000, $0x38;
	[tilespmem:$0x1C200] =	vst v63  }
0x149: {  	_ =	swait.ge [sflag:s16], $0x4000  }
0x14a: {  	s1 =	sld [smem:$0x7E0]  }
0x14b: {  	[sflag:s16] =	ssyncset.done $0x0  }
0x14c: {  	[sflag:s16] =	ssyncadd.s32 $0xFFFFC000  }
0x14d: {  	[tilespmem:s8], [sflag:$0x7] =	stream.indirect.gather [hbm4b:s3+s4], $0x4000, s1, s4, $0xb8;
	[tilespmem:$0x1C200] =	vst v63  }
0x14e: {  	_ =	swait.ge [sflag:s21], $0x4000  }
0x14f: {  	[sflag:s21] =	ssyncset.done $0x0  }
0x150: {  	s1 =	rddreg [dreg:$0x1f];
	[sflag:s21] =	ssyncadd.s32 $0xFFFFC000  }
0x151: {  	[hbm4b:s1+s2] =	stream.linear.scatter [tilespmem:s9], [sflag:$0xC], $0x4000, $0x38;
	[tilespmem:$0x1C200] =	vst v63  }
0x152: {  	_ =	swait.ge [sflag:s6], $0x4000  }
0x153: {  	[sflag:s6] =	ssyncset.done $0x0  }
0x154: {  	[sflag:s6] =	ssyncadd.s32 $0xFFFFC000  }
0x155: {  	[tilespmem:s5], [sflag:$0x1] =	stream.indirect.gather [hbm4b:s3+s4], $0x4000, s16, s4, $0xb8;
	[tilespmem:$0x1C200] =	vst v63  }
0x156: {  	_ =	swait.ge [sflag:s18], $0x4000  }
0x157: {  	s1 =	sld [smem:$0x7AD]  }
0x158: {  	[sflag:s18] =	ssyncset.done $0x0  }
0x159: {  	[sflag:s18] =	ssyncadd.s32 $0xFFFFC000  }
0x15a: {  	[hbm4b:s1+s2] =	stream.linear.scatter [tilespmem:s7], [sflag:$0xD], $0x4000, $0x38;
	[tilespmem:$0x1C200] =	vst v63  }
0x15b: {  	_ =	swait.ge [sflag:s10], $0x4000  }
0x15c: {  	s1 =	sld [smem:$0x7E1]  }
0x15d: {  	[sflag:s10] =	ssyncset.done $0x0  }
0x15e: {  	[sflag:s10] =	ssyncadd.s32 $0xFFFFC000  }
0x15f: {  	[tilespmem:s20], [sflag:$0x2] =	stream.indirect.gather [hbm4b:s3+s4], $0x4000, s1, s4, $0xb8;
	[tilespmem:$0x1C200] =	vst v63  }
0x160: {  	_ =	swait.ge [sflag:s19], $0x4000  }
0x161: {  	s1 =	sld [smem:$0x7AE]  }
0x162: {  	[sflag:s19] =	ssyncset.done $0x0  }
0x163: {  	[sflag:s19] =	ssyncadd.s32 $0xFFFFC000  }
0x164: {  	[hbm4b:s1+s2] =	stream.linear.scatter [tilespmem:s8], [sflag:$0xE], $0x4000, $0x38;
	[tilespmem:$0x1C200] =	vst v63  }
0x165: {  	_ =	swait.ge [sflag:s13], $0x4000  }
0x166: {  	[sflag:s13] =	ssyncset.done $0x0  }
0x167: {  	[sflag:s13] =	ssyncadd.s32 $0xFFFFC000  }
0x168: {  	[tilespmem:s17], [sflag:$0x3] =	stream.indirect.gather [hbm4b:s3+s4], $0x4000, s31, s4, $0xb8;
	[tilespmem:$0x1C200] =	vst v63  }
0x169: {  	_ =	swait.ge [sflag:s4], $0x4000  }
0x16a: {  	s1 =	sld [smem:$0x7AF]  }
0x16b: {  	[sflag:s4] =	ssyncset.done $0x0  }
0x16c: {  	[sflag:s4] =	ssyncadd.s32 $0xFFFFC000  }
0x16d: {  	[hbm4b:s1+s2] =	stream.linear.scatter [tilespmem:s5], [sflag:$0x8], $0x4000, $0x38;
	[tilespmem:$0x1C200] =	vst v63  }
0x16e: {  	_ =	swait.ge [sflag:s14], $0x4000  }
0x16f: {  	s1 =	sld [smem:$0x7E2]  }
0x170: {  	[sflag:s14] =	ssyncset.done $0x0  }
0x171: {  	[sflag:s14] =	ssyncadd.s32 $0xFFFFC000  }
0x172: {  	[tilespmem:s11], [sflag:$0x4] =	stream.indirect.gather [hbm4b:s3+s4], $0x4000, s1, s4, $0xb8;
	[tilespmem:$0x1C200] =	vst v63  }
0x173: {  	_ =	swait.ge [sflag:s24], $0x4000  }
0x174: {  	s1 =	sld [smem:$0x7B0]  }
0x175: {  	[sflag:s24] =	ssyncset.done $0x0  }
0x176: {  	[sflag:s24] =	ssyncadd.s32 $0xFFFFC000  }
0x177: {  	[hbm4b:s1+s2] =	stream.linear.scatter [tilespmem:s20], [sflag:$0x9], $0x4000, $0x38;
	[tilespmem:$0x1C200] =	vst v63  }
0x178: {  	_ =	swait.ge [sflag:s15], $0x4000  }
0x179: {  	s1 =	sld [smem:$0x7E3]  }
0x17a: {  	[sflag:s15] =	ssyncset.done $0x0  }
0x17b: {  	[sflag:s15] =	ssyncadd.s32 $0xFFFFC000  }
0x17c: {  	[tilespmem:s9], [sflag:$0x5] =	stream.indirect.gather [hbm4b:s3+s4], $0x4000, s1, s4, $0xb8;
	[tilespmem:$0x1C200] =	vst v63  }
0x17d: {  	_ =	swait.ge [sflag:s23], $0x4000  }
0x17e: {  	s1 =	sld [smem:$0x7B1]  }
0x17f: {  	[sflag:s23] =	ssyncset.done $0x0  }
0x180: {  	[sflag:s23] =	ssyncadd.s32 $0xFFFFC000  }
0x181: {  	[hbm4b:s1+s2] =	stream.linear.scatter [tilespmem:s17], [sflag:$0xA], $0x4000, $0x38;
	[tilespmem:$0x1C200] =	vst v63  }
0x182: {  	_ =	swait.ge [sflag:s12], $0x4000  }
0x183: {  	s1 =	sld [smem:$0x7E4]  }
0x184: {  	[sflag:s12] =	ssyncset.done $0x0  }
0x185: {  	[sflag:s12] =	ssyncadd.s32 $0xFFFFC000  }
0x186: {  	[tilespmem:s7], [sflag:$0x6] =	stream.indirect.gather [hbm4b:s3+s4], $0x4000, s1, s4, $0xb8;
	[tilespmem:$0x1C200] =	vst v63  }
0x187: {  	_ =	swait.ge [sflag:s22], $0x4000  }
0x188: {  	s1 =	sld [smem:$0x7B2]  }
0x189: {  	[sflag:s22] =	ssyncset.done $0x0  }
0x18a: {  	[sflag:s22] =	ssyncadd.s32 $0xFFFFC000  }
0x18b: {  	[hbm4b:s1+s2] =	stream.linear.scatter [tilespmem:s11], [sflag:$0xB], $0x4000, $0x38;
	[tilespmem:$0x1C200] =	vst v63  }
0x18c: {  	_ =	swait.ge [sflag:s16], $0x4000  }
0x18d: {  	s1 =	sld [smem:$0x7E5]  }
0x18e: {  	[sflag:s16] =	ssyncset.done $0x0  }
0x18f: {  	[sflag:s16] =	ssyncadd.s32 $0xFFFFC000  }
0x190: {  	[tilespmem:s8], [sflag:$0x7] =	stream.indirect.gather [hbm4b:s3+s4], $0x4000, s1, s4, $0xb8;
	[tilespmem:$0x1C200] =	vst v63  }
0x191: {  	_ =	swait.ge [sflag:s21], $0x4000  }
0x192: {  	s1 =	sld [smem:$0x7B3]  }
0x193: {  	[sflag:s21] =	ssyncset.done $0x0  }
0x194: {  	[sflag:s21] =	ssyncadd.s32 $0xFFFFC000  }
0x195: {  	[hbm4b:s1+s2] =	stream.linear.scatter [tilespmem:s9], [sflag:$0xC], $0x4000, $0x38;
	[tilespmem:$0x1C200] =	vst v63  }
0x196: {  	_ =	swait.ge [sflag:s6], $0x4000  }
0x197: {  	s1 =	sld [smem:$0x7E6]  }
0x198: {  	[sflag:s6] =	ssyncset.done $0x0  }
0x199: {  	[sflag:s6] =	ssyncadd.s32 $0xFFFFC000  }
0x19a: {  	[tilespmem:s5], [sflag:$0x1] =	stream.indirect.gather [hbm4b:s3+s4], $0x4000, s1, s4, $0xb8;
	[tilespmem:$0x1C200] =	vst v63  }
0x19b: {  	_ =	swait.ge [sflag:s18], $0x4000  }
0x19c: {  	s1 =	sld [smem:$0x7B4]  }
0x19d: {  	[sflag:s18] =	ssyncset.done $0x0  }
0x19e: {  	[sflag:s18] =	ssyncadd.s32 $0xFFFFC000  }
0x19f: {  	[hbm4b:s1+s2] =	stream.linear.scatter [tilespmem:s7], [sflag:$0xD], $0x4000, $0x38;
	[tilespmem:$0x1C200] =	vst v63  }
0x1a0: {  	_ =	swait.ge [sflag:s10], $0x4000  }
0x1a1: {  	s1 =	sld [smem:$0x7E7]  }
0x1a2: {  	[sflag:s10] =	ssyncset.done $0x0  }
0x1a3: {  	[sflag:s10] =	ssyncadd.s32 $0xFFFFC000  }
0x1a4: {  	[tilespmem:s20], [sflag:$0x2] =	stream.indirect.gather [hbm4b:s3+s4], $0x4000, s1, s4, $0xb8;
	[tilespmem:$0x1C200] =	vst v63  }
0x1a5: {  	_ =	swait.ge [sflag:s19], $0x4000  }
0x1a6: {  	s1 =	sld [smem:$0x7B5]  }
0x1a7: {  	[sflag:s19] =	ssyncset.done $0x0  }
0x1a8: {  	[sflag:s19] =	ssyncadd.s32 $0xFFFFC000  }
0x1a9: {  	[hbm4b:s1+s2] =	stream.linear.scatter [tilespmem:s8], [sflag:$0xE], $0x4000, $0x38;
	[tilespmem:$0x1C200] =	vst v63  }
0x1aa: {  	_ =	swait.ge [sflag:s13], $0x4000  }
0x1ab: {  	s1 =	sld [smem:$0x7E8]  }
0x1ac: {  	[sflag:s13] =	ssyncset.done $0x0  }
0x1ad: {  	[sflag:s13] =	ssyncadd.s32 $0xFFFFC000  }
0x1ae: {  	[tilespmem:s17], [sflag:$0x3] =	stream.indirect.gather [hbm4b:s3+s4], $0x4000, s1, s4, $0xb8;
	[tilespmem:$0x1C200] =	vst v63  }
0x1af: {  	_ =	swait.ge [sflag:s4], $0x4000  }
0x1b0: {  	s1 =	sld [smem:$0x7B6]  }
0x1b1: {  	[sflag:s4] =	ssyncset.done $0x0  }
0x1b2: {  	[sflag:s4] =	ssyncadd.s32 $0xFFFFC000  }
0x1b3: {  	[hbm4b:s1+s2] =	stream.linear.scatter [tilespmem:s5], [sflag:$0x8], $0x4000, $0x38;
	[tilespmem:$0x1C200] =	vst v63  }
0x1b4: {  	_ =	swait.ge [sflag:s14], $0x4000  }
0x1b5: {  	s1 =	sld [smem:$0x7E9]  }
0x1b6: {  	[sflag:s14] =	ssyncset.done $0x0  }
0x1b7: {  	[sflag:s14] =	ssyncadd.s32 $0xFFFFC000  }
0x1b8: {  	[tilespmem:s11], [sflag:$0x4] =	stream.indirect.gather [hbm4b:s3+s4], $0x4000, s1, s4, $0xb8;
	[tilespmem:$0x1C200] =	vst v63  }
0x1b9: {  	_ =	swait.ge [sflag:s24], $0x4000  }
0x1ba: {  	s1 =	sld [smem:$0x7B7]  }
0x1bb: {  	[sflag:s24] =	ssyncset.done $0x0  }
0x1bc: {  	[sflag:s24] =	ssyncadd.s32 $0xFFFFC000  }
0x1bd: {  	[hbm4b:s1+s2] =	stream.linear.scatter [tilespmem:s20], [sflag:$0x9], $0x4000, $0x38;
	[tilespmem:$0x1C200] =	vst v63  }
0x1be: {  	_ =	swait.ge [sflag:s15], $0x4000  }
0x1bf: {  	s1 =	sld [smem:$0x7EA]  }
0x1c0: {  	[sflag:s15] =	ssyncset.done $0x0  }
0x1c1: {  	[sflag:s15] =	ssyncadd.s32 $0xFFFFC000  }
0x1c2: {  	[tilespmem:s9], [sflag:$0x5] =	stream.indirect.gather [hbm4b:s3+s4], $0x4000, s1, s4, $0xb8;
	[tilespmem:$0x1C200] =	vst v63  }
0x1c3: {  	_ =	swait.ge [sflag:s23], $0x4000  }
0x1c4: {  	s1 =	sld [smem:$0x7B8]  }
0x1c5: {  	[sflag:s23] =	ssyncset.done $0x0  }
0x1c6: {  	[sflag:s23] =	ssyncadd.s32 $0xFFFFC000  }
0x1c7: {  	[hbm4b:s1+s2] =	stream.linear.scatter [tilespmem:s17], [sflag:$0xA], $0x4000, $0x38;
	[tilespmem:$0x1C200] =	vst v63  }
0x1c8: {  	_ =	swait.ge [sflag:s12], $0x4000  }
0x1c9: {  	s1 =	sld [smem:$0x7EB]  }
0x1ca: {  	[sflag:s12] =	ssyncset.done $0x0  }
0x1cb: {  	[sflag:s12] =	ssyncadd.s32 $0xFFFFC000  }
0x1cc: {  	[tilespmem:s7], [sflag:$0x6] =	stream.indirect.gather [hbm4b:s3+s4], $0x4000, s1, s4, $0xb8;
	[tilespmem:$0x1C200] =	vst v63  }
0x1cd: {  	_ =	swait.ge [sflag:s22], $0x4000  }
0x1ce: {  	s1 =	sld [smem:$0x7B9]  }
0x1cf: {  	[sflag:s22] =	ssyncset.done $0x0  }
0x1d0: {  	[sflag:s22] =	ssyncadd.s32 $0xFFFFC000  }
0x1d1: {  	[hbm4b:s1+s2] =	stream.linear.scatter [tilespmem:s11], [sflag:$0xB], $0x4000, $0x38;
	[tilespmem:$0x1C200] =	vst v63  }
0x1d2: {  	_ =	swait.ge [sflag:s16], $0x4000  }
0x1d3: {  	s1 =	sld [smem:$0x7EC]  }
0x1d4: {  	[sflag:s16] =	ssyncset.done $0x0  }
0x1d5: {  	[sflag:s16] =	ssyncadd.s32 $0xFFFFC000  }
0x1d6: {  	[tilespmem:s8], [sflag:$0x7] =	stream.indirect.gather [hbm4b:s3+s4], $0x4000, s1, s4, $0xb8;
	[tilespmem:$0x1C200] =	vst v63  }
0x1d7: {  	_ =	swait.ge [sflag:s21], $0x4000  }
0x1d8: {  	s1 =	sld [smem:$0x7BA]  }
0x1d9: {  	[sflag:s21] =	ssyncset.done $0x0  }
0x1da: {  	[sflag:s21] =	ssyncadd.s32 $0xFFFFC000  }
0x1db: {  	[hbm4b:s1+s2] =	stream.linear.scatter [tilespmem:s9], [sflag:$0xC], $0x4000, $0x38;
	[tilespmem:$0x1C200] =	vst v63  }
0x1dc: {  	_ =	swait.ge [sflag:s6], $0x4000  }
0x1dd: {  	s1 =	sld [smem:$0x7ED]  }
0x1de: {  	[sflag:s6] =	ssyncset.done $0x0  }
0x1df: {  	[sflag:s6] =	ssyncadd.s32 $0xFFFFC000  }
0x1e0: {  	[tilespmem:s5], [sflag:$0x1] =	stream.indirect.gather [hbm4b:s3+s4], $0x4000, s1, s4, $0xb8;
	[tilespmem:$0x1C200] =	vst v63  }
0x1e1: {  	_ =	swait.ge [sflag:s18], $0x4000  }
0x1e2: {  	s1 =	sld [smem:$0x7BB]  }
0x1e3: {  	[sflag:s18] =	ssyncset.done $0x0  }
0x1e4: {  	[sflag:s18] =	ssyncadd.s32 $0xFFFFC000  }
0x1e5: {  	[hbm4b:s1+s2] =	stream.linear.scatter [tilespmem:s7], [sflag:$0xD], $0x4000, $0x38;
	[tilespmem:$0x1C200] =	vst v63  }
0x1e6: {  	_ =	swait.ge [sflag:s10], $0x4000  }
0x1e7: {  	s1 =	sld [smem:$0x7EE]  }
0x1e8: {  	[sflag:s10] =	ssyncset.done $0x0  }
0x1e9: {  	[sflag:s10] =	ssyncadd.s32 $0xFFFFC000  }
0x1ea: {  	[tilespmem:s20], [sflag:$0x2] =	stream.indirect.gather [hbm4b:s3+s4], $0x4000, s1, s4, $0xb8;
	[tilespmem:$0x1C200] =	vst v63  }
0x1eb: {  	_ =	swait.ge [sflag:s19], $0x4000  }
0x1ec: {  	s1 =	sld [smem:$0x7BC]  }
0x1ed: {  	[sflag:s19] =	ssyncset.done $0x0  }
0x1ee: {  	[sflag:s19] =	ssyncadd.s32 $0xFFFFC000  }
0x1ef: {  	[hbm4b:s1+s2] =	stream.linear.scatter [tilespmem:s8], [sflag:$0xE], $0x4000, $0x38;
	[tilespmem:$0x1C200] =	vst v63  }
0x1f0: {  	_ =	swait.ge [sflag:s13], $0x4000  }
0x1f1: {  	s1 =	sld [smem:$0x7EF]  }
0x1f2: {  	[sflag:s13] =	ssyncset.done $0x0  }
0x1f3: {  	[sflag:s13] =	ssyncadd.s32 $0xFFFFC000  }
0x1f4: {  	[tilespmem:s17], [sflag:$0x3] =	stream.indirect.gather [hbm4b:s3+s4], $0x4000, s1, s4, $0xb8;
	[tilespmem:$0x1C200] =	vst v63  }
0x1f5: {  	_ =	swait.ge [sflag:s4], $0x4000  }
0x1f6: {  	s1 =	sld [smem:$0x7BD]  }
0x1f7: {  	[sflag:s4] =	ssyncset.done $0x0  }
0x1f8: {  	[sflag:s4] =	ssyncadd.s32 $0xFFFFC000  }
0x1f9: {  	[hbm4b:s1+s2] =	stream.linear.scatter [tilespmem:s5], [sflag:$0x8], $0x4000, $0x38;
	[tilespmem:$0x1C200] =	vst v63  }
0x1fa: {  	_ =	swait.ge [sflag:s14], $0x4000  }
0x1fb: {  	s1 =	sld [smem:$0x7F0]  }
0x1fc: {  	[sflag:s14] =	ssyncset.done $0x0  }
0x1fd: {  	[sflag:s14] =	ssyncadd.s32 $0xFFFFC000  }
0x1fe: {  	[tilespmem:s11], [sflag:$0x4] =	stream.indirect.gather [hbm4b:s3+s4], $0x4000, s1, s4, $0xb8;
	[tilespmem:$0x1C200] =	vst v63  }
0x1ff: {  	_ =	swait.ge [sflag:s24], $0x4000  }
0x200: {  	s1 =	sld [smem:$0x7BE]  }
0x201: {  	[sflag:s24] =	ssyncset.done $0x0  }
0x202: {  	[sflag:s24] =	ssyncadd.s32 $0xFFFFC000  }
0x203: {  	[hbm4b:s1+s2] =	stream.linear.scatter [tilespmem:s20], [sflag:$0x9], $0x4000, $0x38;
	[tilespmem:$0x1C200] =	vst v63  }
0x204: {  	_ =	swait.ge [sflag:s15], $0x4000  }
0x205: {  	s1 =	sld [smem:$0x7F1]  }
0x206: {  	[sflag:s15] =	ssyncset.done $0x0  }
0x207: {  	[sflag:s15] =	ssyncadd.s32 $0xFFFFC000  }
0x208: {  	[tilespmem:s9], [sflag:$0x5] =	stream.indirect.gather [hbm4b:s3+s4], $0x4000, s1, s4, $0xb8;
	[tilespmem:$0x1C200] =	vst v63  }
0x209: {  	_ =	swait.ge [sflag:s23], $0x4000  }
0x20a: {  	s1 =	sld [smem:$0x7BF]  }
0x20b: {  	[sflag:s23] =	ssyncset.done $0x0  }
0x20c: {  	[sflag:s23] =	ssyncadd.s32 $0xFFFFC000  }
0x20d: {  	[hbm4b:s1+s2] =	stream.linear.scatter [tilespmem:s17], [sflag:$0xA], $0x4000, $0x38;
	[tilespmem:$0x1C200] =	vst v63  }
0x20e: {  	_ =	swait.ge [sflag:s12], $0x4000  }
0x20f: {  	s1 =	sld [smem:$0x7F2]  }
0x210: {  	[sflag:s12] =	ssyncset.done $0x0  }
0x211: {  	[sflag:s12] =	ssyncadd.s32 $0xFFFFC000  }
0x212: {  	[tilespmem:s7], [sflag:$0x6] =	stream.indirect.gather [hbm4b:s3+s4], $0x4000, s1, s4, $0xb8;
	[tilespmem:$0x1C200] =	vst v63  }
0x213: {  	_ =	swait.ge [sflag:s22], $0x4000  }
0x214: {  	s1 =	sld [smem:$0x7C0]  }
0x215: {  	[sflag:s22] =	ssyncset.done $0x0  }
0x216: {  	[sflag:s22] =	ssyncadd.s32 $0xFFFFC000  }
0x217: {  	[hbm4b:s1+s2] =	stream.linear.scatter [tilespmem:s11], [sflag:$0xB], $0x4000, $0x38;
	[tilespmem:$0x1C200] =	vst v63  }
0x218: {  	_ =	swait.ge [sflag:s16], $0x4000  }
0x219: {  	s1 =	sld [smem:$0x7F3]  }
0x21a: {  	[sflag:s16] =	ssyncset.done $0x0  }
0x21b: {  	[sflag:s16] =	ssyncadd.s32 $0xFFFFC000  }
0x21c: {  	[tilespmem:s8], [sflag:$0x7] =	stream.indirect.gather [hbm4b:s3+s4], $0x4000, s1, s4, $0xb8;
	[tilespmem:$0x1C200] =	vst v63  }
0x21d: {  	_ =	swait.ge [sflag:s21], $0x4000  }
0x21e: {  	s1 =	sld [smem:$0x7C1]  }
0x21f: {  	[sflag:s21] =	ssyncset.done $0x0  }
0x220: {  	[sflag:s21] =	ssyncadd.s32 $0xFFFFC000  }
0x221: {  	[hbm4b:s1+s2] =	stream.linear.scatter [tilespmem:s9], [sflag:$0xC], $0x4000, $0x38;
	[tilespmem:$0x1C200] =	vst v63  }
0x222: {  	_ =	swait.ge [sflag:s6], $0x4000  }
0x223: {  	s1 =	sld [smem:$0x7F4]  }
0x224: {  	[sflag:s6] =	ssyncset.done $0x0  }
0x225: {  	[sflag:s6] =	ssyncadd.s32 $0xFFFFC000  }
0x226: {  	[tilespmem:s5], [sflag:$0x1] =	stream.indirect.gather [hbm4b:s3+s4], $0x4000, s1, s4, $0xb8;
	[tilespmem:$0x1C200] =	vst v63  }
0x227: {  	_ =	swait.ge [sflag:s18], $0x4000  }
0x228: {  	s1 =	sld [smem:$0x7C2]  }
0x229: {  	[sflag:s18] =	ssyncset.done $0x0  }
0x22a: {  	[sflag:s18] =	ssyncadd.s32 $0xFFFFC000  }
0x22b: {  	[hbm4b:s1+s2] =	stream.linear.scatter [tilespmem:s7], [sflag:$0xD], $0x4000, $0x38;
	[tilespmem:$0x1C200] =	vst v63  }
0x22c: {  	_ =	swait.ge [sflag:s10], $0x4000  }
0x22d: {  	s1 =	sld [smem:$0x7F5]  }
0x22e: {  	[sflag:s10] =	ssyncset.done $0x0  }
0x22f: {  	[sflag:s10] =	ssyncadd.s32 $0xFFFFC000  }
0x230: {  	[tilespmem:s20], [sflag:$0x2] =	stream.indirect.gather [hbm4b:s3+s4], $0x4000, s1, s4, $0xb8;
	[tilespmem:$0x1C200] =	vst v63  }
0x231: {  	_ =	swait.ge [sflag:s19], $0x4000  }
0x232: {  	s1 =	sld [smem:$0x7C3]  }
0x233: {  	[sflag:s19] =	ssyncset.done $0x0  }
0x234: {  	[sflag:s19] =	ssyncadd.s32 $0xFFFFC000  }
0x235: {  	[hbm4b:s1+s2] =	stream.linear.scatter [tilespmem:s8], [sflag:$0xE], $0x4000, $0x38;
	[tilespmem:$0x1C200] =	vst v63  }
0x236: {  	_ =	swait.ge [sflag:s13], $0x4000  }
0x237: {  	s1 =	sld [smem:$0x7F6]  }
0x238: {  	[sflag:s13] =	ssyncset.done $0x0  }
0x239: {  	[sflag:s13] =	ssyncadd.s32 $0xFFFFC000  }
0x23a: {  	[tilespmem:s17], [sflag:$0x3] =	stream.indirect.gather [hbm4b:s3+s4], $0x4000, s1, s4, $0xb8;
	[tilespmem:$0x1C200] =	vst v63  }
0x23b: {  	_ =	swait.ge [sflag:s4], $0x4000  }
0x23c: {  	s1 =	sld [smem:$0x7C4]  }
0x23d: {  	[sflag:s4] =	ssyncset.done $0x0  }
0x23e: {  	[sflag:s4] =	ssyncadd.s32 $0xFFFFC000  }
0x23f: {  	[hbm4b:s1+s2] =	stream.linear.scatter [tilespmem:s5], [sflag:$0x8], $0x4000, $0x38;
	[tilespmem:$0x1C200] =	vst v63  }
0x240: {  	_ =	swait.ge [sflag:s14], $0x4000  }
0x241: {  	s1 =	sld [smem:$0x7F7]  }
0x242: {  	[sflag:s14] =	ssyncset.done $0x0  }
0x243: {  	[sflag:s14] =	ssyncadd.s32 $0xFFFFC000  }
0x244: {  	[tilespmem:s11], [sflag:$0x4] =	stream.indirect.gather [hbm4b:s3+s4], $0x4000, s1, s4, $0xb8;
	[tilespmem:$0x1C200] =	vst v63  }
0x245: {  	_ =	swait.ge [sflag:s24], $0x4000  }
0x246: {  	s1 =	sld [smem:$0x7C5]  }
0x247: {  	[sflag:s24] =	ssyncset.done $0x0  }
0x248: {  	[sflag:s24] =	ssyncadd.s32 $0xFFFFC000  }
0x249: {  	[hbm4b:s1+s2] =	stream.linear.scatter [tilespmem:s20], [sflag:$0x9], $0x4000, $0x38;
	[tilespmem:$0x1C200] =	vst v63  }
0x24a: {  	_ =	swait.ge [sflag:s15], $0x4000  }
0x24b: {  	s1 =	sld [smem:$0x7F8]  }
0x24c: {  	[sflag:s15] =	ssyncset.done $0x0  }
0x24d: {  	[sflag:s15] =	ssyncadd.s32 $0xFFFFC000  }
0x24e: {  	[tilespmem:s9], [sflag:$0x5] =	stream.indirect.gather [hbm4b:s3+s4], $0x4000, s1, s4, $0xb8;
	[tilespmem:$0x1C200] =	vst v63  }
0x24f: {  	_ =	swait.ge [sflag:s23], $0x4000  }
0x250: {  	s1 =	sld [smem:$0x7C6]  }
0x251: {  	[sflag:s23] =	ssyncset.done $0x0  }
0x252: {  	[sflag:s23] =	ssyncadd.s32 $0xFFFFC000  }
0x253: {  	[hbm4b:s1+s2] =	stream.linear.scatter [tilespmem:s17], [sflag:$0xA], $0x4000, $0x38;
	[tilespmem:$0x1C200] =	vst v63  }
0x254: {  	_ =	swait.ge [sflag:s12], $0x4000  }
0x255: {  	s1 =	sld [smem:$0x7F9]  }
0x256: {  	[sflag:s12] =	ssyncset.done $0x0  }
0x257: {  	[sflag:s12] =	ssyncadd.s32 $0xFFFFC000  }
0x258: {  	[tilespmem:s7], [sflag:$0x6] =	stream.indirect.gather [hbm4b:s3+s4], $0x4000, s1, s4, $0xb8;
	[tilespmem:$0x1C200] =	vst v63  }
0x259: {  	_ =	swait.ge [sflag:s22], $0x4000  }
0x25a: {  	s1 =	sld [smem:$0x7C7]  }
0x25b: {  	[sflag:s22] =	ssyncset.done $0x0  }
0x25c: {  	[sflag:s22] =	ssyncadd.s32 $0xFFFFC000  }
0x25d: {  	[hbm4b:s1+s2] =	stream.linear.scatter [tilespmem:s11], [sflag:$0xB], $0x4000, $0x38;
	[tilespmem:$0x1C200] =	vst v63  }
0x25e: {  	_ =	swait.ge [sflag:s16], $0x4000  }
0x25f: {  	s1 =	sld [smem:$0x7FA]  }
0x260: {  	[sflag:s16] =	ssyncset.done $0x0  }
0x261: {  	[sflag:s16] =	ssyncadd.s32 $0xFFFFC000  }
0x262: {  	[tilespmem:s8], [sflag:$0x7] =	stream.indirect.gather [hbm4b:s3+s4], $0x4000, s1, s4, $0xb8;
	[tilespmem:$0x1C200] =	vst v63  }
0x263: {  	_ =	swait.ge [sflag:s21], $0x4000  }
0x264: {  	s1 =	sld [smem:$0x7C8]  }
0x265: {  	[sflag:s21] =	ssyncset.done $0x0  }
0x266: {  	[sflag:s21] =	ssyncadd.s32 $0xFFFFC000  }
0x267: {  	[hbm4b:s1+s2] =	stream.linear.scatter [tilespmem:s9], [sflag:$0xC], $0x4000, $0x38;
	[tilespmem:$0x1C200] =	vst v63  }
0x268: {  	_ =	swait.ge [sflag:s6], $0x4000  }
0x269: {  	s1 =	sld [smem:$0x7FB]  }
0x26a: {  	[sflag:s6] =	ssyncset.done $0x0  }
0x26b: {  	[sflag:s6] =	ssyncadd.s32 $0xFFFFC000  }
0x26c: {  	[tilespmem:s5], [sflag:$0x1] =	stream.indirect.gather [hbm4b:s3+s4], $0x4000, s1, s4, $0xb8;
	[tilespmem:$0x1C200] =	vst v63  }
0x26d: {  	_ =	swait.ge [sflag:s18], $0x4000  }
0x26e: {  	s1 =	sld [smem:$0x7C9]  }
0x26f: {  	[sflag:s18] =	ssyncset.done $0x0  }
0x270: {  	[sflag:s18] =	ssyncadd.s32 $0xFFFFC000  }
0x271: {  	[hbm4b:s1+s2] =	stream.linear.scatter [tilespmem:s7], [sflag:$0xD], $0x4000, $0x38;
	[tilespmem:$0x1C200] =	vst v63  }
0x272: {  	_ =	swait.ge [sflag:s10], $0x4000  }
0x273: {  	s1 =	sld [smem:$0x7FC]  }
0x274: {  	[sflag:s10] =	ssyncset.done $0x0  }
0x275: {  	[sflag:s10] =	ssyncadd.s32 $0xFFFFC000  }
0x276: {  	[tilespmem:s20], [sflag:$0x2] =	stream.indirect.gather [hbm4b:s3+s4], $0x4000, s1, s4, $0xb8;
	[tilespmem:$0x1C200] =	vst v63  }
0x277: {  	_ =	swait.ge [sflag:s19], $0x4000  }
0x278: {  	s1 =	sld [smem:$0x7CA]  }
0x279: {  	[sflag:s19] =	ssyncset.done $0x0  }
0x27a: {  	[sflag:s19] =	ssyncadd.s32 $0xFFFFC000  }
0x27b: {  	[hbm4b:s1+s2] =	stream.linear.scatter [tilespmem:s8], [sflag:$0xE], $0x4000, $0x38;
	[tilespmem:$0x1C200] =	vst v63  }
0x27c: {  	_ =	swait.ge [sflag:s13], $0x4000  }
0x27d: {  	s1 =	sld [smem:$0x7FD]  }
0x27e: {  	[sflag:s13] =	ssyncset.done $0x0  }
0x27f: {  	[sflag:s13] =	ssyncadd.s32 $0xFFFFC000  }
0x280: {  	[tilespmem:s17], [sflag:$0x3] =	stream.indirect.gather [hbm4b:s3+s4], $0x4000, s1, s4, $0xb8;
	[tilespmem:$0x1C200] =	vst v63  }
0x281: {  	_ =	swait.ge [sflag:s4], $0x4000  }
0x282: {  	s1 =	sld [smem:$0x7CB]  }
0x283: {  	[sflag:s4] =	ssyncset.done $0x0  }
0x284: {  	[sflag:s4] =	ssyncadd.s32 $0xFFFFC000  }
0x285: {  	[hbm4b:s1+s2] =	stream.linear.scatter [tilespmem:s5], [sflag:$0x8], $0x4000, $0x38;
	[tilespmem:$0x1C200] =	vst v63  }
0x286: {  	_ =	swait.ge [sflag:s14], $0x4000  }
0x287: {  	[sflag:s14] =	ssyncset.done $0x0  }
0x288: {  	[sflag:s14] =	ssyncadd.s32 $0xFFFFC000  }
0x289: {  	[tilespmem:s11], [sflag:$0x4] =	stream.indirect.gather [hbm4b:s3+s4], $0x4000, s30, s4, $0xb8;
	[tilespmem:$0x1C200] =	vst v63  }
0x28a: {  	_ =	swait.ge [sflag:s24], $0x4000  }
0x28b: {  	s1 =	sld [smem:$0x7CC]  }
0x28c: {  	[sflag:s24] =	ssyncset.done $0x0  }
0x28d: {  	[sflag:s24] =	ssyncadd.s32 $0xFFFFC000  }
0x28e: {  	[hbm4b:s1+s2] =	stream.linear.scatter [tilespmem:s20], [sflag:$0x9], $0x4000, $0x38;
	[tilespmem:$0x1C200] =	vst v63  }
0x28f: {  	_ =	swait.ge [sflag:s15], $0x4000  }
0x290: {  	[sflag:s15] =	ssyncset.done $0x0  }
0x291: {  	[sflag:s15] =	ssyncadd.s32 $0xFFFFC000  }
0x292: {  	[tilespmem:s9], [sflag:$0x5] =	stream.indirect.gather [hbm4b:s3+s4], $0x4000, s29, s4, $0xb8;
	[tilespmem:$0x1C200] =	vst v63  }
0x293: {  	_ =	swait.ge [sflag:s23], $0x4000  }
0x294: {  	s1 =	sld [smem:$0x7CD]  }
0x295: {  	[sflag:s23] =	ssyncset.done $0x0  }
0x296: {  	[sflag:s23] =	ssyncadd.s32 $0xFFFFC000  }
0x297: {  	[hbm4b:s1+s2] =	stream.linear.scatter [tilespmem:s17], [sflag:$0xA], $0x4000, $0x38;
	[tilespmem:$0x1C200] =	vst v63  }
0x298: {  	_ =	swait.ge [sflag:s12], $0x4000  }
0x299: {  	[sflag:s12] =	ssyncset.done $0x0  }
0x29a: {  	[sflag:s12] =	ssyncadd.s32 $0xFFFFC000  }
0x29b: {  	[tilespmem:s7], [sflag:$0x6] =	stream.indirect.gather [hbm4b:s3+s4], $0x4000, s28, s4, $0xb8;
	[tilespmem:$0x1C200] =	vst v63  }
0x29c: {  	_ =	swait.ge [sflag:s22], $0x4000  }
0x29d: {  	s1 =	sld [smem:$0x7CE]  }
0x29e: {  	[sflag:s22] =	ssyncset.done $0x0  }
0x29f: {  	[sflag:s22] =	ssyncadd.s32 $0xFFFFC000  }
0x2a0: {  	[hbm4b:s1+s2] =	stream.linear.scatter [tilespmem:s11], [sflag:$0xB], $0x4000, $0x38;
	[tilespmem:$0x1C200] =	vst v63  }
0x2a1: {  	_ =	swait.ge [sflag:s16], $0x4000  }
0x2a2: {  	[sflag:s16] =	ssyncset.done $0x0  }
0x2a3: {  	[sflag:s16] =	ssyncadd.s32 $0xFFFFC000  }
0x2a4: {  	[tilespmem:s8], [sflag:$0x7] =	stream.indirect.gather [hbm4b:s3+s4], $0x4000, s26, s4, $0xb8;
	[tilespmem:$0x1C200] =	vst v63  }
0x2a5: {  	_ =	swait.ge [sflag:s21], $0x4000  }
0x2a6: {  	s1 =	sld [smem:$0x7CF]  }
0x2a7: {  	[sflag:s21] =	ssyncset.done $0x0  }
0x2a8: {  	[sflag:s21] =	ssyncadd.s32 $0xFFFFC000  }
0x2a9: {  	[hbm4b:s1+s2] =	stream.linear.scatter [tilespmem:s9], [sflag:$0xC], $0x4000, $0x38;
	[tilespmem:$0x1C200] =	vst v63  }
0x2aa: {  	_ =	swait.ge [sflag:s6], $0x4000  }
0x2ab: {  	[sflag:s6] =	ssyncset.done $0x0  }
0x2ac: {  	s1 =	simm.s32 $0x18F;
	[sflag:s6] =	ssyncadd.s32 $0xFFFFC000  }
0x2ad: {  	[tilespmem:s5], [sflag:$0x1] =	stream.indirect.gather [hbm4b:s3+s4], $0x4000, s1, s4, $0xb8;
	[tilespmem:$0x1C200] =	vst v63  }
0x2ae: {  	_ =	swait.ge [sflag:s18], $0x4000  }
0x2af: {  	s1 =	sld [smem:$0x7D0]  }
0x2b0: {  	[sflag:s18] =	ssyncset.done $0x0  }
0x2b1: {  	[sflag:s18] =	ssyncadd.s32 $0xFFFFC000  }
0x2b2: {  	[hbm4b:s1+s2] =	stream.linear.scatter [tilespmem:s7], [sflag:$0xD], $0x4000, $0x38;
	[tilespmem:$0x1C200] =	vst v63  }
0x2b3: {  	_ =	swait.ge [sflag:s19], $0x4000  }
0x2b4: {  	s1 =	sld [smem:$0x7D1]  }
0x2b5: {  	[sflag:s19] =	ssyncset.done $0x0  }
0x2b6: {  	[sflag:s19] =	ssyncadd.s32 $0xFFFFC000  }
0x2b7: {  	[hbm4b:s1+s2] =	stream.linear.scatter [tilespmem:s8], [sflag:$0xE], $0x4000, $0x38;
	[tilespmem:$0x1C200] =	vst v63  }
0x2b8: {  	_ =	swait.ge [sflag:s4], $0x4000  }
0x2b9: {  	s1 =	sld [smem:$0x7D2]  }
0x2ba: {  	[sflag:s4] =	ssyncset.done $0x0  }
0x2bb: {  	[sflag:s4] =	ssyncadd.s32 $0xFFFFC000  }
0x2bc: {  	[hbm4b:s1+s2] =	stream.linear.scatter [tilespmem:s5], [sflag:$0x8], $0x4000, $0x38;
	[tilespmem:$0x1C200] =	vst v63  }
0x2bd: {  	_ =	swait.ge [sflag:s10], $0x4000  }
0x2be: {  	[sflag:s10] =	ssyncset.done $0x0  }
0x2bf: {  	[sflag:s10] =	ssyncadd.s32 $0xFFFFC000  }
0x2c0: {  	_ =	swait.ge [sflag:s13], $0x4000  }
0x2c1: {  	[sflag:s13] =	ssyncset.done $0x0  }
0x2c2: {  	[sflag:s13] =	ssyncadd.s32 $0xFFFFC000  }
0x2c3: {  	_ =	swait.ge [sflag:s14], $0x4000  }
0x2c4: {  	[sflag:s14] =	ssyncset.done $0x0  }
0x2c5: {  	[sflag:s14] =	ssyncadd.s32 $0xFFFFC000  }
0x2c6: {  	_ =	swait.ge [sflag:s15], $0x4000  }
0x2c7: {  	[sflag:s15] =	ssyncset.done $0x0  }
0x2c8: {  	[sflag:s15] =	ssyncadd.s32 $0xFFFFC000  }
0x2c9: {  	_ =	swait.ge [sflag:s12], $0x4000  }
0x2ca: {  	p1 =	sne.s32 s25, $0x1;
	[sflag:s12] =	ssyncset.done $0x0  }
.Ltmp1:
0x2cb: {  	[sflag:s12] =	ssyncadd.s32 $0xFFFFC000;
	(pc) =	sbr.rel @!p1 .LBB2_2-.Ltmp1, $4  }
0x2cc: {  	_ =	swait.ge [sflag:s16], $0x4000  }
0x2cd: {  	[sflag:s16] =	ssyncset.done $0x0  }
0x2ce: {  	[sflag:s16] =	ssyncadd.s32 $0xFFFFC000  }
0x2cf: {  	p0 =	por $0x1, $0x1;
	s1 =	sadd.s32 $0xFFFFFFFF, s25;
	_ =	swait.ge [sflag:s6], $0x4000  }
.LBB2_3:
0x2d0: {  	[sflag:s6] =	ssyncset.done $0x0  }
0x2d1: {  	s0 =	rddreg [dreg:$0x5];
	[sflag:s6] =	ssyncadd.s32 $0xFFFFC000  }
0x2d2: {  	[tilespmem:s2], [sflag:$0xF] =	stream.linear.gather [hbm4b:s0+s2], $0x100, $0x38;
	[tilespmem:$0x1C200] =	vst v63  }
0x2d3: {  	_ =	swait.ge [sflag:s31], $0x100  }
0x2d4: {  	[sflag:s31] =	ssyncset.done $0x0  }
0x2d5: {  	[sflag:s31] =	ssyncadd.s32 $0xFFFFFF00  }
0x2d6: {  	v0 =	vld [tilespmem:$0x0]  }
0x2d7: {  	v1 =	vld [tilespmem:$0x80];
	_ =	sdelay $0x3  }
0x2d8: {  	v0 =	vadd.s32 $0xFFFFFFFF, v0  }
0x2d9: {  	v63 =	vadd.s32 $0xFFFFFFFF, v1;
	[tilespmem:$0x100] =	vst v0  }
0x2da: {  	s25 =	sld [smem:$0x7D3];
	[tilespmem:$0x180] =	vst v63  }
0x2db: {  	[tilespmem:s5], [sflag:$0x1] =	stream.indirect.gather [hbm4b:s3+s4], $0x4000, s2, s4, $0xb8;
	[tilespmem:$0x1C200] =	vst v63  }
0x2dc: {  	_ = 	snop  }
0x2dd: {  	[tilespmem:s20], [sflag:$0x2] =	stream.indirect.gather [hbm4b:s3+s4], $0x4000, s25, s4, $0xb8;
	[tilespmem:$0x1C200] =	vst v63  }
0x2de: {  	_ = 	snop  }
0x2df: {  	[tilespmem:s17], [sflag:$0x3] =	stream.indirect.gather [hbm4b:s3+s4], $0x4000, s4, s4, $0xb8;
	[tilespmem:$0x1C200] =	vst v63  }
0x2e0: {  	_ =	swait.ge [sflag:s4], $0x4000  }
0x2e1: {  	[sflag:s4] =	ssyncset.done $0x0;
	s0 =	rddreg [dreg:$0x6]  }
0x2e2: {  	s25 =	sld [smem:$0x7D4];
	[sflag:s4] =	ssyncadd.s32 $0xFFFFC000  }
0x2e3: {  	[hbm4b:s0+s2] =	stream.linear.scatter [tilespmem:s5], [sflag:$0x8], $0x4000, $0x38;
	[tilespmem:$0x1C200] =	vst v63  }
0x2e4: {  	_ = 	snop  }
0x2e5: {  	[tilespmem:s11], [sflag:$0x4] =	stream.indirect.gather [hbm4b:s3+s4], $0x4000, s25, s4, $0xb8;
	[tilespmem:$0x1C200] =	vst v63  }
0x2e6: {  	_ =	swait.ge [sflag:s24], $0x4000  }
0x2e7: {  	[sflag:s24] =	ssyncset.done $0x0  }
0x2e8: {  	s25 =	rddreg [dreg:$0x7];
	[sflag:s24] =	ssyncadd.s32 $0xFFFFC000  }
0x2e9: {  	[hbm4b:s25+s2] =	stream.linear.scatter [tilespmem:s20], [sflag:$0x9], $0x4000, $0x38;
	[tilespmem:$0x1C200] =	vst v63  }
0x2ea: {  	_ = 	snop  }
0x2eb: {  	[tilespmem:s9], [sflag:$0x5] =	stream.indirect.gather [hbm4b:s3+s4], $0x4000, s24, s4, $0xb8;
	[tilespmem:$0x1C200] =	vst v63  }
0x2ec: {  	_ =	swait.ge [sflag:s23], $0x4000  }
0x2ed: {  	[sflag:s23] =	ssyncset.done $0x0;
	s0 =	rddreg [dreg:$0x8]  }
0x2ee: {  	s25 =	sld [smem:$0x7D5];
	[sflag:s23] =	ssyncadd.s32 $0xFFFFC000  }
0x2ef: {  	[hbm4b:s0+s2] =	stream.linear.scatter [tilespmem:s17], [sflag:$0xA], $0x4000, $0x38;
	[tilespmem:$0x1C200] =	vst v63  }
0x2f0: {  	_ = 	snop  }
0x2f1: {  	[tilespmem:s7], [sflag:$0x6] =	stream.indirect.gather [hbm4b:s3+s4], $0x4000, s25, s4, $0xb8;
	[tilespmem:$0x1C200] =	vst v63  }
0x2f2: {  	_ =	swait.ge [sflag:s22], $0x4000  }
0x2f3: {  	[sflag:s22] =	ssyncset.done $0x0  }
0x2f4: {  	s25 =	rddreg [dreg:$0x9];
	[sflag:s22] =	ssyncadd.s32 $0xFFFFC000  }
0x2f5: {  	[hbm4b:s25+s2] =	stream.linear.scatter [tilespmem:s11], [sflag:$0xB], $0x4000, $0x38;
	[tilespmem:$0x1C200] =	vst v63  }
0x2f6: {  	_ = 	snop  }
0x2f7: {  	[tilespmem:s8], [sflag:$0x7] =	stream.indirect.gather [hbm4b:s3+s4], $0x4000, s23, s4, $0xb8;
	[tilespmem:$0x1C200] =	vst v63  }
0x2f8: {  	_ =	swait.ge [sflag:s21], $0x4000  }
0x2f9: {  	[sflag:s21] =	ssyncset.done $0x0  }
0x2fa: {  	s25 =	rddreg [dreg:$0xa];
	[sflag:s21] =	ssyncadd.s32 $0xFFFFC000  }
0x2fb: {  	[hbm4b:s25+s2] =	stream.linear.scatter [tilespmem:s9], [sflag:$0xC], $0x4000, $0x38;
	[tilespmem:$0x1C200] =	vst v63  }
0x2fc: {  	_ =	swait.ge [sflag:s6], $0x4000  }
0x2fd: {  	s25 =	sld [smem:$0x7D6]  }
0x2fe: {  	[sflag:s6] =	ssyncset.done $0x0  }
0x2ff: {  	[sflag:s6] =	ssyncadd.s32 $0xFFFFC000  }
0x300: {  	[tilespmem:s5], [sflag:$0x1] =	stream.indirect.gather [hbm4b:s3+s4], $0x4000, s25, s4, $0xb8;
	[tilespmem:$0x1C200] =	vst v63  }
0x301: {  	_ =	swait.ge [sflag:s18], $0x4000  }
0x302: {  	[sflag:s18] =	ssyncset.done $0x0  }
0x303: {  	s25 =	rddreg [dreg:$0xb];
	[sflag:s18] =	ssyncadd.s32 $0xFFFFC000  }
0x304: {  	[hbm4b:s25+s2] =	stream.linear.scatter [tilespmem:s7], [sflag:$0xD], $0x4000, $0x38;
	[tilespmem:$0x1C200] =	vst v63  }
0x305: {  	_ =	swait.ge [sflag:s10], $0x4000  }
0x306: {  	[sflag:s10] =	ssyncset.done $0x0  }
0x307: {  	[sflag:s10] =	ssyncadd.s32 $0xFFFFC000  }
0x308: {  	[tilespmem:s20], [sflag:$0x2] =	stream.indirect.gather [hbm4b:s3+s4], $0x4000, s22, s4, $0xb8;
	[tilespmem:$0x1C200] =	vst v63  }
0x309: {  	_ =	swait.ge [sflag:s19], $0x4000  }
0x30a: {  	[sflag:s19] =	ssyncset.done $0x0  }
0x30b: {  	s25 =	rddreg [dreg:$0xc];
	[sflag:s19] =	ssyncadd.s32 $0xFFFFC000  }
0x30c: {  	[hbm4b:s25+s2] =	stream.linear.scatter [tilespmem:s8], [sflag:$0xE], $0x4000, $0x38;
	[tilespmem:$0x1C200] =	vst v63  }
0x30d: {  	_ =	swait.ge [sflag:s13], $0x4000  }
0x30e: {  	s25 =	sld [smem:$0x7D7]  }
0x30f: {  	[sflag:s13] =	ssyncset.done $0x0  }
0x310: {  	[sflag:s13] =	ssyncadd.s32 $0xFFFFC000  }
0x311: {  	[tilespmem:s17], [sflag:$0x3] =	stream.indirect.gather [hbm4b:s3+s4], $0x4000, s25, s4, $0xb8;
	[tilespmem:$0x1C200] =	vst v63  }
0x312: {  	_ =	swait.ge [sflag:s4], $0x4000  }
0x313: {  	[sflag:s4] =	ssyncset.done $0x0  }
0x314: {  	s25 =	rddreg [dreg:$0xd];
	[sflag:s4] =	ssyncadd.s32 $0xFFFFC000  }
0x315: {  	[hbm4b:s25+s2] =	stream.linear.scatter [tilespmem:s5], [sflag:$0x8], $0x4000, $0x38;
	[tilespmem:$0x1C200] =	vst v63  }
0x316: {  	_ =	swait.ge [sflag:s14], $0x4000  }
0x317: {  	[sflag:s14] =	ssyncset.done $0x0  }
0x318: {  	[sflag:s14] =	ssyncadd.s32 $0xFFFFC000  }
0x319: {  	[tilespmem:s11], [sflag:$0x4] =	stream.indirect.gather [hbm4b:s3+s4], $0x4000, s21, s4, $0xb8;
	[tilespmem:$0x1C200] =	vst v63  }
0x31a: {  	_ =	swait.ge [sflag:s24], $0x4000  }
0x31b: {  	[sflag:s24] =	ssyncset.done $0x0  }
0x31c: {  	s25 =	rddreg [dreg:$0xe];
	[sflag:s24] =	ssyncadd.s32 $0xFFFFC000  }
0x31d: {  	[hbm4b:s25+s2] =	stream.linear.scatter [tilespmem:s20], [sflag:$0x9], $0x4000, $0x38;
	[tilespmem:$0x1C200] =	vst v63  }
0x31e: {  	_ =	swait.ge [sflag:s15], $0x4000  }
0x31f: {  	s25 =	sld [smem:$0x7D8]  }
0x320: {  	[sflag:s15] =	ssyncset.done $0x0  }
0x321: {  	[sflag:s15] =	ssyncadd.s32 $0xFFFFC000  }
0x322: {  	[tilespmem:s9], [sflag:$0x5] =	stream.indirect.gather [hbm4b:s3+s4], $0x4000, s25, s4, $0xb8;
	[tilespmem:$0x1C200] =	vst v63  }
0x323: {  	_ =	swait.ge [sflag:s23], $0x4000  }
0x324: {  	[sflag:s23] =	ssyncset.done $0x0  }
0x325: {  	s25 =	rddreg [dreg:$0xf];
	[sflag:s23] =	ssyncadd.s32 $0xFFFFC000  }
0x326: {  	[hbm4b:s25+s2] =	stream.linear.scatter [tilespmem:s17], [sflag:$0xA], $0x4000, $0x38;
	[tilespmem:$0x1C200] =	vst v63  }
0x327: {  	_ =	swait.ge [sflag:s12], $0x4000  }
0x328: {  	[sflag:s12] =	ssyncset.done $0x0  }
0x329: {  	[sflag:s12] =	ssyncadd.s32 $0xFFFFC000  }
0x32a: {  	[tilespmem:s7], [sflag:$0x6] =	stream.indirect.gather [hbm4b:s3+s4], $0x4000, s18, s4, $0xb8;
	[tilespmem:$0x1C200] =	vst v63  }
0x32b: {  	_ =	swait.ge [sflag:s22], $0x4000  }
0x32c: {  	[sflag:s22] =	ssyncset.done $0x0  }
0x32d: {  	s25 =	rddreg [dreg:$0x10];
	[sflag:s22] =	ssyncadd.s32 $0xFFFFC000  }
0x32e: {  	[hbm4b:s25+s2] =	stream.linear.scatter [tilespmem:s11], [sflag:$0xB], $0x4000, $0x38;
	[tilespmem:$0x1C200] =	vst v63  }
0x32f: {  	_ =	swait.ge [sflag:s16], $0x4000  }
0x330: {  	s25 =	sld [smem:$0x7D9]  }
0x331: {  	[sflag:s16] =	ssyncset.done $0x0  }
0x332: {  	[sflag:s16] =	ssyncadd.s32 $0xFFFFC000  }
0x333: {  	[tilespmem:s8], [sflag:$0x7] =	stream.indirect.gather [hbm4b:s3+s4], $0x4000, s25, s4, $0xb8;
	[tilespmem:$0x1C200] =	vst v63  }
0x334: {  	_ =	swait.ge [sflag:s21], $0x4000  }
0x335: {  	[sflag:s21] =	ssyncset.done $0x0  }
0x336: {  	s25 =	rddreg [dreg:$0x11];
	[sflag:s21] =	ssyncadd.s32 $0xFFFFC000  }
0x337: {  	[hbm4b:s25+s2] =	stream.linear.scatter [tilespmem:s9], [sflag:$0xC], $0x4000, $0x38;
	[tilespmem:$0x1C200] =	vst v63  }
0x338: {  	_ =	swait.ge [sflag:s6], $0x4000  }
0x339: {  	[sflag:s6] =	ssyncset.done $0x0  }
0x33a: {  	[sflag:s6] =	ssyncadd.s32 $0xFFFFC000  }
0x33b: {  	[tilespmem:s5], [sflag:$0x1] =	stream.indirect.gather [hbm4b:s3+s4], $0x4000, s19, s4, $0xb8;
	[tilespmem:$0x1C200] =	vst v63  }
0x33c: {  	_ =	swait.ge [sflag:s18], $0x4000  }
0x33d: {  	[sflag:s18] =	ssyncset.done $0x0  }
0x33e: {  	s25 =	rddreg [dreg:$0x12];
	[sflag:s18] =	ssyncadd.s32 $0xFFFFC000  }
0x33f: {  	[hbm4b:s25+s2] =	stream.linear.scatter [tilespmem:s7], [sflag:$0xD], $0x4000, $0x38;
	[tilespmem:$0x1C200] =	vst v63  }
0x340: {  	_ =	swait.ge [sflag:s10], $0x4000  }
0x341: {  	s25 =	sld [smem:$0x7DA]  }
0x342: {  	[sflag:s10] =	ssyncset.done $0x0  }
0x343: {  	[sflag:s10] =	ssyncadd.s32 $0xFFFFC000  }
0x344: {  	[tilespmem:s20], [sflag:$0x2] =	stream.indirect.gather [hbm4b:s3+s4], $0x4000, s25, s4, $0xb8;
	[tilespmem:$0x1C200] =	vst v63  }
0x345: {  	_ =	swait.ge [sflag:s19], $0x4000  }
0x346: {  	[sflag:s19] =	ssyncset.done $0x0  }
0x347: {  	s25 =	rddreg [dreg:$0x13];
	[sflag:s19] =	ssyncadd.s32 $0xFFFFC000  }
0x348: {  	[hbm4b:s25+s2] =	stream.linear.scatter [tilespmem:s8], [sflag:$0xE], $0x4000, $0x38;
	[tilespmem:$0x1C200] =	vst v63  }
0x349: {  	_ =	swait.ge [sflag:s13], $0x4000  }
0x34a: {  	[sflag:s13] =	ssyncset.done $0x0  }
0x34b: {  	[sflag:s13] =	ssyncadd.s32 $0xFFFFC000  }
0x34c: {  	[tilespmem:s17], [sflag:$0x3] =	stream.indirect.gather [hbm4b:s3+s4], $0x4000, s6, s4, $0xb8;
	[tilespmem:$0x1C200] =	vst v63  }
0x34d: {  	_ =	swait.ge [sflag:s4], $0x4000  }
0x34e: {  	[sflag:s4] =	ssyncset.done $0x0  }
0x34f: {  	s25 =	rddreg [dreg:$0x14];
	[sflag:s4] =	ssyncadd.s32 $0xFFFFC000  }
0x350: {  	[hbm4b:s25+s2] =	stream.linear.scatter [tilespmem:s5], [sflag:$0x8], $0x4000, $0x38;
	[tilespmem:$0x1C200] =	vst v63  }
0x351: {  	_ =	swait.ge [sflag:s14], $0x4000  }
0x352: {  	s25 =	sld [smem:$0x7DB]  }
0x353: {  	[sflag:s14] =	ssyncset.done $0x0  }
0x354: {  	[sflag:s14] =	ssyncadd.s32 $0xFFFFC000  }
0x355: {  	[tilespmem:s11], [sflag:$0x4] =	stream.indirect.gather [hbm4b:s3+s4], $0x4000, s25, s4, $0xb8;
	[tilespmem:$0x1C200] =	vst v63  }
0x356: {  	_ =	swait.ge [sflag:s24], $0x4000  }
0x357: {  	[sflag:s24] =	ssyncset.done $0x0  }
0x358: {  	s25 =	rddreg [dreg:$0x15];
	[sflag:s24] =	ssyncadd.s32 $0xFFFFC000  }
0x359: {  	[hbm4b:s25+s2] =	stream.linear.scatter [tilespmem:s20], [sflag:$0x9], $0x4000, $0x38;
	[tilespmem:$0x1C200] =	vst v63  }
0x35a: {  	_ =	swait.ge [sflag:s15], $0x4000  }
0x35b: {  	[sflag:s15] =	ssyncset.done $0x0  }
0x35c: {  	[sflag:s15] =	ssyncadd.s32 $0xFFFFC000  }
0x35d: {  	[tilespmem:s9], [sflag:$0x5] =	stream.indirect.gather [hbm4b:s3+s4], $0x4000, s10, s4, $0xb8;
	[tilespmem:$0x1C200] =	vst v63  }
0x35e: {  	_ =	swait.ge [sflag:s23], $0x4000  }
0x35f: {  	[sflag:s23] =	ssyncset.done $0x0  }
0x360: {  	s25 =	rddreg [dreg:$0x16];
	[sflag:s23] =	ssyncadd.s32 $0xFFFFC000  }
0x361: {  	[hbm4b:s25+s2] =	stream.linear.scatter [tilespmem:s17], [sflag:$0xA], $0x4000, $0x38;
	[tilespmem:$0x1C200] =	vst v63  }
0x362: {  	_ =	swait.ge [sflag:s12], $0x4000  }
0x363: {  	s25 =	sld [smem:$0x7DC]  }
0x364: {  	[sflag:s12] =	ssyncset.done $0x0  }
0x365: {  	[sflag:s12] =	ssyncadd.s32 $0xFFFFC000  }
0x366: {  	[tilespmem:s7], [sflag:$0x6] =	stream.indirect.gather [hbm4b:s3+s4], $0x4000, s25, s4, $0xb8;
	[tilespmem:$0x1C200] =	vst v63  }
0x367: {  	_ =	swait.ge [sflag:s22], $0x4000  }
0x368: {  	[sflag:s22] =	ssyncset.done $0x0  }
0x369: {  	s25 =	rddreg [dreg:$0x17];
	[sflag:s22] =	ssyncadd.s32 $0xFFFFC000  }
0x36a: {  	[hbm4b:s25+s2] =	stream.linear.scatter [tilespmem:s11], [sflag:$0xB], $0x4000, $0x38;
	[tilespmem:$0x1C200] =	vst v63  }
0x36b: {  	_ =	swait.ge [sflag:s16], $0x4000  }
0x36c: {  	[sflag:s16] =	ssyncset.done $0x0  }
0x36d: {  	[sflag:s16] =	ssyncadd.s32 $0xFFFFC000  }
0x36e: {  	[tilespmem:s8], [sflag:$0x7] =	stream.indirect.gather [hbm4b:s3+s4], $0x4000, s13, s4, $0xb8;
	[tilespmem:$0x1C200] =	vst v63  }
0x36f: {  	_ =	swait.ge [sflag:s21], $0x4000  }
0x370: {  	[sflag:s21] =	ssyncset.done $0x0  }
0x371: {  	s25 =	rddreg [dreg:$0x18];
	[sflag:s21] =	ssyncadd.s32 $0xFFFFC000  }
0x372: {  	[hbm4b:s25+s2] =	stream.linear.scatter [tilespmem:s9], [sflag:$0xC], $0x4000, $0x38;
	[tilespmem:$0x1C200] =	vst v63  }
0x373: {  	_ =	swait.ge [sflag:s6], $0x4000  }
0x374: {  	s25 =	sld [smem:$0x7DD]  }
0x375: {  	[sflag:s6] =	ssyncset.done $0x0  }
0x376: {  	[sflag:s6] =	ssyncadd.s32 $0xFFFFC000  }
0x377: {  	[tilespmem:s5], [sflag:$0x1] =	stream.indirect.gather [hbm4b:s3+s4], $0x4000, s25, s4, $0xb8;
	[tilespmem:$0x1C200] =	vst v63  }
0x378: {  	_ =	swait.ge [sflag:s18], $0x4000  }
0x379: {  	[sflag:s18] =	ssyncset.done $0x0  }
0x37a: {  	s25 =	rddreg [dreg:$0x19];
	[sflag:s18] =	ssyncadd.s32 $0xFFFFC000  }
0x37b: {  	[hbm4b:s25+s2] =	stream.linear.scatter [tilespmem:s7], [sflag:$0xD], $0x4000, $0x38;
	[tilespmem:$0x1C200] =	vst v63  }
0x37c: {  	_ =	swait.ge [sflag:s10], $0x4000  }
0x37d: {  	[sflag:s10] =	ssyncset.done $0x0  }
0x37e: {  	[sflag:s10] =	ssyncadd.s32 $0xFFFFC000  }
0x37f: {  	[tilespmem:s20], [sflag:$0x2] =	stream.indirect.gather [hbm4b:s3+s4], $0x4000, s14, s4, $0xb8;
	[tilespmem:$0x1C200] =	vst v63  }
0x380: {  	_ =	swait.ge [sflag:s19], $0x4000  }
0x381: {  	[sflag:s19] =	ssyncset.done $0x0  }
0x382: {  	s25 =	rddreg [dreg:$0x1a];
	[sflag:s19] =	ssyncadd.s32 $0xFFFFC000  }
0x383: {  	[hbm4b:s25+s2] =	stream.linear.scatter [tilespmem:s8], [sflag:$0xE], $0x4000, $0x38;
	[tilespmem:$0x1C200] =	vst v63  }
0x384: {  	_ =	swait.ge [sflag:s13], $0x4000  }
0x385: {  	s25 =	sld [smem:$0x7DE]  }
0x386: {  	[sflag:s13] =	ssyncset.done $0x0  }
0x387: {  	[sflag:s13] =	ssyncadd.s32 $0xFFFFC000  }
0x388: {  	[tilespmem:s17], [sflag:$0x3] =	stream.indirect.gather [hbm4b:s3+s4], $0x4000, s25, s4, $0xb8;
	[tilespmem:$0x1C200] =	vst v63  }
0x389: {  	_ =	swait.ge [sflag:s4], $0x4000  }
0x38a: {  	[sflag:s4] =	ssyncset.done $0x0  }
0x38b: {  	s25 =	rddreg [dreg:$0x1b];
	[sflag:s4] =	ssyncadd.s32 $0xFFFFC000  }
0x38c: {  	[hbm4b:s25+s2] =	stream.linear.scatter [tilespmem:s5], [sflag:$0x8], $0x4000, $0x38;
	[tilespmem:$0x1C200] =	vst v63  }
0x38d: {  	_ =	swait.ge [sflag:s14], $0x4000  }
0x38e: {  	[sflag:s14] =	ssyncset.done $0x0  }
0x38f: {  	[sflag:s14] =	ssyncadd.s32 $0xFFFFC000  }
0x390: {  	[tilespmem:s11], [sflag:$0x4] =	stream.indirect.gather [hbm4b:s3+s4], $0x4000, s15, s4, $0xb8;
	[tilespmem:$0x1C200] =	vst v63  }
0x391: {  	_ =	swait.ge [sflag:s24], $0x4000  }
0x392: {  	[sflag:s24] =	ssyncset.done $0x0  }
0x393: {  	s25 =	rddreg [dreg:$0x1c];
	[sflag:s24] =	ssyncadd.s32 $0xFFFFC000  }
0x394: {  	[hbm4b:s25+s2] =	stream.linear.scatter [tilespmem:s20], [sflag:$0x9], $0x4000, $0x38;
	[tilespmem:$0x1C200] =	vst v63  }
0x395: {  	_ =	swait.ge [sflag:s15], $0x4000  }
0x396: {  	s25 =	sld [smem:$0x7DF]  }
0x397: {  	[sflag:s15] =	ssyncset.done $0x0  }
0x398: {  	[sflag:s15] =	ssyncadd.s32 $0xFFFFC000  }
0x399: {  	[tilespmem:s9], [sflag:$0x5] =	stream.indirect.gather [hbm4b:s3+s4], $0x4000, s25, s4, $0xb8;
	[tilespmem:$0x1C200] =	vst v63  }
0x39a: {  	_ =	swait.ge [sflag:s23], $0x4000  }
0x39b: {  	[sflag:s23] =	ssyncset.done $0x0  }
0x39c: {  	s25 =	rddreg [dreg:$0x1d];
	[sflag:s23] =	ssyncadd.s32 $0xFFFFC000  }
0x39d: {  	[hbm4b:s25+s2] =	stream.linear.scatter [tilespmem:s17], [sflag:$0xA], $0x4000, $0x38;
	[tilespmem:$0x1C200] =	vst v63  }
0x39e: {  	_ =	swait.ge [sflag:s12], $0x4000  }
0x39f: {  	[sflag:s12] =	ssyncset.done $0x0  }
0x3a0: {  	[sflag:s12] =	ssyncadd.s32 $0xFFFFC000  }
0x3a1: {  	[tilespmem:s7], [sflag:$0x6] =	stream.indirect.gather [hbm4b:s3+s4], $0x4000, s12, s4, $0xb8;
	[tilespmem:$0x1C200] =	vst v63  }
0x3a2: {  	_ =	swait.ge [sflag:s22], $0x4000  }
0x3a3: {  	[sflag:s22] =	ssyncset.done $0x0  }
0x3a4: {  	s25 =	rddreg [dreg:$0x1e];
	[sflag:s22] =	ssyncadd.s32 $0xFFFFC000  }
0x3a5: {  	[hbm4b:s25+s2] =	stream.linear.scatter [tilespmem:s11], [sflag:$0xB], $0x4000, $0x38;
	[tilespmem:$0x1C200] =	vst v63  }
0x3a6: {  	_ =	swait.ge [sflag:s16], $0x4000  }
0x3a7: {  	s25 =	sld [smem:$0x7E0]  }
0x3a8: {  	[sflag:s16] =	ssyncset.done $0x0  }
0x3a9: {  	[sflag:s16] =	ssyncadd.s32 $0xFFFFC000  }
0x3aa: {  	[tilespmem:s8], [sflag:$0x7] =	stream.indirect.gather [hbm4b:s3+s4], $0x4000, s25, s4, $0xb8;
	[tilespmem:$0x1C200] =	vst v63  }
0x3ab: {  	_ =	swait.ge [sflag:s21], $0x4000  }
0x3ac: {  	[sflag:s21] =	ssyncset.done $0x0  }
0x3ad: {  	s25 =	rddreg [dreg:$0x1f];
	[sflag:s21] =	ssyncadd.s32 $0xFFFFC000  }
0x3ae: {  	[hbm4b:s25+s2] =	stream.linear.scatter [tilespmem:s9], [sflag:$0xC], $0x4000, $0x38;
	[tilespmem:$0x1C200] =	vst v63  }
0x3af: {  	_ =	swait.ge [sflag:s6], $0x4000  }
0x3b0: {  	[sflag:s6] =	ssyncset.done $0x0  }
0x3b1: {  	[sflag:s6] =	ssyncadd.s32 $0xFFFFC000  }
0x3b2: {  	[tilespmem:s5], [sflag:$0x1] =	stream.indirect.gather [hbm4b:s3+s4], $0x4000, s16, s4, $0xb8;
	[tilespmem:$0x1C200] =	vst v63  }
0x3b3: {  	_ =	swait.ge [sflag:s18], $0x4000  }
0x3b4: {  	s25 =	sld [smem:$0x7AD]  }
0x3b5: {  	[sflag:s18] =	ssyncset.done $0x0  }
0x3b6: {  	[sflag:s18] =	ssyncadd.s32 $0xFFFFC000  }
0x3b7: {  	[hbm4b:s25+s2] =	stream.linear.scatter [tilespmem:s7], [sflag:$0xD], $0x4000, $0x38;
	[tilespmem:$0x1C200] =	vst v63  }
0x3b8: {  	_ =	swait.ge [sflag:s10], $0x4000  }
0x3b9: {  	s25 =	sld [smem:$0x7E1]  }
0x3ba: {  	[sflag:s10] =	ssyncset.done $0x0  }
0x3bb: {  	[sflag:s10] =	ssyncadd.s32 $0xFFFFC000  }
0x3bc: {  	[tilespmem:s20], [sflag:$0x2] =	stream.indirect.gather [hbm4b:s3+s4], $0x4000, s25, s4, $0xb8;
	[tilespmem:$0x1C200] =	vst v63  }
0x3bd: {  	_ =	swait.ge [sflag:s19], $0x4000  }
0x3be: {  	s25 =	sld [smem:$0x7AE]  }
0x3bf: {  	[sflag:s19] =	ssyncset.done $0x0  }
0x3c0: {  	[sflag:s19] =	ssyncadd.s32 $0xFFFFC000  }
0x3c1: {  	[hbm4b:s25+s2] =	stream.linear.scatter [tilespmem:s8], [sflag:$0xE], $0x4000, $0x38;
	[tilespmem:$0x1C200] =	vst v63  }
0x3c2: {  	_ =	swait.ge [sflag:s13], $0x4000  }
0x3c3: {  	[sflag:s13] =	ssyncset.done $0x0  }
0x3c4: {  	[sflag:s13] =	ssyncadd.s32 $0xFFFFC000  }
0x3c5: {  	[tilespmem:s17], [sflag:$0x3] =	stream.indirect.gather [hbm4b:s3+s4], $0x4000, s31, s4, $0xb8;
	[tilespmem:$0x1C200] =	vst v63  }
0x3c6: {  	_ =	swait.ge [sflag:s4], $0x4000  }
0x3c7: {  	s25 =	sld [smem:$0x7AF]  }
0x3c8: {  	[sflag:s4] =	ssyncset.done $0x0  }
0x3c9: {  	[sflag:s4] =	ssyncadd.s32 $0xFFFFC000  }
0x3ca: {  	[hbm4b:s25+s2] =	stream.linear.scatter [tilespmem:s5], [sflag:$0x8], $0x4000, $0x38;
	[tilespmem:$0x1C200] =	vst v63  }
0x3cb: {  	_ =	swait.ge [sflag:s14], $0x4000  }
0x3cc: {  	s25 =	sld [smem:$0x7E2]  }
0x3cd: {  	[sflag:s14] =	ssyncset.done $0x0  }
0x3ce: {  	[sflag:s14] =	ssyncadd.s32 $0xFFFFC000  }
0x3cf: {  	[tilespmem:s11], [sflag:$0x4] =	stream.indirect.gather [hbm4b:s3+s4], $0x4000, s25, s4, $0xb8;
	[tilespmem:$0x1C200] =	vst v63  }
0x3d0: {  	_ =	swait.ge [sflag:s24], $0x4000  }
0x3d1: {  	s25 =	sld [smem:$0x7B0]  }
0x3d2: {  	[sflag:s24] =	ssyncset.done $0x0  }
0x3d3: {  	[sflag:s24] =	ssyncadd.s32 $0xFFFFC000  }
0x3d4: {  	[hbm4b:s25+s2] =	stream.linear.scatter [tilespmem:s20], [sflag:$0x9], $0x4000, $0x38;
	[tilespmem:$0x1C200] =	vst v63  }
0x3d5: {  	_ =	swait.ge [sflag:s15], $0x4000  }
0x3d6: {  	s25 =	sld [smem:$0x7E3]  }
0x3d7: {  	[sflag:s15] =	ssyncset.done $0x0  }
0x3d8: {  	[sflag:s15] =	ssyncadd.s32 $0xFFFFC000  }
0x3d9: {  	[tilespmem:s9], [sflag:$0x5] =	stream.indirect.gather [hbm4b:s3+s4], $0x4000, s25, s4, $0xb8;
	[tilespmem:$0x1C200] =	vst v63  }
0x3da: {  	_ =	swait.ge [sflag:s23], $0x4000  }
0x3db: {  	s25 =	sld [smem:$0x7B1]  }
0x3dc: {  	[sflag:s23] =	ssyncset.done $0x0  }
0x3dd: {  	[sflag:s23] =	ssyncadd.s32 $0xFFFFC000  }
0x3de: {  	[hbm4b:s25+s2] =	stream.linear.scatter [tilespmem:s17], [sflag:$0xA], $0x4000, $0x38;
	[tilespmem:$0x1C200] =	vst v63  }
0x3df: {  	_ =	swait.ge [sflag:s12], $0x4000  }
0x3e0: {  	s25 =	sld [smem:$0x7E4]  }
0x3e1: {  	[sflag:s12] =	ssyncset.done $0x0  }
0x3e2: {  	[sflag:s12] =	ssyncadd.s32 $0xFFFFC000  }
0x3e3: {  	[tilespmem:s7], [sflag:$0x6] =	stream.indirect.gather [hbm4b:s3+s4], $0x4000, s25, s4, $0xb8;
	[tilespmem:$0x1C200] =	vst v63  }
0x3e4: {  	_ =	swait.ge [sflag:s22], $0x4000  }
0x3e5: {  	s25 =	sld [smem:$0x7B2]  }
0x3e6: {  	[sflag:s22] =	ssyncset.done $0x0  }
0x3e7: {  	[sflag:s22] =	ssyncadd.s32 $0xFFFFC000  }
0x3e8: {  	[hbm4b:s25+s2] =	stream.linear.scatter [tilespmem:s11], [sflag:$0xB], $0x4000, $0x38;
	[tilespmem:$0x1C200] =	vst v63  }
0x3e9: {  	_ =	swait.ge [sflag:s16], $0x4000  }
0x3ea: {  	s25 =	sld [smem:$0x7E5]  }
0x3eb: {  	[sflag:s16] =	ssyncset.done $0x0  }
0x3ec: {  	[sflag:s16] =	ssyncadd.s32 $0xFFFFC000  }
0x3ed: {  	[tilespmem:s8], [sflag:$0x7] =	stream.indirect.gather [hbm4b:s3+s4], $0x4000, s25, s4, $0xb8;
	[tilespmem:$0x1C200] =	vst v63  }
0x3ee: {  	_ =	swait.ge [sflag:s21], $0x4000  }
0x3ef: {  	s25 =	sld [smem:$0x7B3]  }
0x3f0: {  	[sflag:s21] =	ssyncset.done $0x0  }
0x3f1: {  	[sflag:s21] =	ssyncadd.s32 $0xFFFFC000  }
0x3f2: {  	[hbm4b:s25+s2] =	stream.linear.scatter [tilespmem:s9], [sflag:$0xC], $0x4000, $0x38;
	[tilespmem:$0x1C200] =	vst v63  }
0x3f3: {  	_ =	swait.ge [sflag:s6], $0x4000  }
0x3f4: {  	s25 =	sld [smem:$0x7E6]  }
0x3f5: {  	[sflag:s6] =	ssyncset.done $0x0  }
0x3f6: {  	[sflag:s6] =	ssyncadd.s32 $0xFFFFC000  }
0x3f7: {  	[tilespmem:s5], [sflag:$0x1] =	stream.indirect.gather [hbm4b:s3+s4], $0x4000, s25, s4, $0xb8;
	[tilespmem:$0x1C200] =	vst v63  }
0x3f8: {  	_ =	swait.ge [sflag:s18], $0x4000  }
0x3f9: {  	s25 =	sld [smem:$0x7B4]  }
0x3fa: {  	[sflag:s18] =	ssyncset.done $0x0  }
0x3fb: {  	[sflag:s18] =	ssyncadd.s32 $0xFFFFC000  }
0x3fc: {  	[hbm4b:s25+s2] =	stream.linear.scatter [tilespmem:s7], [sflag:$0xD], $0x4000, $0x38;
	[tilespmem:$0x1C200] =	vst v63  }
0x3fd: {  	_ =	swait.ge [sflag:s10], $0x4000  }
0x3fe: {  	s25 =	sld [smem:$0x7E7]  }
0x3ff: {  	[sflag:s10] =	ssyncset.done $0x0  }
0x400: {  	[sflag:s10] =	ssyncadd.s32 $0xFFFFC000  }
0x401: {  	[tilespmem:s20], [sflag:$0x2] =	stream.indirect.gather [hbm4b:s3+s4], $0x4000, s25, s4, $0xb8;
	[tilespmem:$0x1C200] =	vst v63  }
0x402: {  	_ =	swait.ge [sflag:s19], $0x4000  }
0x403: {  	s25 =	sld [smem:$0x7B5]  }
0x404: {  	[sflag:s19] =	ssyncset.done $0x0  }
0x405: {  	[sflag:s19] =	ssyncadd.s32 $0xFFFFC000  }
0x406: {  	[hbm4b:s25+s2] =	stream.linear.scatter [tilespmem:s8], [sflag:$0xE], $0x4000, $0x38;
	[tilespmem:$0x1C200] =	vst v63  }
0x407: {  	_ =	swait.ge [sflag:s13], $0x4000  }
0x408: {  	s25 =	sld [smem:$0x7E8]  }
0x409: {  	[sflag:s13] =	ssyncset.done $0x0  }
0x40a: {  	[sflag:s13] =	ssyncadd.s32 $0xFFFFC000  }
0x40b: {  	[tilespmem:s17], [sflag:$0x3] =	stream.indirect.gather [hbm4b:s3+s4], $0x4000, s25, s4, $0xb8;
	[tilespmem:$0x1C200] =	vst v63  }
0x40c: {  	_ =	swait.ge [sflag:s4], $0x4000  }
0x40d: {  	s25 =	sld [smem:$0x7B6]  }
0x40e: {  	[sflag:s4] =	ssyncset.done $0x0  }
0x40f: {  	[sflag:s4] =	ssyncadd.s32 $0xFFFFC000  }
0x410: {  	[hbm4b:s25+s2] =	stream.linear.scatter [tilespmem:s5], [sflag:$0x8], $0x4000, $0x38;
	[tilespmem:$0x1C200] =	vst v63  }
0x411: {  	_ =	swait.ge [sflag:s14], $0x4000  }
0x412: {  	s25 =	sld [smem:$0x7E9]  }
0x413: {  	[sflag:s14] =	ssyncset.done $0x0  }
0x414: {  	[sflag:s14] =	ssyncadd.s32 $0xFFFFC000  }
0x415: {  	[tilespmem:s11], [sflag:$0x4] =	stream.indirect.gather [hbm4b:s3+s4], $0x4000, s25, s4, $0xb8;
	[tilespmem:$0x1C200] =	vst v63  }
0x416: {  	_ =	swait.ge [sflag:s24], $0x4000  }
0x417: {  	s25 =	sld [smem:$0x7B7]  }
0x418: {  	[sflag:s24] =	ssyncset.done $0x0  }
0x419: {  	[sflag:s24] =	ssyncadd.s32 $0xFFFFC000  }
0x41a: {  	[hbm4b:s25+s2] =	stream.linear.scatter [tilespmem:s20], [sflag:$0x9], $0x4000, $0x38;
	[tilespmem:$0x1C200] =	vst v63  }
0x41b: {  	_ =	swait.ge [sflag:s15], $0x4000  }
0x41c: {  	s25 =	sld [smem:$0x7EA]  }
0x41d: {  	[sflag:s15] =	ssyncset.done $0x0  }
0x41e: {  	[sflag:s15] =	ssyncadd.s32 $0xFFFFC000  }
0x41f: {  	[tilespmem:s9], [sflag:$0x5] =	stream.indirect.gather [hbm4b:s3+s4], $0x4000, s25, s4, $0xb8;
	[tilespmem:$0x1C200] =	vst v63  }
0x420: {  	_ =	swait.ge [sflag:s23], $0x4000  }
0x421: {  	s25 =	sld [smem:$0x7B8]  }
0x422: {  	[sflag:s23] =	ssyncset.done $0x0  }
0x423: {  	[sflag:s23] =	ssyncadd.s32 $0xFFFFC000  }
0x424: {  	[hbm4b:s25+s2] =	stream.linear.scatter [tilespmem:s17], [sflag:$0xA], $0x4000, $0x38;
	[tilespmem:$0x1C200] =	vst v63  }
0x425: {  	_ =	swait.ge [sflag:s12], $0x4000  }
0x426: {  	s25 =	sld [smem:$0x7EB]  }
0x427: {  	[sflag:s12] =	ssyncset.done $0x0  }
0x428: {  	[sflag:s12] =	ssyncadd.s32 $0xFFFFC000  }
0x429: {  	[tilespmem:s7], [sflag:$0x6] =	stream.indirect.gather [hbm4b:s3+s4], $0x4000, s25, s4, $0xb8;
	[tilespmem:$0x1C200] =	vst v63  }
0x42a: {  	_ =	swait.ge [sflag:s22], $0x4000  }
0x42b: {  	s25 =	sld [smem:$0x7B9]  }
0x42c: {  	[sflag:s22] =	ssyncset.done $0x0  }
0x42d: {  	[sflag:s22] =	ssyncadd.s32 $0xFFFFC000  }
0x42e: {  	[hbm4b:s25+s2] =	stream.linear.scatter [tilespmem:s11], [sflag:$0xB], $0x4000, $0x38;
	[tilespmem:$0x1C200] =	vst v63  }
0x42f: {  	_ =	swait.ge [sflag:s16], $0x4000  }
0x430: {  	s25 =	sld [smem:$0x7EC]  }
0x431: {  	[sflag:s16] =	ssyncset.done $0x0  }
0x432: {  	[sflag:s16] =	ssyncadd.s32 $0xFFFFC000  }
0x433: {  	[tilespmem:s8], [sflag:$0x7] =	stream.indirect.gather [hbm4b:s3+s4], $0x4000, s25, s4, $0xb8;
	[tilespmem:$0x1C200] =	vst v63  }
0x434: {  	_ =	swait.ge [sflag:s21], $0x4000  }
0x435: {  	s25 =	sld [smem:$0x7BA]  }
0x436: {  	[sflag:s21] =	ssyncset.done $0x0  }
0x437: {  	[sflag:s21] =	ssyncadd.s32 $0xFFFFC000  }
0x438: {  	[hbm4b:s25+s2] =	stream.linear.scatter [tilespmem:s9], [sflag:$0xC], $0x4000, $0x38;
	[tilespmem:$0x1C200] =	vst v63  }
0x439: {  	_ =	swait.ge [sflag:s6], $0x4000  }
0x43a: {  	s25 =	sld [smem:$0x7ED]  }
0x43b: {  	[sflag:s6] =	ssyncset.done $0x0  }
0x43c: {  	[sflag:s6] =	ssyncadd.s32 $0xFFFFC000  }
0x43d: {  	[tilespmem:s5], [sflag:$0x1] =	stream.indirect.gather [hbm4b:s3+s4], $0x4000, s25, s4, $0xb8;
	[tilespmem:$0x1C200] =	vst v63  }
0x43e: {  	_ =	swait.ge [sflag:s18], $0x4000  }
0x43f: {  	s25 =	sld [smem:$0x7BB]  }
0x440: {  	[sflag:s18] =	ssyncset.done $0x0  }
0x441: {  	[sflag:s18] =	ssyncadd.s32 $0xFFFFC000  }
0x442: {  	[hbm4b:s25+s2] =	stream.linear.scatter [tilespmem:s7], [sflag:$0xD], $0x4000, $0x38;
	[tilespmem:$0x1C200] =	vst v63  }
0x443: {  	_ =	swait.ge [sflag:s10], $0x4000  }
0x444: {  	s25 =	sld [smem:$0x7EE]  }
0x445: {  	[sflag:s10] =	ssyncset.done $0x0  }
0x446: {  	[sflag:s10] =	ssyncadd.s32 $0xFFFFC000  }
0x447: {  	[tilespmem:s20], [sflag:$0x2] =	stream.indirect.gather [hbm4b:s3+s4], $0x4000, s25, s4, $0xb8;
	[tilespmem:$0x1C200] =	vst v63  }
0x448: {  	_ =	swait.ge [sflag:s19], $0x4000  }
0x449: {  	s25 =	sld [smem:$0x7BC]  }
0x44a: {  	[sflag:s19] =	ssyncset.done $0x0  }
0x44b: {  	[sflag:s19] =	ssyncadd.s32 $0xFFFFC000  }
0x44c: {  	[hbm4b:s25+s2] =	stream.linear.scatter [tilespmem:s8], [sflag:$0xE], $0x4000, $0x38;
	[tilespmem:$0x1C200] =	vst v63  }
0x44d: {  	_ =	swait.ge [sflag:s13], $0x4000  }
0x44e: {  	s25 =	sld [smem:$0x7EF]  }
0x44f: {  	[sflag:s13] =	ssyncset.done $0x0  }
0x450: {  	[sflag:s13] =	ssyncadd.s32 $0xFFFFC000  }
0x451: {  	[tilespmem:s17], [sflag:$0x3] =	stream.indirect.gather [hbm4b:s3+s4], $0x4000, s25, s4, $0xb8;
	[tilespmem:$0x1C200] =	vst v63  }
0x452: {  	_ =	swait.ge [sflag:s4], $0x4000  }
0x453: {  	s25 =	sld [smem:$0x7BD]  }
0x454: {  	[sflag:s4] =	ssyncset.done $0x0  }
0x455: {  	[sflag:s4] =	ssyncadd.s32 $0xFFFFC000  }
0x456: {  	[hbm4b:s25+s2] =	stream.linear.scatter [tilespmem:s5], [sflag:$0x8], $0x4000, $0x38;
	[tilespmem:$0x1C200] =	vst v63  }
0x457: {  	_ =	swait.ge [sflag:s14], $0x4000  }
0x458: {  	s25 =	sld [smem:$0x7F0]  }
0x459: {  	[sflag:s14] =	ssyncset.done $0x0  }
0x45a: {  	[sflag:s14] =	ssyncadd.s32 $0xFFFFC000  }
0x45b: {  	[tilespmem:s11], [sflag:$0x4] =	stream.indirect.gather [hbm4b:s3+s4], $0x4000, s25, s4, $0xb8;
	[tilespmem:$0x1C200] =	vst v63  }
0x45c: {  	_ =	swait.ge [sflag:s24], $0x4000  }
0x45d: {  	s25 =	sld [smem:$0x7BE]  }
0x45e: {  	[sflag:s24] =	ssyncset.done $0x0  }
0x45f: {  	[sflag:s24] =	ssyncadd.s32 $0xFFFFC000  }
0x460: {  	[hbm4b:s25+s2] =	stream.linear.scatter [tilespmem:s20], [sflag:$0x9], $0x4000, $0x38;
	[tilespmem:$0x1C200] =	vst v63  }
0x461: {  	_ =	swait.ge [sflag:s15], $0x4000  }
0x462: {  	s25 =	sld [smem:$0x7F1]  }
0x463: {  	[sflag:s15] =	ssyncset.done $0x0  }
0x464: {  	[sflag:s15] =	ssyncadd.s32 $0xFFFFC000  }
0x465: {  	[tilespmem:s9], [sflag:$0x5] =	stream.indirect.gather [hbm4b:s3+s4], $0x4000, s25, s4, $0xb8;
	[tilespmem:$0x1C200] =	vst v63  }
0x466: {  	_ =	swait.ge [sflag:s23], $0x4000  }
0x467: {  	s25 =	sld [smem:$0x7BF]  }
0x468: {  	[sflag:s23] =	ssyncset.done $0x0  }
0x469: {  	[sflag:s23] =	ssyncadd.s32 $0xFFFFC000  }
0x46a: {  	[hbm4b:s25+s2] =	stream.linear.scatter [tilespmem:s17], [sflag:$0xA], $0x4000, $0x38;
	[tilespmem:$0x1C200] =	vst v63  }
0x46b: {  	_ =	swait.ge [sflag:s12], $0x4000  }
0x46c: {  	s25 =	sld [smem:$0x7F2]  }
0x46d: {  	[sflag:s12] =	ssyncset.done $0x0  }
0x46e: {  	[sflag:s12] =	ssyncadd.s32 $0xFFFFC000  }
0x46f: {  	[tilespmem:s7], [sflag:$0x6] =	stream.indirect.gather [hbm4b:s3+s4], $0x4000, s25, s4, $0xb8;
	[tilespmem:$0x1C200] =	vst v63  }
0x470: {  	_ =	swait.ge [sflag:s22], $0x4000  }
0x471: {  	s25 =	sld [smem:$0x7C0]  }
0x472: {  	[sflag:s22] =	ssyncset.done $0x0  }
0x473: {  	[sflag:s22] =	ssyncadd.s32 $0xFFFFC000  }
0x474: {  	[hbm4b:s25+s2] =	stream.linear.scatter [tilespmem:s11], [sflag:$0xB], $0x4000, $0x38;
	[tilespmem:$0x1C200] =	vst v63  }
0x475: {  	_ =	swait.ge [sflag:s16], $0x4000  }
0x476: {  	s25 =	sld [smem:$0x7F3]  }
0x477: {  	[sflag:s16] =	ssyncset.done $0x0  }
0x478: {  	[sflag:s16] =	ssyncadd.s32 $0xFFFFC000  }
0x479: {  	[tilespmem:s8], [sflag:$0x7] =	stream.indirect.gather [hbm4b:s3+s4], $0x4000, s25, s4, $0xb8;
	[tilespmem:$0x1C200] =	vst v63  }
0x47a: {  	_ =	swait.ge [sflag:s21], $0x4000  }
0x47b: {  	s25 =	sld [smem:$0x7C1]  }
0x47c: {  	[sflag:s21] =	ssyncset.done $0x0  }
0x47d: {  	[sflag:s21] =	ssyncadd.s32 $0xFFFFC000  }
0x47e: {  	[hbm4b:s25+s2] =	stream.linear.scatter [tilespmem:s9], [sflag:$0xC], $0x4000, $0x38;
	[tilespmem:$0x1C200] =	vst v63  }
0x47f: {  	_ =	swait.ge [sflag:s6], $0x4000  }
0x480: {  	s25 =	sld [smem:$0x7F4]  }
0x481: {  	[sflag:s6] =	ssyncset.done $0x0  }
0x482: {  	[sflag:s6] =	ssyncadd.s32 $0xFFFFC000  }
0x483: {  	[tilespmem:s5], [sflag:$0x1] =	stream.indirect.gather [hbm4b:s3+s4], $0x4000, s25, s4, $0xb8;
	[tilespmem:$0x1C200] =	vst v63  }
0x484: {  	_ =	swait.ge [sflag:s18], $0x4000  }
0x485: {  	s25 =	sld [smem:$0x7C2]  }
0x486: {  	[sflag:s18] =	ssyncset.done $0x0  }
0x487: {  	[sflag:s18] =	ssyncadd.s32 $0xFFFFC000  }
0x488: {  	[hbm4b:s25+s2] =	stream.linear.scatter [tilespmem:s7], [sflag:$0xD], $0x4000, $0x38;
	[tilespmem:$0x1C200] =	vst v63  }
0x489: {  	_ =	swait.ge [sflag:s10], $0x4000  }
0x48a: {  	s25 =	sld [smem:$0x7F5]  }
0x48b: {  	[sflag:s10] =	ssyncset.done $0x0  }
0x48c: {  	[sflag:s10] =	ssyncadd.s32 $0xFFFFC000  }
0x48d: {  	[tilespmem:s20], [sflag:$0x2] =	stream.indirect.gather [hbm4b:s3+s4], $0x4000, s25, s4, $0xb8;
	[tilespmem:$0x1C200] =	vst v63  }
0x48e: {  	_ =	swait.ge [sflag:s19], $0x4000  }
0x48f: {  	s25 =	sld [smem:$0x7C3]  }
0x490: {  	[sflag:s19] =	ssyncset.done $0x0  }
0x491: {  	[sflag:s19] =	ssyncadd.s32 $0xFFFFC000  }
0x492: {  	[hbm4b:s25+s2] =	stream.linear.scatter [tilespmem:s8], [sflag:$0xE], $0x4000, $0x38;
	[tilespmem:$0x1C200] =	vst v63  }
0x493: {  	_ =	swait.ge [sflag:s13], $0x4000  }
0x494: {  	s25 =	sld [smem:$0x7F6]  }
0x495: {  	[sflag:s13] =	ssyncset.done $0x0  }
0x496: {  	[sflag:s13] =	ssyncadd.s32 $0xFFFFC000  }
0x497: {  	[tilespmem:s17], [sflag:$0x3] =	stream.indirect.gather [hbm4b:s3+s4], $0x4000, s25, s4, $0xb8;
	[tilespmem:$0x1C200] =	vst v63  }
0x498: {  	_ =	swait.ge [sflag:s4], $0x4000  }
0x499: {  	s25 =	sld [smem:$0x7C4]  }
0x49a: {  	[sflag:s4] =	ssyncset.done $0x0  }
0x49b: {  	[sflag:s4] =	ssyncadd.s32 $0xFFFFC000  }
0x49c: {  	[hbm4b:s25+s2] =	stream.linear.scatter [tilespmem:s5], [sflag:$0x8], $0x4000, $0x38;
	[tilespmem:$0x1C200] =	vst v63  }
0x49d: {  	_ =	swait.ge [sflag:s14], $0x4000  }
0x49e: {  	s25 =	sld [smem:$0x7F7]  }
0x49f: {  	[sflag:s14] =	ssyncset.done $0x0  }
0x4a0: {  	[sflag:s14] =	ssyncadd.s32 $0xFFFFC000  }
0x4a1: {  	[tilespmem:s11], [sflag:$0x4] =	stream.indirect.gather [hbm4b:s3+s4], $0x4000, s25, s4, $0xb8;
	[tilespmem:$0x1C200] =	vst v63  }
0x4a2: {  	_ =	swait.ge [sflag:s24], $0x4000  }
0x4a3: {  	s25 =	sld [smem:$0x7C5]  }
0x4a4: {  	[sflag:s24] =	ssyncset.done $0x0  }
0x4a5: {  	[sflag:s24] =	ssyncadd.s32 $0xFFFFC000  }
0x4a6: {  	[hbm4b:s25+s2] =	stream.linear.scatter [tilespmem:s20], [sflag:$0x9], $0x4000, $0x38;
	[tilespmem:$0x1C200] =	vst v63  }
0x4a7: {  	_ =	swait.ge [sflag:s15], $0x4000  }
0x4a8: {  	s25 =	sld [smem:$0x7F8]  }
0x4a9: {  	[sflag:s15] =	ssyncset.done $0x0  }
0x4aa: {  	[sflag:s15] =	ssyncadd.s32 $0xFFFFC000  }
0x4ab: {  	[tilespmem:s9], [sflag:$0x5] =	stream.indirect.gather [hbm4b:s3+s4], $0x4000, s25, s4, $0xb8;
	[tilespmem:$0x1C200] =	vst v63  }
0x4ac: {  	_ =	swait.ge [sflag:s23], $0x4000  }
0x4ad: {  	s25 =	sld [smem:$0x7C6]  }
0x4ae: {  	[sflag:s23] =	ssyncset.done $0x0  }
0x4af: {  	[sflag:s23] =	ssyncadd.s32 $0xFFFFC000  }
0x4b0: {  	[hbm4b:s25+s2] =	stream.linear.scatter [tilespmem:s17], [sflag:$0xA], $0x4000, $0x38;
	[tilespmem:$0x1C200] =	vst v63  }
0x4b1: {  	_ =	swait.ge [sflag:s12], $0x4000  }
0x4b2: {  	s25 =	sld [smem:$0x7F9]  }
0x4b3: {  	[sflag:s12] =	ssyncset.done $0x0  }
0x4b4: {  	[sflag:s12] =	ssyncadd.s32 $0xFFFFC000  }
0x4b5: {  	[tilespmem:s7], [sflag:$0x6] =	stream.indirect.gather [hbm4b:s3+s4], $0x4000, s25, s4, $0xb8;
	[tilespmem:$0x1C200] =	vst v63  }
0x4b6: {  	_ =	swait.ge [sflag:s22], $0x4000  }
0x4b7: {  	s25 =	sld [smem:$0x7C7]  }
0x4b8: {  	[sflag:s22] =	ssyncset.done $0x0  }
0x4b9: {  	[sflag:s22] =	ssyncadd.s32 $0xFFFFC000  }
0x4ba: {  	[hbm4b:s25+s2] =	stream.linear.scatter [tilespmem:s11], [sflag:$0xB], $0x4000, $0x38;
	[tilespmem:$0x1C200] =	vst v63  }
0x4bb: {  	_ =	swait.ge [sflag:s16], $0x4000  }
0x4bc: {  	s25 =	sld [smem:$0x7FA]  }
0x4bd: {  	[sflag:s16] =	ssyncset.done $0x0  }
0x4be: {  	[sflag:s16] =	ssyncadd.s32 $0xFFFFC000  }
0x4bf: {  	[tilespmem:s8], [sflag:$0x7] =	stream.indirect.gather [hbm4b:s3+s4], $0x4000, s25, s4, $0xb8;
	[tilespmem:$0x1C200] =	vst v63  }
0x4c0: {  	_ =	swait.ge [sflag:s21], $0x4000  }
0x4c1: {  	s25 =	sld [smem:$0x7C8]  }
0x4c2: {  	[sflag:s21] =	ssyncset.done $0x0  }
0x4c3: {  	[sflag:s21] =	ssyncadd.s32 $0xFFFFC000  }
0x4c4: {  	[hbm4b:s25+s2] =	stream.linear.scatter [tilespmem:s9], [sflag:$0xC], $0x4000, $0x38;
	[tilespmem:$0x1C200] =	vst v63  }
0x4c5: {  	_ =	swait.ge [sflag:s6], $0x4000  }
0x4c6: {  	s25 =	sld [smem:$0x7FB]  }
0x4c7: {  	[sflag:s6] =	ssyncset.done $0x0  }
0x4c8: {  	[sflag:s6] =	ssyncadd.s32 $0xFFFFC000  }
0x4c9: {  	[tilespmem:s5], [sflag:$0x1] =	stream.indirect.gather [hbm4b:s3+s4], $0x4000, s25, s4, $0xb8;
	[tilespmem:$0x1C200] =	vst v63  }
0x4ca: {  	_ =	swait.ge [sflag:s18], $0x4000  }
0x4cb: {  	s25 =	sld [smem:$0x7C9]  }
0x4cc: {  	[sflag:s18] =	ssyncset.done $0x0  }
0x4cd: {  	[sflag:s18] =	ssyncadd.s32 $0xFFFFC000  }
0x4ce: {  	[hbm4b:s25+s2] =	stream.linear.scatter [tilespmem:s7], [sflag:$0xD], $0x4000, $0x38;
	[tilespmem:$0x1C200] =	vst v63  }
0x4cf: {  	_ =	swait.ge [sflag:s10], $0x4000  }
0x4d0: {  	s25 =	sld [smem:$0x7FC]  }
0x4d1: {  	[sflag:s10] =	ssyncset.done $0x0  }
0x4d2: {  	[sflag:s10] =	ssyncadd.s32 $0xFFFFC000  }
0x4d3: {  	[tilespmem:s20], [sflag:$0x2] =	stream.indirect.gather [hbm4b:s3+s4], $0x4000, s25, s4, $0xb8;
	[tilespmem:$0x1C200] =	vst v63  }
0x4d4: {  	_ =	swait.ge [sflag:s19], $0x4000  }
0x4d5: {  	s25 =	sld [smem:$0x7CA]  }
0x4d6: {  	[sflag:s19] =	ssyncset.done $0x0  }
0x4d7: {  	[sflag:s19] =	ssyncadd.s32 $0xFFFFC000  }
0x4d8: {  	[hbm4b:s25+s2] =	stream.linear.scatter [tilespmem:s8], [sflag:$0xE], $0x4000, $0x38;
	[tilespmem:$0x1C200] =	vst v63  }
0x4d9: {  	_ =	swait.ge [sflag:s13], $0x4000  }
0x4da: {  	s25 =	sld [smem:$0x7FD]  }
0x4db: {  	[sflag:s13] =	ssyncset.done $0x0  }
0x4dc: {  	[sflag:s13] =	ssyncadd.s32 $0xFFFFC000  }
0x4dd: {  	[tilespmem:s17], [sflag:$0x3] =	stream.indirect.gather [hbm4b:s3+s4], $0x4000, s25, s4, $0xb8;
	[tilespmem:$0x1C200] =	vst v63  }
0x4de: {  	_ =	swait.ge [sflag:s4], $0x4000  }
0x4df: {  	s25 =	sld [smem:$0x7CB]  }
0x4e0: {  	[sflag:s4] =	ssyncset.done $0x0  }
0x4e1: {  	[sflag:s4] =	ssyncadd.s32 $0xFFFFC000  }
0x4e2: {  	[hbm4b:s25+s2] =	stream.linear.scatter [tilespmem:s5], [sflag:$0x8], $0x4000, $0x38;
	[tilespmem:$0x1C200] =	vst v63  }
0x4e3: {  	_ =	swait.ge [sflag:s14], $0x4000  }
0x4e4: {  	[sflag:s14] =	ssyncset.done $0x0  }
0x4e5: {  	[sflag:s14] =	ssyncadd.s32 $0xFFFFC000  }
0x4e6: {  	[tilespmem:s11], [sflag:$0x4] =	stream.indirect.gather [hbm4b:s3+s4], $0x4000, s30, s4, $0xb8;
	[tilespmem:$0x1C200] =	vst v63  }
0x4e7: {  	_ =	swait.ge [sflag:s24], $0x4000  }
0x4e8: {  	s25 =	sld [smem:$0x7CC]  }
0x4e9: {  	[sflag:s24] =	ssyncset.done $0x0  }
0x4ea: {  	[sflag:s24] =	ssyncadd.s32 $0xFFFFC000  }
0x4eb: {  	[hbm4b:s25+s2] =	stream.linear.scatter [tilespmem:s20], [sflag:$0x9], $0x4000, $0x38;
	[tilespmem:$0x1C200] =	vst v63  }
0x4ec: {  	_ =	swait.ge [sflag:s15], $0x4000  }
0x4ed: {  	[sflag:s15] =	ssyncset.done $0x0  }
0x4ee: {  	[sflag:s15] =	ssyncadd.s32 $0xFFFFC000  }
0x4ef: {  	[tilespmem:s9], [sflag:$0x5] =	stream.indirect.gather [hbm4b:s3+s4], $0x4000, s29, s4, $0xb8;
	[tilespmem:$0x1C200] =	vst v63  }
0x4f0: {  	_ =	swait.ge [sflag:s23], $0x4000  }
0x4f1: {  	s25 =	sld [smem:$0x7CD]  }
0x4f2: {  	[sflag:s23] =	ssyncset.done $0x0  }
0x4f3: {  	[sflag:s23] =	ssyncadd.s32 $0xFFFFC000  }
0x4f4: {  	[hbm4b:s25+s2] =	stream.linear.scatter [tilespmem:s17], [sflag:$0xA], $0x4000, $0x38;
	[tilespmem:$0x1C200] =	vst v63  }
0x4f5: {  	_ =	swait.ge [sflag:s12], $0x4000  }
0x4f6: {  	[sflag:s12] =	ssyncset.done $0x0  }
0x4f7: {  	[sflag:s12] =	ssyncadd.s32 $0xFFFFC000  }
0x4f8: {  	[tilespmem:s7], [sflag:$0x6] =	stream.indirect.gather [hbm4b:s3+s4], $0x4000, s28, s4, $0xb8;
	[tilespmem:$0x1C200] =	vst v63  }
0x4f9: {  	_ =	swait.ge [sflag:s22], $0x4000  }
0x4fa: {  	s25 =	sld [smem:$0x7CE]  }
0x4fb: {  	[sflag:s22] =	ssyncset.done $0x0  }
0x4fc: {  	[sflag:s22] =	ssyncadd.s32 $0xFFFFC000  }
0x4fd: {  	[hbm4b:s25+s2] =	stream.linear.scatter [tilespmem:s11], [sflag:$0xB], $0x4000, $0x38;
	[tilespmem:$0x1C200] =	vst v63  }
0x4fe: {  	_ =	swait.ge [sflag:s16], $0x4000  }
0x4ff: {  	[sflag:s16] =	ssyncset.done $0x0  }
0x500: {  	[sflag:s16] =	ssyncadd.s32 $0xFFFFC000  }
0x501: {  	[tilespmem:s8], [sflag:$0x7] =	stream.indirect.gather [hbm4b:s3+s4], $0x4000, s26, s4, $0xb8;
	[tilespmem:$0x1C200] =	vst v63  }
0x502: {  	_ =	swait.ge [sflag:s21], $0x4000  }
0x503: {  	s25 =	sld [smem:$0x7CF]  }
0x504: {  	[sflag:s21] =	ssyncset.done $0x0  }
0x505: {  	[sflag:s21] =	ssyncadd.s32 $0xFFFFC000  }
0x506: {  	[hbm4b:s25+s2] =	stream.linear.scatter [tilespmem:s9], [sflag:$0xC], $0x4000, $0x38;
	[tilespmem:$0x1C200] =	vst v63  }
0x507: {  	_ =	swait.ge [sflag:s6], $0x4000  }
0x508: {  	[sflag:s6] =	ssyncset.done $0x0  }
0x509: {  	s25 =	simm.s32 $0x18F;
	[sflag:s6] =	ssyncadd.s32 $0xFFFFC000  }
0x50a: {  	[tilespmem:s5], [sflag:$0x1] =	stream.indirect.gather [hbm4b:s3+s4], $0x4000, s25, s4, $0xb8;
	[tilespmem:$0x1C200] =	vst v63  }
0x50b: {  	_ =	swait.ge [sflag:s18], $0x4000  }
0x50c: {  	s25 =	sld [smem:$0x7D0]  }
0x50d: {  	[sflag:s18] =	ssyncset.done $0x0  }
0x50e: {  	[sflag:s18] =	ssyncadd.s32 $0xFFFFC000  }
0x50f: {  	[hbm4b:s25+s2] =	stream.linear.scatter [tilespmem:s7], [sflag:$0xD], $0x4000, $0x38;
	[tilespmem:$0x1C200] =	vst v63  }
0x510: {  	_ =	swait.ge [sflag:s19], $0x4000  }
0x511: {  	s25 =	sld [smem:$0x7D1]  }
0x512: {  	[sflag:s19] =	ssyncset.done $0x0  }
0x513: {  	[sflag:s19] =	ssyncadd.s32 $0xFFFFC000  }
0x514: {  	[hbm4b:s25+s2] =	stream.linear.scatter [tilespmem:s8], [sflag:$0xE], $0x4000, $0x38;
	[tilespmem:$0x1C200] =	vst v63  }
0x515: {  	_ =	swait.ge [sflag:s4], $0x4000  }
0x516: {  	s25 =	sld [smem:$0x7D2]  }
0x517: {  	[sflag:s4] =	ssyncset.done $0x0  }
0x518: {  	[sflag:s4] =	ssyncadd.s32 $0xFFFFC000  }
0x519: {  	[hbm4b:s25+s2] =	stream.linear.scatter [tilespmem:s5], [sflag:$0x8], $0x4000, $0x38;
	[tilespmem:$0x1C200] =	vst v63  }
0x51a: {  	_ =	swait.ge [sflag:s10], $0x4000  }
0x51b: {  	[sflag:s10] =	ssyncset.done $0x0  }
0x51c: {  	[sflag:s10] =	ssyncadd.s32 $0xFFFFC000  }
0x51d: {  	_ =	swait.ge [sflag:s13], $0x4000  }
0x51e: {  	[sflag:s13] =	ssyncset.done $0x0  }
0x51f: {  	[sflag:s13] =	ssyncadd.s32 $0xFFFFC000  }
0x520: {  	_ =	swait.ge [sflag:s14], $0x4000  }
0x521: {  	[sflag:s14] =	ssyncset.done $0x0  }
0x522: {  	[sflag:s14] =	ssyncadd.s32 $0xFFFFC000  }
0x523: {  	_ =	swait.ge [sflag:s15], $0x4000  }
0x524: {  	[sflag:s15] =	ssyncset.done $0x0  }
0x525: {  	[sflag:s15] =	ssyncadd.s32 $0xFFFFC000  }
0x526: {  	_ =	swait.ge [sflag:s12], $0x4000  }
0x527: {  	p1 =	sne.s32 s1, $0x1;
	[sflag:s12] =	ssyncset.done $0x0  }
.Ltmp2:
0x528: {  	[sflag:s12] =	ssyncadd.s32 $0xFFFFC000;
	(pc) =	sbr.rel @p1 .LBB2_3-.Ltmp2, $4  }
0x529: {  	_ =	swait.ge [sflag:s16], $0x4000  }
0x52a: {  	[sflag:s16] =	ssyncset.done $0x0  }
0x52b: {  	[sflag:s16] =	ssyncadd.s32 $0xFFFFC000  }
0x52c: {  	s1 =	sadd.s32 $0xFFFFFFFF, s1;
	_ =	swait.ge [sflag:s6], $0x4000  }
0x52d: {  	s25 =	stileid.u32  }
.LBB2_5:
0x52e: {  	[sflag:s6] =	ssyncset.done @p0 $0x0  }
0x52f: {  	s0 =	rddreg [dreg:$0x5];
	[sflag:s6] =	ssyncadd.s32 @p0 $0xFFFFC000  }
0x530: {  	[tilespmem:s2], [sflag:$0xF] =	stream.linear.gather [hbm4b:s0+s2], $0x100, $0x38;
	[tilespmem:$0x1C200] =	vst v63  }
0x531: {  	_ =	swait.ge [sflag:s31], $0x100  }
0x532: {  	[sflag:s31] =	ssyncset.done $0x0  }
0x533: {  	[sflag:s31] =	ssyncadd.s32 $0xFFFFFF00  }
0x534: {  	v0 =	vld [tilespmem:$0x0]  }
0x535: {  	v1 =	vld [tilespmem:$0x80];
	_ =	sdelay $0x3  }
0x536: {  	v0 =	vadd.s32 $0xFFFFFFFF, v0  }
0x537: {  	v63 =	vadd.s32 $0xFFFFFFFF, v1;
	[tilespmem:$0x100] =	vst v0  }
0x538: {  	s1 =	sld [smem:$0x7D3];
	[tilespmem:$0x180] =	vst v63  }
0x539: {  	[tilespmem:s5], [sflag:$0x1] =	stream.indirect.gather [hbm4b:s3+s4], $0x4000, s2, s4, $0xb8;
	[tilespmem:$0x1C200] =	vst v63  }
0x53a: {  	_ = 	snop  }
0x53b: {  	[tilespmem:s20], [sflag:$0x2] =	stream.indirect.gather [hbm4b:s3+s4], $0x4000, s1, s4, $0xb8;
	[tilespmem:$0x1C200] =	vst v63  }
0x53c: {  	_ = 	snop  }
0x53d: {  	[tilespmem:s17], [sflag:$0x3] =	stream.indirect.gather [hbm4b:s3+s4], $0x4000, s4, s4, $0xb8;
	[tilespmem:$0x1C200] =	vst v63  }
0x53e: {  	_ =	swait.ge [sflag:s4], $0x4000  }
0x53f: {  	s0 =	rddreg [dreg:$0x6];
	[sflag:s4] =	ssyncset.done $0x0  }
0x540: {  	s1 =	sld [smem:$0x7D4];
	[sflag:s4] =	ssyncadd.s32 $0xFFFFC000  }
0x541: {  	[hbm4b:s0+s2] =	stream.linear.scatter [tilespmem:s5], [sflag:$0x8], $0x4000, $0x38;
	[tilespmem:$0x1C200] =	vst v63  }
0x542: {  	_ = 	snop  }
0x543: {  	[tilespmem:s11], [sflag:$0x4] =	stream.indirect.gather [hbm4b:s3+s4], $0x4000, s1, s4, $0xb8;
	[tilespmem:$0x1C200] =	vst v63  }
0x544: {  	_ =	swait.ge [sflag:s24], $0x4000  }
0x545: {  	[sflag:s24] =	ssyncset.done $0x0  }
0x546: {  	s1 =	rddreg [dreg:$0x7];
	[sflag:s24] =	ssyncadd.s32 $0xFFFFC000  }
0x547: {  	[hbm4b:s1+s2] =	stream.linear.scatter [tilespmem:s20], [sflag:$0x9], $0x4000, $0x38;
	[tilespmem:$0x1C200] =	vst v63  }
0x548: {  	_ = 	snop  }
0x549: {  	[tilespmem:s9], [sflag:$0x5] =	stream.indirect.gather [hbm4b:s3+s4], $0x4000, s24, s4, $0xb8;
	[tilespmem:$0x1C200] =	vst v63  }
0x54a: {  	_ =	swait.ge [sflag:s23], $0x4000  }
0x54b: {  	s0 =	rddreg [dreg:$0x8];
	[sflag:s23] =	ssyncset.done $0x0  }
0x54c: {  	s1 =	sld [smem:$0x7D5];
	[sflag:s23] =	ssyncadd.s32 $0xFFFFC000  }
0x54d: {  	[hbm4b:s0+s2] =	stream.linear.scatter [tilespmem:s17], [sflag:$0xA], $0x4000, $0x38;
	[tilespmem:$0x1C200] =	vst v63  }
0x54e: {  	_ = 	snop  }
0x54f: {  	[tilespmem:s7], [sflag:$0x6] =	stream.indirect.gather [hbm4b:s3+s4], $0x4000, s1, s4, $0xb8;
	[tilespmem:$0x1C200] =	vst v63  }
0x550: {  	_ =	swait.ge [sflag:s22], $0x4000  }
0x551: {  	[sflag:s22] =	ssyncset.done $0x0  }
0x552: {  	s1 =	rddreg [dreg:$0x9];
	[sflag:s22] =	ssyncadd.s32 $0xFFFFC000  }
0x553: {  	[hbm4b:s1+s2] =	stream.linear.scatter [tilespmem:s11], [sflag:$0xB], $0x4000, $0x38;
	[tilespmem:$0x1C200] =	vst v63  }
0x554: {  	_ = 	snop  }
0x555: {  	[tilespmem:s8], [sflag:$0x7] =	stream.indirect.gather [hbm4b:s3+s4], $0x4000, s23, s4, $0xb8;
	[tilespmem:$0x1C200] =	vst v63  }
0x556: {  	_ =	swait.ge [sflag:s21], $0x4000  }
0x557: {  	[sflag:s21] =	ssyncset.done $0x0  }
0x558: {  	s1 =	rddreg [dreg:$0xa];
	[sflag:s21] =	ssyncadd.s32 $0xFFFFC000  }
0x559: {  	[hbm4b:s1+s2] =	stream.linear.scatter [tilespmem:s9], [sflag:$0xC], $0x4000, $0x38;
	[tilespmem:$0x1C200] =	vst v63  }
0x55a: {  	_ =	swait.ge [sflag:s6], $0x4000  }
0x55b: {  	s1 =	sld [smem:$0x7D6]  }
0x55c: {  	[sflag:s6] =	ssyncset.done $0x0  }
0x55d: {  	[sflag:s6] =	ssyncadd.s32 $0xFFFFC000  }
0x55e: {  	[tilespmem:s5], [sflag:$0x1] =	stream.indirect.gather [hbm4b:s3+s4], $0x4000, s1, s4, $0xb8;
	[tilespmem:$0x1C200] =	vst v63  }
0x55f: {  	_ =	swait.ge [sflag:s18], $0x4000  }
0x560: {  	[sflag:s18] =	ssyncset.done $0x0  }
0x561: {  	s1 =	rddreg [dreg:$0xb];
	[sflag:s18] =	ssyncadd.s32 $0xFFFFC000  }
0x562: {  	[hbm4b:s1+s2] =	stream.linear.scatter [tilespmem:s7], [sflag:$0xD], $0x4000, $0x38;
	[tilespmem:$0x1C200] =	vst v63  }
0x563: {  	_ =	swait.ge [sflag:s10], $0x4000  }
0x564: {  	[sflag:s10] =	ssyncset.done $0x0  }
0x565: {  	[sflag:s10] =	ssyncadd.s32 $0xFFFFC000  }
0x566: {  	[tilespmem:s20], [sflag:$0x2] =	stream.indirect.gather [hbm4b:s3+s4], $0x4000, s22, s4, $0xb8;
	[tilespmem:$0x1C200] =	vst v63  }
0x567: {  	_ =	swait.ge [sflag:s19], $0x4000  }
0x568: {  	[sflag:s19] =	ssyncset.done $0x0  }
0x569: {  	s1 =	rddreg [dreg:$0xc];
	[sflag:s19] =	ssyncadd.s32 $0xFFFFC000  }
0x56a: {  	[hbm4b:s1+s2] =	stream.linear.scatter [tilespmem:s8], [sflag:$0xE], $0x4000, $0x38;
	[tilespmem:$0x1C200] =	vst v63  }
0x56b: {  	_ =	swait.ge [sflag:s13], $0x4000  }
0x56c: {  	s1 =	sld [smem:$0x7D7]  }
0x56d: {  	[sflag:s13] =	ssyncset.done $0x0  }
0x56e: {  	[sflag:s13] =	ssyncadd.s32 $0xFFFFC000  }
0x56f: {  	[tilespmem:s17], [sflag:$0x3] =	stream.indirect.gather [hbm4b:s3+s4], $0x4000, s1, s4, $0xb8;
	[tilespmem:$0x1C200] =	vst v63  }
0x570: {  	_ =	swait.ge [sflag:s4], $0x4000  }
0x571: {  	[sflag:s4] =	ssyncset.done $0x0  }
0x572: {  	s1 =	rddreg [dreg:$0xd];
	[sflag:s4] =	ssyncadd.s32 $0xFFFFC000  }
0x573: {  	[hbm4b:s1+s2] =	stream.linear.scatter [tilespmem:s5], [sflag:$0x8], $0x4000, $0x38;
	[tilespmem:$0x1C200] =	vst v63  }
0x574: {  	_ =	swait.ge [sflag:s14], $0x4000  }
0x575: {  	[sflag:s14] =	ssyncset.done $0x0  }
0x576: {  	[sflag:s14] =	ssyncadd.s32 $0xFFFFC000  }
0x577: {  	[tilespmem:s11], [sflag:$0x4] =	stream.indirect.gather [hbm4b:s3+s4], $0x4000, s21, s4, $0xb8;
	[tilespmem:$0x1C200] =	vst v63  }
0x578: {  	_ =	swait.ge [sflag:s24], $0x4000  }
0x579: {  	[sflag:s24] =	ssyncset.done $0x0  }
0x57a: {  	s1 =	rddreg [dreg:$0xe];
	[sflag:s24] =	ssyncadd.s32 $0xFFFFC000  }
0x57b: {  	[hbm4b:s1+s2] =	stream.linear.scatter [tilespmem:s20], [sflag:$0x9], $0x4000, $0x38;
	[tilespmem:$0x1C200] =	vst v63  }
0x57c: {  	_ =	swait.ge [sflag:s15], $0x4000  }
0x57d: {  	s1 =	sld [smem:$0x7D8]  }
0x57e: {  	[sflag:s15] =	ssyncset.done $0x0  }
0x57f: {  	[sflag:s15] =	ssyncadd.s32 $0xFFFFC000  }
0x580: {  	[tilespmem:s9], [sflag:$0x5] =	stream.indirect.gather [hbm4b:s3+s4], $0x4000, s1, s4, $0xb8;
	[tilespmem:$0x1C200] =	vst v63  }
0x581: {  	_ =	swait.ge [sflag:s23], $0x4000  }
0x582: {  	[sflag:s23] =	ssyncset.done $0x0  }
0x583: {  	s1 =	rddreg [dreg:$0xf];
	[sflag:s23] =	ssyncadd.s32 $0xFFFFC000  }
0x584: {  	[hbm4b:s1+s2] =	stream.linear.scatter [tilespmem:s17], [sflag:$0xA], $0x4000, $0x38;
	[tilespmem:$0x1C200] =	vst v63  }
0x585: {  	_ =	swait.ge [sflag:s12], $0x4000  }
0x586: {  	[sflag:s12] =	ssyncset.done $0x0  }
0x587: {  	[sflag:s12] =	ssyncadd.s32 $0xFFFFC000  }
0x588: {  	[tilespmem:s7], [sflag:$0x6] =	stream.indirect.gather [hbm4b:s3+s4], $0x4000, s18, s4, $0xb8;
	[tilespmem:$0x1C200] =	vst v63  }
0x589: {  	_ =	swait.ge [sflag:s22], $0x4000  }
0x58a: {  	[sflag:s22] =	ssyncset.done $0x0  }
0x58b: {  	s1 =	rddreg [dreg:$0x10];
	[sflag:s22] =	ssyncadd.s32 $0xFFFFC000  }
0x58c: {  	[hbm4b:s1+s2] =	stream.linear.scatter [tilespmem:s11], [sflag:$0xB], $0x4000, $0x38;
	[tilespmem:$0x1C200] =	vst v63  }
0x58d: {  	_ =	swait.ge [sflag:s16], $0x4000  }
0x58e: {  	s1 =	sld [smem:$0x7D9]  }
0x58f: {  	[sflag:s16] =	ssyncset.done $0x0  }
0x590: {  	[sflag:s16] =	ssyncadd.s32 $0xFFFFC000  }
0x591: {  	[tilespmem:s8], [sflag:$0x7] =	stream.indirect.gather [hbm4b:s3+s4], $0x4000, s1, s4, $0xb8;
	[tilespmem:$0x1C200] =	vst v63  }
0x592: {  	_ =	swait.ge [sflag:s21], $0x4000  }
0x593: {  	[sflag:s21] =	ssyncset.done $0x0  }
0x594: {  	s1 =	rddreg [dreg:$0x11];
	[sflag:s21] =	ssyncadd.s32 $0xFFFFC000  }
0x595: {  	[hbm4b:s1+s2] =	stream.linear.scatter [tilespmem:s9], [sflag:$0xC], $0x4000, $0x38;
	[tilespmem:$0x1C200] =	vst v63  }
0x596: {  	_ =	swait.ge [sflag:s6], $0x4000  }
0x597: {  	[sflag:s6] =	ssyncset.done $0x0  }
0x598: {  	[sflag:s6] =	ssyncadd.s32 $0xFFFFC000  }
0x599: {  	[tilespmem:s5], [sflag:$0x1] =	stream.indirect.gather [hbm4b:s3+s4], $0x4000, s19, s4, $0xb8;
	[tilespmem:$0x1C200] =	vst v63  }
0x59a: {  	_ =	swait.ge [sflag:s18], $0x4000  }
0x59b: {  	[sflag:s18] =	ssyncset.done $0x0  }
0x59c: {  	s1 =	rddreg [dreg:$0x12];
	[sflag:s18] =	ssyncadd.s32 $0xFFFFC000  }
0x59d: {  	[hbm4b:s1+s2] =	stream.linear.scatter [tilespmem:s7], [sflag:$0xD], $0x4000, $0x38;
	[tilespmem:$0x1C200] =	vst v63  }
0x59e: {  	_ =	swait.ge [sflag:s10], $0x4000  }
0x59f: {  	s1 =	sld [smem:$0x7DA]  }
0x5a0: {  	[sflag:s10] =	ssyncset.done $0x0  }
0x5a1: {  	[sflag:s10] =	ssyncadd.s32 $0xFFFFC000  }
0x5a2: {  	[tilespmem:s20], [sflag:$0x2] =	stream.indirect.gather [hbm4b:s3+s4], $0x4000, s1, s4, $0xb8;
	[tilespmem:$0x1C200] =	vst v63  }
0x5a3: {  	_ =	swait.ge [sflag:s19], $0x4000  }
0x5a4: {  	[sflag:s19] =	ssyncset.done $0x0  }
0x5a5: {  	s1 =	rddreg [dreg:$0x13];
	[sflag:s19] =	ssyncadd.s32 $0xFFFFC000  }
0x5a6: {  	[hbm4b:s1+s2] =	stream.linear.scatter [tilespmem:s8], [sflag:$0xE], $0x4000, $0x38;
	[tilespmem:$0x1C200] =	vst v63  }
0x5a7: {  	_ =	swait.ge [sflag:s13], $0x4000  }
0x5a8: {  	[sflag:s13] =	ssyncset.done $0x0  }
0x5a9: {  	[sflag:s13] =	ssyncadd.s32 $0xFFFFC000  }
0x5aa: {  	[tilespmem:s17], [sflag:$0x3] =	stream.indirect.gather [hbm4b:s3+s4], $0x4000, s6, s4, $0xb8;
	[tilespmem:$0x1C200] =	vst v63  }
0x5ab: {  	_ =	swait.ge [sflag:s4], $0x4000  }
0x5ac: {  	[sflag:s4] =	ssyncset.done $0x0  }
0x5ad: {  	s1 =	rddreg [dreg:$0x14];
	[sflag:s4] =	ssyncadd.s32 $0xFFFFC000  }
0x5ae: {  	[hbm4b:s1+s2] =	stream.linear.scatter [tilespmem:s5], [sflag:$0x8], $0x4000, $0x38;
	[tilespmem:$0x1C200] =	vst v63  }
0x5af: {  	_ =	swait.ge [sflag:s14], $0x4000  }
0x5b0: {  	s1 =	sld [smem:$0x7DB]  }
0x5b1: {  	[sflag:s14] =	ssyncset.done $0x0  }
0x5b2: {  	[sflag:s14] =	ssyncadd.s32 $0xFFFFC000  }
0x5b3: {  	[tilespmem:s11], [sflag:$0x4] =	stream.indirect.gather [hbm4b:s3+s4], $0x4000, s1, s4, $0xb8;
	[tilespmem:$0x1C200] =	vst v63  }
0x5b4: {  	_ =	swait.ge [sflag:s24], $0x4000  }
0x5b5: {  	[sflag:s24] =	ssyncset.done $0x0  }
0x5b6: {  	s1 =	rddreg [dreg:$0x15];
	[sflag:s24] =	ssyncadd.s32 $0xFFFFC000  }
0x5b7: {  	[hbm4b:s1+s2] =	stream.linear.scatter [tilespmem:s20], [sflag:$0x9], $0x4000, $0x38;
	[tilespmem:$0x1C200] =	vst v63  }
0x5b8: {  	_ =	swait.ge [sflag:s15], $0x4000  }
0x5b9: {  	[sflag:s15] =	ssyncset.done $0x0  }
0x5ba: {  	[sflag:s15] =	ssyncadd.s32 $0xFFFFC000  }
0x5bb: {  	[tilespmem:s9], [sflag:$0x5] =	stream.indirect.gather [hbm4b:s3+s4], $0x4000, s10, s4, $0xb8;
	[tilespmem:$0x1C200] =	vst v63  }
0x5bc: {  	_ =	swait.ge [sflag:s23], $0x4000  }
0x5bd: {  	[sflag:s23] =	ssyncset.done $0x0  }
0x5be: {  	s1 =	rddreg [dreg:$0x16];
	[sflag:s23] =	ssyncadd.s32 $0xFFFFC000  }
0x5bf: {  	[hbm4b:s1+s2] =	stream.linear.scatter [tilespmem:s17], [sflag:$0xA], $0x4000, $0x38;
	[tilespmem:$0x1C200] =	vst v63  }
0x5c0: {  	_ =	swait.ge [sflag:s12], $0x4000  }
0x5c1: {  	s1 =	sld [smem:$0x7DC]  }
0x5c2: {  	[sflag:s12] =	ssyncset.done $0x0  }
0x5c3: {  	[sflag:s12] =	ssyncadd.s32 $0xFFFFC000  }
0x5c4: {  	[tilespmem:s7], [sflag:$0x6] =	stream.indirect.gather [hbm4b:s3+s4], $0x4000, s1, s4, $0xb8;
	[tilespmem:$0x1C200] =	vst v63  }
0x5c5: {  	_ =	swait.ge [sflag:s22], $0x4000  }
0x5c6: {  	[sflag:s22] =	ssyncset.done $0x0  }
0x5c7: {  	s1 =	rddreg [dreg:$0x17];
	[sflag:s22] =	ssyncadd.s32 $0xFFFFC000  }
0x5c8: {  	[hbm4b:s1+s2] =	stream.linear.scatter [tilespmem:s11], [sflag:$0xB], $0x4000, $0x38;
	[tilespmem:$0x1C200] =	vst v63  }
0x5c9: {  	_ =	swait.ge [sflag:s16], $0x4000  }
0x5ca: {  	[sflag:s16] =	ssyncset.done $0x0  }
0x5cb: {  	[sflag:s16] =	ssyncadd.s32 $0xFFFFC000  }
0x5cc: {  	[tilespmem:s8], [sflag:$0x7] =	stream.indirect.gather [hbm4b:s3+s4], $0x4000, s13, s4, $0xb8;
	[tilespmem:$0x1C200] =	vst v63  }
0x5cd: {  	_ =	swait.ge [sflag:s21], $0x4000  }
0x5ce: {  	[sflag:s21] =	ssyncset.done $0x0  }
0x5cf: {  	s1 =	rddreg [dreg:$0x18];
	[sflag:s21] =	ssyncadd.s32 $0xFFFFC000  }
0x5d0: {  	[hbm4b:s1+s2] =	stream.linear.scatter [tilespmem:s9], [sflag:$0xC], $0x4000, $0x38;
	[tilespmem:$0x1C200] =	vst v63  }
0x5d1: {  	_ =	swait.ge [sflag:s6], $0x4000  }
0x5d2: {  	s1 =	sld [smem:$0x7DD]  }
0x5d3: {  	[sflag:s6] =	ssyncset.done $0x0  }
0x5d4: {  	[sflag:s6] =	ssyncadd.s32 $0xFFFFC000  }
0x5d5: {  	[tilespmem:s5], [sflag:$0x1] =	stream.indirect.gather [hbm4b:s3+s4], $0x4000, s1, s4, $0xb8;
	[tilespmem:$0x1C200] =	vst v63  }
0x5d6: {  	_ =	swait.ge [sflag:s18], $0x4000  }
0x5d7: {  	[sflag:s18] =	ssyncset.done $0x0  }
0x5d8: {  	s1 =	rddreg [dreg:$0x19];
	[sflag:s18] =	ssyncadd.s32 $0xFFFFC000  }
0x5d9: {  	[hbm4b:s1+s2] =	stream.linear.scatter [tilespmem:s7], [sflag:$0xD], $0x4000, $0x38;
	[tilespmem:$0x1C200] =	vst v63  }
0x5da: {  	_ =	swait.ge [sflag:s10], $0x4000  }
0x5db: {  	[sflag:s10] =	ssyncset.done $0x0  }
0x5dc: {  	[sflag:s10] =	ssyncadd.s32 $0xFFFFC000  }
0x5dd: {  	[tilespmem:s20], [sflag:$0x2] =	stream.indirect.gather [hbm4b:s3+s4], $0x4000, s14, s4, $0xb8;
	[tilespmem:$0x1C200] =	vst v63  }
0x5de: {  	_ =	swait.ge [sflag:s19], $0x4000  }
0x5df: {  	[sflag:s19] =	ssyncset.done $0x0  }
0x5e0: {  	s1 =	rddreg [dreg:$0x1a];
	[sflag:s19] =	ssyncadd.s32 $0xFFFFC000  }
0x5e1: {  	[hbm4b:s1+s2] =	stream.linear.scatter [tilespmem:s8], [sflag:$0xE], $0x4000, $0x38;
	[tilespmem:$0x1C200] =	vst v63  }
0x5e2: {  	_ =	swait.ge [sflag:s13], $0x4000  }
0x5e3: {  	s1 =	sld [smem:$0x7DE]  }
0x5e4: {  	[sflag:s13] =	ssyncset.done $0x0  }
0x5e5: {  	[sflag:s13] =	ssyncadd.s32 $0xFFFFC000  }
0x5e6: {  	[tilespmem:s17], [sflag:$0x3] =	stream.indirect.gather [hbm4b:s3+s4], $0x4000, s1, s4, $0xb8;
	[tilespmem:$0x1C200] =	vst v63  }
0x5e7: {  	_ =	swait.ge [sflag:s4], $0x4000  }
0x5e8: {  	[sflag:s4] =	ssyncset.done $0x0  }
0x5e9: {  	s1 =	rddreg [dreg:$0x1b];
	[sflag:s4] =	ssyncadd.s32 $0xFFFFC000  }
0x5ea: {  	[hbm4b:s1+s2] =	stream.linear.scatter [tilespmem:s5], [sflag:$0x8], $0x4000, $0x38;
	[tilespmem:$0x1C200] =	vst v63  }
0x5eb: {  	_ =	swait.ge [sflag:s14], $0x4000  }
0x5ec: {  	[sflag:s14] =	ssyncset.done $0x0  }
0x5ed: {  	[sflag:s14] =	ssyncadd.s32 $0xFFFFC000  }
0x5ee: {  	[tilespmem:s11], [sflag:$0x4] =	stream.indirect.gather [hbm4b:s3+s4], $0x4000, s15, s4, $0xb8;
	[tilespmem:$0x1C200] =	vst v63  }
0x5ef: {  	_ =	swait.ge [sflag:s24], $0x4000  }
0x5f0: {  	[sflag:s24] =	ssyncset.done $0x0  }
0x5f1: {  	s1 =	rddreg [dreg:$0x1c];
	[sflag:s24] =	ssyncadd.s32 $0xFFFFC000  }
0x5f2: {  	[hbm4b:s1+s2] =	stream.linear.scatter [tilespmem:s20], [sflag:$0x9], $0x4000, $0x38;
	[tilespmem:$0x1C200] =	vst v63  }
0x5f3: {  	_ =	swait.ge [sflag:s15], $0x4000  }
0x5f4: {  	s1 =	sld [smem:$0x7DF]  }
0x5f5: {  	[sflag:s15] =	ssyncset.done $0x0  }
0x5f6: {  	[sflag:s15] =	ssyncadd.s32 $0xFFFFC000  }
0x5f7: {  	[tilespmem:s9], [sflag:$0x5] =	stream.indirect.gather [hbm4b:s3+s4], $0x4000, s1, s4, $0xb8;
	[tilespmem:$0x1C200] =	vst v63  }
0x5f8: {  	_ =	swait.ge [sflag:s23], $0x4000  }
0x5f9: {  	[sflag:s23] =	ssyncset.done $0x0  }
0x5fa: {  	s1 =	rddreg [dreg:$0x1d];
	[sflag:s23] =	ssyncadd.s32 $0xFFFFC000  }
0x5fb: {  	[hbm4b:s1+s2] =	stream.linear.scatter [tilespmem:s17], [sflag:$0xA], $0x4000, $0x38;
	[tilespmem:$0x1C200] =	vst v63  }
0x5fc: {  	_ =	swait.ge [sflag:s12], $0x4000  }
0x5fd: {  	[sflag:s12] =	ssyncset.done $0x0  }
0x5fe: {  	[sflag:s12] =	ssyncadd.s32 $0xFFFFC000  }
0x5ff: {  	[tilespmem:s7], [sflag:$0x6] =	stream.indirect.gather [hbm4b:s3+s4], $0x4000, s12, s4, $0xb8;
	[tilespmem:$0x1C200] =	vst v63  }
0x600: {  	_ =	swait.ge [sflag:s22], $0x4000  }
0x601: {  	[sflag:s22] =	ssyncset.done $0x0  }
0x602: {  	s1 =	rddreg [dreg:$0x1e];
	[sflag:s22] =	ssyncadd.s32 $0xFFFFC000  }
0x603: {  	[hbm4b:s1+s2] =	stream.linear.scatter [tilespmem:s11], [sflag:$0xB], $0x4000, $0x38;
	[tilespmem:$0x1C200] =	vst v63  }
0x604: {  	_ =	swait.ge [sflag:s16], $0x4000  }
0x605: {  	s1 =	sld [smem:$0x7E0]  }
0x606: {  	[sflag:s16] =	ssyncset.done $0x0  }
0x607: {  	[sflag:s16] =	ssyncadd.s32 $0xFFFFC000  }
0x608: {  	[tilespmem:s8], [sflag:$0x7] =	stream.indirect.gather [hbm4b:s3+s4], $0x4000, s1, s4, $0xb8;
	[tilespmem:$0x1C200] =	vst v63  }
0x609: {  	_ =	swait.ge [sflag:s21], $0x4000  }
0x60a: {  	[sflag:s21] =	ssyncset.done $0x0  }
0x60b: {  	s1 =	rddreg [dreg:$0x1f];
	[sflag:s21] =	ssyncadd.s32 $0xFFFFC000  }
0x60c: {  	[hbm4b:s1+s2] =	stream.linear.scatter [tilespmem:s9], [sflag:$0xC], $0x4000, $0x38;
	[tilespmem:$0x1C200] =	vst v63  }
0x60d: {  	_ =	swait.ge [sflag:s6], $0x4000  }
0x60e: {  	[sflag:s6] =	ssyncset.done $0x0  }
0x60f: {  	[sflag:s6] =	ssyncadd.s32 $0xFFFFC000  }
0x610: {  	[tilespmem:s5], [sflag:$0x1] =	stream.indirect.gather [hbm4b:s3+s4], $0x4000, s16, s4, $0xb8;
	[tilespmem:$0x1C200] =	vst v63  }
0x611: {  	_ =	swait.ge [sflag:s18], $0x4000  }
0x612: {  	s1 =	sld [smem:$0x7AD]  }
0x613: {  	[sflag:s18] =	ssyncset.done $0x0  }
0x614: {  	[sflag:s18] =	ssyncadd.s32 $0xFFFFC000  }
0x615: {  	[hbm4b:s1+s2] =	stream.linear.scatter [tilespmem:s7], [sflag:$0xD], $0x4000, $0x38;
	[tilespmem:$0x1C200] =	vst v63  }
0x616: {  	_ =	swait.ge [sflag:s10], $0x4000  }
0x617: {  	s1 =	sld [smem:$0x7E1]  }
0x618: {  	[sflag:s10] =	ssyncset.done $0x0  }
0x619: {  	[sflag:s10] =	ssyncadd.s32 $0xFFFFC000  }
0x61a: {  	[tilespmem:s20], [sflag:$0x2] =	stream.indirect.gather [hbm4b:s3+s4], $0x4000, s1, s4, $0xb8;
	[tilespmem:$0x1C200] =	vst v63  }
0x61b: {  	_ =	swait.ge [sflag:s19], $0x4000  }
0x61c: {  	s1 =	sld [smem:$0x7AE]  }
0x61d: {  	[sflag:s19] =	ssyncset.done $0x0  }
0x61e: {  	[sflag:s19] =	ssyncadd.s32 $0xFFFFC000  }
0x61f: {  	[hbm4b:s1+s2] =	stream.linear.scatter [tilespmem:s8], [sflag:$0xE], $0x4000, $0x38;
	[tilespmem:$0x1C200] =	vst v63  }
0x620: {  	_ =	swait.ge [sflag:s13], $0x4000  }
0x621: {  	[sflag:s13] =	ssyncset.done $0x0  }
0x622: {  	[sflag:s13] =	ssyncadd.s32 $0xFFFFC000  }
0x623: {  	[tilespmem:s17], [sflag:$0x3] =	stream.indirect.gather [hbm4b:s3+s4], $0x4000, s31, s4, $0xb8;
	[tilespmem:$0x1C200] =	vst v63  }
0x624: {  	_ =	swait.ge [sflag:s4], $0x4000  }
0x625: {  	s31 =	sld [smem:$0x7AF]  }
0x626: {  	[sflag:s4] =	ssyncset.done $0x0  }
0x627: {  	[sflag:s4] =	ssyncadd.s32 $0xFFFFC000  }
0x628: {  	[hbm4b:s31+s2] =	stream.linear.scatter [tilespmem:s5], [sflag:$0x8], $0x4000, $0x38;
	[tilespmem:$0x1C200] =	vst v63  }
0x629: {  	_ =	swait.ge [sflag:s14], $0x4000  }
0x62a: {  	s1 =	sld [smem:$0x7E2]  }
0x62b: {  	[sflag:s14] =	ssyncset.done $0x0  }
0x62c: {  	[sflag:s14] =	ssyncadd.s32 $0xFFFFC000  }
0x62d: {  	[tilespmem:s11], [sflag:$0x4] =	stream.indirect.gather [hbm4b:s3+s4], $0x4000, s1, s4, $0xb8;
	[tilespmem:$0x1C200] =	vst v63  }
0x62e: {  	_ =	swait.ge [sflag:s24], $0x4000  }
0x62f: {  	s31 =	sld [smem:$0x7B0]  }
0x630: {  	[sflag:s24] =	ssyncset.done $0x0  }
0x631: {  	[sflag:s24] =	ssyncadd.s32 $0xFFFFC000  }
0x632: {  	[hbm4b:s31+s2] =	stream.linear.scatter [tilespmem:s20], [sflag:$0x9], $0x4000, $0x38;
	[tilespmem:$0x1C200] =	vst v63  }
0x633: {  	_ =	swait.ge [sflag:s15], $0x4000  }
0x634: {  	s1 =	sld [smem:$0x7E3]  }
0x635: {  	[sflag:s15] =	ssyncset.done $0x0  }
0x636: {  	[sflag:s15] =	ssyncadd.s32 $0xFFFFC000  }
0x637: {  	[tilespmem:s9], [sflag:$0x5] =	stream.indirect.gather [hbm4b:s3+s4], $0x4000, s1, s4, $0xb8;
	[tilespmem:$0x1C200] =	vst v63  }
0x638: {  	_ =	swait.ge [sflag:s23], $0x4000  }
0x639: {  	s31 =	sld [smem:$0x7B1]  }
0x63a: {  	[sflag:s23] =	ssyncset.done $0x0  }
0x63b: {  	[sflag:s23] =	ssyncadd.s32 $0xFFFFC000  }
0x63c: {  	[hbm4b:s31+s2] =	stream.linear.scatter [tilespmem:s17], [sflag:$0xA], $0x4000, $0x38;
	[tilespmem:$0x1C200] =	vst v63  }
0x63d: {  	_ =	swait.ge [sflag:s12], $0x4000  }
0x63e: {  	s1 =	sld [smem:$0x7E4]  }
0x63f: {  	[sflag:s12] =	ssyncset.done $0x0  }
0x640: {  	[sflag:s12] =	ssyncadd.s32 $0xFFFFC000  }
0x641: {  	[tilespmem:s7], [sflag:$0x6] =	stream.indirect.gather [hbm4b:s3+s4], $0x4000, s1, s4, $0xb8;
	[tilespmem:$0x1C200] =	vst v63  }
0x642: {  	_ =	swait.ge [sflag:s22], $0x4000  }
0x643: {  	s31 =	sld [smem:$0x7B2]  }
0x644: {  	[sflag:s22] =	ssyncset.done $0x0  }
0x645: {  	[sflag:s22] =	ssyncadd.s32 $0xFFFFC000  }
0x646: {  	[hbm4b:s31+s2] =	stream.linear.scatter [tilespmem:s11], [sflag:$0xB], $0x4000, $0x38;
	[tilespmem:$0x1C200] =	vst v63  }
0x647: {  	_ =	swait.ge [sflag:s16], $0x4000  }
0x648: {  	s1 =	sld [smem:$0x7E5]  }
0x649: {  	[sflag:s16] =	ssyncset.done $0x0  }
0x64a: {  	[sflag:s16] =	ssyncadd.s32 $0xFFFFC000  }
0x64b: {  	[tilespmem:s8], [sflag:$0x7] =	stream.indirect.gather [hbm4b:s3+s4], $0x4000, s1, s4, $0xb8;
	[tilespmem:$0x1C200] =	vst v63  }
0x64c: {  	_ =	swait.ge [sflag:s21], $0x4000  }
0x64d: {  	s31 =	sld [smem:$0x7B3]  }
0x64e: {  	[sflag:s21] =	ssyncset.done $0x0  }
0x64f: {  	[sflag:s21] =	ssyncadd.s32 $0xFFFFC000  }
0x650: {  	[hbm4b:s31+s2] =	stream.linear.scatter [tilespmem:s9], [sflag:$0xC], $0x4000, $0x38;
	[tilespmem:$0x1C200] =	vst v63  }
0x651: {  	_ =	swait.ge [sflag:s6], $0x4000  }
0x652: {  	s1 =	sld [smem:$0x7E6]  }
0x653: {  	[sflag:s6] =	ssyncset.done $0x0  }
0x654: {  	[sflag:s6] =	ssyncadd.s32 $0xFFFFC000  }
0x655: {  	[tilespmem:s5], [sflag:$0x1] =	stream.indirect.gather [hbm4b:s3+s4], $0x4000, s1, s4, $0xb8;
	[tilespmem:$0x1C200] =	vst v63  }
0x656: {  	_ =	swait.ge [sflag:s18], $0x4000  }
0x657: {  	s31 =	sld [smem:$0x7B4]  }
0x658: {  	[sflag:s18] =	ssyncset.done $0x0  }
0x659: {  	[sflag:s18] =	ssyncadd.s32 $0xFFFFC000  }
0x65a: {  	[hbm4b:s31+s2] =	stream.linear.scatter [tilespmem:s7], [sflag:$0xD], $0x4000, $0x38;
	[tilespmem:$0x1C200] =	vst v63  }
0x65b: {  	_ =	swait.ge [sflag:s10], $0x4000  }
0x65c: {  	s1 =	sld [smem:$0x7E7]  }
0x65d: {  	[sflag:s10] =	ssyncset.done $0x0  }
0x65e: {  	[sflag:s10] =	ssyncadd.s32 $0xFFFFC000  }
0x65f: {  	[tilespmem:s20], [sflag:$0x2] =	stream.indirect.gather [hbm4b:s3+s4], $0x4000, s1, s4, $0xb8;
	[tilespmem:$0x1C200] =	vst v63  }
0x660: {  	_ =	swait.ge [sflag:s19], $0x4000  }
0x661: {  	s31 =	sld [smem:$0x7B5]  }
0x662: {  	[sflag:s19] =	ssyncset.done $0x0  }
0x663: {  	[sflag:s19] =	ssyncadd.s32 $0xFFFFC000  }
0x664: {  	[hbm4b:s31+s2] =	stream.linear.scatter [tilespmem:s8], [sflag:$0xE], $0x4000, $0x38;
	[tilespmem:$0x1C200] =	vst v63  }
0x665: {  	_ =	swait.ge [sflag:s13], $0x4000  }
0x666: {  	s1 =	sld [smem:$0x7E8]  }
0x667: {  	[sflag:s13] =	ssyncset.done $0x0  }
0x668: {  	[sflag:s13] =	ssyncadd.s32 $0xFFFFC000  }
0x669: {  	[tilespmem:s17], [sflag:$0x3] =	stream.indirect.gather [hbm4b:s3+s4], $0x4000, s1, s4, $0xb8;
	[tilespmem:$0x1C200] =	vst v63  }
0x66a: {  	_ =	swait.ge [sflag:s4], $0x4000  }
0x66b: {  	s31 =	sld [smem:$0x7B6]  }
0x66c: {  	[sflag:s4] =	ssyncset.done $0x0  }
0x66d: {  	[sflag:s4] =	ssyncadd.s32 $0xFFFFC000  }
0x66e: {  	[hbm4b:s31+s2] =	stream.linear.scatter [tilespmem:s5], [sflag:$0x8], $0x4000, $0x38;
	[tilespmem:$0x1C200] =	vst v63  }
0x66f: {  	_ =	swait.ge [sflag:s14], $0x4000  }
0x670: {  	s1 =	sld [smem:$0x7E9]  }
0x671: {  	[sflag:s14] =	ssyncset.done $0x0  }
0x672: {  	[sflag:s14] =	ssyncadd.s32 $0xFFFFC000  }
0x673: {  	[tilespmem:s11], [sflag:$0x4] =	stream.indirect.gather [hbm4b:s3+s4], $0x4000, s1, s4, $0xb8;
	[tilespmem:$0x1C200] =	vst v63  }
0x674: {  	_ =	swait.ge [sflag:s24], $0x4000  }
0x675: {  	s31 =	sld [smem:$0x7B7]  }
0x676: {  	[sflag:s24] =	ssyncset.done $0x0  }
0x677: {  	[sflag:s24] =	ssyncadd.s32 $0xFFFFC000  }
0x678: {  	[hbm4b:s31+s2] =	stream.linear.scatter [tilespmem:s20], [sflag:$0x9], $0x4000, $0x38;
	[tilespmem:$0x1C200] =	vst v63  }
0x679: {  	_ =	swait.ge [sflag:s15], $0x4000  }
0x67a: {  	s1 =	sld [smem:$0x7EA]  }
0x67b: {  	[sflag:s15] =	ssyncset.done $0x0  }
0x67c: {  	[sflag:s15] =	ssyncadd.s32 $0xFFFFC000  }
0x67d: {  	[tilespmem:s9], [sflag:$0x5] =	stream.indirect.gather [hbm4b:s3+s4], $0x4000, s1, s4, $0xb8;
	[tilespmem:$0x1C200] =	vst v63  }
0x67e: {  	_ =	swait.ge [sflag:s23], $0x4000  }
0x67f: {  	s31 =	sld [smem:$0x7B8]  }
0x680: {  	[sflag:s23] =	ssyncset.done $0x0  }
0x681: {  	[sflag:s23] =	ssyncadd.s32 $0xFFFFC000  }
0x682: {  	[hbm4b:s31+s2] =	stream.linear.scatter [tilespmem:s17], [sflag:$0xA], $0x4000, $0x38;
	[tilespmem:$0x1C200] =	vst v63  }
0x683: {  	_ =	swait.ge [sflag:s12], $0x4000  }
0x684: {  	s1 =	sld [smem:$0x7EB]  }
0x685: {  	[sflag:s12] =	ssyncset.done $0x0  }
0x686: {  	[sflag:s12] =	ssyncadd.s32 $0xFFFFC000  }
0x687: {  	[tilespmem:s7], [sflag:$0x6] =	stream.indirect.gather [hbm4b:s3+s4], $0x4000, s1, s4, $0xb8;
	[tilespmem:$0x1C200] =	vst v63  }
0x688: {  	_ =	swait.ge [sflag:s22], $0x4000  }
0x689: {  	s31 =	sld [smem:$0x7B9]  }
0x68a: {  	[sflag:s22] =	ssyncset.done $0x0  }
0x68b: {  	[sflag:s22] =	ssyncadd.s32 $0xFFFFC000  }
0x68c: {  	[hbm4b:s31+s2] =	stream.linear.scatter [tilespmem:s11], [sflag:$0xB], $0x4000, $0x38;
	[tilespmem:$0x1C200] =	vst v63  }
0x68d: {  	_ =	swait.ge [sflag:s16], $0x4000  }
0x68e: {  	s1 =	sld [smem:$0x7EC]  }
0x68f: {  	[sflag:s16] =	ssyncset.done $0x0  }
0x690: {  	[sflag:s16] =	ssyncadd.s32 $0xFFFFC000  }
0x691: {  	[tilespmem:s8], [sflag:$0x7] =	stream.indirect.gather [hbm4b:s3+s4], $0x4000, s1, s4, $0xb8;
	[tilespmem:$0x1C200] =	vst v63  }
0x692: {  	_ =	swait.ge [sflag:s21], $0x4000  }
0x693: {  	s31 =	sld [smem:$0x7BA]  }
0x694: {  	[sflag:s21] =	ssyncset.done $0x0  }
0x695: {  	[sflag:s21] =	ssyncadd.s32 $0xFFFFC000  }
0x696: {  	[hbm4b:s31+s2] =	stream.linear.scatter [tilespmem:s9], [sflag:$0xC], $0x4000, $0x38;
	[tilespmem:$0x1C200] =	vst v63  }
0x697: {  	_ =	swait.ge [sflag:s6], $0x4000  }
0x698: {  	s1 =	sld [smem:$0x7ED]  }
0x699: {  	[sflag:s6] =	ssyncset.done $0x0  }
0x69a: {  	[sflag:s6] =	ssyncadd.s32 $0xFFFFC000  }
0x69b: {  	[tilespmem:s5], [sflag:$0x1] =	stream.indirect.gather [hbm4b:s3+s4], $0x4000, s1, s4, $0xb8;
	[tilespmem:$0x1C200] =	vst v63  }
0x69c: {  	_ =	swait.ge [sflag:s18], $0x4000  }
0x69d: {  	s31 =	sld [smem:$0x7BB]  }
0x69e: {  	[sflag:s18] =	ssyncset.done $0x0  }
0x69f: {  	[sflag:s18] =	ssyncadd.s32 $0xFFFFC000  }
0x6a0: {  	[hbm4b:s31+s2] =	stream.linear.scatter [tilespmem:s7], [sflag:$0xD], $0x4000, $0x38;
	[tilespmem:$0x1C200] =	vst v63  }
0x6a1: {  	_ =	swait.ge [sflag:s10], $0x4000  }
0x6a2: {  	s1 =	sld [smem:$0x7EE]  }
0x6a3: {  	[sflag:s10] =	ssyncset.done $0x0  }
0x6a4: {  	[sflag:s10] =	ssyncadd.s32 $0xFFFFC000  }
0x6a5: {  	[tilespmem:s20], [sflag:$0x2] =	stream.indirect.gather [hbm4b:s3+s4], $0x4000, s1, s4, $0xb8;
	[tilespmem:$0x1C200] =	vst v63  }
0x6a6: {  	_ =	swait.ge [sflag:s19], $0x4000  }
0x6a7: {  	s31 =	sld [smem:$0x7BC]  }
0x6a8: {  	[sflag:s19] =	ssyncset.done $0x0  }
0x6a9: {  	[sflag:s19] =	ssyncadd.s32 $0xFFFFC000  }
0x6aa: {  	[hbm4b:s31+s2] =	stream.linear.scatter [tilespmem:s8], [sflag:$0xE], $0x4000, $0x38;
	[tilespmem:$0x1C200] =	vst v63  }
0x6ab: {  	_ =	swait.ge [sflag:s13], $0x4000  }
0x6ac: {  	s1 =	sld [smem:$0x7EF]  }
0x6ad: {  	[sflag:s13] =	ssyncset.done $0x0  }
0x6ae: {  	[sflag:s13] =	ssyncadd.s32 $0xFFFFC000  }
0x6af: {  	[tilespmem:s17], [sflag:$0x3] =	stream.indirect.gather [hbm4b:s3+s4], $0x4000, s1, s4, $0xb8;
	[tilespmem:$0x1C200] =	vst v63  }
0x6b0: {  	_ =	swait.ge [sflag:s4], $0x4000  }
0x6b1: {  	s31 =	sld [smem:$0x7BD]  }
0x6b2: {  	[sflag:s4] =	ssyncset.done $0x0  }
0x6b3: {  	[sflag:s4] =	ssyncadd.s32 $0xFFFFC000  }
0x6b4: {  	[hbm4b:s31+s2] =	stream.linear.scatter [tilespmem:s5], [sflag:$0x8], $0x4000, $0x38;
	[tilespmem:$0x1C200] =	vst v63  }
0x6b5: {  	_ =	swait.ge [sflag:s14], $0x4000  }
0x6b6: {  	s1 =	sld [smem:$0x7F0]  }
0x6b7: {  	[sflag:s14] =	ssyncset.done $0x0  }
0x6b8: {  	[sflag:s14] =	ssyncadd.s32 $0xFFFFC000  }
0x6b9: {  	[tilespmem:s11], [sflag:$0x4] =	stream.indirect.gather [hbm4b:s3+s4], $0x4000, s1, s4, $0xb8;
	[tilespmem:$0x1C200] =	vst v63  }
0x6ba: {  	_ =	swait.ge [sflag:s24], $0x4000  }
0x6bb: {  	s31 =	sld [smem:$0x7BE]  }
0x6bc: {  	[sflag:s24] =	ssyncset.done $0x0  }
0x6bd: {  	[sflag:s24] =	ssyncadd.s32 $0xFFFFC000  }
0x6be: {  	[hbm4b:s31+s2] =	stream.linear.scatter [tilespmem:s20], [sflag:$0x9], $0x4000, $0x38;
	[tilespmem:$0x1C200] =	vst v63  }
0x6bf: {  	_ =	swait.ge [sflag:s15], $0x4000  }
0x6c0: {  	s1 =	sld [smem:$0x7F1]  }
0x6c1: {  	[sflag:s15] =	ssyncset.done $0x0  }
0x6c2: {  	[sflag:s15] =	ssyncadd.s32 $0xFFFFC000  }
0x6c3: {  	[tilespmem:s9], [sflag:$0x5] =	stream.indirect.gather [hbm4b:s3+s4], $0x4000, s1, s4, $0xb8;
	[tilespmem:$0x1C200] =	vst v63  }
0x6c4: {  	_ =	swait.ge [sflag:s23], $0x4000  }
0x6c5: {  	s31 =	sld [smem:$0x7BF]  }
0x6c6: {  	[sflag:s23] =	ssyncset.done $0x0  }
0x6c7: {  	[sflag:s23] =	ssyncadd.s32 $0xFFFFC000  }
0x6c8: {  	[hbm4b:s31+s2] =	stream.linear.scatter [tilespmem:s17], [sflag:$0xA], $0x4000, $0x38;
	[tilespmem:$0x1C200] =	vst v63  }
0x6c9: {  	_ =	swait.ge [sflag:s12], $0x4000  }
0x6ca: {  	s1 =	sld [smem:$0x7F2]  }
0x6cb: {  	[sflag:s12] =	ssyncset.done $0x0  }
0x6cc: {  	[sflag:s12] =	ssyncadd.s32 $0xFFFFC000  }
0x6cd: {  	[tilespmem:s7], [sflag:$0x6] =	stream.indirect.gather [hbm4b:s3+s4], $0x4000, s1, s4, $0xb8;
	[tilespmem:$0x1C200] =	vst v63  }
0x6ce: {  	_ =	swait.ge [sflag:s22], $0x4000  }
0x6cf: {  	s31 =	sld [smem:$0x7C0]  }
0x6d0: {  	[sflag:s22] =	ssyncset.done $0x0  }
0x6d1: {  	[sflag:s22] =	ssyncadd.s32 $0xFFFFC000  }
0x6d2: {  	[hbm4b:s31+s2] =	stream.linear.scatter [tilespmem:s11], [sflag:$0xB], $0x4000, $0x38;
	[tilespmem:$0x1C200] =	vst v63  }
0x6d3: {  	_ =	swait.ge [sflag:s16], $0x4000  }
0x6d4: {  	s1 =	sld [smem:$0x7F3]  }
0x6d5: {  	[sflag:s16] =	ssyncset.done $0x0  }
0x6d6: {  	[sflag:s16] =	ssyncadd.s32 $0xFFFFC000  }
0x6d7: {  	[tilespmem:s8], [sflag:$0x7] =	stream.indirect.gather [hbm4b:s3+s4], $0x4000, s1, s4, $0xb8;
	[tilespmem:$0x1C200] =	vst v63  }
0x6d8: {  	_ =	swait.ge [sflag:s21], $0x4000  }
0x6d9: {  	s31 =	sld [smem:$0x7C1]  }
0x6da: {  	[sflag:s21] =	ssyncset.done $0x0  }
0x6db: {  	[sflag:s21] =	ssyncadd.s32 $0xFFFFC000  }
0x6dc: {  	[hbm4b:s31+s2] =	stream.linear.scatter [tilespmem:s9], [sflag:$0xC], $0x4000, $0x38;
	[tilespmem:$0x1C200] =	vst v63  }
0x6dd: {  	_ =	swait.ge [sflag:s6], $0x4000  }
0x6de: {  	s1 =	sld [smem:$0x7F4]  }
0x6df: {  	[sflag:s6] =	ssyncset.done $0x0  }
0x6e0: {  	[sflag:s6] =	ssyncadd.s32 $0xFFFFC000  }
0x6e1: {  	[tilespmem:s5], [sflag:$0x1] =	stream.indirect.gather [hbm4b:s3+s4], $0x4000, s1, s4, $0xb8;
	[tilespmem:$0x1C200] =	vst v63  }
0x6e2: {  	_ =	swait.ge [sflag:s18], $0x4000  }
0x6e3: {  	s31 =	sld [smem:$0x7C2]  }
0x6e4: {  	[sflag:s18] =	ssyncset.done $0x0  }
0x6e5: {  	[sflag:s18] =	ssyncadd.s32 $0xFFFFC000  }
0x6e6: {  	[hbm4b:s31+s2] =	stream.linear.scatter [tilespmem:s7], [sflag:$0xD], $0x4000, $0x38;
	[tilespmem:$0x1C200] =	vst v63  }
0x6e7: {  	_ =	swait.ge [sflag:s10], $0x4000  }
0x6e8: {  	s1 =	sld [smem:$0x7F5]  }
0x6e9: {  	[sflag:s10] =	ssyncset.done $0x0  }
0x6ea: {  	[sflag:s10] =	ssyncadd.s32 $0xFFFFC000  }
0x6eb: {  	[tilespmem:s20], [sflag:$0x2] =	stream.indirect.gather [hbm4b:s3+s4], $0x4000, s1, s4, $0xb8;
	[tilespmem:$0x1C200] =	vst v63  }
0x6ec: {  	_ =	swait.ge [sflag:s19], $0x4000  }
0x6ed: {  	s31 =	sld [smem:$0x7C3]  }
0x6ee: {  	[sflag:s19] =	ssyncset.done $0x0  }
0x6ef: {  	[sflag:s19] =	ssyncadd.s32 $0xFFFFC000  }
0x6f0: {  	[hbm4b:s31+s2] =	stream.linear.scatter [tilespmem:s8], [sflag:$0xE], $0x4000, $0x38;
	[tilespmem:$0x1C200] =	vst v63  }
0x6f1: {  	_ =	swait.ge [sflag:s13], $0x4000  }
0x6f2: {  	s1 =	sld [smem:$0x7F6]  }
0x6f3: {  	[sflag:s13] =	ssyncset.done $0x0  }
0x6f4: {  	[sflag:s13] =	ssyncadd.s32 $0xFFFFC000  }
0x6f5: {  	[tilespmem:s17], [sflag:$0x3] =	stream.indirect.gather [hbm4b:s3+s4], $0x4000, s1, s4, $0xb8;
	[tilespmem:$0x1C200] =	vst v63  }
0x6f6: {  	_ =	swait.ge [sflag:s4], $0x4000  }
0x6f7: {  	s31 =	sld [smem:$0x7C4]  }
0x6f8: {  	[sflag:s4] =	ssyncset.done $0x0  }
0x6f9: {  	[sflag:s4] =	ssyncadd.s32 $0xFFFFC000  }
0x6fa: {  	[hbm4b:s31+s2] =	stream.linear.scatter [tilespmem:s5], [sflag:$0x8], $0x4000, $0x38;
	[tilespmem:$0x1C200] =	vst v63  }
0x6fb: {  	_ =	swait.ge [sflag:s14], $0x4000  }
0x6fc: {  	s1 =	sld [smem:$0x7F7]  }
0x6fd: {  	[sflag:s14] =	ssyncset.done $0x0  }
0x6fe: {  	[sflag:s14] =	ssyncadd.s32 $0xFFFFC000  }
0x6ff: {  	[tilespmem:s11], [sflag:$0x4] =	stream.indirect.gather [hbm4b:s3+s4], $0x4000, s1, s4, $0xb8;
	[tilespmem:$0x1C200] =	vst v63  }
0x700: {  	_ =	swait.ge [sflag:s24], $0x4000  }
0x701: {  	s31 =	sld [smem:$0x7C5]  }
0x702: {  	[sflag:s24] =	ssyncset.done $0x0  }
0x703: {  	[sflag:s24] =	ssyncadd.s32 $0xFFFFC000  }
0x704: {  	[hbm4b:s31+s2] =	stream.linear.scatter [tilespmem:s20], [sflag:$0x9], $0x4000, $0x38;
	[tilespmem:$0x1C200] =	vst v63  }
0x705: {  	_ =	swait.ge [sflag:s15], $0x4000  }
0x706: {  	s1 =	sld [smem:$0x7F8]  }
0x707: {  	[sflag:s15] =	ssyncset.done $0x0  }
0x708: {  	[sflag:s15] =	ssyncadd.s32 $0xFFFFC000  }
0x709: {  	[tilespmem:s9], [sflag:$0x5] =	stream.indirect.gather [hbm4b:s3+s4], $0x4000, s1, s4, $0xb8;
	[tilespmem:$0x1C200] =	vst v63  }
0x70a: {  	_ =	swait.ge [sflag:s23], $0x4000  }
0x70b: {  	s31 =	sld [smem:$0x7C6]  }
0x70c: {  	[sflag:s23] =	ssyncset.done $0x0  }
0x70d: {  	[sflag:s23] =	ssyncadd.s32 $0xFFFFC000  }
0x70e: {  	[hbm4b:s31+s2] =	stream.linear.scatter [tilespmem:s17], [sflag:$0xA], $0x4000, $0x38;
	[tilespmem:$0x1C200] =	vst v63  }
0x70f: {  	_ =	swait.ge [sflag:s12], $0x4000  }
0x710: {  	s1 =	sld [smem:$0x7F9]  }
0x711: {  	[sflag:s12] =	ssyncset.done $0x0  }
0x712: {  	[sflag:s12] =	ssyncadd.s32 $0xFFFFC000  }
0x713: {  	[tilespmem:s7], [sflag:$0x6] =	stream.indirect.gather [hbm4b:s3+s4], $0x4000, s1, s4, $0xb8;
	[tilespmem:$0x1C200] =	vst v63  }
0x714: {  	_ =	swait.ge [sflag:s22], $0x4000  }
0x715: {  	s31 =	sld [smem:$0x7C7]  }
0x716: {  	[sflag:s22] =	ssyncset.done $0x0  }
0x717: {  	[sflag:s22] =	ssyncadd.s32 $0xFFFFC000  }
0x718: {  	[hbm4b:s31+s2] =	stream.linear.scatter [tilespmem:s11], [sflag:$0xB], $0x4000, $0x38;
	[tilespmem:$0x1C200] =	vst v63  }
0x719: {  	_ =	swait.ge [sflag:s16], $0x4000  }
0x71a: {  	s1 =	sld [smem:$0x7FA]  }
0x71b: {  	[sflag:s16] =	ssyncset.done $0x0  }
0x71c: {  	[sflag:s16] =	ssyncadd.s32 $0xFFFFC000  }
0x71d: {  	[tilespmem:s8], [sflag:$0x7] =	stream.indirect.gather [hbm4b:s3+s4], $0x4000, s1, s4, $0xb8;
	[tilespmem:$0x1C200] =	vst v63  }
0x71e: {  	_ =	swait.ge [sflag:s21], $0x4000  }
0x71f: {  	s31 =	sld [smem:$0x7C8]  }
0x720: {  	[sflag:s21] =	ssyncset.done $0x0  }
0x721: {  	[sflag:s21] =	ssyncadd.s32 $0xFFFFC000  }
0x722: {  	[hbm4b:s31+s2] =	stream.linear.scatter [tilespmem:s9], [sflag:$0xC], $0x4000, $0x38;
	[tilespmem:$0x1C200] =	vst v63  }
0x723: {  	_ =	swait.ge [sflag:s6], $0x4000  }
0x724: {  	s1 =	sld [smem:$0x7FB]  }
0x725: {  	[sflag:s6] =	ssyncset.done $0x0  }
0x726: {  	[sflag:s6] =	ssyncadd.s32 $0xFFFFC000  }
0x727: {  	[tilespmem:s5], [sflag:$0x1] =	stream.indirect.gather [hbm4b:s3+s4], $0x4000, s1, s4, $0xb8;
	[tilespmem:$0x1C200] =	vst v63  }
0x728: {  	_ =	swait.ge [sflag:s18], $0x4000  }
0x729: {  	s31 =	sld [smem:$0x7C9]  }
0x72a: {  	[sflag:s18] =	ssyncset.done $0x0  }
0x72b: {  	[sflag:s18] =	ssyncadd.s32 $0xFFFFC000  }
0x72c: {  	[hbm4b:s31+s2] =	stream.linear.scatter [tilespmem:s7], [sflag:$0xD], $0x4000, $0x38;
	[tilespmem:$0x1C200] =	vst v63  }
0x72d: {  	_ =	swait.ge [sflag:s10], $0x4000  }
0x72e: {  	s1 =	sld [smem:$0x7FC]  }
0x72f: {  	[sflag:s10] =	ssyncset.done $0x0  }
0x730: {  	[sflag:s10] =	ssyncadd.s32 $0xFFFFC000  }
0x731: {  	[tilespmem:s20], [sflag:$0x2] =	stream.indirect.gather [hbm4b:s3+s4], $0x4000, s1, s4, $0xb8;
	[tilespmem:$0x1C200] =	vst v63  }
0x732: {  	_ =	swait.ge [sflag:s19], $0x4000  }
0x733: {  	s31 =	sld [smem:$0x7CA]  }
0x734: {  	[sflag:s19] =	ssyncset.done $0x0  }
0x735: {  	[sflag:s19] =	ssyncadd.s32 $0xFFFFC000  }
0x736: {  	[hbm4b:s31+s2] =	stream.linear.scatter [tilespmem:s8], [sflag:$0xE], $0x4000, $0x38;
	[tilespmem:$0x1C200] =	vst v63  }
0x737: {  	_ =	swait.ge [sflag:s13], $0x4000  }
0x738: {  	s1 =	sld [smem:$0x7FD]  }
0x739: {  	[sflag:s13] =	ssyncset.done $0x0  }
0x73a: {  	[sflag:s13] =	ssyncadd.s32 $0xFFFFC000  }
0x73b: {  	[tilespmem:s17], [sflag:$0x3] =	stream.indirect.gather [hbm4b:s3+s4], $0x4000, s1, s4, $0xb8;
	[tilespmem:$0x1C200] =	vst v63  }
0x73c: {  	_ =	swait.ge [sflag:s4], $0x4000  }
0x73d: {  	s31 =	sld [smem:$0x7CB]  }
0x73e: {  	[sflag:s4] =	ssyncset.done $0x0  }
0x73f: {  	[sflag:s4] =	ssyncadd.s32 $0xFFFFC000  }
0x740: {  	[hbm4b:s31+s2] =	stream.linear.scatter [tilespmem:s5], [sflag:$0x8], $0x4000, $0x38;
	[tilespmem:$0x1C200] =	vst v63  }
0x741: {  	_ =	swait.ge [sflag:s14], $0x4000  }
0x742: {  	[sflag:s14] =	ssyncset.done $0x0  }
0x743: {  	[sflag:s14] =	ssyncadd.s32 $0xFFFFC000  }
0x744: {  	[tilespmem:s11], [sflag:$0x4] =	stream.indirect.gather [hbm4b:s3+s4], $0x4000, s30, s4, $0xb8;
	[tilespmem:$0x1C200] =	vst v63  }
0x745: {  	_ =	swait.ge [sflag:s24], $0x4000  }
0x746: {  	s1 =	sld [smem:$0x7CC]  }
0x747: {  	[sflag:s24] =	ssyncset.done $0x0  }
0x748: {  	[sflag:s24] =	ssyncadd.s32 $0xFFFFC000  }
0x749: {  	[hbm4b:s1+s2] =	stream.linear.scatter [tilespmem:s20], [sflag:$0x9], $0x4000, $0x38;
	[tilespmem:$0x1C200] =	vst v63  }
0x74a: {  	_ =	swait.ge [sflag:s15], $0x4000  }
0x74b: {  	[sflag:s15] =	ssyncset.done $0x0  }
0x74c: {  	[sflag:s15] =	ssyncadd.s32 $0xFFFFC000  }
0x74d: {  	[tilespmem:s9], [sflag:$0x5] =	stream.indirect.gather [hbm4b:s3+s4], $0x4000, s29, s4, $0xb8;
	[tilespmem:$0x1C200] =	vst v63  }
0x74e: {  	_ =	swait.ge [sflag:s23], $0x4000  }
0x74f: {  	s20 =	sld [smem:$0x7CD]  }
0x750: {  	[sflag:s23] =	ssyncset.done $0x0  }
0x751: {  	[sflag:s23] =	ssyncadd.s32 $0xFFFFC000  }
0x752: {  	[hbm4b:s20+s2] =	stream.linear.scatter [tilespmem:s17], [sflag:$0xA], $0x4000, $0x38;
	[tilespmem:$0x1C200] =	vst v63  }
0x753: {  	_ =	swait.ge [sflag:s12], $0x4000  }
0x754: {  	[sflag:s12] =	ssyncset.done $0x0  }
0x755: {  	[sflag:s12] =	ssyncadd.s32 $0xFFFFC000  }
0x756: {  	[tilespmem:s7], [sflag:$0x6] =	stream.indirect.gather [hbm4b:s3+s4], $0x4000, s28, s4, $0xb8;
	[tilespmem:$0x1C200] =	vst v63  }
0x757: {  	_ =	swait.ge [sflag:s22], $0x4000  }
0x758: {  	s24 =	sld [smem:$0x7CE]  }
0x759: {  	[sflag:s22] =	ssyncset.done $0x0  }
0x75a: {  	[sflag:s22] =	ssyncadd.s32 $0xFFFFC000  }
0x75b: {  	[hbm4b:s24+s2] =	stream.linear.scatter [tilespmem:s11], [sflag:$0xB], $0x4000, $0x38;
	[tilespmem:$0x1C200] =	vst v63  }
0x75c: {  	_ =	swait.ge [sflag:s16], $0x4000  }
0x75d: {  	[sflag:s16] =	ssyncset.done $0x0  }
0x75e: {  	[sflag:s16] =	ssyncadd.s32 $0xFFFFC000  }
0x75f: {  	[tilespmem:s8], [sflag:$0x7] =	stream.indirect.gather [hbm4b:s3+s4], $0x4000, s26, s4, $0xb8;
	[tilespmem:$0x1C200] =	vst v63  }
0x760: {  	_ =	swait.ge [sflag:s21], $0x4000  }
0x761: {  	s26 =	sld [smem:$0x7CF]  }
0x762: {  	[sflag:s21] =	ssyncset.done $0x0  }
0x763: {  	[sflag:s21] =	ssyncadd.s32 $0xFFFFC000  }
0x764: {  	[hbm4b:s26+s2] =	stream.linear.scatter [tilespmem:s9], [sflag:$0xC], $0x4000, $0x38;
	[tilespmem:$0x1C200] =	vst v63  }
0x765: {  	_ =	swait.ge [sflag:s6], $0x4000  }
0x766: {  	[sflag:s6] =	ssyncset.done $0x0  }
0x767: {  	s28 =	simm.s32 $0x18F;
	[sflag:s6] =	ssyncadd.s32 $0xFFFFC000  }
0x768: {  	[tilespmem:s5], [sflag:$0x1] =	stream.indirect.gather [hbm4b:s3+s4], $0x4000, s28, s4, $0xb8;
	[tilespmem:$0x1C200] =	vst v63  }
0x769: {  	_ =	swait.ge [sflag:s18], $0x4000  }
0x76a: {  	s29 =	sld [smem:$0x7D0]  }
0x76b: {  	[sflag:s18] =	ssyncset.done $0x0  }
0x76c: {  	[sflag:s18] =	ssyncadd.s32 $0xFFFFC000  }
0x76d: {  	[hbm4b:s29+s2] =	stream.linear.scatter [tilespmem:s7], [sflag:$0xD], $0x4000, $0x38;
	[tilespmem:$0x1C200] =	vst v63  }
0x76e: {  	_ =	swait.ge [sflag:s19], $0x4000  }
0x76f: {  	s30 =	sld [smem:$0x7D1]  }
0x770: {  	[sflag:s19] =	ssyncset.done $0x0  }
0x771: {  	[sflag:s19] =	ssyncadd.s32 $0xFFFFC000  }
0x772: {  	[hbm4b:s30+s2] =	stream.linear.scatter [tilespmem:s8], [sflag:$0xE], $0x4000, $0x38;
	[tilespmem:$0x1C200] =	vst v63  }
0x773: {  	_ =	swait.ge [sflag:s4], $0x4000  }
0x774: {  	s31 =	sld [smem:$0x7D2]  }
0x775: {  	[sflag:s4] =	ssyncset.done $0x0  }
0x776: {  	[sflag:s4] =	ssyncadd.s32 $0xFFFFC000  }
0x777: {  	[hbm4b:s31+s2] =	stream.linear.scatter [tilespmem:s5], [sflag:$0x8], $0x4000, $0x38;
	[tilespmem:$0x1C200] =	vst v63  }
0x778: {  	_ =	swait.ge [sflag:s10], $0x4000  }
0x779: {  	[sflag:s10] =	ssyncset.done $0x0  }
0x77a: {  	[sflag:s10] =	ssyncadd.s32 $0xFFFFC000  }
0x77b: {  	_ =	swait.ge [sflag:s13], $0x4000  }
0x77c: {  	[sflag:s13] =	ssyncset.done $0x0  }
0x77d: {  	[sflag:s13] =	ssyncadd.s32 $0xFFFFC000  }
0x77e: {  	_ =	swait.ge [sflag:s14], $0x4000  }
0x77f: {  	[sflag:s14] =	ssyncset.done $0x0  }
0x780: {  	[sflag:s14] =	ssyncadd.s32 $0xFFFFC000  }
0x781: {  	_ =	swait.ge [sflag:s15], $0x4000  }
0x782: {  	[sflag:s15] =	ssyncset.done $0x0  }
0x783: {  	[sflag:s15] =	ssyncadd.s32 $0xFFFFC000  }
0x784: {  	_ =	swait.ge [sflag:s12], $0x4000  }
0x785: {  	[sflag:s12] =	ssyncset.done $0x0  }
0x786: {  	[sflag:s12] =	ssyncadd.s32 $0xFFFFC000  }
0x787: {  	_ =	swait.ge [sflag:s16], $0x4000  }
0x788: {  	[sflag:s16] =	ssyncset.done $0x0  }
0x789: {  	[sflag:s16] =	ssyncadd.s32 $0xFFFFC000  }
0x78a: {  	_ =	swait.ge [sflag:s6], $0x4000  }
0x78b: {  	[sflag:s6] =	ssyncset.done $0x0  }
0x78c: {  	[sflag:s6] =	ssyncadd.s32 $0xFFFFC000  }
0x78d: {  	_ =	sfence.sel $0x180000  }
0x78e: {  	[bflag:$0x0] =	sbarrier.arrive $0xFFFF  }
0x78f: {  	_ =	strace $0x90000047  }
0x790: {  	[bflag:$0x2] =	sbarrier.arrive $0xFFFF  }
0x791: {  	p0 =	sne.s32 s25, $0x0;
	s0 =	rddreg [dreg:$0x4]  }
0x792: {  	s0 =	sadd.s32 @!p0 $0x100000, s0  }
0x793: {  	[sflag:s0] =	ssyncadd.tile.s32 @!p0 $0x1;
	_ =	shalt  }
.LBB2_2:
.Ltmp3:
0x794: {  	(pc) =	sbr.rel .LBB2_5-.Ltmp3, $2  }
0x795: {  	_ =	sdelay $0x2  }
0x796: {  	s25 =	stileid.u32  }
.Lfunc_end2:
_tile_overlayer_lowered:
.L_overlay_start_2:
0x797: {  	(tag) =	ssettag $0x2  }
0x798: {  	s0 =	rddreg [dreg:$0x0];
	s2 =	stileid.u32  }
0x799: {  	s1 =	rddreg [dreg:$0x1];
	p0 =	sne.s32 s2, $0x0  }
0x79a: {  	s3 =	rddreg [dreg:$0x2];
	[bflag:$0x3] =	sbarrier.arrive $0xFFFF;
	s2 =	simm.s32 @!p0 $0x1C0F  }
0x79b: {  	[timem:s3], [sflag:s2] =	dma.local @!p0 [hbm:s0], s1  }
0x79c: {  	s0 =	simm.s32 @!p0 $0xF  }
0x79d: {  	_ =	swait.ge @!p0 [sflag:s0], s1  }
0x79e: {  	s1 =	ssub.s32 @!p0 $0x0, s1;
	[sflag:s0] =	ssyncset.done @!p0 $0x0  }
0x79f: {  	[sflag:s0] =	ssyncadd.s32 @!p0 s1  }
0x7a0: {  	[bflag:$0x3] =	sbarrier.arrive $0xFFFF  }
0x7a1: {  	_ =	shalt  }

</sc_bundles>
